<compile_context>
chip_gen: v7x
topology: tpu7x:2x2x1
jax: 0.10.2.dev20260603
libtpu: 0.0.44.dev20260713+nightly
codegen_flags: <defaults>
</compile_context>

<pallas_src>
import functools

import jax
import jax.numpy as jnp
from jax import lax
from jax.experimental import pallas as pl
from jax.experimental.pallas import tpu as pltpu
from jax.experimental.pallas import tpu_sc as plsc

VOCAB = 1000000
EMB = 64
BATCH = 16384
HIST = 50
TOT = BATCH * HIST
NC, NS = 2, 16
NW = NC * NS
PER_W = TOT // NW
CHUNK = 128
NCHUNK = PER_W // CHUNK
K = 5
GROUP = K * CHUNK
NGROUP = NCHUNK // K
NBT = BATCH // CHUNK
CPAD = 133

_mesh = plsc.VectorSubcoreMesh(core_axis_name="c", subcore_axis_name="s")

NBLK = (VOCAB + 127) // 128
NBLK_FULL = VOCAB // 128
BLK_W = 245
TPADW = 133


@functools.partial(
    pl.kernel,
    mesh=_mesh,
    out_type=jax.ShapeDtypeStruct((VOCAB // 2, 128), jnp.float32),
    compiler_params=pltpu.CompilerParams(needs_layout_passes=False),
    scratch_types=[
        pltpu.VMEM((EMB, 128), jnp.float32),
        pltpu.VMEM((EMB, 128), jnp.float32),
        pltpu.VMEM((EMB, TPADW), jnp.float32),
        pltpu.VMEM((EMB, TPADW), jnp.float32),
        pltpu.SemaphoreType.DMA,
        pltpu.SemaphoreType.DMA,
        pltpu.SemaphoreType.DMA,
        pltpu.SemaphoreType.DMA,
    ],
)
def _transpose_kernel(tt_hbm, tail_hbm, out_hbm, in0, in1, t0, t1,
                      isem0, isem1, osem0, osem1):
    wid = lax.axis_index("s") * NC + lax.axis_index("c")
    b_lo = wid * BLK_W

    lane = lax.iota(jnp.int32, 16)
    qvs = [((j * 16 + lane) >> 1).astype(jnp.int32) for j in range(8)]
    pvs = [(((j * 16 + lane) & 1) * EMB).astype(jnp.int32) for j in range(8)]

    def in_desc(b, buf, sem):
        return pltpu.make_async_copy(
            tt_hbm.at[:, pl.ds(b * 128, 128)], buf, sem)

    def out_desc(b, t, sem):
        return pltpu.make_async_copy(
            t.at[:, pl.ds(0, 128)], out_hbm.at[pl.ds(b * EMB, EMB)], sem)

    def transpose_full(buf, t):
        @plsc.parallel_loop(0, EMB, 1, unroll=4)
        def _(d):
            for j in range(8):
                v = buf[d, pl.ds(j * 16, 16)]
                plsc.store_scatter(t, [qvs[j], pvs[j] + d], v)

    nfull_here = jnp.minimum(jnp.maximum(NBLK_FULL - b_lo, 0), BLK_W)
    limit = b_lo + nfull_here

    def do_block(b, buf, t, isem, osem, first):
        in_desc(0, buf, isem).wait()
        @pl.when(jnp.logical_not(first))
        def _():
            out_desc(0, t, osem).wait()
        transpose_full(buf, t)
        out_desc(b, t, osem).start()
        @pl.when(b + 2 < limit)
        def _():
            in_desc(b + 2, buf, isem).start()

    @pl.when(nfull_here > 0)
    def _():
        in_desc(b_lo, in0, isem0).start()

        @pl.when(nfull_here > 1)
        def _():
            in_desc(b_lo + 1, in1, isem1).start()

        def body(s, _):
            b = b_lo + 2 * s

            @pl.when(b < limit)
            def _():
                do_block(b, in0, t0, isem0, osem0, s == 0)

            @pl.when(b + 1 < limit)
            def _():
                do_block(b + 1, in1, t1, isem1, osem1, s == 0)
            return ()

        lax.fori_loop(0, (BLK_W + 1) // 2, body, ())
        out_desc(0, t0, osem0).wait()

        @pl.when(nfull_here > 1)
        def _():
            out_desc(0, t1, osem1).wait()

    @pl.when((b_lo <= NBLK_FULL) & (NBLK_FULL < b_lo + BLK_W))
    def _():
        pltpu.sync_copy(tail_hbm, in0.at[pl.ds(0, 32)])
        pltpu.sync_copy(in0.at[pl.ds(0, 32)],
                        out_hbm.at[pl.ds(NBLK_FULL * EMB, 32)])


@functools.partial(
    pl.kernel,
    mesh=_mesh,
    out_type=jax.ShapeDtypeStruct((HIST, 8, NBT, 8, CHUNK), jnp.float32),
    compiler_params=pltpu.CompilerParams(
        use_tc_tiling_on_sc=False, needs_layout_passes=False),
    scratch_types=[
        pltpu.VMEM((NCHUNK, CHUNK), jnp.int32),
        pltpu.VMEM((GROUP, EMB), jnp.float32),
        pltpu.VMEM((GROUP, EMB), jnp.float32),
        pltpu.VMEM((8, 8, CPAD), jnp.float32),
        pltpu.VMEM((8, 8, CPAD), jnp.float32),
        pltpu.SemaphoreType.DMA,
        pltpu.SemaphoreType.DMA,
        pltpu.SemaphoreType.DMA,
        pltpu.SemaphoreType.DMA,
    ],
)
def _gather_kernel(idx_hbm, table_hbm, out_hbm, idx_v, rows0, rows1,
                   t0, t1, gsem0, gsem1, osem0, osem1):
    wid = lax.axis_index("s") * NC + lax.axis_index("c")
    base_blk = wid * NCHUNK
    pltpu.sync_copy(idx_hbm.at[pl.ds(base_blk, NCHUNK)], idx_v)

    lane = lax.iota(jnp.int32, 16)
    dts = [((d0 + lane) >> 3).astype(jnp.int32) for d0 in range(0, EMB, 16)]
    rs = [((d0 + lane) & 7).astype(jnp.int32) for d0 in range(0, EMB, 16)]
    zeros16 = jnp.zeros((16,), jnp.int32)

    def gather_descs(g, rows, gsem):
        return [
            pltpu.make_async_copy(
                table_hbm.at[idx_v.at[g * K + k]],
                rows.at[pl.ds(k * CHUNK, CHUNK)], gsem)
            for k in range(K)
        ]

    def issue(g, rows, gsem):
        for d in gather_descs(g, rows, gsem):
            d.start()

    def out_desc(blk, t, osem):
        h = blk // NBT
        bt = blk - h * NBT
        return pltpu.make_async_copy(
            t.at[:, :, pl.ds(0, CHUNK)], out_hbm.at[h, :, bt], osem)

    def transpose_block(rows, k, t):
        @plsc.parallel_loop(0, CHUNK, 1, unroll=4)
        def body(c):
            cv = zeros16 + c
            for j in range(EMB // 16):
                v = rows[k * CHUNK + c, pl.ds(j * 16, 16)]
                plsc.store_scatter(t, [dts[j], rs[j], cv], v)

    def finish(g, rows, gsem, osem, first):
        for d in gather_descs(g, rows, gsem):
            d.wait()
        for k in range(K):
            t = (t0, t1)[k % 2]
            tsem = (osem0, osem1)[k % 2]
            @pl.when(jnp.logical_not(first) | (k >= 2))
            def _():
                out_desc(0, t, tsem).wait()
            transpose_block(rows, k, t)
            out_desc(base_blk + g * K + k, t, tsem).start()

    NG2 = NGROUP // 2
    issue(0, rows0, gsem0)

    def body(s, _):
        issue(2 * s + 1, rows1, gsem1)
        finish(2 * s, rows0, gsem0, osem0, s == 0)

        @pl.when(s < NG2 - 1)
        def _():
            issue(2 * s + 2, rows0, gsem0)
        finish(2 * s + 1, rows1, gsem1, osem1, jnp.bool_(False))
        return ()

    lax.fori_loop(0, NG2, body, ())
    out_desc(0, t0, osem0).wait()
    out_desc(0, t1, osem1).wait()


def kernel(input, table):
    idx = input.T.reshape(NW * NCHUNK, CHUNK).astype(jnp.int32)
    tail = table[VOCAB - 64:].reshape(32, 128)
    table_rm = _transpose_kernel(table.T, tail).reshape(VOCAB, EMB)
    out5 = _gather_kernel(idx, table_rm)
    return out5.transpose(2, 4, 0, 1, 3).reshape(BATCH, HIST, EMB)

# --- scband reference (transcript-rebuilt; emitter-appended) ---
"""Pipeline reference for scband-embedding-33775622816040 (READ-ONLY COPY).

The authoritative reference and input builder live on the scoring server;
editing this copy changes nothing except your own understanding.
"""

import jax, jax.numpy as jnp
import numpy as np

VOCAB = 1000000
EMB_DIM = 64
BATCH = 16384
HIST = 50

def setup_inputs(seed: int = 0) -> dict:
    key = jax.random.key(seed)
    k_idx, k_tab = jax.random.split(key)
    indices = jax.random.randint(k_idx, (BATCH, HIST), 0, VOCAB, dtype=jnp.int64 if jax.config.read('jax_enable_x64') else jnp.int32)
    table = jax.random.normal(k_tab, (VOCAB, EMB_DIM), dtype=jnp.float32)
    return {"input": indices, "table": table}

def reference(input, table):
    # nn.Embedding forward: gather rows of the embedding table
    return jnp.take(table, input, axis=0)

if __name__ == "__main__":
    import jax
    _d = setup_inputs()
    print(jax.jit(kernel)(*tuple(_d.values())))

</pallas_src>

<mosaic_0001>
#map = affine_map<(d0, d1) -> (0, 0)>
module attributes {stable_mosaic.version = 14 : i64} {
  func.func @_transpose_kernel(%arg0: i32, %arg1: i32, %arg2: memref<64x1000000xf32, #tpu.memory_space<hbm>>, %arg3: memref<32x128xf32, #tpu.memory_space<hbm>>, %arg4: memref<500000x128xf32, #tpu.memory_space<hbm>>, %arg5: memref<64x128xf32, #tpu.memory_space<vmem>>, %arg6: memref<64x128xf32, #tpu.memory_space<vmem>>, %arg7: memref<64x133xf32, #tpu.memory_space<vmem>>, %arg8: memref<64x133xf32, #tpu.memory_space<vmem>>, %arg9: memref<!tpu.dma_semaphore, #tpu.memory_space<semaphore_mem>>, %arg10: memref<!tpu.dma_semaphore, #tpu.memory_space<semaphore_mem>>, %arg11: memref<!tpu.dma_semaphore, #tpu.memory_space<semaphore_mem>>, %arg12: memref<!tpu.dma_semaphore, #tpu.memory_space<semaphore_mem>>) attributes {dimension_semantics = [#tpu.dimension_semantics<core_parallel>, #tpu.dimension_semantics<subcore_parallel>], iteration_bounds = array<i64: 2, 16>, scalar_prefetch = 0 : i64, scratch_operands = 8 : i64, tpu.core_type = #tpu.core_type<sc_vector_subcore>, window_params = [{transform_indices = #map}, {transform_indices = #map}, {transform_indices = #map}]} {
    %mul3A = arith.constant 2 : i32
    %mul3A_0 = arith.muli %arg1, %mul3A : i32
    %add3A = arith.addi %mul3A_0, %arg0 : i32
    %mul3A_1 = arith.constant 245 : i32
    %mul3A_2 = arith.muli %add3A, %mul3A_1 : i32
    %iota3A = tpu.iota {dimensions = array<i32: 0>} : vector<16xi32>
    %add3A_3 = arith.constant 0 : i32
    %add3A_4 = vector.broadcast %add3A_3 : i32 to vector<16xi32>
    %add3A_5 = arith.addi %add3A_4, %iota3A : vector<16xi32>
    %shift_right_arithmetic3A = arith.constant 1 : i32
    %shift_right_arithmetic3A_6 = vector.broadcast %shift_right_arithmetic3A : i32 to vector<16xi32>
    %shift_right_arithmetic3A_7 = arith.shrsi %add3A_5, %shift_right_arithmetic3A_6 : vector<16xi32>
    %add3A_8 = arith.constant 16 : i32
    %add3A_9 = vector.broadcast %add3A_8 : i32 to vector<16xi32>
    %add3A_10 = arith.addi %add3A_9, %iota3A : vector<16xi32>
    %shift_right_arithmetic3A_11 = arith.constant 1 : i32
    %shift_right_arithmetic3A_12 = vector.broadcast %shift_right_arithmetic3A_11 : i32 to vector<16xi32>
    %shift_right_arithmetic3A_13 = arith.shrsi %add3A_10, %shift_right_arithmetic3A_12 : vector<16xi32>
    %add3A_14 = arith.constant 32 : i32
    %add3A_15 = vector.broadcast %add3A_14 : i32 to vector<16xi32>
    %add3A_16 = arith.addi %add3A_15, %iota3A : vector<16xi32>
    %shift_right_arithmetic3A_17 = arith.constant 1 : i32
    %shift_right_arithmetic3A_18 = vector.broadcast %shift_right_arithmetic3A_17 : i32 to vector<16xi32>
    %shift_right_arithmetic3A_19 = arith.shrsi %add3A_16, %shift_right_arithmetic3A_18 : vector<16xi32>
    %add3A_20 = arith.constant 48 : i32
    %add3A_21 = vector.broadcast %add3A_20 : i32 to vector<16xi32>
    %add3A_22 = arith.addi %add3A_21, %iota3A : vector<16xi32>
    %shift_right_arithmetic3A_23 = arith.constant 1 : i32
    %shift_right_arithmetic3A_24 = vector.broadcast %shift_right_arithmetic3A_23 : i32 to vector<16xi32>
    %shift_right_arithmetic3A_25 = arith.shrsi %add3A_22, %shift_right_arithmetic3A_24 : vector<16xi32>
    %add3A_26 = arith.constant 64 : i32
    %add3A_27 = vector.broadcast %add3A_26 : i32 to vector<16xi32>
    %add3A_28 = arith.addi %add3A_27, %iota3A : vector<16xi32>
    %shift_right_arithmetic3A_29 = arith.constant 1 : i32
    %shift_right_arithmetic3A_30 = vector.broadcast %shift_right_arithmetic3A_29 : i32 to vector<16xi32>
    %shift_right_arithmetic3A_31 = arith.shrsi %add3A_28, %shift_right_arithmetic3A_30 : vector<16xi32>
    %add3A_32 = arith.constant 80 : i32
    %add3A_33 = vector.broadcast %add3A_32 : i32 to vector<16xi32>
    %add3A_34 = arith.addi %add3A_33, %iota3A : vector<16xi32>
    %shift_right_arithmetic3A_35 = arith.constant 1 : i32
    %shift_right_arithmetic3A_36 = vector.broadcast %shift_right_arithmetic3A_35 : i32 to vector<16xi32>
    %shift_right_arithmetic3A_37 = arith.shrsi %add3A_34, %shift_right_arithmetic3A_36 : vector<16xi32>
    %add3A_38 = arith.constant 96 : i32
    %add3A_39 = vector.broadcast %add3A_38 : i32 to vector<16xi32>
    %add3A_40 = arith.addi %add3A_39, %iota3A : vector<16xi32>
    %shift_right_arithmetic3A_41 = arith.constant 1 : i32
    %shift_right_arithmetic3A_42 = vector.broadcast %shift_right_arithmetic3A_41 : i32 to vector<16xi32>
    %shift_right_arithmetic3A_43 = arith.shrsi %add3A_40, %shift_right_arithmetic3A_42 : vector<16xi32>
    %add3A_44 = arith.constant 112 : i32
    %add3A_45 = vector.broadcast %add3A_44 : i32 to vector<16xi32>
    %add3A_46 = arith.addi %add3A_45, %iota3A : vector<16xi32>
    %shift_right_arithmetic3A_47 = arith.constant 1 : i32
    %shift_right_arithmetic3A_48 = vector.broadcast %shift_right_arithmetic3A_47 : i32 to vector<16xi32>
    %shift_right_arithmetic3A_49 = arith.shrsi %add3A_46, %shift_right_arithmetic3A_48 : vector<16xi32>
    %add3A_50 = arith.constant 0 : i32
    %add3A_51 = vector.broadcast %add3A_50 : i32 to vector<16xi32>
    %add3A_52 = arith.addi %add3A_51, %iota3A : vector<16xi32>
    %and3A = arith.constant 1 : i32
    %and3A_53 = vector.broadcast %and3A : i32 to vector<16xi32>
    %and3A_54 = arith.andi %add3A_52, %and3A_53 : vector<16xi32>
    %mul3A_55 = arith.constant 64 : i32
    %mul3A_56 = vector.broadcast %mul3A_55 : i32 to vector<16xi32>
    %mul3A_57 = arith.muli %and3A_54, %mul3A_56 : vector<16xi32>
    %add3A_58 = arith.constant 16 : i32
    %add3A_59 = vector.broadcast %add3A_58 : i32 to vector<16xi32>
    %add3A_60 = arith.addi %add3A_59, %iota3A : vector<16xi32>
    %and3A_61 = arith.constant 1 : i32
    %and3A_62 = vector.broadcast %and3A_61 : i32 to vector<16xi32>
    %and3A_63 = arith.andi %add3A_60, %and3A_62 : vector<16xi32>
    %mul3A_64 = arith.constant 64 : i32
    %mul3A_65 = vector.broadcast %mul3A_64 : i32 to vector<16xi32>
    %mul3A_66 = arith.muli %and3A_63, %mul3A_65 : vector<16xi32>
    %add3A_67 = arith.constant 32 : i32
    %add3A_68 = vector.broadcast %add3A_67 : i32 to vector<16xi32>
    %add3A_69 = arith.addi %add3A_68, %iota3A : vector<16xi32>
    %and3A_70 = arith.constant 1 : i32
    %and3A_71 = vector.broadcast %and3A_70 : i32 to vector<16xi32>
    %and3A_72 = arith.andi %add3A_69, %and3A_71 : vector<16xi32>
    %mul3A_73 = arith.constant 64 : i32
    %mul3A_74 = vector.broadcast %mul3A_73 : i32 to vector<16xi32>
    %mul3A_75 = arith.muli %and3A_72, %mul3A_74 : vector<16xi32>
    %add3A_76 = arith.constant 48 : i32
    %add3A_77 = vector.broadcast %add3A_76 : i32 to vector<16xi32>
    %add3A_78 = arith.addi %add3A_77, %iota3A : vector<16xi32>
    %and3A_79 = arith.constant 1 : i32
    %and3A_80 = vector.broadcast %and3A_79 : i32 to vector<16xi32>
    %and3A_81 = arith.andi %add3A_78, %and3A_80 : vector<16xi32>
    %mul3A_82 = arith.constant 64 : i32
    %mul3A_83 = vector.broadcast %mul3A_82 : i32 to vector<16xi32>
    %mul3A_84 = arith.muli %and3A_81, %mul3A_83 : vector<16xi32>
    %add3A_85 = arith.constant 64 : i32
    %add3A_86 = vector.broadcast %add3A_85 : i32 to vector<16xi32>
    %add3A_87 = arith.addi %add3A_86, %iota3A : vector<16xi32>
    %and3A_88 = arith.constant 1 : i32
    %and3A_89 = vector.broadcast %and3A_88 : i32 to vector<16xi32>
    %and3A_90 = arith.andi %add3A_87, %and3A_89 : vector<16xi32>
    %mul3A_91 = arith.constant 64 : i32
    %mul3A_92 = vector.broadcast %mul3A_91 : i32 to vector<16xi32>
    %mul3A_93 = arith.muli %and3A_90, %mul3A_92 : vector<16xi32>
    %add3A_94 = arith.constant 80 : i32
    %add3A_95 = vector.broadcast %add3A_94 : i32 to vector<16xi32>
    %add3A_96 = arith.addi %add3A_95, %iota3A : vector<16xi32>
    %and3A_97 = arith.constant 1 : i32
    %and3A_98 = vector.broadcast %and3A_97 : i32 to vector<16xi32>
    %and3A_99 = arith.andi %add3A_96, %and3A_98 : vector<16xi32>
    %mul3A_100 = arith.constant 64 : i32
    %mul3A_101 = vector.broadcast %mul3A_100 : i32 to vector<16xi32>
    %mul3A_102 = arith.muli %and3A_99, %mul3A_101 : vector<16xi32>
    %add3A_103 = arith.constant 96 : i32
    %add3A_104 = vector.broadcast %add3A_103 : i32 to vector<16xi32>
    %add3A_105 = arith.addi %add3A_104, %iota3A : vector<16xi32>
    %and3A_106 = arith.constant 1 : i32
    %and3A_107 = vector.broadcast %and3A_106 : i32 to vector<16xi32>
    %and3A_108 = arith.andi %add3A_105, %and3A_107 : vector<16xi32>
    %mul3A_109 = arith.constant 64 : i32
    %mul3A_110 = vector.broadcast %mul3A_109 : i32 to vector<16xi32>
    %mul3A_111 = arith.muli %and3A_108, %mul3A_110 : vector<16xi32>
    %add3A_112 = arith.constant 112 : i32
    %add3A_113 = vector.broadcast %add3A_112 : i32 to vector<16xi32>
    %add3A_114 = arith.addi %add3A_113, %iota3A : vector<16xi32>
    %and3A_115 = arith.constant 1 : i32
    %and3A_116 = vector.broadcast %and3A_115 : i32 to vector<16xi32>
    %and3A_117 = arith.andi %add3A_114, %and3A_116 : vector<16xi32>
    %mul3A_118 = arith.constant 64 : i32
    %mul3A_119 = vector.broadcast %mul3A_118 : i32 to vector<16xi32>
    %mul3A_120 = arith.muli %and3A_117, %mul3A_119 : vector<16xi32>
    %sub3A = arith.constant 7812 : i32
    %sub3A_121 = arith.subi %sub3A, %mul3A_2 : i32
    %max3A = arith.constant 0 : i32
    %max3A_122 = arith.maxsi %sub3A_121, %max3A : i32
    %min3A = arith.constant 245 : i32
    %min3A_123 = arith.minsi %max3A_122, %min3A : i32
    %add3A_124 = arith.addi %mul3A_2, %min3A_123 : i32
    %gt3A = arith.constant 0 : i32
    %gt3A_125 = arith.cmpi sgt, %min3A_123, %gt3A : i32
    %convert_element_type3A = arith.extui %gt3A_125 : i1 to i32
    %cond3A = arith.constant 0 : i32
    %cond3A_126 = arith.cmpi ne, %convert_element_type3A, %cond3A : i32
    scf.if %cond3A_126 {
      %mul3A_136 = arith.constant 128 : i32
      %mul3A_137 = arith.muli %mul3A_2, %mul3A_136 : i32
      %dma_start3A = arith.constant 0 : i32
      %dma_start3A_138 = tpu.memref_slice %arg2[%dma_start3A, %mul3A_137] : memref<64x1000000xf32, #tpu.memory_space<hbm>> -> memref<64x128xf32, #tpu.memory_space<hbm>>
      %dma_start3A_139 = arith.constant 0 : i32
      %dma_start3A_140 = tpu.memref_slice %arg2[%dma_start3A_139, %mul3A_137] : memref<64x1000000xf32, #tpu.memory_space<hbm>> -> memref<64x128xf32, #tpu.memory_space<hbm>>
      tpu.enqueue_dma source(%dma_start3A_140 : memref<64x128xf32, #tpu.memory_space<hbm>>) target(%arg5 : memref<64x128xf32, #tpu.memory_space<vmem>>) target_semaphore(%arg9 : memref<!tpu.dma_semaphore, #tpu.memory_space<semaphore_mem>>)
      %gt3A_141 = arith.constant 1 : i32
      %gt3A_142 = arith.cmpi sgt, %min3A_123, %gt3A_141 : i32
      %convert_element_type3A_143 = arith.extui %gt3A_142 : i1 to i32
      %cond3A_144 = arith.constant 0 : i32
      %cond3A_145 = arith.cmpi ne, %convert_element_type3A_143, %cond3A_144 : i32
      scf.if %cond3A_145 {
        %add3A_166 = arith.constant 1 : i32
        %add3A_167 = arith.addi %mul3A_2, %add3A_166 : i32
        %mul3A_168 = arith.constant 128 : i32
        %mul3A_169 = arith.muli %add3A_167, %mul3A_168 : i32
        %dma_start3A_170 = arith.constant 0 : i32
        %dma_start3A_171 = tpu.memref_slice %arg2[%dma_start3A_170, %mul3A_169] : memref<64x1000000xf32, #tpu.memory_space<hbm>> -> memref<64x128xf32, #tpu.memory_space<hbm>>
        %dma_start3A_172 = arith.constant 0 : i32
        %dma_start3A_173 = tpu.memref_slice %arg2[%dma_start3A_172, %mul3A_169] : memref<64x1000000xf32, #tpu.memory_space<hbm>> -> memref<64x128xf32, #tpu.memory_space<hbm>>
        tpu.enqueue_dma source(%dma_start3A_173 : memref<64x128xf32, #tpu.memory_space<hbm>>) target(%arg6 : memref<64x128xf32, #tpu.memory_space<vmem>>) target_semaphore(%arg10 : memref<!tpu.dma_semaphore, #tpu.memory_space<semaphore_mem>>)
      } else {
      }
      %scan3A = arith.constant 0 : i32
      %scan3A_146 = arith.constant 123 : i32
      %scan3A_147 = arith.addi %scan3A, %scan3A_146 : i32
      %scan3A_148 = arith.constant 1 : i32
      scf.for %scan3A_166 = %scan3A to %scan3A_147 step %scan3A_148  : i32 {
        %mul3A_167 = arith.constant 2 : i32
        %mul3A_168 = arith.muli %mul3A_167, %scan3A_166 : i32
        %add3A_169 = arith.addi %mul3A_2, %mul3A_168 : i32
        %lt3A = arith.cmpi slt, %add3A_169, %add3A_124 : i32
        %convert_element_type3A_170 = arith.extui %lt3A : i1 to i32
        %cond3A_171 = arith.constant 0 : i32
        %cond3A_172 = arith.cmpi ne, %convert_element_type3A_170, %cond3A_171 : i32
        scf.if %cond3A_172 {
          %eq3A = arith.constant 0 : i32
          %eq3A_179 = arith.cmpi eq, %scan3A_166, %eq3A : i32
          %dma_wait3A_180 = arith.constant 0 : i32
          %dma_wait3A_181 = arith.constant 0 : i32
          %dma_wait3A_182 = tpu.memref_slice %arg2[%dma_wait3A_180, %dma_wait3A_181] : memref<64x1000000xf32, #tpu.memory_space<hbm>> -> memref<64x128xf32, #tpu.memory_space<hbm>>
          %dma_wait3A_183 = arith.constant 0 : i32
          %dma_wait3A_184 = arith.constant 0 : i32
          %dma_wait3A_185 = tpu.memref_slice %arg2[%dma_wait3A_183, %dma_wait3A_184] : memref<64x1000000xf32, #tpu.memory_space<hbm>> -> memref<64x128xf32, #tpu.memory_space<hbm>>
          tpu.wait_dma2 semaphore(%arg9 : memref<!tpu.dma_semaphore, #tpu.memory_space<semaphore_mem>>) src(%dma_wait3A_185 : memref<64x128xf32, #tpu.memory_space<hbm>>) dst(%arg5 : memref<64x128xf32, #tpu.memory_space<vmem>>)
          %not3A = arith.constant true
          %not3A_186 = arith.xori %eq3A_179, %not3A : i1
          %convert_element_type3A_187 = arith.extui %not3A_186 : i1 to i32
          %cond3A_188 = arith.constant 0 : i32
          %cond3A_189 = arith.cmpi ne, %convert_element_type3A_187, %cond3A_188 : i32
          scf.if %cond3A_189 {
            %dma_wait3A_210 = arith.constant 0 : i32
            %dma_wait3A_211 = arith.constant 0 : i32
            %dma_wait3A_212 = tpu.memref_slice %arg7[%dma_wait3A_210, %dma_wait3A_211] : memref<64x133xf32, #tpu.memory_space<vmem>> -> memref<64x128xf32, #tpu.memory_space<vmem>>
            %dma_wait3A_213 = arith.constant 0 : i32
            %dma_wait3A_214 = arith.constant 0 : i32
            %dma_wait3A_215 = tpu.memref_slice %arg4[%dma_wait3A_213, %dma_wait3A_214] : memref<500000x128xf32, #tpu.memory_space<hbm>> -> memref<64x128xf32, #tpu.memory_space<hbm>>
            %dma_wait3A_216 = arith.constant 0 : i32
            %dma_wait3A_217 = arith.constant 0 : i32
            %dma_wait3A_218 = tpu.memref_slice %arg4[%dma_wait3A_216, %dma_wait3A_217] : memref<500000x128xf32, #tpu.memory_space<hbm>> -> memref<64x128xf32, #tpu.memory_space<hbm>>
            %dma_wait3A_219 = arith.constant 0 : i32
            %dma_wait3A_220 = arith.constant 0 : i32
            %dma_wait3A_221 = tpu.memref_slice %arg7[%dma_wait3A_219, %dma_wait3A_220] : memref<64x133xf32, #tpu.memory_space<vmem>> -> memref<64x128xf32, #tpu.memory_space<vmem>>
            tpu.wait_dma2 semaphore(%arg11 : memref<!tpu.dma_semaphore, #tpu.memory_space<semaphore_mem>>) src(%dma_wait3A_221 : memref<64x128xf32, #tpu.memory_space<vmem>>) dst(%dma_wait3A_218 : memref<64x128xf32, #tpu.memory_space<hbm>>)
          } else {
          }
          %parallel_loop3A = arith.constant 0 : i32
          %parallel_loop3A_190 = arith.constant 64 : i32
          %parallel_loop3A_191 = arith.constant 1 : i32
          scf.for %parallel_loop3A_210 = %parallel_loop3A to %parallel_loop3A_190 step %parallel_loop3A_191  : i32 {
            %parallel_loop3A_211 = arith.index_cast %parallel_loop3A_210 : i32 to index
            %parallel_loop3A_212 = arith.constant 0 : index
            %parallel_loop3A_213 = tpu.vector_load %arg5[%parallel_loop3A_211, %parallel_loop3A_212] {strides = array<i32>} : memref<64x128xf32, #tpu.memory_space<vmem>>, vector<16xf32>,
            %parallel_loop3A_214 = vector.broadcast %parallel_loop3A_210 : i32 to vector<16xi32>
            %parallel_loop3A_215 = arith.addi %mul3A_57, %parallel_loop3A_214 : vector<16xi32>
            tpu.vector_store_idx %arg7[%shift_right_arithmetic3A_7, %parallel_loop3A_215], %parallel_loop3A_213 : memref<64x133xf32, #tpu.memory_space<vmem>>[vector<16xi32>, vector<16xi32>], vector<16xf32>,
            %parallel_loop3A_216 = arith.index_cast %parallel_loop3A_210 : i32 to index
            %parallel_loop3A_217 = arith.constant 16 : index
            %parallel_loop3A_218 = tpu.vector_load %arg5[%parallel_loop3A_216, %parallel_loop3A_217] {strides = array<i32>} : memref<64x128xf32, #tpu.memory_space<vmem>>, vector<16xf32>,
            %parallel_loop3A_219 = vector.broadcast %parallel_loop3A_210 : i32 to vector<16xi32>
            %parallel_loop3A_220 = arith.addi %mul3A_66, %parallel_loop3A_219 : vector<16xi32>
            tpu.vector_store_idx %arg7[%shift_right_arithmetic3A_13, %parallel_loop3A_220], %parallel_loop3A_218 : memref<64x133xf32, #tpu.memory_space<vmem>>[vector<16xi32>, vector<16xi32>], vector<16xf32>,
            %parallel_loop3A_221 = arith.index_cast %parallel_loop3A_210 : i32 to index
            %parallel_loop3A_222 = arith.constant 32 : index
            %parallel_loop3A_223 = tpu.vector_load %arg5[%parallel_loop3A_221, %parallel_loop3A_222] {strides = array<i32>} : memref<64x128xf32, #tpu.memory_space<vmem>>, vector<16xf32>,
            %parallel_loop3A_224 = vector.broadcast %parallel_loop3A_210 : i32 to vector<16xi32>
            %parallel_loop3A_225 = arith.addi %mul3A_75, %parallel_loop3A_224 : vector<16xi32>
            tpu.vector_store_idx %arg7[%shift_right_arithmetic3A_19, %parallel_loop3A_225], %parallel_loop3A_223 : memref<64x133xf32, #tpu.memory_space<vmem>>[vector<16xi32>, vector<16xi32>], vector<16xf32>,
            %parallel_loop3A_226 = arith.index_cast %parallel_loop3A_210 : i32 to index
            %parallel_loop3A_227 = arith.constant 48 : index
            %parallel_loop3A_228 = tpu.vector_load %arg5[%parallel_loop3A_226, %parallel_loop3A_227] {strides = array<i32>} : memref<64x128xf32, #tpu.memory_space<vmem>>, vector<16xf32>,
            %parallel_loop3A_229 = vector.broadcast %parallel_loop3A_210 : i32 to vector<16xi32>
            %parallel_loop3A_230 = arith.addi %mul3A_84, %parallel_loop3A_229 : vector<16xi32>
            tpu.vector_store_idx %arg7[%shift_right_arithmetic3A_25, %parallel_loop3A_230], %parallel_loop3A_228 : memref<64x133xf32, #tpu.memory_space<vmem>>[vector<16xi32>, vector<16xi32>], vector<16xf32>,
            %parallel_loop3A_231 = arith.index_cast %parallel_loop3A_210 : i32 to index
            %parallel_loop3A_232 = arith.constant 64 : index
            %parallel_loop3A_233 = tpu.vector_load %arg5[%parallel_loop3A_231, %parallel_loop3A_232] {strides = array<i32>} : memref<64x128xf32, #tpu.memory_space<vmem>>, vector<16xf32>,
            %parallel_loop3A_234 = vector.broadcast %parallel_loop3A_210 : i32 to vector<16xi32>
            %parallel_loop3A_235 = arith.addi %mul3A_93, %parallel_loop3A_234 : vector<16xi32>
            tpu.vector_store_idx %arg7[%shift_right_arithmetic3A_31, %parallel_loop3A_235], %parallel_loop3A_233 : memref<64x133xf32, #tpu.memory_space<vmem>>[vector<16xi32>, vector<16xi32>], vector<16xf32>,
            %parallel_loop3A_236 = arith.index_cast %parallel_loop3A_210 : i32 to index
            %parallel_loop3A_237 = arith.constant 80 : index
            %parallel_loop3A_238 = tpu.vector_load %arg5[%parallel_loop3A_236, %parallel_loop3A_237] {strides = array<i32>} : memref<64x128xf32, #tpu.memory_space<vmem>>, vector<16xf32>,
            %parallel_loop3A_239 = vector.broadcast %parallel_loop3A_210 : i32 to vector<16xi32>
            %parallel_loop3A_240 = arith.addi %mul3A_102, %parallel_loop3A_239 : vector<16xi32>
            tpu.vector_store_idx %arg7[%shift_right_arithmetic3A_37, %parallel_loop3A_240], %parallel_loop3A_238 : memref<64x133xf32, #tpu.memory_space<vmem>>[vector<16xi32>, vector<16xi32>], vector<16xf32>,
            %parallel_loop3A_241 = arith.index_cast %parallel_loop3A_210 : i32 to index
            %parallel_loop3A_242 = arith.constant 96 : index
            %parallel_loop3A_243 = tpu.vector_load %arg5[%parallel_loop3A_241, %parallel_loop3A_242] {strides = array<i32>} : memref<64x128xf32, #tpu.memory_space<vmem>>, vector<16xf32>,
            %parallel_loop3A_244 = vector.broadcast %parallel_loop3A_210 : i32 to vector<16xi32>
            %parallel_loop3A_245 = arith.addi %mul3A_111, %parallel_loop3A_244 : vector<16xi32>
            tpu.vector_store_idx %arg7[%shift_right_arithmetic3A_43, %parallel_loop3A_245], %parallel_loop3A_243 : memref<64x133xf32, #tpu.memory_space<vmem>>[vector<16xi32>, vector<16xi32>], vector<16xf32>,
            %parallel_loop3A_246 = arith.index_cast %parallel_loop3A_210 : i32 to index
            %parallel_loop3A_247 = arith.constant 112 : index
            %parallel_loop3A_248 = tpu.vector_load %arg5[%parallel_loop3A_246, %parallel_loop3A_247] {strides = array<i32>} : memref<64x128xf32, #tpu.memory_space<vmem>>, vector<16xf32>,
            %parallel_loop3A_249 = vector.broadcast %parallel_loop3A_210 : i32 to vector<16xi32>
            %parallel_loop3A_250 = arith.addi %mul3A_120, %parallel_loop3A_249 : vector<16xi32>
            tpu.vector_store_idx %arg7[%shift_right_arithmetic3A_49, %parallel_loop3A_250], %parallel_loop3A_248 : memref<64x133xf32, #tpu.memory_space<vmem>>[vector<16xi32>, vector<16xi32>], vector<16xf32>,
          } {sc.loop_unroll_factor = 4 : i64, sc.parallel_access}
          %mul3A_192 = arith.constant 64 : i32
          %mul3A_193 = arith.muli %add3A_169, %mul3A_192 : i32
          %dma_start3A_194 = arith.constant 0 : i32
          %dma_start3A_195 = arith.constant 0 : i32
          %dma_start3A_196 = tpu.memref_slice %arg7[%dma_start3A_194, %dma_start3A_195] : memref<64x133xf32, #tpu.memory_space<vmem>> -> memref<64x128xf32, #tpu.memory_space<vmem>>
          %dma_start3A_197 = arith.constant 0 : i32
          %dma_start3A_198 = tpu.memref_slice %arg4[%mul3A_193, %dma_start3A_197] : memref<500000x128xf32, #tpu.memory_space<hbm>> -> memref<64x128xf32, #tpu.memory_space<hbm>>
          %dma_start3A_199 = arith.constant 0 : i32
          %dma_start3A_200 = tpu.memref_slice %arg4[%mul3A_193, %dma_start3A_199] : memref<500000x128xf32, #tpu.memory_space<hbm>> -> memref<64x128xf32, #tpu.memory_space<hbm>>
          %dma_start3A_201 = arith.constant 0 : i32
          %dma_start3A_202 = arith.constant 0 : i32
          %dma_start3A_203 = tpu.memref_slice %arg7[%dma_start3A_201, %dma_start3A_202] : memref<64x133xf32, #tpu.memory_space<vmem>> -> memref<64x128xf32, #tpu.memory_space<vmem>>
          tpu.enqueue_dma source(%dma_start3A_203 : memref<64x128xf32, #tpu.memory_space<vmem>>) target(%dma_start3A_200 : memref<64x128xf32, #tpu.memory_space<hbm>>) target_semaphore(%arg11 : memref<!tpu.dma_semaphore, #tpu.memory_space<semaphore_mem>>)
          %add3A_204 = arith.constant 2 : i32
          %add3A_205 = arith.addi %add3A_169, %add3A_204 : i32
          %lt3A_206 = arith.cmpi slt, %add3A_205, %add3A_124 : i32
          %convert_element_type3A_207 = arith.extui %lt3A_206 : i1 to i32
          %cond3A_208 = arith.constant 0 : i32
          %cond3A_209 = arith.cmpi ne, %convert_element_type3A_207, %cond3A_208 : i32
          scf.if %cond3A_209 {
            %add3A_210 = arith.constant 2 : i32
            %add3A_211 = arith.addi %add3A_169, %add3A_210 : i32
            %mul3A_212 = arith.constant 128 : i32
            %mul3A_213 = arith.muli %add3A_211, %mul3A_212 : i32
            %dma_start3A_214 = arith.constant 0 : i32
            %dma_start3A_215 = tpu.memref_slice %arg2[%dma_start3A_214, %mul3A_213] : memref<64x1000000xf32, #tpu.memory_space<hbm>> -> memref<64x128xf32, #tpu.memory_space<hbm>>
            %dma_start3A_216 = arith.constant 0 : i32
            %dma_start3A_217 = tpu.memref_slice %arg2[%dma_start3A_216, %mul3A_213] : memref<64x1000000xf32, #tpu.memory_space<hbm>> -> memref<64x128xf32, #tpu.memory_space<hbm>>
            tpu.enqueue_dma source(%dma_start3A_217 : memref<64x128xf32, #tpu.memory_space<hbm>>) target(%arg5 : memref<64x128xf32, #tpu.memory_space<vmem>>) target_semaphore(%arg9 : memref<!tpu.dma_semaphore, #tpu.memory_space<semaphore_mem>>)
          } else {
          }
        } else {
        }
        %add3A_173 = arith.constant 1 : i32
        %add3A_174 = arith.addi %add3A_169, %add3A_173 : i32
        %lt3A_175 = arith.cmpi slt, %add3A_174, %add3A_124 : i32
        %convert_element_type3A_176 = arith.extui %lt3A_175 : i1 to i32
        %cond3A_177 = arith.constant 0 : i32
        %cond3A_178 = arith.cmpi ne, %convert_element_type3A_176, %cond3A_177 : i32
        scf.if %cond3A_178 {
          %add3A_179 = arith.constant 1 : i32
          %add3A_180 = arith.addi %add3A_169, %add3A_179 : i32
          %eq3A = arith.constant 0 : i32
          %eq3A_181 = arith.cmpi eq, %scan3A_166, %eq3A : i32
          %dma_wait3A_182 = arith.constant 0 : i32
          %dma_wait3A_183 = arith.constant 0 : i32
          %dma_wait3A_184 = tpu.memref_slice %arg2[%dma_wait3A_182, %dma_wait3A_183] : memref<64x1000000xf32, #tpu.memory_space<hbm>> -> memref<64x128xf32, #tpu.memory_space<hbm>>
          %dma_wait3A_185 = arith.constant 0 : i32
          %dma_wait3A_186 = arith.constant 0 : i32
          %dma_wait3A_187 = tpu.memref_slice %arg2[%dma_wait3A_185, %dma_wait3A_186] : memref<64x1000000xf32, #tpu.memory_space<hbm>> -> memref<64x128xf32, #tpu.memory_space<hbm>>
          tpu.wait_dma2 semaphore(%arg10 : memref<!tpu.dma_semaphore, #tpu.memory_space<semaphore_mem>>) src(%dma_wait3A_187 : memref<64x128xf32, #tpu.memory_space<hbm>>) dst(%arg6 : memref<64x128xf32, #tpu.memory_space<vmem>>)
          %not3A = arith.constant true
          %not3A_188 = arith.xori %eq3A_181, %not3A : i1
          %convert_element_type3A_189 = arith.extui %not3A_188 : i1 to i32
          %cond3A_190 = arith.constant 0 : i32
          %cond3A_191 = arith.cmpi ne, %convert_element_type3A_189, %cond3A_190 : i32
          scf.if %cond3A_191 {
            %dma_wait3A_212 = arith.constant 0 : i32
            %dma_wait3A_213 = arith.constant 0 : i32
            %dma_wait3A_214 = tpu.memref_slice %arg8[%dma_wait3A_212, %dma_wait3A_213] : memref<64x133xf32, #tpu.memory_space<vmem>> -> memref<64x128xf32, #tpu.memory_space<vmem>>
            %dma_wait3A_215 = arith.constant 0 : i32
            %dma_wait3A_216 = arith.constant 0 : i32
            %dma_wait3A_217 = tpu.memref_slice %arg4[%dma_wait3A_215, %dma_wait3A_216] : memref<500000x128xf32, #tpu.memory_space<hbm>> -> memref<64x128xf32, #tpu.memory_space<hbm>>
            %dma_wait3A_218 = arith.constant 0 : i32
            %dma_wait3A_219 = arith.constant 0 : i32
            %dma_wait3A_220 = tpu.memref_slice %arg4[%dma_wait3A_218, %dma_wait3A_219] : memref<500000x128xf32, #tpu.memory_space<hbm>> -> memref<64x128xf32, #tpu.memory_space<hbm>>
            %dma_wait3A_221 = arith.constant 0 : i32
            %dma_wait3A_222 = arith.constant 0 : i32
            %dma_wait3A_223 = tpu.memref_slice %arg8[%dma_wait3A_221, %dma_wait3A_222] : memref<64x133xf32, #tpu.memory_space<vmem>> -> memref<64x128xf32, #tpu.memory_space<vmem>>
            tpu.wait_dma2 semaphore(%arg12 : memref<!tpu.dma_semaphore, #tpu.memory_space<semaphore_mem>>) src(%dma_wait3A_223 : memref<64x128xf32, #tpu.memory_space<vmem>>) dst(%dma_wait3A_220 : memref<64x128xf32, #tpu.memory_space<hbm>>)
          } else {
          }
          %parallel_loop3A = arith.constant 0 : i32
          %parallel_loop3A_192 = arith.constant 64 : i32
          %parallel_loop3A_193 = arith.constant 1 : i32
          scf.for %parallel_loop3A_212 = %parallel_loop3A to %parallel_loop3A_192 step %parallel_loop3A_193  : i32 {
            %parallel_loop3A_213 = arith.index_cast %parallel_loop3A_212 : i32 to index
            %parallel_loop3A_214 = arith.constant 0 : index
            %parallel_loop3A_215 = tpu.vector_load %arg6[%parallel_loop3A_213, %parallel_loop3A_214] {strides = array<i32>} : memref<64x128xf32, #tpu.memory_space<vmem>>, vector<16xf32>,
            %parallel_loop3A_216 = vector.broadcast %parallel_loop3A_212 : i32 to vector<16xi32>
            %parallel_loop3A_217 = arith.addi %mul3A_57, %parallel_loop3A_216 : vector<16xi32>
            tpu.vector_store_idx %arg8[%shift_right_arithmetic3A_7, %parallel_loop3A_217], %parallel_loop3A_215 : memref<64x133xf32, #tpu.memory_space<vmem>>[vector<16xi32>, vector<16xi32>], vector<16xf32>,
            %parallel_loop3A_218 = arith.index_cast %parallel_loop3A_212 : i32 to index
            %parallel_loop3A_219 = arith.constant 16 : index
            %parallel_loop3A_220 = tpu.vector_load %arg6[%parallel_loop3A_218, %parallel_loop3A_219] {strides = array<i32>} : memref<64x128xf32, #tpu.memory_space<vmem>>, vector<16xf32>,
            %parallel_loop3A_221 = vector.broadcast %parallel_loop3A_212 : i32 to vector<16xi32>
            %parallel_loop3A_222 = arith.addi %mul3A_66, %parallel_loop3A_221 : vector<16xi32>
            tpu.vector_store_idx %arg8[%shift_right_arithmetic3A_13, %parallel_loop3A_222], %parallel_loop3A_220 : memref<64x133xf32, #tpu.memory_space<vmem>>[vector<16xi32>, vector<16xi32>], vector<16xf32>,
            %parallel_loop3A_223 = arith.index_cast %parallel_loop3A_212 : i32 to index
            %parallel_loop3A_224 = arith.constant 32 : index
            %parallel_loop3A_225 = tpu.vector_load %arg6[%parallel_loop3A_223, %parallel_loop3A_224] {strides = array<i32>} : memref<64x128xf32, #tpu.memory_space<vmem>>, vector<16xf32>,
            %parallel_loop3A_226 = vector.broadcast %parallel_loop3A_212 : i32 to vector<16xi32>
            %parallel_loop3A_227 = arith.addi %mul3A_75, %parallel_loop3A_226 : vector<16xi32>
            tpu.vector_store_idx %arg8[%shift_right_arithmetic3A_19, %parallel_loop3A_227], %parallel_loop3A_225 : memref<64x133xf32, #tpu.memory_space<vmem>>[vector<16xi32>, vector<16xi32>], vector<16xf32>,
            %parallel_loop3A_228 = arith.index_cast %parallel_loop3A_212 : i32 to index
            %parallel_loop3A_229 = arith.constant 48 : index
            %parallel_loop3A_230 = tpu.vector_load %arg6[%parallel_loop3A_228, %parallel_loop3A_229] {strides = array<i32>} : memref<64x128xf32, #tpu.memory_space<vmem>>, vector<16xf32>,
            %parallel_loop3A_231 = vector.broadcast %parallel_loop3A_212 : i32 to vector<16xi32>
            %parallel_loop3A_232 = arith.addi %mul3A_84, %parallel_loop3A_231 : vector<16xi32>
            tpu.vector_store_idx %arg8[%shift_right_arithmetic3A_25, %parallel_loop3A_232], %parallel_loop3A_230 : memref<64x133xf32, #tpu.memory_space<vmem>>[vector<16xi32>, vector<16xi32>], vector<16xf32>,
            %parallel_loop3A_233 = arith.index_cast %parallel_loop3A_212 : i32 to index
            %parallel_loop3A_234 = arith.constant 64 : index
            %parallel_loop3A_235 = tpu.vector_load %arg6[%parallel_loop3A_233, %parallel_loop3A_234] {strides = array<i32>} : memref<64x128xf32, #tpu.memory_space<vmem>>, vector<16xf32>,
            %parallel_loop3A_236 = vector.broadcast %parallel_loop3A_212 : i32 to vector<16xi32>
            %parallel_loop3A_237 = arith.addi %mul3A_93, %parallel_loop3A_236 : vector<16xi32>
            tpu.vector_store_idx %arg8[%shift_right_arithmetic3A_31, %parallel_loop3A_237], %parallel_loop3A_235 : memref<64x133xf32, #tpu.memory_space<vmem>>[vector<16xi32>, vector<16xi32>], vector<16xf32>,
            %parallel_loop3A_238 = arith.index_cast %parallel_loop3A_212 : i32 to index
            %parallel_loop3A_239 = arith.constant 80 : index
            %parallel_loop3A_240 = tpu.vector_load %arg6[%parallel_loop3A_238, %parallel_loop3A_239] {strides = array<i32>} : memref<64x128xf32, #tpu.memory_space<vmem>>, vector<16xf32>,
            %parallel_loop3A_241 = vector.broadcast %parallel_loop3A_212 : i32 to vector<16xi32>
            %parallel_loop3A_242 = arith.addi %mul3A_102, %parallel_loop3A_241 : vector<16xi32>
            tpu.vector_store_idx %arg8[%shift_right_arithmetic3A_37, %parallel_loop3A_242], %parallel_loop3A_240 : memref<64x133xf32, #tpu.memory_space<vmem>>[vector<16xi32>, vector<16xi32>], vector<16xf32>,
            %parallel_loop3A_243 = arith.index_cast %parallel_loop3A_212 : i32 to index
            %parallel_loop3A_244 = arith.constant 96 : index
            %parallel_loop3A_245 = tpu.vector_load %arg6[%parallel_loop3A_243, %parallel_loop3A_244] {strides = array<i32>} : memref<64x128xf32, #tpu.memory_space<vmem>>, vector<16xf32>,
            %parallel_loop3A_246 = vector.broadcast %parallel_loop3A_212 : i32 to vector<16xi32>
            %parallel_loop3A_247 = arith.addi %mul3A_111, %parallel_loop3A_246 : vector<16xi32>
            tpu.vector_store_idx %arg8[%shift_right_arithmetic3A_43, %parallel_loop3A_247], %parallel_loop3A_245 : memref<64x133xf32, #tpu.memory_space<vmem>>[vector<16xi32>, vector<16xi32>], vector<16xf32>,
            %parallel_loop3A_248 = arith.index_cast %parallel_loop3A_212 : i32 to index
            %parallel_loop3A_249 = arith.constant 112 : index
            %parallel_loop3A_250 = tpu.vector_load %arg6[%parallel_loop3A_248, %parallel_loop3A_249] {strides = array<i32>} : memref<64x128xf32, #tpu.memory_space<vmem>>, vector<16xf32>,
            %parallel_loop3A_251 = vector.broadcast %parallel_loop3A_212 : i32 to vector<16xi32>
            %parallel_loop3A_252 = arith.addi %mul3A_120, %parallel_loop3A_251 : vector<16xi32>
            tpu.vector_store_idx %arg8[%shift_right_arithmetic3A_49, %parallel_loop3A_252], %parallel_loop3A_250 : memref<64x133xf32, #tpu.memory_space<vmem>>[vector<16xi32>, vector<16xi32>], vector<16xf32>,
          } {sc.loop_unroll_factor = 4 : i64, sc.parallel_access}
          %mul3A_194 = arith.constant 64 : i32
          %mul3A_195 = arith.muli %add3A_180, %mul3A_194 : i32
          %dma_start3A_196 = arith.constant 0 : i32
          %dma_start3A_197 = arith.constant 0 : i32
          %dma_start3A_198 = tpu.memref_slice %arg8[%dma_start3A_196, %dma_start3A_197] : memref<64x133xf32, #tpu.memory_space<vmem>> -> memref<64x128xf32, #tpu.memory_space<vmem>>
          %dma_start3A_199 = arith.constant 0 : i32
          %dma_start3A_200 = tpu.memref_slice %arg4[%mul3A_195, %dma_start3A_199] : memref<500000x128xf32, #tpu.memory_space<hbm>> -> memref<64x128xf32, #tpu.memory_space<hbm>>
          %dma_start3A_201 = arith.constant 0 : i32
          %dma_start3A_202 = tpu.memref_slice %arg4[%mul3A_195, %dma_start3A_201] : memref<500000x128xf32, #tpu.memory_space<hbm>> -> memref<64x128xf32, #tpu.memory_space<hbm>>
          %dma_start3A_203 = arith.constant 0 : i32
          %dma_start3A_204 = arith.constant 0 : i32
          %dma_start3A_205 = tpu.memref_slice %arg8[%dma_start3A_203, %dma_start3A_204] : memref<64x133xf32, #tpu.memory_space<vmem>> -> memref<64x128xf32, #tpu.memory_space<vmem>>
          tpu.enqueue_dma source(%dma_start3A_205 : memref<64x128xf32, #tpu.memory_space<vmem>>) target(%dma_start3A_202 : memref<64x128xf32, #tpu.memory_space<hbm>>) target_semaphore(%arg12 : memref<!tpu.dma_semaphore, #tpu.memory_space<semaphore_mem>>)
          %add3A_206 = arith.constant 2 : i32
          %add3A_207 = arith.addi %add3A_180, %add3A_206 : i32
          %lt3A_208 = arith.cmpi slt, %add3A_207, %add3A_124 : i32
          %convert_element_type3A_209 = arith.extui %lt3A_208 : i1 to i32
          %cond3A_210 = arith.constant 0 : i32
          %cond3A_211 = arith.cmpi ne, %convert_element_type3A_209, %cond3A_210 : i32
          scf.if %cond3A_211 {
            %add3A_212 = arith.constant 2 : i32
            %add3A_213 = arith.addi %add3A_180, %add3A_212 : i32
            %mul3A_214 = arith.constant 128 : i32
            %mul3A_215 = arith.muli %add3A_213, %mul3A_214 : i32
            %dma_start3A_216 = arith.constant 0 : i32
            %dma_start3A_217 = tpu.memref_slice %arg2[%dma_start3A_216, %mul3A_215] : memref<64x1000000xf32, #tpu.memory_space<hbm>> -> memref<64x128xf32, #tpu.memory_space<hbm>>
            %dma_start3A_218 = arith.constant 0 : i32
            %dma_start3A_219 = tpu.memref_slice %arg2[%dma_start3A_218, %mul3A_215] : memref<64x1000000xf32, #tpu.memory_space<hbm>> -> memref<64x128xf32, #tpu.memory_space<hbm>>
            tpu.enqueue_dma source(%dma_start3A_219 : memref<64x128xf32, #tpu.memory_space<hbm>>) target(%arg6 : memref<64x128xf32, #tpu.memory_space<vmem>>) target_semaphore(%arg10 : memref<!tpu.dma_semaphore, #tpu.memory_space<semaphore_mem>>)
          } else {
          }
        } else {
        }
      }
      %scan3A_149 = arith.constant 123 : i32
      %dma_wait3A = arith.constant 0 : i32
      %dma_wait3A_150 = arith.constant 0 : i32
      %dma_wait3A_151 = tpu.memref_slice %arg7[%dma_wait3A, %dma_wait3A_150] : memref<64x133xf32, #tpu.memory_space<vmem>> -> memref<64x128xf32, #tpu.memory_space<vmem>>
      %dma_wait3A_152 = arith.constant 0 : i32
      %dma_wait3A_153 = arith.constant 0 : i32
      %dma_wait3A_154 = tpu.memref_slice %arg4[%dma_wait3A_152, %dma_wait3A_153] : memref<500000x128xf32, #tpu.memory_space<hbm>> -> memref<64x128xf32, #tpu.memory_space<hbm>>
      %dma_wait3A_155 = arith.constant 0 : i32
      %dma_wait3A_156 = arith.constant 0 : i32
      %dma_wait3A_157 = tpu.memref_slice %arg4[%dma_wait3A_155, %dma_wait3A_156] : memref<500000x128xf32, #tpu.memory_space<hbm>> -> memref<64x128xf32, #tpu.memory_space<hbm>>
      %dma_wait3A_158 = arith.constant 0 : i32
      %dma_wait3A_159 = arith.constant 0 : i32
      %dma_wait3A_160 = tpu.memref_slice %arg7[%dma_wait3A_158, %dma_wait3A_159] : memref<64x133xf32, #tpu.memory_space<vmem>> -> memref<64x128xf32, #tpu.memory_space<vmem>>
      tpu.wait_dma2 semaphore(%arg11 : memref<!tpu.dma_semaphore, #tpu.memory_space<semaphore_mem>>) src(%dma_wait3A_160 : memref<64x128xf32, #tpu.memory_space<vmem>>) dst(%dma_wait3A_157 : memref<64x128xf32, #tpu.memory_space<hbm>>)
      %gt3A_161 = arith.constant 1 : i32
      %gt3A_162 = arith.cmpi sgt, %min3A_123, %gt3A_161 : i32
      %convert_element_type3A_163 = arith.extui %gt3A_162 : i1 to i32
      %cond3A_164 = arith.constant 0 : i32
      %cond3A_165 = arith.cmpi ne, %convert_element_type3A_163, %cond3A_164 : i32
      scf.if %cond3A_165 {
        %dma_wait3A_166 = arith.constant 0 : i32
        %dma_wait3A_167 = arith.constant 0 : i32
        %dma_wait3A_168 = tpu.memref_slice %arg8[%dma_wait3A_166, %dma_wait3A_167] : memref<64x133xf32, #tpu.memory_space<vmem>> -> memref<64x128xf32, #tpu.memory_space<vmem>>
        %dma_wait3A_169 = arith.constant 0 : i32
        %dma_wait3A_170 = arith.constant 0 : i32
        %dma_wait3A_171 = tpu.memref_slice %arg4[%dma_wait3A_169, %dma_wait3A_170] : memref<500000x128xf32, #tpu.memory_space<hbm>> -> memref<64x128xf32, #tpu.memory_space<hbm>>
        %dma_wait3A_172 = arith.constant 0 : i32
        %dma_wait3A_173 = arith.constant 0 : i32
        %dma_wait3A_174 = tpu.memref_slice %arg4[%dma_wait3A_172, %dma_wait3A_173] : memref<500000x128xf32, #tpu.memory_space<hbm>> -> memref<64x128xf32, #tpu.memory_space<hbm>>
        %dma_wait3A_175 = arith.constant 0 : i32
        %dma_wait3A_176 = arith.constant 0 : i32
        %dma_wait3A_177 = tpu.memref_slice %arg8[%dma_wait3A_175, %dma_wait3A_176] : memref<64x133xf32, #tpu.memory_space<vmem>> -> memref<64x128xf32, #tpu.memory_space<vmem>>
        tpu.wait_dma2 semaphore(%arg12 : memref<!tpu.dma_semaphore, #tpu.memory_space<semaphore_mem>>) src(%dma_wait3A_177 : memref<64x128xf32, #tpu.memory_space<vmem>>) dst(%dma_wait3A_174 : memref<64x128xf32, #tpu.memory_space<hbm>>)
      } else {
      }
    } else {
    }
    %le3A = arith.constant 7812 : i32
    %le3A_127 = arith.cmpi sle, %mul3A_2, %le3A : i32
    %add3A_128 = arith.constant 245 : i32
    %add3A_129 = arith.addi %mul3A_2, %add3A_128 : i32
    %gt3A_130 = arith.constant 7812 : i32
    %gt3A_131 = arith.cmpi sgt, %add3A_129, %gt3A_130 : i32
    %and3A_132 = arith.andi %le3A_127, %gt3A_131 : i1
    %convert_element_type3A_133 = arith.extui %and3A_132 : i1 to i32
    %cond3A_134 = arith.constant 0 : i32
    %cond3A_135 = arith.cmpi ne, %convert_element_type3A_133, %cond3A_134 : i32
    scf.if %cond3A_135 {
      "tpu.region"() ({
        %run_scoped3A = tpu.sem_alloc : memref<!tpu.dma_semaphore, #tpu.memory_space<semaphore_mem>>
        %dma_start3A = arith.constant 0 : i32
        %dma_start3A_136 = arith.constant 0 : i32
        %dma_start3A_137 = tpu.memref_slice %arg5[%dma_start3A, %dma_start3A_136] : memref<64x128xf32, #tpu.memory_space<vmem>> -> memref<32x128xf32, #tpu.memory_space<vmem>>
        %dma_start3A_138 = arith.constant 0 : i32
        %dma_start3A_139 = arith.constant 0 : i32
        %dma_start3A_140 = tpu.memref_slice %arg5[%dma_start3A_138, %dma_start3A_139] : memref<64x128xf32, #tpu.memory_space<vmem>> -> memref<32x128xf32, #tpu.memory_space<vmem>>
        tpu.enqueue_dma source(%arg3 : memref<32x128xf32, #tpu.memory_space<hbm>>) target(%dma_start3A_140 : memref<32x128xf32, #tpu.memory_space<vmem>>) target_semaphore(%run_scoped3A : memref<!tpu.dma_semaphore, #tpu.memory_space<semaphore_mem>>)
        %dma_wait3A = arith.constant 0 : i32
        %dma_wait3A_141 = arith.constant 0 : i32
        %dma_wait3A_142 = tpu.memref_slice %arg5[%dma_wait3A, %dma_wait3A_141] : memref<64x128xf32, #tpu.memory_space<vmem>> -> memref<32x128xf32, #tpu.memory_space<vmem>>
        %dma_wait3A_143 = arith.constant 0 : i32
        %dma_wait3A_144 = arith.constant 0 : i32
        %dma_wait3A_145 = tpu.memref_slice %arg5[%dma_wait3A_143, %dma_wait3A_144] : memref<64x128xf32, #tpu.memory_space<vmem>> -> memref<32x128xf32, #tpu.memory_space<vmem>>
        tpu.wait_dma2 semaphore(%run_scoped3A : memref<!tpu.dma_semaphore, #tpu.memory_space<semaphore_mem>>) src(%arg3 : memref<32x128xf32, #tpu.memory_space<hbm>>) dst(%dma_wait3A_145 : memref<32x128xf32, #tpu.memory_space<vmem>>)
        tpu.yield
      }) : () -> ()
      "tpu.region"() ({
        %run_scoped3A = tpu.sem_alloc : memref<!tpu.dma_semaphore, #tpu.memory_space<semaphore_mem>>
        %dma_start3A = arith.constant 0 : i32
        %dma_start3A_136 = arith.constant 0 : i32
        %dma_start3A_137 = tpu.memref_slice %arg5[%dma_start3A, %dma_start3A_136] : memref<64x128xf32, #tpu.memory_space<vmem>> -> memref<32x128xf32, #tpu.memory_space<vmem>>
        %dma_start3A_138 = arith.constant 499968 : i32
        %dma_start3A_139 = arith.constant 0 : i32
        %dma_start3A_140 = tpu.memref_slice %arg4[%dma_start3A_138, %dma_start3A_139] : memref<500000x128xf32, #tpu.memory_space<hbm>> -> memref<32x128xf32, #tpu.memory_space<hbm>>
        %dma_start3A_141 = arith.constant 499968 : i32
        %dma_start3A_142 = arith.constant 0 : i32
        %dma_start3A_143 = tpu.memref_slice %arg4[%dma_start3A_141, %dma_start3A_142] : memref<500000x128xf32, #tpu.memory_space<hbm>> -> memref<32x128xf32, #tpu.memory_space<hbm>>
        %dma_start3A_144 = arith.constant 0 : i32
        %dma_start3A_145 = arith.constant 0 : i32
        %dma_start3A_146 = tpu.memref_slice %arg5[%dma_start3A_144, %dma_start3A_145] : memref<64x128xf32, #tpu.memory_space<vmem>> -> memref<32x128xf32, #tpu.memory_space<vmem>>
        tpu.enqueue_dma source(%dma_start3A_146 : memref<32x128xf32, #tpu.memory_space<vmem>>) target(%dma_start3A_143 : memref<32x128xf32, #tpu.memory_space<hbm>>) target_semaphore(%run_scoped3A : memref<!tpu.dma_semaphore, #tpu.memory_space<semaphore_mem>>)
        %dma_wait3A = arith.constant 0 : i32
        %dma_wait3A_147 = arith.constant 0 : i32
        %dma_wait3A_148 = tpu.memref_slice %arg5[%dma_wait3A, %dma_wait3A_147] : memref<64x128xf32, #tpu.memory_space<vmem>> -> memref<32x128xf32, #tpu.memory_space<vmem>>
        %dma_wait3A_149 = arith.constant 499968 : i32
        %dma_wait3A_150 = arith.constant 0 : i32
        %dma_wait3A_151 = tpu.memref_slice %arg4[%dma_wait3A_149, %dma_wait3A_150] : memref<500000x128xf32, #tpu.memory_space<hbm>> -> memref<32x128xf32, #tpu.memory_space<hbm>>
        %dma_wait3A_152 = arith.constant 499968 : i32
        %dma_wait3A_153 = arith.constant 0 : i32
        %dma_wait3A_154 = tpu.memref_slice %arg4[%dma_wait3A_152, %dma_wait3A_153] : memref<500000x128xf32, #tpu.memory_space<hbm>> -> memref<32x128xf32, #tpu.memory_space<hbm>>
        %dma_wait3A_155 = arith.constant 0 : i32
        %dma_wait3A_156 = arith.constant 0 : i32
        %dma_wait3A_157 = tpu.memref_slice %arg5[%dma_wait3A_155, %dma_wait3A_156] : memref<64x128xf32, #tpu.memory_space<vmem>> -> memref<32x128xf32, #tpu.memory_space<vmem>>
        tpu.wait_dma2 semaphore(%run_scoped3A : memref<!tpu.dma_semaphore, #tpu.memory_space<semaphore_mem>>) src(%dma_wait3A_157 : memref<32x128xf32, #tpu.memory_space<vmem>>) dst(%dma_wait3A_154 : memref<32x128xf32, #tpu.memory_space<hbm>>)
        tpu.yield
      }) : () -> ()
    } else {
    }
    return
  }
}

#map = affine_map<(d0, d1) -> (0, 0)>
#map1 = affine_map<(d0, d1) -> (0, 0, 0, 0, 0)>
module attributes {stable_mosaic.version = 14 : i64} {
  func.func @_gather_kernel(%arg0: i32, %arg1: i32, %arg2: memref<6400x128xi32, #tpu.memory_space<hbm>>, %arg3: memref<1000000x64xf32, #tpu.memory_space<hbm>>, %arg4: memref<50x8x128x8x128xf32, #tpu.memory_space<hbm>>, %arg5: memref<200x128xi32, #tpu.memory_space<vmem>>, %arg6: memref<640x64xf32, #tpu.memory_space<vmem>>, %arg7: memref<640x64xf32, #tpu.memory_space<vmem>>, %arg8: memref<8x8x133xf32, #tpu.memory_space<vmem>>, %arg9: memref<8x8x133xf32, #tpu.memory_space<vmem>>, %arg10: memref<!tpu.dma_semaphore, #tpu.memory_space<semaphore_mem>>, %arg11: memref<!tpu.dma_semaphore, #tpu.memory_space<semaphore_mem>>, %arg12: memref<!tpu.dma_semaphore, #tpu.memory_space<semaphore_mem>>, %arg13: memref<!tpu.dma_semaphore, #tpu.memory_space<semaphore_mem>>) attributes {dimension_semantics = [#tpu.dimension_semantics<core_parallel>, #tpu.dimension_semantics<subcore_parallel>], iteration_bounds = array<i64: 2, 16>, scalar_prefetch = 0 : i64, scratch_operands = 9 : i64, tpu.core_type = #tpu.core_type<sc_vector_subcore>, window_params = [{transform_indices = #map}, {transform_indices = #map}, {transform_indices = #map1}]} {
    %mul3A = arith.constant 2 : i32
    %mul3A_0 = arith.muli %arg1, %mul3A : i32
    %add3A = arith.addi %mul3A_0, %arg0 : i32
    %mul3A_1 = arith.constant 200 : i32
    %mul3A_2 = arith.muli %add3A, %mul3A_1 : i32
    "tpu.region"() ({
      %run_scoped3A = tpu.sem_alloc : memref<!tpu.dma_semaphore, #tpu.memory_space<semaphore_mem>>
      %dma_start3A_142 = arith.constant 0 : i32
      %dma_start3A_143 = tpu.memref_slice %arg2[%mul3A_2, %dma_start3A_142] : memref<6400x128xi32, #tpu.memory_space<hbm>> -> memref<200x128xi32, #tpu.memory_space<hbm>>
      %dma_start3A_144 = arith.constant 0 : i32
      %dma_start3A_145 = tpu.memref_slice %arg2[%mul3A_2, %dma_start3A_144] : memref<6400x128xi32, #tpu.memory_space<hbm>> -> memref<200x128xi32, #tpu.memory_space<hbm>>
      tpu.enqueue_dma source(%dma_start3A_145 : memref<200x128xi32, #tpu.memory_space<hbm>>) target(%arg5 : memref<200x128xi32, #tpu.memory_space<vmem>>) target_semaphore(%run_scoped3A : memref<!tpu.dma_semaphore, #tpu.memory_space<semaphore_mem>>)
      %dma_wait3A_146 = arith.constant 0 : i32
      %dma_wait3A_147 = tpu.memref_slice %arg2[%mul3A_2, %dma_wait3A_146] : memref<6400x128xi32, #tpu.memory_space<hbm>> -> memref<200x128xi32, #tpu.memory_space<hbm>>
      %dma_wait3A_148 = arith.constant 0 : i32
      %dma_wait3A_149 = tpu.memref_slice %arg2[%mul3A_2, %dma_wait3A_148] : memref<6400x128xi32, #tpu.memory_space<hbm>> -> memref<200x128xi32, #tpu.memory_space<hbm>>
      tpu.wait_dma2 semaphore(%run_scoped3A : memref<!tpu.dma_semaphore, #tpu.memory_space<semaphore_mem>>) src(%dma_wait3A_149 : memref<200x128xi32, #tpu.memory_space<hbm>>) dst(%arg5 : memref<200x128xi32, #tpu.memory_space<vmem>>)
      tpu.yield
    }) : () -> ()
    %iota3A = tpu.iota {dimensions = array<i32: 0>} : vector<16xi32>
    %add3A_3 = arith.constant 0 : i32
    %add3A_4 = vector.broadcast %add3A_3 : i32 to vector<16xi32>
    %add3A_5 = arith.addi %add3A_4, %iota3A : vector<16xi32>
    %shift_right_arithmetic3A = arith.constant 3 : i32
    %shift_right_arithmetic3A_6 = vector.broadcast %shift_right_arithmetic3A : i32 to vector<16xi32>
    %shift_right_arithmetic3A_7 = arith.shrsi %add3A_5, %shift_right_arithmetic3A_6 : vector<16xi32>
    %add3A_8 = arith.constant 16 : i32
    %add3A_9 = vector.broadcast %add3A_8 : i32 to vector<16xi32>
    %add3A_10 = arith.addi %add3A_9, %iota3A : vector<16xi32>
    %shift_right_arithmetic3A_11 = arith.constant 3 : i32
    %shift_right_arithmetic3A_12 = vector.broadcast %shift_right_arithmetic3A_11 : i32 to vector<16xi32>
    %shift_right_arithmetic3A_13 = arith.shrsi %add3A_10, %shift_right_arithmetic3A_12 : vector<16xi32>
    %add3A_14 = arith.constant 32 : i32
    %add3A_15 = vector.broadcast %add3A_14 : i32 to vector<16xi32>
    %add3A_16 = arith.addi %add3A_15, %iota3A : vector<16xi32>
    %shift_right_arithmetic3A_17 = arith.constant 3 : i32
    %shift_right_arithmetic3A_18 = vector.broadcast %shift_right_arithmetic3A_17 : i32 to vector<16xi32>
    %shift_right_arithmetic3A_19 = arith.shrsi %add3A_16, %shift_right_arithmetic3A_18 : vector<16xi32>
    %add3A_20 = arith.constant 48 : i32
    %add3A_21 = vector.broadcast %add3A_20 : i32 to vector<16xi32>
    %add3A_22 = arith.addi %add3A_21, %iota3A : vector<16xi32>
    %shift_right_arithmetic3A_23 = arith.constant 3 : i32
    %shift_right_arithmetic3A_24 = vector.broadcast %shift_right_arithmetic3A_23 : i32 to vector<16xi32>
    %shift_right_arithmetic3A_25 = arith.shrsi %add3A_22, %shift_right_arithmetic3A_24 : vector<16xi32>
    %add3A_26 = arith.constant 0 : i32
    %add3A_27 = vector.broadcast %add3A_26 : i32 to vector<16xi32>
    %add3A_28 = arith.addi %add3A_27, %iota3A : vector<16xi32>
    %and3A = arith.constant 7 : i32
    %and3A_29 = vector.broadcast %and3A : i32 to vector<16xi32>
    %and3A_30 = arith.andi %add3A_28, %and3A_29 : vector<16xi32>
    %add3A_31 = arith.constant 16 : i32
    %add3A_32 = vector.broadcast %add3A_31 : i32 to vector<16xi32>
    %add3A_33 = arith.addi %add3A_32, %iota3A : vector<16xi32>
    %and3A_34 = arith.constant 7 : i32
    %and3A_35 = vector.broadcast %and3A_34 : i32 to vector<16xi32>
    %and3A_36 = arith.andi %add3A_33, %and3A_35 : vector<16xi32>
    %add3A_37 = arith.constant 32 : i32
    %add3A_38 = vector.broadcast %add3A_37 : i32 to vector<16xi32>
    %add3A_39 = arith.addi %add3A_38, %iota3A : vector<16xi32>
    %and3A_40 = arith.constant 7 : i32
    %and3A_41 = vector.broadcast %and3A_40 : i32 to vector<16xi32>
    %and3A_42 = arith.andi %add3A_39, %and3A_41 : vector<16xi32>
    %add3A_43 = arith.constant 48 : i32
    %add3A_44 = vector.broadcast %add3A_43 : i32 to vector<16xi32>
    %add3A_45 = arith.addi %add3A_44, %iota3A : vector<16xi32>
    %and3A_46 = arith.constant 7 : i32
    %and3A_47 = vector.broadcast %and3A_46 : i32 to vector<16xi32>
    %and3A_48 = arith.andi %add3A_45, %and3A_47 : vector<16xi32>
    %broadcast_in_dim3A = arith.constant 0 : i32
    %broadcast_in_dim3A_49 = vector.broadcast %broadcast_in_dim3A : i32 to vector<16xi32>
    %dma_start3A = arith.constant 0 : i32
    %dma_start3A_50 = arith.constant 0 : i32
    %dma_start3A_51 = arith.constant 0 : i32
    %dma_start3A_52 = tpu.memref_slice %arg6[%dma_start3A_50, %dma_start3A_51] : memref<640x64xf32, #tpu.memory_space<vmem>> -> memref<128x64xf32, #tpu.memory_space<vmem>>
    %dma_start3A_53 = arith.constant 0 : i32
    %dma_start3A_54 = tpu.memref_slice %arg5[%dma_start3A, %dma_start3A_53] : memref<200x128xi32, #tpu.memory_space<vmem>> -> memref<1x128xi32, #tpu.memory_space<vmem>>
    %dma_start3A_55 = tpu.memref_squeeze %dma_start3A_54 : memref<1x128xi32, #tpu.memory_space<vmem>> -> memref<128xi32, #tpu.memory_space<vmem>>
    %dma_start3A_56 = arith.constant 0 : i32
    %dma_start3A_57 = arith.constant 0 : i32
    %dma_start3A_58 = tpu.memref_slice %arg3[%dma_start3A_56, %dma_start3A_57] : memref<1000000x64xf32, #tpu.memory_space<hbm>> -> memref<1000000x64xf32, #tpu.memory_space<hbm>>
    tpu.enqueue_indirect_dma source(%dma_start3A_58 : memref<1000000x64xf32, #tpu.memory_space<hbm>>) target(%dma_start3A_52 : memref<128x64xf32, #tpu.memory_space<vmem>>) offsets(%dma_start3A_55 : memref<128xi32, #tpu.memory_space<vmem>>) semaphore(%arg10 : memref<!tpu.dma_semaphore, #tpu.memory_space<semaphore_mem>>)
    %dma_start3A_59 = arith.constant 1 : i32
    %dma_start3A_60 = arith.constant 128 : i32
    %dma_start3A_61 = arith.constant 0 : i32
    %dma_start3A_62 = tpu.memref_slice %arg6[%dma_start3A_60, %dma_start3A_61] : memref<640x64xf32, #tpu.memory_space<vmem>> -> memref<128x64xf32, #tpu.memory_space<vmem>>
    %dma_start3A_63 = arith.constant 0 : i32
    %dma_start3A_64 = tpu.memref_slice %arg5[%dma_start3A_59, %dma_start3A_63] : memref<200x128xi32, #tpu.memory_space<vmem>> -> memref<1x128xi32, #tpu.memory_space<vmem>>
    %dma_start3A_65 = tpu.memref_squeeze %dma_start3A_64 : memref<1x128xi32, #tpu.memory_space<vmem>> -> memref<128xi32, #tpu.memory_space<vmem>>
    %dma_start3A_66 = arith.constant 0 : i32
    %dma_start3A_67 = arith.constant 0 : i32
    %dma_start3A_68 = tpu.memref_slice %arg3[%dma_start3A_66, %dma_start3A_67] : memref<1000000x64xf32, #tpu.memory_space<hbm>> -> memref<1000000x64xf32, #tpu.memory_space<hbm>>
    tpu.enqueue_indirect_dma source(%dma_start3A_68 : memref<1000000x64xf32, #tpu.memory_space<hbm>>) target(%dma_start3A_62 : memref<128x64xf32, #tpu.memory_space<vmem>>) offsets(%dma_start3A_65 : memref<128xi32, #tpu.memory_space<vmem>>) semaphore(%arg10 : memref<!tpu.dma_semaphore, #tpu.memory_space<semaphore_mem>>)
    %dma_start3A_69 = arith.constant 2 : i32
    %dma_start3A_70 = arith.constant 256 : i32
    %dma_start3A_71 = arith.constant 0 : i32
    %dma_start3A_72 = tpu.memref_slice %arg6[%dma_start3A_70, %dma_start3A_71] : memref<640x64xf32, #tpu.memory_space<vmem>> -> memref<128x64xf32, #tpu.memory_space<vmem>>
    %dma_start3A_73 = arith.constant 0 : i32
    %dma_start3A_74 = tpu.memref_slice %arg5[%dma_start3A_69, %dma_start3A_73] : memref<200x128xi32, #tpu.memory_space<vmem>> -> memref<1x128xi32, #tpu.memory_space<vmem>>
    %dma_start3A_75 = tpu.memref_squeeze %dma_start3A_74 : memref<1x128xi32, #tpu.memory_space<vmem>> -> memref<128xi32, #tpu.memory_space<vmem>>
    %dma_start3A_76 = arith.constant 0 : i32
    %dma_start3A_77 = arith.constant 0 : i32
    %dma_start3A_78 = tpu.memref_slice %arg3[%dma_start3A_76, %dma_start3A_77] : memref<1000000x64xf32, #tpu.memory_space<hbm>> -> memref<1000000x64xf32, #tpu.memory_space<hbm>>
    tpu.enqueue_indirect_dma source(%dma_start3A_78 : memref<1000000x64xf32, #tpu.memory_space<hbm>>) target(%dma_start3A_72 : memref<128x64xf32, #tpu.memory_space<vmem>>) offsets(%dma_start3A_75 : memref<128xi32, #tpu.memory_space<vmem>>) semaphore(%arg10 : memref<!tpu.dma_semaphore, #tpu.memory_space<semaphore_mem>>)
    %dma_start3A_79 = arith.constant 3 : i32
    %dma_start3A_80 = arith.constant 384 : i32
    %dma_start3A_81 = arith.constant 0 : i32
    %dma_start3A_82 = tpu.memref_slice %arg6[%dma_start3A_80, %dma_start3A_81] : memref<640x64xf32, #tpu.memory_space<vmem>> -> memref<128x64xf32, #tpu.memory_space<vmem>>
    %dma_start3A_83 = arith.constant 0 : i32
    %dma_start3A_84 = tpu.memref_slice %arg5[%dma_start3A_79, %dma_start3A_83] : memref<200x128xi32, #tpu.memory_space<vmem>> -> memref<1x128xi32, #tpu.memory_space<vmem>>
    %dma_start3A_85 = tpu.memref_squeeze %dma_start3A_84 : memref<1x128xi32, #tpu.memory_space<vmem>> -> memref<128xi32, #tpu.memory_space<vmem>>
    %dma_start3A_86 = arith.constant 0 : i32
    %dma_start3A_87 = arith.constant 0 : i32
    %dma_start3A_88 = tpu.memref_slice %arg3[%dma_start3A_86, %dma_start3A_87] : memref<1000000x64xf32, #tpu.memory_space<hbm>> -> memref<1000000x64xf32, #tpu.memory_space<hbm>>
    tpu.enqueue_indirect_dma source(%dma_start3A_88 : memref<1000000x64xf32, #tpu.memory_space<hbm>>) target(%dma_start3A_82 : memref<128x64xf32, #tpu.memory_space<vmem>>) offsets(%dma_start3A_85 : memref<128xi32, #tpu.memory_space<vmem>>) semaphore(%arg10 : memref<!tpu.dma_semaphore, #tpu.memory_space<semaphore_mem>>)
    %dma_start3A_89 = arith.constant 4 : i32
    %dma_start3A_90 = arith.constant 512 : i32
    %dma_start3A_91 = arith.constant 0 : i32
    %dma_start3A_92 = tpu.memref_slice %arg6[%dma_start3A_90, %dma_start3A_91] : memref<640x64xf32, #tpu.memory_space<vmem>> -> memref<128x64xf32, #tpu.memory_space<vmem>>
    %dma_start3A_93 = arith.constant 0 : i32
    %dma_start3A_94 = tpu.memref_slice %arg5[%dma_start3A_89, %dma_start3A_93] : memref<200x128xi32, #tpu.memory_space<vmem>> -> memref<1x128xi32, #tpu.memory_space<vmem>>
    %dma_start3A_95 = tpu.memref_squeeze %dma_start3A_94 : memref<1x128xi32, #tpu.memory_space<vmem>> -> memref<128xi32, #tpu.memory_space<vmem>>
    %dma_start3A_96 = arith.constant 0 : i32
    %dma_start3A_97 = arith.constant 0 : i32
    %dma_start3A_98 = tpu.memref_slice %arg3[%dma_start3A_96, %dma_start3A_97] : memref<1000000x64xf32, #tpu.memory_space<hbm>> -> memref<1000000x64xf32, #tpu.memory_space<hbm>>
    tpu.enqueue_indirect_dma source(%dma_start3A_98 : memref<1000000x64xf32, #tpu.memory_space<hbm>>) target(%dma_start3A_92 : memref<128x64xf32, #tpu.memory_space<vmem>>) offsets(%dma_start3A_95 : memref<128xi32, #tpu.memory_space<vmem>>) semaphore(%arg10 : memref<!tpu.dma_semaphore, #tpu.memory_space<semaphore_mem>>)
    %scan3A = arith.constant 0 : i32
    %scan3A_99 = arith.constant 20 : i32
    %scan3A_100 = arith.addi %scan3A, %scan3A_99 : i32
    %scan3A_101 = arith.constant 1 : i32
    scf.for %scan3A_142 = %scan3A to %scan3A_100 step %scan3A_101  : i32 {
      %mul3A_143 = arith.constant 2 : i32
      %mul3A_144 = arith.muli %mul3A_143, %scan3A_142 : i32
      %add3A_145 = arith.constant 1 : i32
      %add3A_146 = arith.addi %mul3A_144, %add3A_145 : i32
      %mul3A_147 = arith.constant 5 : i32
      %mul3A_148 = arith.muli %add3A_146, %mul3A_147 : i32
      %add3A_149 = arith.constant 0 : i32
      %add3A_150 = arith.addi %mul3A_148, %add3A_149 : i32
      %mul3A_151 = arith.constant 5 : i32
      %mul3A_152 = arith.muli %add3A_146, %mul3A_151 : i32
      %add3A_153 = arith.constant 1 : i32
      %add3A_154 = arith.addi %mul3A_152, %add3A_153 : i32
      %mul3A_155 = arith.constant 5 : i32
      %mul3A_156 = arith.muli %add3A_146, %mul3A_155 : i32
      %add3A_157 = arith.constant 2 : i32
      %add3A_158 = arith.addi %mul3A_156, %add3A_157 : i32
      %mul3A_159 = arith.constant 5 : i32
      %mul3A_160 = arith.muli %add3A_146, %mul3A_159 : i32
      %add3A_161 = arith.constant 3 : i32
      %add3A_162 = arith.addi %mul3A_160, %add3A_161 : i32
      %mul3A_163 = arith.constant 5 : i32
      %mul3A_164 = arith.muli %add3A_146, %mul3A_163 : i32
      %add3A_165 = arith.constant 4 : i32
      %add3A_166 = arith.addi %mul3A_164, %add3A_165 : i32
      %dma_start3A_167 = arith.constant 0 : i32
      %dma_start3A_168 = arith.constant 0 : i32
      %dma_start3A_169 = tpu.memref_slice %arg7[%dma_start3A_167, %dma_start3A_168] : memref<640x64xf32, #tpu.memory_space<vmem>> -> memref<128x64xf32, #tpu.memory_space<vmem>>
      %dma_start3A_170 = arith.constant 0 : i32
      %dma_start3A_171 = tpu.memref_slice %arg5[%add3A_150, %dma_start3A_170] : memref<200x128xi32, #tpu.memory_space<vmem>> -> memref<1x128xi32, #tpu.memory_space<vmem>>
      %dma_start3A_172 = tpu.memref_squeeze %dma_start3A_171 : memref<1x128xi32, #tpu.memory_space<vmem>> -> memref<128xi32, #tpu.memory_space<vmem>>
      %dma_start3A_173 = arith.constant 0 : i32
      %dma_start3A_174 = arith.constant 0 : i32
      %dma_start3A_175 = tpu.memref_slice %arg3[%dma_start3A_173, %dma_start3A_174] : memref<1000000x64xf32, #tpu.memory_space<hbm>> -> memref<1000000x64xf32, #tpu.memory_space<hbm>>
      tpu.enqueue_indirect_dma source(%dma_start3A_175 : memref<1000000x64xf32, #tpu.memory_space<hbm>>) target(%dma_start3A_169 : memref<128x64xf32, #tpu.memory_space<vmem>>) offsets(%dma_start3A_172 : memref<128xi32, #tpu.memory_space<vmem>>) semaphore(%arg11 : memref<!tpu.dma_semaphore, #tpu.memory_space<semaphore_mem>>)
      %dma_start3A_176 = arith.constant 128 : i32
      %dma_start3A_177 = arith.constant 0 : i32
      %dma_start3A_178 = tpu.memref_slice %arg7[%dma_start3A_176, %dma_start3A_177] : memref<640x64xf32, #tpu.memory_space<vmem>> -> memref<128x64xf32, #tpu.memory_space<vmem>>
      %dma_start3A_179 = arith.constant 0 : i32
      %dma_start3A_180 = tpu.memref_slice %arg5[%add3A_154, %dma_start3A_179] : memref<200x128xi32, #tpu.memory_space<vmem>> -> memref<1x128xi32, #tpu.memory_space<vmem>>
      %dma_start3A_181 = tpu.memref_squeeze %dma_start3A_180 : memref<1x128xi32, #tpu.memory_space<vmem>> -> memref<128xi32, #tpu.memory_space<vmem>>
      %dma_start3A_182 = arith.constant 0 : i32
      %dma_start3A_183 = arith.constant 0 : i32
      %dma_start3A_184 = tpu.memref_slice %arg3[%dma_start3A_182, %dma_start3A_183] : memref<1000000x64xf32, #tpu.memory_space<hbm>> -> memref<1000000x64xf32, #tpu.memory_space<hbm>>
      tpu.enqueue_indirect_dma source(%dma_start3A_184 : memref<1000000x64xf32, #tpu.memory_space<hbm>>) target(%dma_start3A_178 : memref<128x64xf32, #tpu.memory_space<vmem>>) offsets(%dma_start3A_181 : memref<128xi32, #tpu.memory_space<vmem>>) semaphore(%arg11 : memref<!tpu.dma_semaphore, #tpu.memory_space<semaphore_mem>>)
      %dma_start3A_185 = arith.constant 256 : i32
      %dma_start3A_186 = arith.constant 0 : i32
      %dma_start3A_187 = tpu.memref_slice %arg7[%dma_start3A_185, %dma_start3A_186] : memref<640x64xf32, #tpu.memory_space<vmem>> -> memref<128x64xf32, #tpu.memory_space<vmem>>
      %dma_start3A_188 = arith.constant 0 : i32
      %dma_start3A_189 = tpu.memref_slice %arg5[%add3A_158, %dma_start3A_188] : memref<200x128xi32, #tpu.memory_space<vmem>> -> memref<1x128xi32, #tpu.memory_space<vmem>>
      %dma_start3A_190 = tpu.memref_squeeze %dma_start3A_189 : memref<1x128xi32, #tpu.memory_space<vmem>> -> memref<128xi32, #tpu.memory_space<vmem>>
      %dma_start3A_191 = arith.constant 0 : i32
      %dma_start3A_192 = arith.constant 0 : i32
      %dma_start3A_193 = tpu.memref_slice %arg3[%dma_start3A_191, %dma_start3A_192] : memref<1000000x64xf32, #tpu.memory_space<hbm>> -> memref<1000000x64xf32, #tpu.memory_space<hbm>>
      tpu.enqueue_indirect_dma source(%dma_start3A_193 : memref<1000000x64xf32, #tpu.memory_space<hbm>>) target(%dma_start3A_187 : memref<128x64xf32, #tpu.memory_space<vmem>>) offsets(%dma_start3A_190 : memref<128xi32, #tpu.memory_space<vmem>>) semaphore(%arg11 : memref<!tpu.dma_semaphore, #tpu.memory_space<semaphore_mem>>)
      %dma_start3A_194 = arith.constant 384 : i32
      %dma_start3A_195 = arith.constant 0 : i32
      %dma_start3A_196 = tpu.memref_slice %arg7[%dma_start3A_194, %dma_start3A_195] : memref<640x64xf32, #tpu.memory_space<vmem>> -> memref<128x64xf32, #tpu.memory_space<vmem>>
      %dma_start3A_197 = arith.constant 0 : i32
      %dma_start3A_198 = tpu.memref_slice %arg5[%add3A_162, %dma_start3A_197] : memref<200x128xi32, #tpu.memory_space<vmem>> -> memref<1x128xi32, #tpu.memory_space<vmem>>
      %dma_start3A_199 = tpu.memref_squeeze %dma_start3A_198 : memref<1x128xi32, #tpu.memory_space<vmem>> -> memref<128xi32, #tpu.memory_space<vmem>>
      %dma_start3A_200 = arith.constant 0 : i32
      %dma_start3A_201 = arith.constant 0 : i32
      %dma_start3A_202 = tpu.memref_slice %arg3[%dma_start3A_200, %dma_start3A_201] : memref<1000000x64xf32, #tpu.memory_space<hbm>> -> memref<1000000x64xf32, #tpu.memory_space<hbm>>
      tpu.enqueue_indirect_dma source(%dma_start3A_202 : memref<1000000x64xf32, #tpu.memory_space<hbm>>) target(%dma_start3A_196 : memref<128x64xf32, #tpu.memory_space<vmem>>) offsets(%dma_start3A_199 : memref<128xi32, #tpu.memory_space<vmem>>) semaphore(%arg11 : memref<!tpu.dma_semaphore, #tpu.memory_space<semaphore_mem>>)
      %dma_start3A_203 = arith.constant 512 : i32
      %dma_start3A_204 = arith.constant 0 : i32
      %dma_start3A_205 = tpu.memref_slice %arg7[%dma_start3A_203, %dma_start3A_204] : memref<640x64xf32, #tpu.memory_space<vmem>> -> memref<128x64xf32, #tpu.memory_space<vmem>>
      %dma_start3A_206 = arith.constant 0 : i32
      %dma_start3A_207 = tpu.memref_slice %arg5[%add3A_166, %dma_start3A_206] : memref<200x128xi32, #tpu.memory_space<vmem>> -> memref<1x128xi32, #tpu.memory_space<vmem>>
      %dma_start3A_208 = tpu.memref_squeeze %dma_start3A_207 : memref<1x128xi32, #tpu.memory_space<vmem>> -> memref<128xi32, #tpu.memory_space<vmem>>
      %dma_start3A_209 = arith.constant 0 : i32
      %dma_start3A_210 = arith.constant 0 : i32
      %dma_start3A_211 = tpu.memref_slice %arg3[%dma_start3A_209, %dma_start3A_210] : memref<1000000x64xf32, #tpu.memory_space<hbm>> -> memref<1000000x64xf32, #tpu.memory_space<hbm>>
      tpu.enqueue_indirect_dma source(%dma_start3A_211 : memref<1000000x64xf32, #tpu.memory_space<hbm>>) target(%dma_start3A_205 : memref<128x64xf32, #tpu.memory_space<vmem>>) offsets(%dma_start3A_208 : memref<128xi32, #tpu.memory_space<vmem>>) semaphore(%arg11 : memref<!tpu.dma_semaphore, #tpu.memory_space<semaphore_mem>>)
      %mul3A_212 = arith.constant 2 : i32
      %mul3A_213 = arith.muli %mul3A_212, %scan3A_142 : i32
      %eq3A = arith.constant 0 : i32
      %eq3A_214 = arith.cmpi eq, %scan3A_142, %eq3A : i32
      %mul3A_215 = arith.constant 5 : i32
      %mul3A_216 = arith.muli %mul3A_213, %mul3A_215 : i32
      %add3A_217 = arith.constant 0 : i32
      %add3A_218 = arith.addi %mul3A_216, %add3A_217 : i32
      %mul3A_219 = arith.constant 5 : i32
      %mul3A_220 = arith.muli %mul3A_213, %mul3A_219 : i32
      %add3A_221 = arith.constant 1 : i32
      %add3A_222 = arith.addi %mul3A_220, %add3A_221 : i32
      %mul3A_223 = arith.constant 5 : i32
      %mul3A_224 = arith.muli %mul3A_213, %mul3A_223 : i32
      %add3A_225 = arith.constant 2 : i32
      %add3A_226 = arith.addi %mul3A_224, %add3A_225 : i32
      %mul3A_227 = arith.constant 5 : i32
      %mul3A_228 = arith.muli %mul3A_213, %mul3A_227 : i32
      %add3A_229 = arith.constant 3 : i32
      %add3A_230 = arith.addi %mul3A_228, %add3A_229 : i32
      %mul3A_231 = arith.constant 5 : i32
      %mul3A_232 = arith.muli %mul3A_213, %mul3A_231 : i32
      %add3A_233 = arith.constant 4 : i32
      %add3A_234 = arith.addi %mul3A_232, %add3A_233 : i32
      %dma_wait3A_235 = arith.constant 0 : i32
      %dma_wait3A_236 = arith.constant 0 : i32
      %dma_wait3A_237 = tpu.memref_slice %arg6[%dma_wait3A_235, %dma_wait3A_236] : memref<640x64xf32, #tpu.memory_space<vmem>> -> memref<128x64xf32, #tpu.memory_space<vmem>>
      %dma_wait3A_238 = arith.constant 0 : i32
      %dma_wait3A_239 = tpu.memref_slice %arg5[%add3A_218, %dma_wait3A_238] : memref<200x128xi32, #tpu.memory_space<vmem>> -> memref<1x128xi32, #tpu.memory_space<vmem>>
      %dma_wait3A_240 = tpu.memref_squeeze %dma_wait3A_239 : memref<1x128xi32, #tpu.memory_space<vmem>> -> memref<128xi32, #tpu.memory_space<vmem>>
      %dma_wait3A_241 = arith.constant 0 : i32
      %dma_wait3A_242 = arith.constant 0 : i32
      %dma_wait3A_243 = tpu.memref_slice %arg3[%dma_wait3A_241, %dma_wait3A_242] : memref<1000000x64xf32, #tpu.memory_space<hbm>> -> memref<1000000x64xf32, #tpu.memory_space<hbm>>
      tpu.wait_indirect_dma semaphore(%arg10 : memref<!tpu.dma_semaphore, #tpu.memory_space<semaphore_mem>>) src(%dma_wait3A_243 : memref<1000000x64xf32, #tpu.memory_space<hbm>>) dst(%dma_wait3A_237 : memref<128x64xf32, #tpu.memory_space<vmem>>)
      %dma_wait3A_244 = arith.constant 128 : i32
      %dma_wait3A_245 = arith.constant 0 : i32
      %dma_wait3A_246 = tpu.memref_slice %arg6[%dma_wait3A_244, %dma_wait3A_245] : memref<640x64xf32, #tpu.memory_space<vmem>> -> memref<128x64xf32, #tpu.memory_space<vmem>>
      %dma_wait3A_247 = arith.constant 0 : i32
      %dma_wait3A_248 = tpu.memref_slice %arg5[%add3A_222, %dma_wait3A_247] : memref<200x128xi32, #tpu.memory_space<vmem>> -> memref<1x128xi32, #tpu.memory_space<vmem>>
      %dma_wait3A_249 = tpu.memref_squeeze %dma_wait3A_248 : memref<1x128xi32, #tpu.memory_space<vmem>> -> memref<128xi32, #tpu.memory_space<vmem>>
      %dma_wait3A_250 = arith.constant 0 : i32
      %dma_wait3A_251 = arith.constant 0 : i32
      %dma_wait3A_252 = tpu.memref_slice %arg3[%dma_wait3A_250, %dma_wait3A_251] : memref<1000000x64xf32, #tpu.memory_space<hbm>> -> memref<1000000x64xf32, #tpu.memory_space<hbm>>
      tpu.wait_indirect_dma semaphore(%arg10 : memref<!tpu.dma_semaphore, #tpu.memory_space<semaphore_mem>>) src(%dma_wait3A_252 : memref<1000000x64xf32, #tpu.memory_space<hbm>>) dst(%dma_wait3A_246 : memref<128x64xf32, #tpu.memory_space<vmem>>)
      %dma_wait3A_253 = arith.constant 256 : i32
      %dma_wait3A_254 = arith.constant 0 : i32
      %dma_wait3A_255 = tpu.memref_slice %arg6[%dma_wait3A_253, %dma_wait3A_254] : memref<640x64xf32, #tpu.memory_space<vmem>> -> memref<128x64xf32, #tpu.memory_space<vmem>>
      %dma_wait3A_256 = arith.constant 0 : i32
      %dma_wait3A_257 = tpu.memref_slice %arg5[%add3A_226, %dma_wait3A_256] : memref<200x128xi32, #tpu.memory_space<vmem>> -> memref<1x128xi32, #tpu.memory_space<vmem>>
      %dma_wait3A_258 = tpu.memref_squeeze %dma_wait3A_257 : memref<1x128xi32, #tpu.memory_space<vmem>> -> memref<128xi32, #tpu.memory_space<vmem>>
      %dma_wait3A_259 = arith.constant 0 : i32
      %dma_wait3A_260 = arith.constant 0 : i32
      %dma_wait3A_261 = tpu.memref_slice %arg3[%dma_wait3A_259, %dma_wait3A_260] : memref<1000000x64xf32, #tpu.memory_space<hbm>> -> memref<1000000x64xf32, #tpu.memory_space<hbm>>
      tpu.wait_indirect_dma semaphore(%arg10 : memref<!tpu.dma_semaphore, #tpu.memory_space<semaphore_mem>>) src(%dma_wait3A_261 : memref<1000000x64xf32, #tpu.memory_space<hbm>>) dst(%dma_wait3A_255 : memref<128x64xf32, #tpu.memory_space<vmem>>)
      %dma_wait3A_262 = arith.constant 384 : i32
      %dma_wait3A_263 = arith.constant 0 : i32
      %dma_wait3A_264 = tpu.memref_slice %arg6[%dma_wait3A_262, %dma_wait3A_263] : memref<640x64xf32, #tpu.memory_space<vmem>> -> memref<128x64xf32, #tpu.memory_space<vmem>>
      %dma_wait3A_265 = arith.constant 0 : i32
      %dma_wait3A_266 = tpu.memref_slice %arg5[%add3A_230, %dma_wait3A_265] : memref<200x128xi32, #tpu.memory_space<vmem>> -> memref<1x128xi32, #tpu.memory_space<vmem>>
      %dma_wait3A_267 = tpu.memref_squeeze %dma_wait3A_266 : memref<1x128xi32, #tpu.memory_space<vmem>> -> memref<128xi32, #tpu.memory_space<vmem>>
      %dma_wait3A_268 = arith.constant 0 : i32
      %dma_wait3A_269 = arith.constant 0 : i32
      %dma_wait3A_270 = tpu.memref_slice %arg3[%dma_wait3A_268, %dma_wait3A_269] : memref<1000000x64xf32, #tpu.memory_space<hbm>> -> memref<1000000x64xf32, #tpu.memory_space<hbm>>
      tpu.wait_indirect_dma semaphore(%arg10 : memref<!tpu.dma_semaphore, #tpu.memory_space<semaphore_mem>>) src(%dma_wait3A_270 : memref<1000000x64xf32, #tpu.memory_space<hbm>>) dst(%dma_wait3A_264 : memref<128x64xf32, #tpu.memory_space<vmem>>)
      %dma_wait3A_271 = arith.constant 512 : i32
      %dma_wait3A_272 = arith.constant 0 : i32
      %dma_wait3A_273 = tpu.memref_slice %arg6[%dma_wait3A_271, %dma_wait3A_272] : memref<640x64xf32, #tpu.memory_space<vmem>> -> memref<128x64xf32, #tpu.memory_space<vmem>>
      %dma_wait3A_274 = arith.constant 0 : i32
      %dma_wait3A_275 = tpu.memref_slice %arg5[%add3A_234, %dma_wait3A_274] : memref<200x128xi32, #tpu.memory_space<vmem>> -> memref<1x128xi32, #tpu.memory_space<vmem>>
      %dma_wait3A_276 = tpu.memref_squeeze %dma_wait3A_275 : memref<1x128xi32, #tpu.memory_space<vmem>> -> memref<128xi32, #tpu.memory_space<vmem>>
      %dma_wait3A_277 = arith.constant 0 : i32
      %dma_wait3A_278 = arith.constant 0 : i32
      %dma_wait3A_279 = tpu.memref_slice %arg3[%dma_wait3A_277, %dma_wait3A_278] : memref<1000000x64xf32, #tpu.memory_space<hbm>> -> memref<1000000x64xf32, #tpu.memory_space<hbm>>
      tpu.wait_indirect_dma semaphore(%arg10 : memref<!tpu.dma_semaphore, #tpu.memory_space<semaphore_mem>>) src(%dma_wait3A_279 : memref<1000000x64xf32, #tpu.memory_space<hbm>>) dst(%dma_wait3A_273 : memref<128x64xf32, #tpu.memory_space<vmem>>)
      %not3A = arith.constant true
      %not3A_280 = arith.xori %eq3A_214, %not3A : i1
      %or3A = arith.constant false
      %or3A_281 = arith.ori %not3A_280, %or3A : i1
      %convert_element_type3A = arith.extui %or3A_281 : i1 to i32
      %cond3A = arith.constant 0 : i32
      %cond3A_282 = arith.cmpi ne, %convert_element_type3A, %cond3A : i32
      scf.if %cond3A_282 {
        %dma_wait3A_946 = arith.constant 0 : i32
        %dma_wait3A_947 = arith.constant 0 : i32
        %dma_wait3A_948 = arith.constant 0 : i32
        %dma_wait3A_949 = arith.constant 0 : i32
        %dma_wait3A_950 = arith.constant 0 : i32
        %dma_wait3A_951 = tpu.memref_slice %arg8[%dma_wait3A_948, %dma_wait3A_949, %dma_wait3A_950] : memref<8x8x133xf32, #tpu.memory_space<vmem>> -> memref<8x8x128xf32, #tpu.memory_space<vmem>>
        %dma_wait3A_952 = arith.constant 0 : i32
        %dma_wait3A_953 = arith.constant 0 : i32
        %dma_wait3A_954 = arith.constant 0 : i32
        %dma_wait3A_955 = tpu.memref_slice %arg4[%dma_wait3A_946, %dma_wait3A_952, %dma_wait3A_947, %dma_wait3A_953, %dma_wait3A_954] : memref<50x8x128x8x128xf32, #tpu.memory_space<hbm>> -> memref<1x8x1x8x128xf32, #tpu.memory_space<hbm>>
        %dma_wait3A_956 = tpu.memref_squeeze %dma_wait3A_955 : memref<1x8x1x8x128xf32, #tpu.memory_space<hbm>> -> memref<8x8x128xf32, #tpu.memory_space<hbm>>
        %dma_wait3A_957 = arith.constant 0 : i32
        %dma_wait3A_958 = arith.constant 0 : i32
        %dma_wait3A_959 = arith.constant 0 : i32
        %dma_wait3A_960 = tpu.memref_slice %arg4[%dma_wait3A_946, %dma_wait3A_957, %dma_wait3A_947, %dma_wait3A_958, %dma_wait3A_959] : memref<50x8x128x8x128xf32, #tpu.memory_space<hbm>> -> memref<1x8x1x8x128xf32, #tpu.memory_space<hbm>>
        %dma_wait3A_961 = tpu.memref_squeeze %dma_wait3A_960 : memref<1x8x1x8x128xf32, #tpu.memory_space<hbm>> -> memref<8x8x128xf32, #tpu.memory_space<hbm>>
        %dma_wait3A_962 = arith.constant 0 : i32
        %dma_wait3A_963 = arith.constant 0 : i32
        %dma_wait3A_964 = arith.constant 0 : i32
        %dma_wait3A_965 = tpu.memref_slice %arg8[%dma_wait3A_962, %dma_wait3A_963, %dma_wait3A_964] : memref<8x8x133xf32, #tpu.memory_space<vmem>> -> memref<8x8x128xf32, #tpu.memory_space<vmem>>
        tpu.wait_dma2 semaphore(%arg12 : memref<!tpu.dma_semaphore, #tpu.memory_space<semaphore_mem>>) src(%dma_wait3A_965 : memref<8x8x128xf32, #tpu.memory_space<vmem>>) dst(%dma_wait3A_961 : memref<8x8x128xf32, #tpu.memory_space<hbm>>)
      } else {
      }
      %parallel_loop3A = arith.constant 0 : i32
      %parallel_loop3A_283 = arith.constant 128 : i32
      %parallel_loop3A_284 = arith.constant 1 : i32
      scf.for %parallel_loop3A_946 = %parallel_loop3A to %parallel_loop3A_283 step %parallel_loop3A_284  : i32 {
        %parallel_loop3A_947 = vector.broadcast %parallel_loop3A_946 : i32 to vector<16xi32>
        %parallel_loop3A_948 = arith.addi %broadcast_in_dim3A_49, %parallel_loop3A_947 : vector<16xi32>
        %parallel_loop3A_949 = arith.constant 0 : i32
        %parallel_loop3A_950 = arith.addi %parallel_loop3A_949, %parallel_loop3A_946 : i32
        %parallel_loop3A_951 = arith.index_cast %parallel_loop3A_950 : i32 to index
        %parallel_loop3A_952 = arith.constant 0 : index
        %parallel_loop3A_953 = tpu.vector_load %arg6[%parallel_loop3A_951, %parallel_loop3A_952] {strides = array<i32>} : memref<640x64xf32, #tpu.memory_space<vmem>>, vector<16xf32>,
        tpu.vector_store_idx %arg8[%shift_right_arithmetic3A_7, %and3A_30, %parallel_loop3A_948], %parallel_loop3A_953 : memref<8x8x133xf32, #tpu.memory_space<vmem>>[vector<16xi32>, vector<16xi32>, vector<16xi32>], vector<16xf32>,
        %parallel_loop3A_954 = arith.constant 0 : i32
        %parallel_loop3A_955 = arith.addi %parallel_loop3A_954, %parallel_loop3A_946 : i32
        %parallel_loop3A_956 = arith.index_cast %parallel_loop3A_955 : i32 to index
        %parallel_loop3A_957 = arith.constant 16 : index
        %parallel_loop3A_958 = tpu.vector_load %arg6[%parallel_loop3A_956, %parallel_loop3A_957] {strides = array<i32>} : memref<640x64xf32, #tpu.memory_space<vmem>>, vector<16xf32>,
        tpu.vector_store_idx %arg8[%shift_right_arithmetic3A_13, %and3A_36, %parallel_loop3A_948], %parallel_loop3A_958 : memref<8x8x133xf32, #tpu.memory_space<vmem>>[vector<16xi32>, vector<16xi32>, vector<16xi32>], vector<16xf32>,
        %parallel_loop3A_959 = arith.constant 0 : i32
        %parallel_loop3A_960 = arith.addi %parallel_loop3A_959, %parallel_loop3A_946 : i32
        %parallel_loop3A_961 = arith.index_cast %parallel_loop3A_960 : i32 to index
        %parallel_loop3A_962 = arith.constant 32 : index
        %parallel_loop3A_963 = tpu.vector_load %arg6[%parallel_loop3A_961, %parallel_loop3A_962] {strides = array<i32>} : memref<640x64xf32, #tpu.memory_space<vmem>>, vector<16xf32>,
        tpu.vector_store_idx %arg8[%shift_right_arithmetic3A_19, %and3A_42, %parallel_loop3A_948], %parallel_loop3A_963 : memref<8x8x133xf32, #tpu.memory_space<vmem>>[vector<16xi32>, vector<16xi32>, vector<16xi32>], vector<16xf32>,
        %parallel_loop3A_964 = arith.constant 0 : i32
        %parallel_loop3A_965 = arith.addi %parallel_loop3A_964, %parallel_loop3A_946 : i32
        %parallel_loop3A_966 = arith.index_cast %parallel_loop3A_965 : i32 to index
        %parallel_loop3A_967 = arith.constant 48 : index
        %parallel_loop3A_968 = tpu.vector_load %arg6[%parallel_loop3A_966, %parallel_loop3A_967] {strides = array<i32>} : memref<640x64xf32, #tpu.memory_space<vmem>>, vector<16xf32>,
        tpu.vector_store_idx %arg8[%shift_right_arithmetic3A_25, %and3A_48, %parallel_loop3A_948], %parallel_loop3A_968 : memref<8x8x133xf32, #tpu.memory_space<vmem>>[vector<16xi32>, vector<16xi32>, vector<16xi32>], vector<16xf32>,
      } {sc.loop_unroll_factor = 4 : i64, sc.parallel_access}
      %mul3A_285 = arith.constant 5 : i32
      %mul3A_286 = arith.muli %mul3A_213, %mul3A_285 : i32
      %add3A_287 = arith.addi %mul3A_2, %mul3A_286 : i32
      %add3A_288 = arith.constant 0 : i32
      %add3A_289 = arith.addi %add3A_287, %add3A_288 : i32
      %jit3A = arith.constant 128 : i32
      %div3A = arith.divsi %add3A_289, %jit3A : i32
      %sign3A = arith.constant 0 : i32
      %sign3A_290 = arith.cmpi sgt, %add3A_289, %sign3A : i32
      %sign3A_291 = arith.extui %sign3A_290 : i1 to i32
      %sign3A_292 = arith.constant 0 : i32
      %sign3A_293 = arith.cmpi slt, %add3A_289, %sign3A_292 : i32
      %sign3A_294 = arith.extui %sign3A_293 : i1 to i32
      %sign3A_295 = arith.subi %sign3A_291, %sign3A_294 : i32
      %sign3A_296 = arith.constant 0 : i32
      %sign3A_297 = arith.cmpi sgt, %jit3A, %sign3A_296 : i32
      %sign3A_298 = arith.extui %sign3A_297 : i1 to i32
      %sign3A_299 = arith.constant 0 : i32
      %sign3A_300 = arith.cmpi slt, %jit3A, %sign3A_299 : i32
      %sign3A_301 = arith.extui %sign3A_300 : i1 to i32
      %sign3A_302 = arith.subi %sign3A_298, %sign3A_301 : i32
      %ne3A = arith.cmpi ne, %sign3A_295, %sign3A_302 : i32
      %rem3A = arith.remsi %add3A_289, %jit3A : i32
      %ne3A_303 = arith.constant 0 : i32
      %ne3A_304 = arith.cmpi ne, %rem3A, %ne3A_303 : i32
      %and3A_305 = arith.andi %ne3A, %ne3A_304 : i1
      %sub3A = arith.constant 1 : i32
      %sub3A_306 = arith.subi %div3A, %sub3A : i32
      %select_n3A = arith.select %and3A_305, %sub3A_306, %div3A : i32
      %mul3A_307 = arith.constant 128 : i32
      %mul3A_308 = arith.muli %select_n3A, %mul3A_307 : i32
      %sub3A_309 = arith.subi %add3A_289, %mul3A_308 : i32
      %dma_start3A_310 = arith.constant 0 : i32
      %dma_start3A_311 = arith.constant 0 : i32
      %dma_start3A_312 = arith.constant 0 : i32
      %dma_start3A_313 = tpu.memref_slice %arg8[%dma_start3A_310, %dma_start3A_311, %dma_start3A_312] : memref<8x8x133xf32, #tpu.memory_space<vmem>> -> memref<8x8x128xf32, #tpu.memory_space<vmem>>
      %dma_start3A_314 = arith.constant 0 : i32
      %dma_start3A_315 = arith.constant 0 : i32
      %dma_start3A_316 = arith.constant 0 : i32
      %dma_start3A_317 = tpu.memref_slice %arg4[%select_n3A, %dma_start3A_314, %sub3A_309, %dma_start3A_315, %dma_start3A_316] : memref<50x8x128x8x128xf32, #tpu.memory_space<hbm>> -> memref<1x8x1x8x128xf32, #tpu.memory_space<hbm>>
      %dma_start3A_318 = tpu.memref_squeeze %dma_start3A_317 : memref<1x8x1x8x128xf32, #tpu.memory_space<hbm>> -> memref<8x8x128xf32, #tpu.memory_space<hbm>>
      %dma_start3A_319 = arith.constant 0 : i32
      %dma_start3A_320 = arith.constant 0 : i32
      %dma_start3A_321 = arith.constant 0 : i32
      %dma_start3A_322 = tpu.memref_slice %arg4[%select_n3A, %dma_start3A_319, %sub3A_309, %dma_start3A_320, %dma_start3A_321] : memref<50x8x128x8x128xf32, #tpu.memory_space<hbm>> -> memref<1x8x1x8x128xf32, #tpu.memory_space<hbm>>
      %dma_start3A_323 = tpu.memref_squeeze %dma_start3A_322 : memref<1x8x1x8x128xf32, #tpu.memory_space<hbm>> -> memref<8x8x128xf32, #tpu.memory_space<hbm>>
      %dma_start3A_324 = arith.constant 0 : i32
      %dma_start3A_325 = arith.constant 0 : i32
      %dma_start3A_326 = arith.constant 0 : i32
      %dma_start3A_327 = tpu.memref_slice %arg8[%dma_start3A_324, %dma_start3A_325, %dma_start3A_326] : memref<8x8x133xf32, #tpu.memory_space<vmem>> -> memref<8x8x128xf32, #tpu.memory_space<vmem>>
      tpu.enqueue_dma source(%dma_start3A_327 : memref<8x8x128xf32, #tpu.memory_space<vmem>>) target(%dma_start3A_323 : memref<8x8x128xf32, #tpu.memory_space<hbm>>) target_semaphore(%arg12 : memref<!tpu.dma_semaphore, #tpu.memory_space<semaphore_mem>>)
      %not3A_328 = arith.constant true
      %not3A_329 = arith.xori %eq3A_214, %not3A_328 : i1
      %or3A_330 = arith.constant false
      %or3A_331 = arith.ori %not3A_329, %or3A_330 : i1
      %convert_element_type3A_332 = arith.extui %or3A_331 : i1 to i32
      %cond3A_333 = arith.constant 0 : i32
      %cond3A_334 = arith.cmpi ne, %convert_element_type3A_332, %cond3A_333 : i32
      scf.if %cond3A_334 {
        %dma_wait3A_946 = arith.constant 0 : i32
        %dma_wait3A_947 = arith.constant 0 : i32
        %dma_wait3A_948 = arith.constant 0 : i32
        %dma_wait3A_949 = arith.constant 0 : i32
        %dma_wait3A_950 = arith.constant 0 : i32
        %dma_wait3A_951 = tpu.memref_slice %arg9[%dma_wait3A_948, %dma_wait3A_949, %dma_wait3A_950] : memref<8x8x133xf32, #tpu.memory_space<vmem>> -> memref<8x8x128xf32, #tpu.memory_space<vmem>>
        %dma_wait3A_952 = arith.constant 0 : i32
        %dma_wait3A_953 = arith.constant 0 : i32
        %dma_wait3A_954 = arith.constant 0 : i32
        %dma_wait3A_955 = tpu.memref_slice %arg4[%dma_wait3A_946, %dma_wait3A_952, %dma_wait3A_947, %dma_wait3A_953, %dma_wait3A_954] : memref<50x8x128x8x128xf32, #tpu.memory_space<hbm>> -> memref<1x8x1x8x128xf32, #tpu.memory_space<hbm>>
        %dma_wait3A_956 = tpu.memref_squeeze %dma_wait3A_955 : memref<1x8x1x8x128xf32, #tpu.memory_space<hbm>> -> memref<8x8x128xf32, #tpu.memory_space<hbm>>
        %dma_wait3A_957 = arith.constant 0 : i32
        %dma_wait3A_958 = arith.constant 0 : i32
        %dma_wait3A_959 = arith.constant 0 : i32
        %dma_wait3A_960 = tpu.memref_slice %arg4[%dma_wait3A_946, %dma_wait3A_957, %dma_wait3A_947, %dma_wait3A_958, %dma_wait3A_959] : memref<50x8x128x8x128xf32, #tpu.memory_space<hbm>> -> memref<1x8x1x8x128xf32, #tpu.memory_space<hbm>>
        %dma_wait3A_961 = tpu.memref_squeeze %dma_wait3A_960 : memref<1x8x1x8x128xf32, #tpu.memory_space<hbm>> -> memref<8x8x128xf32, #tpu.memory_space<hbm>>
        %dma_wait3A_962 = arith.constant 0 : i32
        %dma_wait3A_963 = arith.constant 0 : i32
        %dma_wait3A_964 = arith.constant 0 : i32
        %dma_wait3A_965 = tpu.memref_slice %arg9[%dma_wait3A_962, %dma_wait3A_963, %dma_wait3A_964] : memref<8x8x133xf32, #tpu.memory_space<vmem>> -> memref<8x8x128xf32, #tpu.memory_space<vmem>>
        tpu.wait_dma2 semaphore(%arg13 : memref<!tpu.dma_semaphore, #tpu.memory_space<semaphore_mem>>) src(%dma_wait3A_965 : memref<8x8x128xf32, #tpu.memory_space<vmem>>) dst(%dma_wait3A_961 : memref<8x8x128xf32, #tpu.memory_space<hbm>>)
      } else {
      }
      %parallel_loop3A_335 = arith.constant 0 : i32
      %parallel_loop3A_336 = arith.constant 128 : i32
      %parallel_loop3A_337 = arith.constant 1 : i32
      scf.for %parallel_loop3A_946 = %parallel_loop3A_335 to %parallel_loop3A_336 step %parallel_loop3A_337  : i32 {
        %parallel_loop3A_947 = vector.broadcast %parallel_loop3A_946 : i32 to vector<16xi32>
        %parallel_loop3A_948 = arith.addi %broadcast_in_dim3A_49, %parallel_loop3A_947 : vector<16xi32>
        %parallel_loop3A_949 = arith.constant 128 : i32
        %parallel_loop3A_950 = arith.addi %parallel_loop3A_949, %parallel_loop3A_946 : i32
        %parallel_loop3A_951 = arith.index_cast %parallel_loop3A_950 : i32 to index
        %parallel_loop3A_952 = arith.constant 0 : index
        %parallel_loop3A_953 = tpu.vector_load %arg6[%parallel_loop3A_951, %parallel_loop3A_952] {strides = array<i32>} : memref<640x64xf32, #tpu.memory_space<vmem>>, vector<16xf32>,
        tpu.vector_store_idx %arg9[%shift_right_arithmetic3A_7, %and3A_30, %parallel_loop3A_948], %parallel_loop3A_953 : memref<8x8x133xf32, #tpu.memory_space<vmem>>[vector<16xi32>, vector<16xi32>, vector<16xi32>], vector<16xf32>,
        %parallel_loop3A_954 = arith.constant 128 : i32
        %parallel_loop3A_955 = arith.addi %parallel_loop3A_954, %parallel_loop3A_946 : i32
        %parallel_loop3A_956 = arith.index_cast %parallel_loop3A_955 : i32 to index
        %parallel_loop3A_957 = arith.constant 16 : index
        %parallel_loop3A_958 = tpu.vector_load %arg6[%parallel_loop3A_956, %parallel_loop3A_957] {strides = array<i32>} : memref<640x64xf32, #tpu.memory_space<vmem>>, vector<16xf32>,
        tpu.vector_store_idx %arg9[%shift_right_arithmetic3A_13, %and3A_36, %parallel_loop3A_948], %parallel_loop3A_958 : memref<8x8x133xf32, #tpu.memory_space<vmem>>[vector<16xi32>, vector<16xi32>, vector<16xi32>], vector<16xf32>,
        %parallel_loop3A_959 = arith.constant 128 : i32
        %parallel_loop3A_960 = arith.addi %parallel_loop3A_959, %parallel_loop3A_946 : i32
        %parallel_loop3A_961 = arith.index_cast %parallel_loop3A_960 : i32 to index
        %parallel_loop3A_962 = arith.constant 32 : index
        %parallel_loop3A_963 = tpu.vector_load %arg6[%parallel_loop3A_961, %parallel_loop3A_962] {strides = array<i32>} : memref<640x64xf32, #tpu.memory_space<vmem>>, vector<16xf32>,
        tpu.vector_store_idx %arg9[%shift_right_arithmetic3A_19, %and3A_42, %parallel_loop3A_948], %parallel_loop3A_963 : memref<8x8x133xf32, #tpu.memory_space<vmem>>[vector<16xi32>, vector<16xi32>, vector<16xi32>], vector<16xf32>,
        %parallel_loop3A_964 = arith.constant 128 : i32
        %parallel_loop3A_965 = arith.addi %parallel_loop3A_964, %parallel_loop3A_946 : i32
        %parallel_loop3A_966 = arith.index_cast %parallel_loop3A_965 : i32 to index
        %parallel_loop3A_967 = arith.constant 48 : index
        %parallel_loop3A_968 = tpu.vector_load %arg6[%parallel_loop3A_966, %parallel_loop3A_967] {strides = array<i32>} : memref<640x64xf32, #tpu.memory_space<vmem>>, vector<16xf32>,
        tpu.vector_store_idx %arg9[%shift_right_arithmetic3A_25, %and3A_48, %parallel_loop3A_948], %parallel_loop3A_968 : memref<8x8x133xf32, #tpu.memory_space<vmem>>[vector<16xi32>, vector<16xi32>, vector<16xi32>], vector<16xf32>,
      } {sc.loop_unroll_factor = 4 : i64, sc.parallel_access}
      %mul3A_338 = arith.constant 5 : i32
      %mul3A_339 = arith.muli %mul3A_213, %mul3A_338 : i32
      %add3A_340 = arith.addi %mul3A_2, %mul3A_339 : i32
      %add3A_341 = arith.constant 1 : i32
      %add3A_342 = arith.addi %add3A_340, %add3A_341 : i32
      %jit3A_343 = arith.constant 128 : i32
      %div3A_344 = arith.divsi %add3A_342, %jit3A_343 : i32
      %sign3A_345 = arith.constant 0 : i32
      %sign3A_346 = arith.cmpi sgt, %add3A_342, %sign3A_345 : i32
      %sign3A_347 = arith.extui %sign3A_346 : i1 to i32
      %sign3A_348 = arith.constant 0 : i32
      %sign3A_349 = arith.cmpi slt, %add3A_342, %sign3A_348 : i32
      %sign3A_350 = arith.extui %sign3A_349 : i1 to i32
      %sign3A_351 = arith.subi %sign3A_347, %sign3A_350 : i32
      %sign3A_352 = arith.constant 0 : i32
      %sign3A_353 = arith.cmpi sgt, %jit3A_343, %sign3A_352 : i32
      %sign3A_354 = arith.extui %sign3A_353 : i1 to i32
      %sign3A_355 = arith.constant 0 : i32
      %sign3A_356 = arith.cmpi slt, %jit3A_343, %sign3A_355 : i32
      %sign3A_357 = arith.extui %sign3A_356 : i1 to i32
      %sign3A_358 = arith.subi %sign3A_354, %sign3A_357 : i32
      %ne3A_359 = arith.cmpi ne, %sign3A_351, %sign3A_358 : i32
      %rem3A_360 = arith.remsi %add3A_342, %jit3A_343 : i32
      %ne3A_361 = arith.constant 0 : i32
      %ne3A_362 = arith.cmpi ne, %rem3A_360, %ne3A_361 : i32
      %and3A_363 = arith.andi %ne3A_359, %ne3A_362 : i1
      %sub3A_364 = arith.constant 1 : i32
      %sub3A_365 = arith.subi %div3A_344, %sub3A_364 : i32
      %select_n3A_366 = arith.select %and3A_363, %sub3A_365, %div3A_344 : i32
      %mul3A_367 = arith.constant 128 : i32
      %mul3A_368 = arith.muli %select_n3A_366, %mul3A_367 : i32
      %sub3A_369 = arith.subi %add3A_342, %mul3A_368 : i32
      %dma_start3A_370 = arith.constant 0 : i32
      %dma_start3A_371 = arith.constant 0 : i32
      %dma_start3A_372 = arith.constant 0 : i32
      %dma_start3A_373 = tpu.memref_slice %arg9[%dma_start3A_370, %dma_start3A_371, %dma_start3A_372] : memref<8x8x133xf32, #tpu.memory_space<vmem>> -> memref<8x8x128xf32, #tpu.memory_space<vmem>>
      %dma_start3A_374 = arith.constant 0 : i32
      %dma_start3A_375 = arith.constant 0 : i32
      %dma_start3A_376 = arith.constant 0 : i32
      %dma_start3A_377 = tpu.memref_slice %arg4[%select_n3A_366, %dma_start3A_374, %sub3A_369, %dma_start3A_375, %dma_start3A_376] : memref<50x8x128x8x128xf32, #tpu.memory_space<hbm>> -> memref<1x8x1x8x128xf32, #tpu.memory_space<hbm>>
      %dma_start3A_378 = tpu.memref_squeeze %dma_start3A_377 : memref<1x8x1x8x128xf32, #tpu.memory_space<hbm>> -> memref<8x8x128xf32, #tpu.memory_space<hbm>>
      %dma_start3A_379 = arith.constant 0 : i32
      %dma_start3A_380 = arith.constant 0 : i32
      %dma_start3A_381 = arith.constant 0 : i32
      %dma_start3A_382 = tpu.memref_slice %arg4[%select_n3A_366, %dma_start3A_379, %sub3A_369, %dma_start3A_380, %dma_start3A_381] : memref<50x8x128x8x128xf32, #tpu.memory_space<hbm>> -> memref<1x8x1x8x128xf32, #tpu.memory_space<hbm>>
      %dma_start3A_383 = tpu.memref_squeeze %dma_start3A_382 : memref<1x8x1x8x128xf32, #tpu.memory_space<hbm>> -> memref<8x8x128xf32, #tpu.memory_space<hbm>>
      %dma_start3A_384 = arith.constant 0 : i32
      %dma_start3A_385 = arith.constant 0 : i32
      %dma_start3A_386 = arith.constant 0 : i32
      %dma_start3A_387 = tpu.memref_slice %arg9[%dma_start3A_384, %dma_start3A_385, %dma_start3A_386] : memref<8x8x133xf32, #tpu.memory_space<vmem>> -> memref<8x8x128xf32, #tpu.memory_space<vmem>>
      tpu.enqueue_dma source(%dma_start3A_387 : memref<8x8x128xf32, #tpu.memory_space<vmem>>) target(%dma_start3A_383 : memref<8x8x128xf32, #tpu.memory_space<hbm>>) target_semaphore(%arg13 : memref<!tpu.dma_semaphore, #tpu.memory_space<semaphore_mem>>)
      %not3A_388 = arith.constant true
      %not3A_389 = arith.xori %eq3A_214, %not3A_388 : i1
      %or3A_390 = arith.constant true
      %or3A_391 = arith.ori %not3A_389, %or3A_390 : i1
      %convert_element_type3A_392 = arith.extui %or3A_391 : i1 to i32
      %cond3A_393 = arith.constant 0 : i32
      %cond3A_394 = arith.cmpi ne, %convert_element_type3A_392, %cond3A_393 : i32
      scf.if %cond3A_394 {
        %dma_wait3A_946 = arith.constant 0 : i32
        %dma_wait3A_947 = arith.constant 0 : i32
        %dma_wait3A_948 = arith.constant 0 : i32
        %dma_wait3A_949 = arith.constant 0 : i32
        %dma_wait3A_950 = arith.constant 0 : i32
        %dma_wait3A_951 = tpu.memref_slice %arg8[%dma_wait3A_948, %dma_wait3A_949, %dma_wait3A_950] : memref<8x8x133xf32, #tpu.memory_space<vmem>> -> memref<8x8x128xf32, #tpu.memory_space<vmem>>
        %dma_wait3A_952 = arith.constant 0 : i32
        %dma_wait3A_953 = arith.constant 0 : i32
        %dma_wait3A_954 = arith.constant 0 : i32
        %dma_wait3A_955 = tpu.memref_slice %arg4[%dma_wait3A_946, %dma_wait3A_952, %dma_wait3A_947, %dma_wait3A_953, %dma_wait3A_954] : memref<50x8x128x8x128xf32, #tpu.memory_space<hbm>> -> memref<1x8x1x8x128xf32, #tpu.memory_space<hbm>>
        %dma_wait3A_956 = tpu.memref_squeeze %dma_wait3A_955 : memref<1x8x1x8x128xf32, #tpu.memory_space<hbm>> -> memref<8x8x128xf32, #tpu.memory_space<hbm>>
        %dma_wait3A_957 = arith.constant 0 : i32
        %dma_wait3A_958 = arith.constant 0 : i32
        %dma_wait3A_959 = arith.constant 0 : i32
        %dma_wait3A_960 = tpu.memref_slice %arg4[%dma_wait3A_946, %dma_wait3A_957, %dma_wait3A_947, %dma_wait3A_958, %dma_wait3A_959] : memref<50x8x128x8x128xf32, #tpu.memory_space<hbm>> -> memref<1x8x1x8x128xf32, #tpu.memory_space<hbm>>
        %dma_wait3A_961 = tpu.memref_squeeze %dma_wait3A_960 : memref<1x8x1x8x128xf32, #tpu.memory_space<hbm>> -> memref<8x8x128xf32, #tpu.memory_space<hbm>>
        %dma_wait3A_962 = arith.constant 0 : i32
        %dma_wait3A_963 = arith.constant 0 : i32
        %dma_wait3A_964 = arith.constant 0 : i32
        %dma_wait3A_965 = tpu.memref_slice %arg8[%dma_wait3A_962, %dma_wait3A_963, %dma_wait3A_964] : memref<8x8x133xf32, #tpu.memory_space<vmem>> -> memref<8x8x128xf32, #tpu.memory_space<vmem>>
        tpu.wait_dma2 semaphore(%arg12 : memref<!tpu.dma_semaphore, #tpu.memory_space<semaphore_mem>>) src(%dma_wait3A_965 : memref<8x8x128xf32, #tpu.memory_space<vmem>>) dst(%dma_wait3A_961 : memref<8x8x128xf32, #tpu.memory_space<hbm>>)
      } else {
      }
      %parallel_loop3A_395 = arith.constant 0 : i32
      %parallel_loop3A_396 = arith.constant 128 : i32
      %parallel_loop3A_397 = arith.constant 1 : i32
      scf.for %parallel_loop3A_946 = %parallel_loop3A_395 to %parallel_loop3A_396 step %parallel_loop3A_397  : i32 {
        %parallel_loop3A_947 = vector.broadcast %parallel_loop3A_946 : i32 to vector<16xi32>
        %parallel_loop3A_948 = arith.addi %broadcast_in_dim3A_49, %parallel_loop3A_947 : vector<16xi32>
        %parallel_loop3A_949 = arith.constant 256 : i32
        %parallel_loop3A_950 = arith.addi %parallel_loop3A_949, %parallel_loop3A_946 : i32
        %parallel_loop3A_951 = arith.index_cast %parallel_loop3A_950 : i32 to index
        %parallel_loop3A_952 = arith.constant 0 : index
        %parallel_loop3A_953 = tpu.vector_load %arg6[%parallel_loop3A_951, %parallel_loop3A_952] {strides = array<i32>} : memref<640x64xf32, #tpu.memory_space<vmem>>, vector<16xf32>,
        tpu.vector_store_idx %arg8[%shift_right_arithmetic3A_7, %and3A_30, %parallel_loop3A_948], %parallel_loop3A_953 : memref<8x8x133xf32, #tpu.memory_space<vmem>>[vector<16xi32>, vector<16xi32>, vector<16xi32>], vector<16xf32>,
        %parallel_loop3A_954 = arith.constant 256 : i32
        %parallel_loop3A_955 = arith.addi %parallel_loop3A_954, %parallel_loop3A_946 : i32
        %parallel_loop3A_956 = arith.index_cast %parallel_loop3A_955 : i32 to index
        %parallel_loop3A_957 = arith.constant 16 : index
        %parallel_loop3A_958 = tpu.vector_load %arg6[%parallel_loop3A_956, %parallel_loop3A_957] {strides = array<i32>} : memref<640x64xf32, #tpu.memory_space<vmem>>, vector<16xf32>,
        tpu.vector_store_idx %arg8[%shift_right_arithmetic3A_13, %and3A_36, %parallel_loop3A_948], %parallel_loop3A_958 : memref<8x8x133xf32, #tpu.memory_space<vmem>>[vector<16xi32>, vector<16xi32>, vector<16xi32>], vector<16xf32>,
        %parallel_loop3A_959 = arith.constant 256 : i32
        %parallel_loop3A_960 = arith.addi %parallel_loop3A_959, %parallel_loop3A_946 : i32
        %parallel_loop3A_961 = arith.index_cast %parallel_loop3A_960 : i32 to index
        %parallel_loop3A_962 = arith.constant 32 : index
        %parallel_loop3A_963 = tpu.vector_load %arg6[%parallel_loop3A_961, %parallel_loop3A_962] {strides = array<i32>} : memref<640x64xf32, #tpu.memory_space<vmem>>, vector<16xf32>,
        tpu.vector_store_idx %arg8[%shift_right_arithmetic3A_19, %and3A_42, %parallel_loop3A_948], %parallel_loop3A_963 : memref<8x8x133xf32, #tpu.memory_space<vmem>>[vector<16xi32>, vector<16xi32>, vector<16xi32>], vector<16xf32>,
        %parallel_loop3A_964 = arith.constant 256 : i32
        %parallel_loop3A_965 = arith.addi %parallel_loop3A_964, %parallel_loop3A_946 : i32
        %parallel_loop3A_966 = arith.index_cast %parallel_loop3A_965 : i32 to index
        %parallel_loop3A_967 = arith.constant 48 : index
        %parallel_loop3A_968 = tpu.vector_load %arg6[%parallel_loop3A_966, %parallel_loop3A_967] {strides = array<i32>} : memref<640x64xf32, #tpu.memory_space<vmem>>, vector<16xf32>,
        tpu.vector_store_idx %arg8[%shift_right_arithmetic3A_25, %and3A_48, %parallel_loop3A_948], %parallel_loop3A_968 : memref<8x8x133xf32, #tpu.memory_space<vmem>>[vector<16xi32>, vector<16xi32>, vector<16xi32>], vector<16xf32>,
      } {sc.loop_unroll_factor = 4 : i64, sc.parallel_access}
      %mul3A_398 = arith.constant 5 : i32
      %mul3A_399 = arith.muli %mul3A_213, %mul3A_398 : i32
      %add3A_400 = arith.addi %mul3A_2, %mul3A_399 : i32
      %add3A_401 = arith.constant 2 : i32
      %add3A_402 = arith.addi %add3A_400, %add3A_401 : i32
      %jit3A_403 = arith.constant 128 : i32
      %div3A_404 = arith.divsi %add3A_402, %jit3A_403 : i32
      %sign3A_405 = arith.constant 0 : i32
      %sign3A_406 = arith.cmpi sgt, %add3A_402, %sign3A_405 : i32
      %sign3A_407 = arith.extui %sign3A_406 : i1 to i32
      %sign3A_408 = arith.constant 0 : i32
      %sign3A_409 = arith.cmpi slt, %add3A_402, %sign3A_408 : i32
      %sign3A_410 = arith.extui %sign3A_409 : i1 to i32
      %sign3A_411 = arith.subi %sign3A_407, %sign3A_410 : i32
      %sign3A_412 = arith.constant 0 : i32
      %sign3A_413 = arith.cmpi sgt, %jit3A_403, %sign3A_412 : i32
      %sign3A_414 = arith.extui %sign3A_413 : i1 to i32
      %sign3A_415 = arith.constant 0 : i32
      %sign3A_416 = arith.cmpi slt, %jit3A_403, %sign3A_415 : i32
      %sign3A_417 = arith.extui %sign3A_416 : i1 to i32
      %sign3A_418 = arith.subi %sign3A_414, %sign3A_417 : i32
      %ne3A_419 = arith.cmpi ne, %sign3A_411, %sign3A_418 : i32
      %rem3A_420 = arith.remsi %add3A_402, %jit3A_403 : i32
      %ne3A_421 = arith.constant 0 : i32
      %ne3A_422 = arith.cmpi ne, %rem3A_420, %ne3A_421 : i32
      %and3A_423 = arith.andi %ne3A_419, %ne3A_422 : i1
      %sub3A_424 = arith.constant 1 : i32
      %sub3A_425 = arith.subi %div3A_404, %sub3A_424 : i32
      %select_n3A_426 = arith.select %and3A_423, %sub3A_425, %div3A_404 : i32
      %mul3A_427 = arith.constant 128 : i32
      %mul3A_428 = arith.muli %select_n3A_426, %mul3A_427 : i32
      %sub3A_429 = arith.subi %add3A_402, %mul3A_428 : i32
      %dma_start3A_430 = arith.constant 0 : i32
      %dma_start3A_431 = arith.constant 0 : i32
      %dma_start3A_432 = arith.constant 0 : i32
      %dma_start3A_433 = tpu.memref_slice %arg8[%dma_start3A_430, %dma_start3A_431, %dma_start3A_432] : memref<8x8x133xf32, #tpu.memory_space<vmem>> -> memref<8x8x128xf32, #tpu.memory_space<vmem>>
      %dma_start3A_434 = arith.constant 0 : i32
      %dma_start3A_435 = arith.constant 0 : i32
      %dma_start3A_436 = arith.constant 0 : i32
      %dma_start3A_437 = tpu.memref_slice %arg4[%select_n3A_426, %dma_start3A_434, %sub3A_429, %dma_start3A_435, %dma_start3A_436] : memref<50x8x128x8x128xf32, #tpu.memory_space<hbm>> -> memref<1x8x1x8x128xf32, #tpu.memory_space<hbm>>
      %dma_start3A_438 = tpu.memref_squeeze %dma_start3A_437 : memref<1x8x1x8x128xf32, #tpu.memory_space<hbm>> -> memref<8x8x128xf32, #tpu.memory_space<hbm>>
      %dma_start3A_439 = arith.constant 0 : i32
      %dma_start3A_440 = arith.constant 0 : i32
      %dma_start3A_441 = arith.constant 0 : i32
      %dma_start3A_442 = tpu.memref_slice %arg4[%select_n3A_426, %dma_start3A_439, %sub3A_429, %dma_start3A_440, %dma_start3A_441] : memref<50x8x128x8x128xf32, #tpu.memory_space<hbm>> -> memref<1x8x1x8x128xf32, #tpu.memory_space<hbm>>
      %dma_start3A_443 = tpu.memref_squeeze %dma_start3A_442 : memref<1x8x1x8x128xf32, #tpu.memory_space<hbm>> -> memref<8x8x128xf32, #tpu.memory_space<hbm>>
      %dma_start3A_444 = arith.constant 0 : i32
      %dma_start3A_445 = arith.constant 0 : i32
      %dma_start3A_446 = arith.constant 0 : i32
      %dma_start3A_447 = tpu.memref_slice %arg8[%dma_start3A_444, %dma_start3A_445, %dma_start3A_446] : memref<8x8x133xf32, #tpu.memory_space<vmem>> -> memref<8x8x128xf32, #tpu.memory_space<vmem>>
      tpu.enqueue_dma source(%dma_start3A_447 : memref<8x8x128xf32, #tpu.memory_space<vmem>>) target(%dma_start3A_443 : memref<8x8x128xf32, #tpu.memory_space<hbm>>) target_semaphore(%arg12 : memref<!tpu.dma_semaphore, #tpu.memory_space<semaphore_mem>>)
      %not3A_448 = arith.constant true
      %not3A_449 = arith.xori %eq3A_214, %not3A_448 : i1
      %or3A_450 = arith.constant true
      %or3A_451 = arith.ori %not3A_449, %or3A_450 : i1
      %convert_element_type3A_452 = arith.extui %or3A_451 : i1 to i32
      %cond3A_453 = arith.constant 0 : i32
      %cond3A_454 = arith.cmpi ne, %convert_element_type3A_452, %cond3A_453 : i32
      scf.if %cond3A_454 {
        %dma_wait3A_946 = arith.constant 0 : i32
        %dma_wait3A_947 = arith.constant 0 : i32
        %dma_wait3A_948 = arith.constant 0 : i32
        %dma_wait3A_949 = arith.constant 0 : i32
        %dma_wait3A_950 = arith.constant 0 : i32
        %dma_wait3A_951 = tpu.memref_slice %arg9[%dma_wait3A_948, %dma_wait3A_949, %dma_wait3A_950] : memref<8x8x133xf32, #tpu.memory_space<vmem>> -> memref<8x8x128xf32, #tpu.memory_space<vmem>>
        %dma_wait3A_952 = arith.constant 0 : i32
        %dma_wait3A_953 = arith.constant 0 : i32
        %dma_wait3A_954 = arith.constant 0 : i32
        %dma_wait3A_955 = tpu.memref_slice %arg4[%dma_wait3A_946, %dma_wait3A_952, %dma_wait3A_947, %dma_wait3A_953, %dma_wait3A_954] : memref<50x8x128x8x128xf32, #tpu.memory_space<hbm>> -> memref<1x8x1x8x128xf32, #tpu.memory_space<hbm>>
        %dma_wait3A_956 = tpu.memref_squeeze %dma_wait3A_955 : memref<1x8x1x8x128xf32, #tpu.memory_space<hbm>> -> memref<8x8x128xf32, #tpu.memory_space<hbm>>
        %dma_wait3A_957 = arith.constant 0 : i32
        %dma_wait3A_958 = arith.constant 0 : i32
        %dma_wait3A_959 = arith.constant 0 : i32
        %dma_wait3A_960 = tpu.memref_slice %arg4[%dma_wait3A_946, %dma_wait3A_957, %dma_wait3A_947, %dma_wait3A_958, %dma_wait3A_959] : memref<50x8x128x8x128xf32, #tpu.memory_space<hbm>> -> memref<1x8x1x8x128xf32, #tpu.memory_space<hbm>>
        %dma_wait3A_961 = tpu.memref_squeeze %dma_wait3A_960 : memref<1x8x1x8x128xf32, #tpu.memory_space<hbm>> -> memref<8x8x128xf32, #tpu.memory_space<hbm>>
        %dma_wait3A_962 = arith.constant 0 : i32
        %dma_wait3A_963 = arith.constant 0 : i32
        %dma_wait3A_964 = arith.constant 0 : i32
        %dma_wait3A_965 = tpu.memref_slice %arg9[%dma_wait3A_962, %dma_wait3A_963, %dma_wait3A_964] : memref<8x8x133xf32, #tpu.memory_space<vmem>> -> memref<8x8x128xf32, #tpu.memory_space<vmem>>
        tpu.wait_dma2 semaphore(%arg13 : memref<!tpu.dma_semaphore, #tpu.memory_space<semaphore_mem>>) src(%dma_wait3A_965 : memref<8x8x128xf32, #tpu.memory_space<vmem>>) dst(%dma_wait3A_961 : memref<8x8x128xf32, #tpu.memory_space<hbm>>)
      } else {
      }
      %parallel_loop3A_455 = arith.constant 0 : i32
      %parallel_loop3A_456 = arith.constant 128 : i32
      %parallel_loop3A_457 = arith.constant 1 : i32
      scf.for %parallel_loop3A_946 = %parallel_loop3A_455 to %parallel_loop3A_456 step %parallel_loop3A_457  : i32 {
        %parallel_loop3A_947 = vector.broadcast %parallel_loop3A_946 : i32 to vector<16xi32>
        %parallel_loop3A_948 = arith.addi %broadcast_in_dim3A_49, %parallel_loop3A_947 : vector<16xi32>
        %parallel_loop3A_949 = arith.constant 384 : i32
        %parallel_loop3A_950 = arith.addi %parallel_loop3A_949, %parallel_loop3A_946 : i32
        %parallel_loop3A_951 = arith.index_cast %parallel_loop3A_950 : i32 to index
        %parallel_loop3A_952 = arith.constant 0 : index
        %parallel_loop3A_953 = tpu.vector_load %arg6[%parallel_loop3A_951, %parallel_loop3A_952] {strides = array<i32>} : memref<640x64xf32, #tpu.memory_space<vmem>>, vector<16xf32>,
        tpu.vector_store_idx %arg9[%shift_right_arithmetic3A_7, %and3A_30, %parallel_loop3A_948], %parallel_loop3A_953 : memref<8x8x133xf32, #tpu.memory_space<vmem>>[vector<16xi32>, vector<16xi32>, vector<16xi32>], vector<16xf32>,
        %parallel_loop3A_954 = arith.constant 384 : i32
        %parallel_loop3A_955 = arith.addi %parallel_loop3A_954, %parallel_loop3A_946 : i32
        %parallel_loop3A_956 = arith.index_cast %parallel_loop3A_955 : i32 to index
        %parallel_loop3A_957 = arith.constant 16 : index
        %parallel_loop3A_958 = tpu.vector_load %arg6[%parallel_loop3A_956, %parallel_loop3A_957] {strides = array<i32>} : memref<640x64xf32, #tpu.memory_space<vmem>>, vector<16xf32>,
        tpu.vector_store_idx %arg9[%shift_right_arithmetic3A_13, %and3A_36, %parallel_loop3A_948], %parallel_loop3A_958 : memref<8x8x133xf32, #tpu.memory_space<vmem>>[vector<16xi32>, vector<16xi32>, vector<16xi32>], vector<16xf32>,
        %parallel_loop3A_959 = arith.constant 384 : i32
        %parallel_loop3A_960 = arith.addi %parallel_loop3A_959, %parallel_loop3A_946 : i32
        %parallel_loop3A_961 = arith.index_cast %parallel_loop3A_960 : i32 to index
        %parallel_loop3A_962 = arith.constant 32 : index
        %parallel_loop3A_963 = tpu.vector_load %arg6[%parallel_loop3A_961, %parallel_loop3A_962] {strides = array<i32>} : memref<640x64xf32, #tpu.memory_space<vmem>>, vector<16xf32>,
        tpu.vector_store_idx %arg9[%shift_right_arithmetic3A_19, %and3A_42, %parallel_loop3A_948], %parallel_loop3A_963 : memref<8x8x133xf32, #tpu.memory_space<vmem>>[vector<16xi32>, vector<16xi32>, vector<16xi32>], vector<16xf32>,
        %parallel_loop3A_964 = arith.constant 384 : i32
        %parallel_loop3A_965 = arith.addi %parallel_loop3A_964, %parallel_loop3A_946 : i32
        %parallel_loop3A_966 = arith.index_cast %parallel_loop3A_965 : i32 to index
        %parallel_loop3A_967 = arith.constant 48 : index
        %parallel_loop3A_968 = tpu.vector_load %arg6[%parallel_loop3A_966, %parallel_loop3A_967] {strides = array<i32>} : memref<640x64xf32, #tpu.memory_space<vmem>>, vector<16xf32>,
        tpu.vector_store_idx %arg9[%shift_right_arithmetic3A_25, %and3A_48, %parallel_loop3A_948], %parallel_loop3A_968 : memref<8x8x133xf32, #tpu.memory_space<vmem>>[vector<16xi32>, vector<16xi32>, vector<16xi32>], vector<16xf32>,
      } {sc.loop_unroll_factor = 4 : i64, sc.parallel_access}
      %mul3A_458 = arith.constant 5 : i32
      %mul3A_459 = arith.muli %mul3A_213, %mul3A_458 : i32
      %add3A_460 = arith.addi %mul3A_2, %mul3A_459 : i32
      %add3A_461 = arith.constant 3 : i32
      %add3A_462 = arith.addi %add3A_460, %add3A_461 : i32
      %jit3A_463 = arith.constant 128 : i32
      %div3A_464 = arith.divsi %add3A_462, %jit3A_463 : i32
      %sign3A_465 = arith.constant 0 : i32
      %sign3A_466 = arith.cmpi sgt, %add3A_462, %sign3A_465 : i32
      %sign3A_467 = arith.extui %sign3A_466 : i1 to i32
      %sign3A_468 = arith.constant 0 : i32
      %sign3A_469 = arith.cmpi slt, %add3A_462, %sign3A_468 : i32
      %sign3A_470 = arith.extui %sign3A_469 : i1 to i32
      %sign3A_471 = arith.subi %sign3A_467, %sign3A_470 : i32
      %sign3A_472 = arith.constant 0 : i32
      %sign3A_473 = arith.cmpi sgt, %jit3A_463, %sign3A_472 : i32
      %sign3A_474 = arith.extui %sign3A_473 : i1 to i32
      %sign3A_475 = arith.constant 0 : i32
      %sign3A_476 = arith.cmpi slt, %jit3A_463, %sign3A_475 : i32
      %sign3A_477 = arith.extui %sign3A_476 : i1 to i32
      %sign3A_478 = arith.subi %sign3A_474, %sign3A_477 : i32
      %ne3A_479 = arith.cmpi ne, %sign3A_471, %sign3A_478 : i32
      %rem3A_480 = arith.remsi %add3A_462, %jit3A_463 : i32
      %ne3A_481 = arith.constant 0 : i32
      %ne3A_482 = arith.cmpi ne, %rem3A_480, %ne3A_481 : i32
      %and3A_483 = arith.andi %ne3A_479, %ne3A_482 : i1
      %sub3A_484 = arith.constant 1 : i32
      %sub3A_485 = arith.subi %div3A_464, %sub3A_484 : i32
      %select_n3A_486 = arith.select %and3A_483, %sub3A_485, %div3A_464 : i32
      %mul3A_487 = arith.constant 128 : i32
      %mul3A_488 = arith.muli %select_n3A_486, %mul3A_487 : i32
      %sub3A_489 = arith.subi %add3A_462, %mul3A_488 : i32
      %dma_start3A_490 = arith.constant 0 : i32
      %dma_start3A_491 = arith.constant 0 : i32
      %dma_start3A_492 = arith.constant 0 : i32
      %dma_start3A_493 = tpu.memref_slice %arg9[%dma_start3A_490, %dma_start3A_491, %dma_start3A_492] : memref<8x8x133xf32, #tpu.memory_space<vmem>> -> memref<8x8x128xf32, #tpu.memory_space<vmem>>
      %dma_start3A_494 = arith.constant 0 : i32
      %dma_start3A_495 = arith.constant 0 : i32
      %dma_start3A_496 = arith.constant 0 : i32
      %dma_start3A_497 = tpu.memref_slice %arg4[%select_n3A_486, %dma_start3A_494, %sub3A_489, %dma_start3A_495, %dma_start3A_496] : memref<50x8x128x8x128xf32, #tpu.memory_space<hbm>> -> memref<1x8x1x8x128xf32, #tpu.memory_space<hbm>>
      %dma_start3A_498 = tpu.memref_squeeze %dma_start3A_497 : memref<1x8x1x8x128xf32, #tpu.memory_space<hbm>> -> memref<8x8x128xf32, #tpu.memory_space<hbm>>
      %dma_start3A_499 = arith.constant 0 : i32
      %dma_start3A_500 = arith.constant 0 : i32
      %dma_start3A_501 = arith.constant 0 : i32
      %dma_start3A_502 = tpu.memref_slice %arg4[%select_n3A_486, %dma_start3A_499, %sub3A_489, %dma_start3A_500, %dma_start3A_501] : memref<50x8x128x8x128xf32, #tpu.memory_space<hbm>> -> memref<1x8x1x8x128xf32, #tpu.memory_space<hbm>>
      %dma_start3A_503 = tpu.memref_squeeze %dma_start3A_502 : memref<1x8x1x8x128xf32, #tpu.memory_space<hbm>> -> memref<8x8x128xf32, #tpu.memory_space<hbm>>
      %dma_start3A_504 = arith.constant 0 : i32
      %dma_start3A_505 = arith.constant 0 : i32
      %dma_start3A_506 = arith.constant 0 : i32
      %dma_start3A_507 = tpu.memref_slice %arg9[%dma_start3A_504, %dma_start3A_505, %dma_start3A_506] : memref<8x8x133xf32, #tpu.memory_space<vmem>> -> memref<8x8x128xf32, #tpu.memory_space<vmem>>
      tpu.enqueue_dma source(%dma_start3A_507 : memref<8x8x128xf32, #tpu.memory_space<vmem>>) target(%dma_start3A_503 : memref<8x8x128xf32, #tpu.memory_space<hbm>>) target_semaphore(%arg13 : memref<!tpu.dma_semaphore, #tpu.memory_space<semaphore_mem>>)
      %not3A_508 = arith.constant true
      %not3A_509 = arith.xori %eq3A_214, %not3A_508 : i1
      %or3A_510 = arith.constant true
      %or3A_511 = arith.ori %not3A_509, %or3A_510 : i1
      %convert_element_type3A_512 = arith.extui %or3A_511 : i1 to i32
      %cond3A_513 = arith.constant 0 : i32
      %cond3A_514 = arith.cmpi ne, %convert_element_type3A_512, %cond3A_513 : i32
      scf.if %cond3A_514 {
        %dma_wait3A_946 = arith.constant 0 : i32
        %dma_wait3A_947 = arith.constant 0 : i32
        %dma_wait3A_948 = arith.constant 0 : i32
        %dma_wait3A_949 = arith.constant 0 : i32
        %dma_wait3A_950 = arith.constant 0 : i32
        %dma_wait3A_951 = tpu.memref_slice %arg8[%dma_wait3A_948, %dma_wait3A_949, %dma_wait3A_950] : memref<8x8x133xf32, #tpu.memory_space<vmem>> -> memref<8x8x128xf32, #tpu.memory_space<vmem>>
        %dma_wait3A_952 = arith.constant 0 : i32
        %dma_wait3A_953 = arith.constant 0 : i32
        %dma_wait3A_954 = arith.constant 0 : i32
        %dma_wait3A_955 = tpu.memref_slice %arg4[%dma_wait3A_946, %dma_wait3A_952, %dma_wait3A_947, %dma_wait3A_953, %dma_wait3A_954] : memref<50x8x128x8x128xf32, #tpu.memory_space<hbm>> -> memref<1x8x1x8x128xf32, #tpu.memory_space<hbm>>
        %dma_wait3A_956 = tpu.memref_squeeze %dma_wait3A_955 : memref<1x8x1x8x128xf32, #tpu.memory_space<hbm>> -> memref<8x8x128xf32, #tpu.memory_space<hbm>>
        %dma_wait3A_957 = arith.constant 0 : i32
        %dma_wait3A_958 = arith.constant 0 : i32
        %dma_wait3A_959 = arith.constant 0 : i32
        %dma_wait3A_960 = tpu.memref_slice %arg4[%dma_wait3A_946, %dma_wait3A_957, %dma_wait3A_947, %dma_wait3A_958, %dma_wait3A_959] : memref<50x8x128x8x128xf32, #tpu.memory_space<hbm>> -> memref<1x8x1x8x128xf32, #tpu.memory_space<hbm>>
        %dma_wait3A_961 = tpu.memref_squeeze %dma_wait3A_960 : memref<1x8x1x8x128xf32, #tpu.memory_space<hbm>> -> memref<8x8x128xf32, #tpu.memory_space<hbm>>
        %dma_wait3A_962 = arith.constant 0 : i32
        %dma_wait3A_963 = arith.constant 0 : i32
        %dma_wait3A_964 = arith.constant 0 : i32
        %dma_wait3A_965 = tpu.memref_slice %arg8[%dma_wait3A_962, %dma_wait3A_963, %dma_wait3A_964] : memref<8x8x133xf32, #tpu.memory_space<vmem>> -> memref<8x8x128xf32, #tpu.memory_space<vmem>>
        tpu.wait_dma2 semaphore(%arg12 : memref<!tpu.dma_semaphore, #tpu.memory_space<semaphore_mem>>) src(%dma_wait3A_965 : memref<8x8x128xf32, #tpu.memory_space<vmem>>) dst(%dma_wait3A_961 : memref<8x8x128xf32, #tpu.memory_space<hbm>>)
      } else {
      }
      %parallel_loop3A_515 = arith.constant 0 : i32
      %parallel_loop3A_516 = arith.constant 128 : i32
      %parallel_loop3A_517 = arith.constant 1 : i32
      scf.for %parallel_loop3A_946 = %parallel_loop3A_515 to %parallel_loop3A_516 step %parallel_loop3A_517  : i32 {
        %parallel_loop3A_947 = vector.broadcast %parallel_loop3A_946 : i32 to vector<16xi32>
        %parallel_loop3A_948 = arith.addi %broadcast_in_dim3A_49, %parallel_loop3A_947 : vector<16xi32>
        %parallel_loop3A_949 = arith.constant 512 : i32
        %parallel_loop3A_950 = arith.addi %parallel_loop3A_949, %parallel_loop3A_946 : i32
        %parallel_loop3A_951 = arith.index_cast %parallel_loop3A_950 : i32 to index
        %parallel_loop3A_952 = arith.constant 0 : index
        %parallel_loop3A_953 = tpu.vector_load %arg6[%parallel_loop3A_951, %parallel_loop3A_952] {strides = array<i32>} : memref<640x64xf32, #tpu.memory_space<vmem>>, vector<16xf32>,
        tpu.vector_store_idx %arg8[%shift_right_arithmetic3A_7, %and3A_30, %parallel_loop3A_948], %parallel_loop3A_953 : memref<8x8x133xf32, #tpu.memory_space<vmem>>[vector<16xi32>, vector<16xi32>, vector<16xi32>], vector<16xf32>,
        %parallel_loop3A_954 = arith.constant 512 : i32
        %parallel_loop3A_955 = arith.addi %parallel_loop3A_954, %parallel_loop3A_946 : i32
        %parallel_loop3A_956 = arith.index_cast %parallel_loop3A_955 : i32 to index
        %parallel_loop3A_957 = arith.constant 16 : index
        %parallel_loop3A_958 = tpu.vector_load %arg6[%parallel_loop3A_956, %parallel_loop3A_957] {strides = array<i32>} : memref<640x64xf32, #tpu.memory_space<vmem>>, vector<16xf32>,
        tpu.vector_store_idx %arg8[%shift_right_arithmetic3A_13, %and3A_36, %parallel_loop3A_948], %parallel_loop3A_958 : memref<8x8x133xf32, #tpu.memory_space<vmem>>[vector<16xi32>, vector<16xi32>, vector<16xi32>], vector<16xf32>,
        %parallel_loop3A_959 = arith.constant 512 : i32
        %parallel_loop3A_960 = arith.addi %parallel_loop3A_959, %parallel_loop3A_946 : i32
        %parallel_loop3A_961 = arith.index_cast %parallel_loop3A_960 : i32 to index
        %parallel_loop3A_962 = arith.constant 32 : index
        %parallel_loop3A_963 = tpu.vector_load %arg6[%parallel_loop3A_961, %parallel_loop3A_962] {strides = array<i32>} : memref<640x64xf32, #tpu.memory_space<vmem>>, vector<16xf32>,
        tpu.vector_store_idx %arg8[%shift_right_arithmetic3A_19, %and3A_42, %parallel_loop3A_948], %parallel_loop3A_963 : memref<8x8x133xf32, #tpu.memory_space<vmem>>[vector<16xi32>, vector<16xi32>, vector<16xi32>], vector<16xf32>,
        %parallel_loop3A_964 = arith.constant 512 : i32
        %parallel_loop3A_965 = arith.addi %parallel_loop3A_964, %parallel_loop3A_946 : i32
        %parallel_loop3A_966 = arith.index_cast %parallel_loop3A_965 : i32 to index
        %parallel_loop3A_967 = arith.constant 48 : index
        %parallel_loop3A_968 = tpu.vector_load %arg6[%parallel_loop3A_966, %parallel_loop3A_967] {strides = array<i32>} : memref<640x64xf32, #tpu.memory_space<vmem>>, vector<16xf32>,
        tpu.vector_store_idx %arg8[%shift_right_arithmetic3A_25, %and3A_48, %parallel_loop3A_948], %parallel_loop3A_968 : memref<8x8x133xf32, #tpu.memory_space<vmem>>[vector<16xi32>, vector<16xi32>, vector<16xi32>], vector<16xf32>,
      } {sc.loop_unroll_factor = 4 : i64, sc.parallel_access}
      %mul3A_518 = arith.constant 5 : i32
      %mul3A_519 = arith.muli %mul3A_213, %mul3A_518 : i32
      %add3A_520 = arith.addi %mul3A_2, %mul3A_519 : i32
      %add3A_521 = arith.constant 4 : i32
      %add3A_522 = arith.addi %add3A_520, %add3A_521 : i32
      %jit3A_523 = arith.constant 128 : i32
      %div3A_524 = arith.divsi %add3A_522, %jit3A_523 : i32
      %sign3A_525 = arith.constant 0 : i32
      %sign3A_526 = arith.cmpi sgt, %add3A_522, %sign3A_525 : i32
      %sign3A_527 = arith.extui %sign3A_526 : i1 to i32
      %sign3A_528 = arith.constant 0 : i32
      %sign3A_529 = arith.cmpi slt, %add3A_522, %sign3A_528 : i32
      %sign3A_530 = arith.extui %sign3A_529 : i1 to i32
      %sign3A_531 = arith.subi %sign3A_527, %sign3A_530 : i32
      %sign3A_532 = arith.constant 0 : i32
      %sign3A_533 = arith.cmpi sgt, %jit3A_523, %sign3A_532 : i32
      %sign3A_534 = arith.extui %sign3A_533 : i1 to i32
      %sign3A_535 = arith.constant 0 : i32
      %sign3A_536 = arith.cmpi slt, %jit3A_523, %sign3A_535 : i32
      %sign3A_537 = arith.extui %sign3A_536 : i1 to i32
      %sign3A_538 = arith.subi %sign3A_534, %sign3A_537 : i32
      %ne3A_539 = arith.cmpi ne, %sign3A_531, %sign3A_538 : i32
      %rem3A_540 = arith.remsi %add3A_522, %jit3A_523 : i32
      %ne3A_541 = arith.constant 0 : i32
      %ne3A_542 = arith.cmpi ne, %rem3A_540, %ne3A_541 : i32
      %and3A_543 = arith.andi %ne3A_539, %ne3A_542 : i1
      %sub3A_544 = arith.constant 1 : i32
      %sub3A_545 = arith.subi %div3A_524, %sub3A_544 : i32
      %select_n3A_546 = arith.select %and3A_543, %sub3A_545, %div3A_524 : i32
      %mul3A_547 = arith.constant 128 : i32
      %mul3A_548 = arith.muli %select_n3A_546, %mul3A_547 : i32
      %sub3A_549 = arith.subi %add3A_522, %mul3A_548 : i32
      %dma_start3A_550 = arith.constant 0 : i32
      %dma_start3A_551 = arith.constant 0 : i32
      %dma_start3A_552 = arith.constant 0 : i32
      %dma_start3A_553 = tpu.memref_slice %arg8[%dma_start3A_550, %dma_start3A_551, %dma_start3A_552] : memref<8x8x133xf32, #tpu.memory_space<vmem>> -> memref<8x8x128xf32, #tpu.memory_space<vmem>>
      %dma_start3A_554 = arith.constant 0 : i32
      %dma_start3A_555 = arith.constant 0 : i32
      %dma_start3A_556 = arith.constant 0 : i32
      %dma_start3A_557 = tpu.memref_slice %arg4[%select_n3A_546, %dma_start3A_554, %sub3A_549, %dma_start3A_555, %dma_start3A_556] : memref<50x8x128x8x128xf32, #tpu.memory_space<hbm>> -> memref<1x8x1x8x128xf32, #tpu.memory_space<hbm>>
      %dma_start3A_558 = tpu.memref_squeeze %dma_start3A_557 : memref<1x8x1x8x128xf32, #tpu.memory_space<hbm>> -> memref<8x8x128xf32, #tpu.memory_space<hbm>>
      %dma_start3A_559 = arith.constant 0 : i32
      %dma_start3A_560 = arith.constant 0 : i32
      %dma_start3A_561 = arith.constant 0 : i32
      %dma_start3A_562 = tpu.memref_slice %arg4[%select_n3A_546, %dma_start3A_559, %sub3A_549, %dma_start3A_560, %dma_start3A_561] : memref<50x8x128x8x128xf32, #tpu.memory_space<hbm>> -> memref<1x8x1x8x128xf32, #tpu.memory_space<hbm>>
      %dma_start3A_563 = tpu.memref_squeeze %dma_start3A_562 : memref<1x8x1x8x128xf32, #tpu.memory_space<hbm>> -> memref<8x8x128xf32, #tpu.memory_space<hbm>>
      %dma_start3A_564 = arith.constant 0 : i32
      %dma_start3A_565 = arith.constant 0 : i32
      %dma_start3A_566 = arith.constant 0 : i32
      %dma_start3A_567 = tpu.memref_slice %arg8[%dma_start3A_564, %dma_start3A_565, %dma_start3A_566] : memref<8x8x133xf32, #tpu.memory_space<vmem>> -> memref<8x8x128xf32, #tpu.memory_space<vmem>>
      tpu.enqueue_dma source(%dma_start3A_567 : memref<8x8x128xf32, #tpu.memory_space<vmem>>) target(%dma_start3A_563 : memref<8x8x128xf32, #tpu.memory_space<hbm>>) target_semaphore(%arg12 : memref<!tpu.dma_semaphore, #tpu.memory_space<semaphore_mem>>)
      %lt3A = arith.constant 19 : i32
      %lt3A_568 = arith.cmpi slt, %scan3A_142, %lt3A : i32
      %convert_element_type3A_569 = arith.extui %lt3A_568 : i1 to i32
      %cond3A_570 = arith.constant 0 : i32
      %cond3A_571 = arith.cmpi ne, %convert_element_type3A_569, %cond3A_570 : i32
      scf.if %cond3A_571 {
        %mul3A_946 = arith.constant 2 : i32
        %mul3A_947 = arith.muli %mul3A_946, %scan3A_142 : i32
        %add3A_948 = arith.constant 2 : i32
        %add3A_949 = arith.addi %mul3A_947, %add3A_948 : i32
        %mul3A_950 = arith.constant 5 : i32
        %mul3A_951 = arith.muli %add3A_949, %mul3A_950 : i32
        %add3A_952 = arith.constant 0 : i32
        %add3A_953 = arith.addi %mul3A_951, %add3A_952 : i32
        %mul3A_954 = arith.constant 5 : i32
        %mul3A_955 = arith.muli %add3A_949, %mul3A_954 : i32
        %add3A_956 = arith.constant 1 : i32
        %add3A_957 = arith.addi %mul3A_955, %add3A_956 : i32
        %mul3A_958 = arith.constant 5 : i32
        %mul3A_959 = arith.muli %add3A_949, %mul3A_958 : i32
        %add3A_960 = arith.constant 2 : i32
        %add3A_961 = arith.addi %mul3A_959, %add3A_960 : i32
        %mul3A_962 = arith.constant 5 : i32
        %mul3A_963 = arith.muli %add3A_949, %mul3A_962 : i32
        %add3A_964 = arith.constant 3 : i32
        %add3A_965 = arith.addi %mul3A_963, %add3A_964 : i32
        %mul3A_966 = arith.constant 5 : i32
        %mul3A_967 = arith.muli %add3A_949, %mul3A_966 : i32
        %add3A_968 = arith.constant 4 : i32
        %add3A_969 = arith.addi %mul3A_967, %add3A_968 : i32
        %dma_start3A_970 = arith.constant 0 : i32
        %dma_start3A_971 = arith.constant 0 : i32
        %dma_start3A_972 = tpu.memref_slice %arg6[%dma_start3A_970, %dma_start3A_971] : memref<640x64xf32, #tpu.memory_space<vmem>> -> memref<128x64xf32, #tpu.memory_space<vmem>>
        %dma_start3A_973 = arith.constant 0 : i32
        %dma_start3A_974 = tpu.memref_slice %arg5[%add3A_953, %dma_start3A_973] : memref<200x128xi32, #tpu.memory_space<vmem>> -> memref<1x128xi32, #tpu.memory_space<vmem>>
        %dma_start3A_975 = tpu.memref_squeeze %dma_start3A_974 : memref<1x128xi32, #tpu.memory_space<vmem>> -> memref<128xi32, #tpu.memory_space<vmem>>
        %dma_start3A_976 = arith.constant 0 : i32
        %dma_start3A_977 = arith.constant 0 : i32
        %dma_start3A_978 = tpu.memref_slice %arg3[%dma_start3A_976, %dma_start3A_977] : memref<1000000x64xf32, #tpu.memory_space<hbm>> -> memref<1000000x64xf32, #tpu.memory_space<hbm>>
        tpu.enqueue_indirect_dma source(%dma_start3A_978 : memref<1000000x64xf32, #tpu.memory_space<hbm>>) target(%dma_start3A_972 : memref<128x64xf32, #tpu.memory_space<vmem>>) offsets(%dma_start3A_975 : memref<128xi32, #tpu.memory_space<vmem>>) semaphore(%arg10 : memref<!tpu.dma_semaphore, #tpu.memory_space<semaphore_mem>>)
        %dma_start3A_979 = arith.constant 128 : i32
        %dma_start3A_980 = arith.constant 0 : i32
        %dma_start3A_981 = tpu.memref_slice %arg6[%dma_start3A_979, %dma_start3A_980] : memref<640x64xf32, #tpu.memory_space<vmem>> -> memref<128x64xf32, #tpu.memory_space<vmem>>
        %dma_start3A_982 = arith.constant 0 : i32
        %dma_start3A_983 = tpu.memref_slice %arg5[%add3A_957, %dma_start3A_982] : memref<200x128xi32, #tpu.memory_space<vmem>> -> memref<1x128xi32, #tpu.memory_space<vmem>>
        %dma_start3A_984 = tpu.memref_squeeze %dma_start3A_983 : memref<1x128xi32, #tpu.memory_space<vmem>> -> memref<128xi32, #tpu.memory_space<vmem>>
        %dma_start3A_985 = arith.constant 0 : i32
        %dma_start3A_986 = arith.constant 0 : i32
        %dma_start3A_987 = tpu.memref_slice %arg3[%dma_start3A_985, %dma_start3A_986] : memref<1000000x64xf32, #tpu.memory_space<hbm>> -> memref<1000000x64xf32, #tpu.memory_space<hbm>>
        tpu.enqueue_indirect_dma source(%dma_start3A_987 : memref<1000000x64xf32, #tpu.memory_space<hbm>>) target(%dma_start3A_981 : memref<128x64xf32, #tpu.memory_space<vmem>>) offsets(%dma_start3A_984 : memref<128xi32, #tpu.memory_space<vmem>>) semaphore(%arg10 : memref<!tpu.dma_semaphore, #tpu.memory_space<semaphore_mem>>)
        %dma_start3A_988 = arith.constant 256 : i32
        %dma_start3A_989 = arith.constant 0 : i32
        %dma_start3A_990 = tpu.memref_slice %arg6[%dma_start3A_988, %dma_start3A_989] : memref<640x64xf32, #tpu.memory_space<vmem>> -> memref<128x64xf32, #tpu.memory_space<vmem>>
        %dma_start3A_991 = arith.constant 0 : i32
        %dma_start3A_992 = tpu.memref_slice %arg5[%add3A_961, %dma_start3A_991] : memref<200x128xi32, #tpu.memory_space<vmem>> -> memref<1x128xi32, #tpu.memory_space<vmem>>
        %dma_start3A_993 = tpu.memref_squeeze %dma_start3A_992 : memref<1x128xi32, #tpu.memory_space<vmem>> -> memref<128xi32, #tpu.memory_space<vmem>>
        %dma_start3A_994 = arith.constant 0 : i32
        %dma_start3A_995 = arith.constant 0 : i32
        %dma_start3A_996 = tpu.memref_slice %arg3[%dma_start3A_994, %dma_start3A_995] : memref<1000000x64xf32, #tpu.memory_space<hbm>> -> memref<1000000x64xf32, #tpu.memory_space<hbm>>
        tpu.enqueue_indirect_dma source(%dma_start3A_996 : memref<1000000x64xf32, #tpu.memory_space<hbm>>) target(%dma_start3A_990 : memref<128x64xf32, #tpu.memory_space<vmem>>) offsets(%dma_start3A_993 : memref<128xi32, #tpu.memory_space<vmem>>) semaphore(%arg10 : memref<!tpu.dma_semaphore, #tpu.memory_space<semaphore_mem>>)
        %dma_start3A_997 = arith.constant 384 : i32
        %dma_start3A_998 = arith.constant 0 : i32
        %dma_start3A_999 = tpu.memref_slice %arg6[%dma_start3A_997, %dma_start3A_998] : memref<640x64xf32, #tpu.memory_space<vmem>> -> memref<128x64xf32, #tpu.memory_space<vmem>>
        %dma_start3A_1000 = arith.constant 0 : i32
        %dma_start3A_1001 = tpu.memref_slice %arg5[%add3A_965, %dma_start3A_1000] : memref<200x128xi32, #tpu.memory_space<vmem>> -> memref<1x128xi32, #tpu.memory_space<vmem>>
        %dma_start3A_1002 = tpu.memref_squeeze %dma_start3A_1001 : memref<1x128xi32, #tpu.memory_space<vmem>> -> memref<128xi32, #tpu.memory_space<vmem>>
        %dma_start3A_1003 = arith.constant 0 : i32
        %dma_start3A_1004 = arith.constant 0 : i32
        %dma_start3A_1005 = tpu.memref_slice %arg3[%dma_start3A_1003, %dma_start3A_1004] : memref<1000000x64xf32, #tpu.memory_space<hbm>> -> memref<1000000x64xf32, #tpu.memory_space<hbm>>
        tpu.enqueue_indirect_dma source(%dma_start3A_1005 : memref<1000000x64xf32, #tpu.memory_space<hbm>>) target(%dma_start3A_999 : memref<128x64xf32, #tpu.memory_space<vmem>>) offsets(%dma_start3A_1002 : memref<128xi32, #tpu.memory_space<vmem>>) semaphore(%arg10 : memref<!tpu.dma_semaphore, #tpu.memory_space<semaphore_mem>>)
        %dma_start3A_1006 = arith.constant 512 : i32
        %dma_start3A_1007 = arith.constant 0 : i32
        %dma_start3A_1008 = tpu.memref_slice %arg6[%dma_start3A_1006, %dma_start3A_1007] : memref<640x64xf32, #tpu.memory_space<vmem>> -> memref<128x64xf32, #tpu.memory_space<vmem>>
        %dma_start3A_1009 = arith.constant 0 : i32
        %dma_start3A_1010 = tpu.memref_slice %arg5[%add3A_969, %dma_start3A_1009] : memref<200x128xi32, #tpu.memory_space<vmem>> -> memref<1x128xi32, #tpu.memory_space<vmem>>
        %dma_start3A_1011 = tpu.memref_squeeze %dma_start3A_1010 : memref<1x128xi32, #tpu.memory_space<vmem>> -> memref<128xi32, #tpu.memory_space<vmem>>
        %dma_start3A_1012 = arith.constant 0 : i32
        %dma_start3A_1013 = arith.constant 0 : i32
        %dma_start3A_1014 = tpu.memref_slice %arg3[%dma_start3A_1012, %dma_start3A_1013] : memref<1000000x64xf32, #tpu.memory_space<hbm>> -> memref<1000000x64xf32, #tpu.memory_space<hbm>>
        tpu.enqueue_indirect_dma source(%dma_start3A_1014 : memref<1000000x64xf32, #tpu.memory_space<hbm>>) target(%dma_start3A_1008 : memref<128x64xf32, #tpu.memory_space<vmem>>) offsets(%dma_start3A_1011 : memref<128xi32, #tpu.memory_space<vmem>>) semaphore(%arg10 : memref<!tpu.dma_semaphore, #tpu.memory_space<semaphore_mem>>)
      } else {
      }
      %mul3A_572 = arith.constant 2 : i32
      %mul3A_573 = arith.muli %mul3A_572, %scan3A_142 : i32
      %add3A_574 = arith.constant 1 : i32
      %add3A_575 = arith.addi %mul3A_573, %add3A_574 : i32
      %mul3A_576 = arith.constant 5 : i32
      %mul3A_577 = arith.muli %add3A_575, %mul3A_576 : i32
      %add3A_578 = arith.constant 0 : i32
      %add3A_579 = arith.addi %mul3A_577, %add3A_578 : i32
      %mul3A_580 = arith.constant 5 : i32
      %mul3A_581 = arith.muli %add3A_575, %mul3A_580 : i32
      %add3A_582 = arith.constant 1 : i32
      %add3A_583 = arith.addi %mul3A_581, %add3A_582 : i32
      %mul3A_584 = arith.constant 5 : i32
      %mul3A_585 = arith.muli %add3A_575, %mul3A_584 : i32
      %add3A_586 = arith.constant 2 : i32
      %add3A_587 = arith.addi %mul3A_585, %add3A_586 : i32
      %mul3A_588 = arith.constant 5 : i32
      %mul3A_589 = arith.muli %add3A_575, %mul3A_588 : i32
      %add3A_590 = arith.constant 3 : i32
      %add3A_591 = arith.addi %mul3A_589, %add3A_590 : i32
      %mul3A_592 = arith.constant 5 : i32
      %mul3A_593 = arith.muli %add3A_575, %mul3A_592 : i32
      %add3A_594 = arith.constant 4 : i32
      %add3A_595 = arith.addi %mul3A_593, %add3A_594 : i32
      %dma_wait3A_596 = arith.constant 0 : i32
      %dma_wait3A_597 = arith.constant 0 : i32
      %dma_wait3A_598 = tpu.memref_slice %arg7[%dma_wait3A_596, %dma_wait3A_597] : memref<640x64xf32, #tpu.memory_space<vmem>> -> memref<128x64xf32, #tpu.memory_space<vmem>>
      %dma_wait3A_599 = arith.constant 0 : i32
      %dma_wait3A_600 = tpu.memref_slice %arg5[%add3A_579, %dma_wait3A_599] : memref<200x128xi32, #tpu.memory_space<vmem>> -> memref<1x128xi32, #tpu.memory_space<vmem>>
      %dma_wait3A_601 = tpu.memref_squeeze %dma_wait3A_600 : memref<1x128xi32, #tpu.memory_space<vmem>> -> memref<128xi32, #tpu.memory_space<vmem>>
      %dma_wait3A_602 = arith.constant 0 : i32
      %dma_wait3A_603 = arith.constant 0 : i32
      %dma_wait3A_604 = tpu.memref_slice %arg3[%dma_wait3A_602, %dma_wait3A_603] : memref<1000000x64xf32, #tpu.memory_space<hbm>> -> memref<1000000x64xf32, #tpu.memory_space<hbm>>
      tpu.wait_indirect_dma semaphore(%arg11 : memref<!tpu.dma_semaphore, #tpu.memory_space<semaphore_mem>>) src(%dma_wait3A_604 : memref<1000000x64xf32, #tpu.memory_space<hbm>>) dst(%dma_wait3A_598 : memref<128x64xf32, #tpu.memory_space<vmem>>)
      %dma_wait3A_605 = arith.constant 128 : i32
      %dma_wait3A_606 = arith.constant 0 : i32
      %dma_wait3A_607 = tpu.memref_slice %arg7[%dma_wait3A_605, %dma_wait3A_606] : memref<640x64xf32, #tpu.memory_space<vmem>> -> memref<128x64xf32, #tpu.memory_space<vmem>>
      %dma_wait3A_608 = arith.constant 0 : i32
      %dma_wait3A_609 = tpu.memref_slice %arg5[%add3A_583, %dma_wait3A_608] : memref<200x128xi32, #tpu.memory_space<vmem>> -> memref<1x128xi32, #tpu.memory_space<vmem>>
      %dma_wait3A_610 = tpu.memref_squeeze %dma_wait3A_609 : memref<1x128xi32, #tpu.memory_space<vmem>> -> memref<128xi32, #tpu.memory_space<vmem>>
      %dma_wait3A_611 = arith.constant 0 : i32
      %dma_wait3A_612 = arith.constant 0 : i32
      %dma_wait3A_613 = tpu.memref_slice %arg3[%dma_wait3A_611, %dma_wait3A_612] : memref<1000000x64xf32, #tpu.memory_space<hbm>> -> memref<1000000x64xf32, #tpu.memory_space<hbm>>
      tpu.wait_indirect_dma semaphore(%arg11 : memref<!tpu.dma_semaphore, #tpu.memory_space<semaphore_mem>>) src(%dma_wait3A_613 : memref<1000000x64xf32, #tpu.memory_space<hbm>>) dst(%dma_wait3A_607 : memref<128x64xf32, #tpu.memory_space<vmem>>)
      %dma_wait3A_614 = arith.constant 256 : i32
      %dma_wait3A_615 = arith.constant 0 : i32
      %dma_wait3A_616 = tpu.memref_slice %arg7[%dma_wait3A_614, %dma_wait3A_615] : memref<640x64xf32, #tpu.memory_space<vmem>> -> memref<128x64xf32, #tpu.memory_space<vmem>>
      %dma_wait3A_617 = arith.constant 0 : i32
      %dma_wait3A_618 = tpu.memref_slice %arg5[%add3A_587, %dma_wait3A_617] : memref<200x128xi32, #tpu.memory_space<vmem>> -> memref<1x128xi32, #tpu.memory_space<vmem>>
      %dma_wait3A_619 = tpu.memref_squeeze %dma_wait3A_618 : memref<1x128xi32, #tpu.memory_space<vmem>> -> memref<128xi32, #tpu.memory_space<vmem>>
      %dma_wait3A_620 = arith.constant 0 : i32
      %dma_wait3A_621 = arith.constant 0 : i32
      %dma_wait3A_622 = tpu.memref_slice %arg3[%dma_wait3A_620, %dma_wait3A_621] : memref<1000000x64xf32, #tpu.memory_space<hbm>> -> memref<1000000x64xf32, #tpu.memory_space<hbm>>
      tpu.wait_indirect_dma semaphore(%arg11 : memref<!tpu.dma_semaphore, #tpu.memory_space<semaphore_mem>>) src(%dma_wait3A_622 : memref<1000000x64xf32, #tpu.memory_space<hbm>>) dst(%dma_wait3A_616 : memref<128x64xf32, #tpu.memory_space<vmem>>)
      %dma_wait3A_623 = arith.constant 384 : i32
      %dma_wait3A_624 = arith.constant 0 : i32
      %dma_wait3A_625 = tpu.memref_slice %arg7[%dma_wait3A_623, %dma_wait3A_624] : memref<640x64xf32, #tpu.memory_space<vmem>> -> memref<128x64xf32, #tpu.memory_space<vmem>>
      %dma_wait3A_626 = arith.constant 0 : i32
      %dma_wait3A_627 = tpu.memref_slice %arg5[%add3A_591, %dma_wait3A_626] : memref<200x128xi32, #tpu.memory_space<vmem>> -> memref<1x128xi32, #tpu.memory_space<vmem>>
      %dma_wait3A_628 = tpu.memref_squeeze %dma_wait3A_627 : memref<1x128xi32, #tpu.memory_space<vmem>> -> memref<128xi32, #tpu.memory_space<vmem>>
      %dma_wait3A_629 = arith.constant 0 : i32
      %dma_wait3A_630 = arith.constant 0 : i32
      %dma_wait3A_631 = tpu.memref_slice %arg3[%dma_wait3A_629, %dma_wait3A_630] : memref<1000000x64xf32, #tpu.memory_space<hbm>> -> memref<1000000x64xf32, #tpu.memory_space<hbm>>
      tpu.wait_indirect_dma semaphore(%arg11 : memref<!tpu.dma_semaphore, #tpu.memory_space<semaphore_mem>>) src(%dma_wait3A_631 : memref<1000000x64xf32, #tpu.memory_space<hbm>>) dst(%dma_wait3A_625 : memref<128x64xf32, #tpu.memory_space<vmem>>)
      %dma_wait3A_632 = arith.constant 512 : i32
      %dma_wait3A_633 = arith.constant 0 : i32
      %dma_wait3A_634 = tpu.memref_slice %arg7[%dma_wait3A_632, %dma_wait3A_633] : memref<640x64xf32, #tpu.memory_space<vmem>> -> memref<128x64xf32, #tpu.memory_space<vmem>>
      %dma_wait3A_635 = arith.constant 0 : i32
      %dma_wait3A_636 = tpu.memref_slice %arg5[%add3A_595, %dma_wait3A_635] : memref<200x128xi32, #tpu.memory_space<vmem>> -> memref<1x128xi32, #tpu.memory_space<vmem>>
      %dma_wait3A_637 = tpu.memref_squeeze %dma_wait3A_636 : memref<1x128xi32, #tpu.memory_space<vmem>> -> memref<128xi32, #tpu.memory_space<vmem>>
      %dma_wait3A_638 = arith.constant 0 : i32
      %dma_wait3A_639 = arith.constant 0 : i32
      %dma_wait3A_640 = tpu.memref_slice %arg3[%dma_wait3A_638, %dma_wait3A_639] : memref<1000000x64xf32, #tpu.memory_space<hbm>> -> memref<1000000x64xf32, #tpu.memory_space<hbm>>
      tpu.wait_indirect_dma semaphore(%arg11 : memref<!tpu.dma_semaphore, #tpu.memory_space<semaphore_mem>>) src(%dma_wait3A_640 : memref<1000000x64xf32, #tpu.memory_space<hbm>>) dst(%dma_wait3A_634 : memref<128x64xf32, #tpu.memory_space<vmem>>)
      %not3A_641 = arith.constant false
      %not3A_642 = arith.constant true
      %not3A_643 = arith.xori %not3A_641, %not3A_642 : i1
      %or3A_644 = arith.constant false
      %or3A_645 = arith.ori %not3A_643, %or3A_644 : i1
      %convert_element_type3A_646 = arith.extui %or3A_645 : i1 to i32
      %cond3A_647 = arith.constant 0 : i32
      %cond3A_648 = arith.cmpi ne, %convert_element_type3A_646, %cond3A_647 : i32
      scf.if %cond3A_648 {
        %dma_wait3A_946 = arith.constant 0 : i32
        %dma_wait3A_947 = arith.constant 0 : i32
        %dma_wait3A_948 = arith.constant 0 : i32
        %dma_wait3A_949 = arith.constant 0 : i32
        %dma_wait3A_950 = arith.constant 0 : i32
        %dma_wait3A_951 = tpu.memref_slice %arg8[%dma_wait3A_948, %dma_wait3A_949, %dma_wait3A_950] : memref<8x8x133xf32, #tpu.memory_space<vmem>> -> memref<8x8x128xf32, #tpu.memory_space<vmem>>
        %dma_wait3A_952 = arith.constant 0 : i32
        %dma_wait3A_953 = arith.constant 0 : i32
        %dma_wait3A_954 = arith.constant 0 : i32
        %dma_wait3A_955 = tpu.memref_slice %arg4[%dma_wait3A_946, %dma_wait3A_952, %dma_wait3A_947, %dma_wait3A_953, %dma_wait3A_954] : memref<50x8x128x8x128xf32, #tpu.memory_space<hbm>> -> memref<1x8x1x8x128xf32, #tpu.memory_space<hbm>>
        %dma_wait3A_956 = tpu.memref_squeeze %dma_wait3A_955 : memref<1x8x1x8x128xf32, #tpu.memory_space<hbm>> -> memref<8x8x128xf32, #tpu.memory_space<hbm>>
        %dma_wait3A_957 = arith.constant 0 : i32
        %dma_wait3A_958 = arith.constant 0 : i32
        %dma_wait3A_959 = arith.constant 0 : i32
        %dma_wait3A_960 = tpu.memref_slice %arg4[%dma_wait3A_946, %dma_wait3A_957, %dma_wait3A_947, %dma_wait3A_958, %dma_wait3A_959] : memref<50x8x128x8x128xf32, #tpu.memory_space<hbm>> -> memref<1x8x1x8x128xf32, #tpu.memory_space<hbm>>
        %dma_wait3A_961 = tpu.memref_squeeze %dma_wait3A_960 : memref<1x8x1x8x128xf32, #tpu.memory_space<hbm>> -> memref<8x8x128xf32, #tpu.memory_space<hbm>>
        %dma_wait3A_962 = arith.constant 0 : i32
        %dma_wait3A_963 = arith.constant 0 : i32
        %dma_wait3A_964 = arith.constant 0 : i32
        %dma_wait3A_965 = tpu.memref_slice %arg8[%dma_wait3A_962, %dma_wait3A_963, %dma_wait3A_964] : memref<8x8x133xf32, #tpu.memory_space<vmem>> -> memref<8x8x128xf32, #tpu.memory_space<vmem>>
        tpu.wait_dma2 semaphore(%arg12 : memref<!tpu.dma_semaphore, #tpu.memory_space<semaphore_mem>>) src(%dma_wait3A_965 : memref<8x8x128xf32, #tpu.memory_space<vmem>>) dst(%dma_wait3A_961 : memref<8x8x128xf32, #tpu.memory_space<hbm>>)
      } else {
      }
      %parallel_loop3A_649 = arith.constant 0 : i32
      %parallel_loop3A_650 = arith.constant 128 : i32
      %parallel_loop3A_651 = arith.constant 1 : i32
      scf.for %parallel_loop3A_946 = %parallel_loop3A_649 to %parallel_loop3A_650 step %parallel_loop3A_651  : i32 {
        %parallel_loop3A_947 = vector.broadcast %parallel_loop3A_946 : i32 to vector<16xi32>
        %parallel_loop3A_948 = arith.addi %broadcast_in_dim3A_49, %parallel_loop3A_947 : vector<16xi32>
        %parallel_loop3A_949 = arith.constant 0 : i32
        %parallel_loop3A_950 = arith.addi %parallel_loop3A_949, %parallel_loop3A_946 : i32
        %parallel_loop3A_951 = arith.index_cast %parallel_loop3A_950 : i32 to index
        %parallel_loop3A_952 = arith.constant 0 : index
        %parallel_loop3A_953 = tpu.vector_load %arg7[%parallel_loop3A_951, %parallel_loop3A_952] {strides = array<i32>} : memref<640x64xf32, #tpu.memory_space<vmem>>, vector<16xf32>,
        tpu.vector_store_idx %arg8[%shift_right_arithmetic3A_7, %and3A_30, %parallel_loop3A_948], %parallel_loop3A_953 : memref<8x8x133xf32, #tpu.memory_space<vmem>>[vector<16xi32>, vector<16xi32>, vector<16xi32>], vector<16xf32>,
        %parallel_loop3A_954 = arith.constant 0 : i32
        %parallel_loop3A_955 = arith.addi %parallel_loop3A_954, %parallel_loop3A_946 : i32
        %parallel_loop3A_956 = arith.index_cast %parallel_loop3A_955 : i32 to index
        %parallel_loop3A_957 = arith.constant 16 : index
        %parallel_loop3A_958 = tpu.vector_load %arg7[%parallel_loop3A_956, %parallel_loop3A_957] {strides = array<i32>} : memref<640x64xf32, #tpu.memory_space<vmem>>, vector<16xf32>,
        tpu.vector_store_idx %arg8[%shift_right_arithmetic3A_13, %and3A_36, %parallel_loop3A_948], %parallel_loop3A_958 : memref<8x8x133xf32, #tpu.memory_space<vmem>>[vector<16xi32>, vector<16xi32>, vector<16xi32>], vector<16xf32>,
        %parallel_loop3A_959 = arith.constant 0 : i32
        %parallel_loop3A_960 = arith.addi %parallel_loop3A_959, %parallel_loop3A_946 : i32
        %parallel_loop3A_961 = arith.index_cast %parallel_loop3A_960 : i32 to index
        %parallel_loop3A_962 = arith.constant 32 : index
        %parallel_loop3A_963 = tpu.vector_load %arg7[%parallel_loop3A_961, %parallel_loop3A_962] {strides = array<i32>} : memref<640x64xf32, #tpu.memory_space<vmem>>, vector<16xf32>,
        tpu.vector_store_idx %arg8[%shift_right_arithmetic3A_19, %and3A_42, %parallel_loop3A_948], %parallel_loop3A_963 : memref<8x8x133xf32, #tpu.memory_space<vmem>>[vector<16xi32>, vector<16xi32>, vector<16xi32>], vector<16xf32>,
        %parallel_loop3A_964 = arith.constant 0 : i32
        %parallel_loop3A_965 = arith.addi %parallel_loop3A_964, %parallel_loop3A_946 : i32
        %parallel_loop3A_966 = arith.index_cast %parallel_loop3A_965 : i32 to index
        %parallel_loop3A_967 = arith.constant 48 : index
        %parallel_loop3A_968 = tpu.vector_load %arg7[%parallel_loop3A_966, %parallel_loop3A_967] {strides = array<i32>} : memref<640x64xf32, #tpu.memory_space<vmem>>, vector<16xf32>,
        tpu.vector_store_idx %arg8[%shift_right_arithmetic3A_25, %and3A_48, %parallel_loop3A_948], %parallel_loop3A_968 : memref<8x8x133xf32, #tpu.memory_space<vmem>>[vector<16xi32>, vector<16xi32>, vector<16xi32>], vector<16xf32>,
      } {sc.loop_unroll_factor = 4 : i64, sc.parallel_access}
      %mul3A_652 = arith.constant 5 : i32
      %mul3A_653 = arith.muli %add3A_575, %mul3A_652 : i32
      %add3A_654 = arith.addi %mul3A_2, %mul3A_653 : i32
      %add3A_655 = arith.constant 0 : i32
      %add3A_656 = arith.addi %add3A_654, %add3A_655 : i32
      %jit3A_657 = arith.constant 128 : i32
      %div3A_658 = arith.divsi %add3A_656, %jit3A_657 : i32
      %sign3A_659 = arith.constant 0 : i32
      %sign3A_660 = arith.cmpi sgt, %add3A_656, %sign3A_659 : i32
      %sign3A_661 = arith.extui %sign3A_660 : i1 to i32
      %sign3A_662 = arith.constant 0 : i32
      %sign3A_663 = arith.cmpi slt, %add3A_656, %sign3A_662 : i32
      %sign3A_664 = arith.extui %sign3A_663 : i1 to i32
      %sign3A_665 = arith.subi %sign3A_661, %sign3A_664 : i32
      %sign3A_666 = arith.constant 0 : i32
      %sign3A_667 = arith.cmpi sgt, %jit3A_657, %sign3A_666 : i32
      %sign3A_668 = arith.extui %sign3A_667 : i1 to i32
      %sign3A_669 = arith.constant 0 : i32
      %sign3A_670 = arith.cmpi slt, %jit3A_657, %sign3A_669 : i32
      %sign3A_671 = arith.extui %sign3A_670 : i1 to i32
      %sign3A_672 = arith.subi %sign3A_668, %sign3A_671 : i32
      %ne3A_673 = arith.cmpi ne, %sign3A_665, %sign3A_672 : i32
      %rem3A_674 = arith.remsi %add3A_656, %jit3A_657 : i32
      %ne3A_675 = arith.constant 0 : i32
      %ne3A_676 = arith.cmpi ne, %rem3A_674, %ne3A_675 : i32
      %and3A_677 = arith.andi %ne3A_673, %ne3A_676 : i1
      %sub3A_678 = arith.constant 1 : i32
      %sub3A_679 = arith.subi %div3A_658, %sub3A_678 : i32
      %select_n3A_680 = arith.select %and3A_677, %sub3A_679, %div3A_658 : i32
      %mul3A_681 = arith.constant 128 : i32
      %mul3A_682 = arith.muli %select_n3A_680, %mul3A_681 : i32
      %sub3A_683 = arith.subi %add3A_656, %mul3A_682 : i32
      %dma_start3A_684 = arith.constant 0 : i32
      %dma_start3A_685 = arith.constant 0 : i32
      %dma_start3A_686 = arith.constant 0 : i32
      %dma_start3A_687 = tpu.memref_slice %arg8[%dma_start3A_684, %dma_start3A_685, %dma_start3A_686] : memref<8x8x133xf32, #tpu.memory_space<vmem>> -> memref<8x8x128xf32, #tpu.memory_space<vmem>>
      %dma_start3A_688 = arith.constant 0 : i32
      %dma_start3A_689 = arith.constant 0 : i32
      %dma_start3A_690 = arith.constant 0 : i32
      %dma_start3A_691 = tpu.memref_slice %arg4[%select_n3A_680, %dma_start3A_688, %sub3A_683, %dma_start3A_689, %dma_start3A_690] : memref<50x8x128x8x128xf32, #tpu.memory_space<hbm>> -> memref<1x8x1x8x128xf32, #tpu.memory_space<hbm>>
      %dma_start3A_692 = tpu.memref_squeeze %dma_start3A_691 : memref<1x8x1x8x128xf32, #tpu.memory_space<hbm>> -> memref<8x8x128xf32, #tpu.memory_space<hbm>>
      %dma_start3A_693 = arith.constant 0 : i32
      %dma_start3A_694 = arith.constant 0 : i32
      %dma_start3A_695 = arith.constant 0 : i32
      %dma_start3A_696 = tpu.memref_slice %arg4[%select_n3A_680, %dma_start3A_693, %sub3A_683, %dma_start3A_694, %dma_start3A_695] : memref<50x8x128x8x128xf32, #tpu.memory_space<hbm>> -> memref<1x8x1x8x128xf32, #tpu.memory_space<hbm>>
      %dma_start3A_697 = tpu.memref_squeeze %dma_start3A_696 : memref<1x8x1x8x128xf32, #tpu.memory_space<hbm>> -> memref<8x8x128xf32, #tpu.memory_space<hbm>>
      %dma_start3A_698 = arith.constant 0 : i32
      %dma_start3A_699 = arith.constant 0 : i32
      %dma_start3A_700 = arith.constant 0 : i32
      %dma_start3A_701 = tpu.memref_slice %arg8[%dma_start3A_698, %dma_start3A_699, %dma_start3A_700] : memref<8x8x133xf32, #tpu.memory_space<vmem>> -> memref<8x8x128xf32, #tpu.memory_space<vmem>>
      tpu.enqueue_dma source(%dma_start3A_701 : memref<8x8x128xf32, #tpu.memory_space<vmem>>) target(%dma_start3A_697 : memref<8x8x128xf32, #tpu.memory_space<hbm>>) target_semaphore(%arg12 : memref<!tpu.dma_semaphore, #tpu.memory_space<semaphore_mem>>)
      %not3A_702 = arith.constant false
      %not3A_703 = arith.constant true
      %not3A_704 = arith.xori %not3A_702, %not3A_703 : i1
      %or3A_705 = arith.constant false
      %or3A_706 = arith.ori %not3A_704, %or3A_705 : i1
      %convert_element_type3A_707 = arith.extui %or3A_706 : i1 to i32
      %cond3A_708 = arith.constant 0 : i32
      %cond3A_709 = arith.cmpi ne, %convert_element_type3A_707, %cond3A_708 : i32
      scf.if %cond3A_709 {
        %dma_wait3A_946 = arith.constant 0 : i32
        %dma_wait3A_947 = arith.constant 0 : i32
        %dma_wait3A_948 = arith.constant 0 : i32
        %dma_wait3A_949 = arith.constant 0 : i32
        %dma_wait3A_950 = arith.constant 0 : i32
        %dma_wait3A_951 = tpu.memref_slice %arg9[%dma_wait3A_948, %dma_wait3A_949, %dma_wait3A_950] : memref<8x8x133xf32, #tpu.memory_space<vmem>> -> memref<8x8x128xf32, #tpu.memory_space<vmem>>
        %dma_wait3A_952 = arith.constant 0 : i32
        %dma_wait3A_953 = arith.constant 0 : i32
        %dma_wait3A_954 = arith.constant 0 : i32
        %dma_wait3A_955 = tpu.memref_slice %arg4[%dma_wait3A_946, %dma_wait3A_952, %dma_wait3A_947, %dma_wait3A_953, %dma_wait3A_954] : memref<50x8x128x8x128xf32, #tpu.memory_space<hbm>> -> memref<1x8x1x8x128xf32, #tpu.memory_space<hbm>>
        %dma_wait3A_956 = tpu.memref_squeeze %dma_wait3A_955 : memref<1x8x1x8x128xf32, #tpu.memory_space<hbm>> -> memref<8x8x128xf32, #tpu.memory_space<hbm>>
        %dma_wait3A_957 = arith.constant 0 : i32
        %dma_wait3A_958 = arith.constant 0 : i32
        %dma_wait3A_959 = arith.constant 0 : i32
        %dma_wait3A_960 = tpu.memref_slice %arg4[%dma_wait3A_946, %dma_wait3A_957, %dma_wait3A_947, %dma_wait3A_958, %dma_wait3A_959] : memref<50x8x128x8x128xf32, #tpu.memory_space<hbm>> -> memref<1x8x1x8x128xf32, #tpu.memory_space<hbm>>
        %dma_wait3A_961 = tpu.memref_squeeze %dma_wait3A_960 : memref<1x8x1x8x128xf32, #tpu.memory_space<hbm>> -> memref<8x8x128xf32, #tpu.memory_space<hbm>>
        %dma_wait3A_962 = arith.constant 0 : i32
        %dma_wait3A_963 = arith.constant 0 : i32
        %dma_wait3A_964 = arith.constant 0 : i32
        %dma_wait3A_965 = tpu.memref_slice %arg9[%dma_wait3A_962, %dma_wait3A_963, %dma_wait3A_964] : memref<8x8x133xf32, #tpu.memory_space<vmem>> -> memref<8x8x128xf32, #tpu.memory_space<vmem>>
        tpu.wait_dma2 semaphore(%arg13 : memref<!tpu.dma_semaphore, #tpu.memory_space<semaphore_mem>>) src(%dma_wait3A_965 : memref<8x8x128xf32, #tpu.memory_space<vmem>>) dst(%dma_wait3A_961 : memref<8x8x128xf32, #tpu.memory_space<hbm>>)
      } else {
      }
      %parallel_loop3A_710 = arith.constant 0 : i32
      %parallel_loop3A_711 = arith.constant 128 : i32
      %parallel_loop3A_712 = arith.constant 1 : i32
      scf.for %parallel_loop3A_946 = %parallel_loop3A_710 to %parallel_loop3A_711 step %parallel_loop3A_712  : i32 {
        %parallel_loop3A_947 = vector.broadcast %parallel_loop3A_946 : i32 to vector<16xi32>
        %parallel_loop3A_948 = arith.addi %broadcast_in_dim3A_49, %parallel_loop3A_947 : vector<16xi32>
        %parallel_loop3A_949 = arith.constant 128 : i32
        %parallel_loop3A_950 = arith.addi %parallel_loop3A_949, %parallel_loop3A_946 : i32
        %parallel_loop3A_951 = arith.index_cast %parallel_loop3A_950 : i32 to index
        %parallel_loop3A_952 = arith.constant 0 : index
        %parallel_loop3A_953 = tpu.vector_load %arg7[%parallel_loop3A_951, %parallel_loop3A_952] {strides = array<i32>} : memref<640x64xf32, #tpu.memory_space<vmem>>, vector<16xf32>,
        tpu.vector_store_idx %arg9[%shift_right_arithmetic3A_7, %and3A_30, %parallel_loop3A_948], %parallel_loop3A_953 : memref<8x8x133xf32, #tpu.memory_space<vmem>>[vector<16xi32>, vector<16xi32>, vector<16xi32>], vector<16xf32>,
        %parallel_loop3A_954 = arith.constant 128 : i32
        %parallel_loop3A_955 = arith.addi %parallel_loop3A_954, %parallel_loop3A_946 : i32
        %parallel_loop3A_956 = arith.index_cast %parallel_loop3A_955 : i32 to index
        %parallel_loop3A_957 = arith.constant 16 : index
        %parallel_loop3A_958 = tpu.vector_load %arg7[%parallel_loop3A_956, %parallel_loop3A_957] {strides = array<i32>} : memref<640x64xf32, #tpu.memory_space<vmem>>, vector<16xf32>,
        tpu.vector_store_idx %arg9[%shift_right_arithmetic3A_13, %and3A_36, %parallel_loop3A_948], %parallel_loop3A_958 : memref<8x8x133xf32, #tpu.memory_space<vmem>>[vector<16xi32>, vector<16xi32>, vector<16xi32>], vector<16xf32>,
        %parallel_loop3A_959 = arith.constant 128 : i32
        %parallel_loop3A_960 = arith.addi %parallel_loop3A_959, %parallel_loop3A_946 : i32
        %parallel_loop3A_961 = arith.index_cast %parallel_loop3A_960 : i32 to index
        %parallel_loop3A_962 = arith.constant 32 : index
        %parallel_loop3A_963 = tpu.vector_load %arg7[%parallel_loop3A_961, %parallel_loop3A_962] {strides = array<i32>} : memref<640x64xf32, #tpu.memory_space<vmem>>, vector<16xf32>,
        tpu.vector_store_idx %arg9[%shift_right_arithmetic3A_19, %and3A_42, %parallel_loop3A_948], %parallel_loop3A_963 : memref<8x8x133xf32, #tpu.memory_space<vmem>>[vector<16xi32>, vector<16xi32>, vector<16xi32>], vector<16xf32>,
        %parallel_loop3A_964 = arith.constant 128 : i32
        %parallel_loop3A_965 = arith.addi %parallel_loop3A_964, %parallel_loop3A_946 : i32
        %parallel_loop3A_966 = arith.index_cast %parallel_loop3A_965 : i32 to index
        %parallel_loop3A_967 = arith.constant 48 : index
        %parallel_loop3A_968 = tpu.vector_load %arg7[%parallel_loop3A_966, %parallel_loop3A_967] {strides = array<i32>} : memref<640x64xf32, #tpu.memory_space<vmem>>, vector<16xf32>,
        tpu.vector_store_idx %arg9[%shift_right_arithmetic3A_25, %and3A_48, %parallel_loop3A_948], %parallel_loop3A_968 : memref<8x8x133xf32, #tpu.memory_space<vmem>>[vector<16xi32>, vector<16xi32>, vector<16xi32>], vector<16xf32>,
      } {sc.loop_unroll_factor = 4 : i64, sc.parallel_access}
      %mul3A_713 = arith.constant 5 : i32
      %mul3A_714 = arith.muli %add3A_575, %mul3A_713 : i32
      %add3A_715 = arith.addi %mul3A_2, %mul3A_714 : i32
      %add3A_716 = arith.constant 1 : i32
      %add3A_717 = arith.addi %add3A_715, %add3A_716 : i32
      %jit3A_718 = arith.constant 128 : i32
      %div3A_719 = arith.divsi %add3A_717, %jit3A_718 : i32
      %sign3A_720 = arith.constant 0 : i32
      %sign3A_721 = arith.cmpi sgt, %add3A_717, %sign3A_720 : i32
      %sign3A_722 = arith.extui %sign3A_721 : i1 to i32
      %sign3A_723 = arith.constant 0 : i32
      %sign3A_724 = arith.cmpi slt, %add3A_717, %sign3A_723 : i32
      %sign3A_725 = arith.extui %sign3A_724 : i1 to i32
      %sign3A_726 = arith.subi %sign3A_722, %sign3A_725 : i32
      %sign3A_727 = arith.constant 0 : i32
      %sign3A_728 = arith.cmpi sgt, %jit3A_718, %sign3A_727 : i32
      %sign3A_729 = arith.extui %sign3A_728 : i1 to i32
      %sign3A_730 = arith.constant 0 : i32
      %sign3A_731 = arith.cmpi slt, %jit3A_718, %sign3A_730 : i32
      %sign3A_732 = arith.extui %sign3A_731 : i1 to i32
      %sign3A_733 = arith.subi %sign3A_729, %sign3A_732 : i32
      %ne3A_734 = arith.cmpi ne, %sign3A_726, %sign3A_733 : i32
      %rem3A_735 = arith.remsi %add3A_717, %jit3A_718 : i32
      %ne3A_736 = arith.constant 0 : i32
      %ne3A_737 = arith.cmpi ne, %rem3A_735, %ne3A_736 : i32
      %and3A_738 = arith.andi %ne3A_734, %ne3A_737 : i1
      %sub3A_739 = arith.constant 1 : i32
      %sub3A_740 = arith.subi %div3A_719, %sub3A_739 : i32
      %select_n3A_741 = arith.select %and3A_738, %sub3A_740, %div3A_719 : i32
      %mul3A_742 = arith.constant 128 : i32
      %mul3A_743 = arith.muli %select_n3A_741, %mul3A_742 : i32
      %sub3A_744 = arith.subi %add3A_717, %mul3A_743 : i32
      %dma_start3A_745 = arith.constant 0 : i32
      %dma_start3A_746 = arith.constant 0 : i32
      %dma_start3A_747 = arith.constant 0 : i32
      %dma_start3A_748 = tpu.memref_slice %arg9[%dma_start3A_745, %dma_start3A_746, %dma_start3A_747] : memref<8x8x133xf32, #tpu.memory_space<vmem>> -> memref<8x8x128xf32, #tpu.memory_space<vmem>>
      %dma_start3A_749 = arith.constant 0 : i32
      %dma_start3A_750 = arith.constant 0 : i32
      %dma_start3A_751 = arith.constant 0 : i32
      %dma_start3A_752 = tpu.memref_slice %arg4[%select_n3A_741, %dma_start3A_749, %sub3A_744, %dma_start3A_750, %dma_start3A_751] : memref<50x8x128x8x128xf32, #tpu.memory_space<hbm>> -> memref<1x8x1x8x128xf32, #tpu.memory_space<hbm>>
      %dma_start3A_753 = tpu.memref_squeeze %dma_start3A_752 : memref<1x8x1x8x128xf32, #tpu.memory_space<hbm>> -> memref<8x8x128xf32, #tpu.memory_space<hbm>>
      %dma_start3A_754 = arith.constant 0 : i32
      %dma_start3A_755 = arith.constant 0 : i32
      %dma_start3A_756 = arith.constant 0 : i32
      %dma_start3A_757 = tpu.memref_slice %arg4[%select_n3A_741, %dma_start3A_754, %sub3A_744, %dma_start3A_755, %dma_start3A_756] : memref<50x8x128x8x128xf32, #tpu.memory_space<hbm>> -> memref<1x8x1x8x128xf32, #tpu.memory_space<hbm>>
      %dma_start3A_758 = tpu.memref_squeeze %dma_start3A_757 : memref<1x8x1x8x128xf32, #tpu.memory_space<hbm>> -> memref<8x8x128xf32, #tpu.memory_space<hbm>>
      %dma_start3A_759 = arith.constant 0 : i32
      %dma_start3A_760 = arith.constant 0 : i32
      %dma_start3A_761 = arith.constant 0 : i32
      %dma_start3A_762 = tpu.memref_slice %arg9[%dma_start3A_759, %dma_start3A_760, %dma_start3A_761] : memref<8x8x133xf32, #tpu.memory_space<vmem>> -> memref<8x8x128xf32, #tpu.memory_space<vmem>>
      tpu.enqueue_dma source(%dma_start3A_762 : memref<8x8x128xf32, #tpu.memory_space<vmem>>) target(%dma_start3A_758 : memref<8x8x128xf32, #tpu.memory_space<hbm>>) target_semaphore(%arg13 : memref<!tpu.dma_semaphore, #tpu.memory_space<semaphore_mem>>)
      %not3A_763 = arith.constant false
      %not3A_764 = arith.constant true
      %not3A_765 = arith.xori %not3A_763, %not3A_764 : i1
      %or3A_766 = arith.constant true
      %or3A_767 = arith.ori %not3A_765, %or3A_766 : i1
      %convert_element_type3A_768 = arith.extui %or3A_767 : i1 to i32
      %cond3A_769 = arith.constant 0 : i32
      %cond3A_770 = arith.cmpi ne, %convert_element_type3A_768, %cond3A_769 : i32
      scf.if %cond3A_770 {
        %dma_wait3A_946 = arith.constant 0 : i32
        %dma_wait3A_947 = arith.constant 0 : i32
        %dma_wait3A_948 = arith.constant 0 : i32
        %dma_wait3A_949 = arith.constant 0 : i32
        %dma_wait3A_950 = arith.constant 0 : i32
        %dma_wait3A_951 = tpu.memref_slice %arg8[%dma_wait3A_948, %dma_wait3A_949, %dma_wait3A_950] : memref<8x8x133xf32, #tpu.memory_space<vmem>> -> memref<8x8x128xf32, #tpu.memory_space<vmem>>
        %dma_wait3A_952 = arith.constant 0 : i32
        %dma_wait3A_953 = arith.constant 0 : i32
        %dma_wait3A_954 = arith.constant 0 : i32
        %dma_wait3A_955 = tpu.memref_slice %arg4[%dma_wait3A_946, %dma_wait3A_952, %dma_wait3A_947, %dma_wait3A_953, %dma_wait3A_954] : memref<50x8x128x8x128xf32, #tpu.memory_space<hbm>> -> memref<1x8x1x8x128xf32, #tpu.memory_space<hbm>>
        %dma_wait3A_956 = tpu.memref_squeeze %dma_wait3A_955 : memref<1x8x1x8x128xf32, #tpu.memory_space<hbm>> -> memref<8x8x128xf32, #tpu.memory_space<hbm>>
        %dma_wait3A_957 = arith.constant 0 : i32
        %dma_wait3A_958 = arith.constant 0 : i32
        %dma_wait3A_959 = arith.constant 0 : i32
        %dma_wait3A_960 = tpu.memref_slice %arg4[%dma_wait3A_946, %dma_wait3A_957, %dma_wait3A_947, %dma_wait3A_958, %dma_wait3A_959] : memref<50x8x128x8x128xf32, #tpu.memory_space<hbm>> -> memref<1x8x1x8x128xf32, #tpu.memory_space<hbm>>
        %dma_wait3A_961 = tpu.memref_squeeze %dma_wait3A_960 : memref<1x8x1x8x128xf32, #tpu.memory_space<hbm>> -> memref<8x8x128xf32, #tpu.memory_space<hbm>>
        %dma_wait3A_962 = arith.constant 0 : i32
        %dma_wait3A_963 = arith.constant 0 : i32
        %dma_wait3A_964 = arith.constant 0 : i32
        %dma_wait3A_965 = tpu.memref_slice %arg8[%dma_wait3A_962, %dma_wait3A_963, %dma_wait3A_964] : memref<8x8x133xf32, #tpu.memory_space<vmem>> -> memref<8x8x128xf32, #tpu.memory_space<vmem>>
        tpu.wait_dma2 semaphore(%arg12 : memref<!tpu.dma_semaphore, #tpu.memory_space<semaphore_mem>>) src(%dma_wait3A_965 : memref<8x8x128xf32, #tpu.memory_space<vmem>>) dst(%dma_wait3A_961 : memref<8x8x128xf32, #tpu.memory_space<hbm>>)
      } else {
      }
      %parallel_loop3A_771 = arith.constant 0 : i32
      %parallel_loop3A_772 = arith.constant 128 : i32
      %parallel_loop3A_773 = arith.constant 1 : i32
      scf.for %parallel_loop3A_946 = %parallel_loop3A_771 to %parallel_loop3A_772 step %parallel_loop3A_773  : i32 {
        %parallel_loop3A_947 = vector.broadcast %parallel_loop3A_946 : i32 to vector<16xi32>
        %parallel_loop3A_948 = arith.addi %broadcast_in_dim3A_49, %parallel_loop3A_947 : vector<16xi32>
        %parallel_loop3A_949 = arith.constant 256 : i32
        %parallel_loop3A_950 = arith.addi %parallel_loop3A_949, %parallel_loop3A_946 : i32
        %parallel_loop3A_951 = arith.index_cast %parallel_loop3A_950 : i32 to index
        %parallel_loop3A_952 = arith.constant 0 : index
        %parallel_loop3A_953 = tpu.vector_load %arg7[%parallel_loop3A_951, %parallel_loop3A_952] {strides = array<i32>} : memref<640x64xf32, #tpu.memory_space<vmem>>, vector<16xf32>,
        tpu.vector_store_idx %arg8[%shift_right_arithmetic3A_7, %and3A_30, %parallel_loop3A_948], %parallel_loop3A_953 : memref<8x8x133xf32, #tpu.memory_space<vmem>>[vector<16xi32>, vector<16xi32>, vector<16xi32>], vector<16xf32>,
        %parallel_loop3A_954 = arith.constant 256 : i32
        %parallel_loop3A_955 = arith.addi %parallel_loop3A_954, %parallel_loop3A_946 : i32
        %parallel_loop3A_956 = arith.index_cast %parallel_loop3A_955 : i32 to index
        %parallel_loop3A_957 = arith.constant 16 : index
        %parallel_loop3A_958 = tpu.vector_load %arg7[%parallel_loop3A_956, %parallel_loop3A_957] {strides = array<i32>} : memref<640x64xf32, #tpu.memory_space<vmem>>, vector<16xf32>,
        tpu.vector_store_idx %arg8[%shift_right_arithmetic3A_13, %and3A_36, %parallel_loop3A_948], %parallel_loop3A_958 : memref<8x8x133xf32, #tpu.memory_space<vmem>>[vector<16xi32>, vector<16xi32>, vector<16xi32>], vector<16xf32>,
        %parallel_loop3A_959 = arith.constant 256 : i32
        %parallel_loop3A_960 = arith.addi %parallel_loop3A_959, %parallel_loop3A_946 : i32
        %parallel_loop3A_961 = arith.index_cast %parallel_loop3A_960 : i32 to index
        %parallel_loop3A_962 = arith.constant 32 : index
        %parallel_loop3A_963 = tpu.vector_load %arg7[%parallel_loop3A_961, %parallel_loop3A_962] {strides = array<i32>} : memref<640x64xf32, #tpu.memory_space<vmem>>, vector<16xf32>,
        tpu.vector_store_idx %arg8[%shift_right_arithmetic3A_19, %and3A_42, %parallel_loop3A_948], %parallel_loop3A_963 : memref<8x8x133xf32, #tpu.memory_space<vmem>>[vector<16xi32>, vector<16xi32>, vector<16xi32>], vector<16xf32>,
        %parallel_loop3A_964 = arith.constant 256 : i32
        %parallel_loop3A_965 = arith.addi %parallel_loop3A_964, %parallel_loop3A_946 : i32
        %parallel_loop3A_966 = arith.index_cast %parallel_loop3A_965 : i32 to index
        %parallel_loop3A_967 = arith.constant 48 : index
        %parallel_loop3A_968 = tpu.vector_load %arg7[%parallel_loop3A_966, %parallel_loop3A_967] {strides = array<i32>} : memref<640x64xf32, #tpu.memory_space<vmem>>, vector<16xf32>,
        tpu.vector_store_idx %arg8[%shift_right_arithmetic3A_25, %and3A_48, %parallel_loop3A_948], %parallel_loop3A_968 : memref<8x8x133xf32, #tpu.memory_space<vmem>>[vector<16xi32>, vector<16xi32>, vector<16xi32>], vector<16xf32>,
      } {sc.loop_unroll_factor = 4 : i64, sc.parallel_access}
      %mul3A_774 = arith.constant 5 : i32
      %mul3A_775 = arith.muli %add3A_575, %mul3A_774 : i32
      %add3A_776 = arith.addi %mul3A_2, %mul3A_775 : i32
      %add3A_777 = arith.constant 2 : i32
      %add3A_778 = arith.addi %add3A_776, %add3A_777 : i32
      %jit3A_779 = arith.constant 128 : i32
      %div3A_780 = arith.divsi %add3A_778, %jit3A_779 : i32
      %sign3A_781 = arith.constant 0 : i32
      %sign3A_782 = arith.cmpi sgt, %add3A_778, %sign3A_781 : i32
      %sign3A_783 = arith.extui %sign3A_782 : i1 to i32
      %sign3A_784 = arith.constant 0 : i32
      %sign3A_785 = arith.cmpi slt, %add3A_778, %sign3A_784 : i32
      %sign3A_786 = arith.extui %sign3A_785 : i1 to i32
      %sign3A_787 = arith.subi %sign3A_783, %sign3A_786 : i32
      %sign3A_788 = arith.constant 0 : i32
      %sign3A_789 = arith.cmpi sgt, %jit3A_779, %sign3A_788 : i32
      %sign3A_790 = arith.extui %sign3A_789 : i1 to i32
      %sign3A_791 = arith.constant 0 : i32
      %sign3A_792 = arith.cmpi slt, %jit3A_779, %sign3A_791 : i32
      %sign3A_793 = arith.extui %sign3A_792 : i1 to i32
      %sign3A_794 = arith.subi %sign3A_790, %sign3A_793 : i32
      %ne3A_795 = arith.cmpi ne, %sign3A_787, %sign3A_794 : i32
      %rem3A_796 = arith.remsi %add3A_778, %jit3A_779 : i32
      %ne3A_797 = arith.constant 0 : i32
      %ne3A_798 = arith.cmpi ne, %rem3A_796, %ne3A_797 : i32
      %and3A_799 = arith.andi %ne3A_795, %ne3A_798 : i1
      %sub3A_800 = arith.constant 1 : i32
      %sub3A_801 = arith.subi %div3A_780, %sub3A_800 : i32
      %select_n3A_802 = arith.select %and3A_799, %sub3A_801, %div3A_780 : i32
      %mul3A_803 = arith.constant 128 : i32
      %mul3A_804 = arith.muli %select_n3A_802, %mul3A_803 : i32
      %sub3A_805 = arith.subi %add3A_778, %mul3A_804 : i32
      %dma_start3A_806 = arith.constant 0 : i32
      %dma_start3A_807 = arith.constant 0 : i32
      %dma_start3A_808 = arith.constant 0 : i32
      %dma_start3A_809 = tpu.memref_slice %arg8[%dma_start3A_806, %dma_start3A_807, %dma_start3A_808] : memref<8x8x133xf32, #tpu.memory_space<vmem>> -> memref<8x8x128xf32, #tpu.memory_space<vmem>>
      %dma_start3A_810 = arith.constant 0 : i32
      %dma_start3A_811 = arith.constant 0 : i32
      %dma_start3A_812 = arith.constant 0 : i32
      %dma_start3A_813 = tpu.memref_slice %arg4[%select_n3A_802, %dma_start3A_810, %sub3A_805, %dma_start3A_811, %dma_start3A_812] : memref<50x8x128x8x128xf32, #tpu.memory_space<hbm>> -> memref<1x8x1x8x128xf32, #tpu.memory_space<hbm>>
      %dma_start3A_814 = tpu.memref_squeeze %dma_start3A_813 : memref<1x8x1x8x128xf32, #tpu.memory_space<hbm>> -> memref<8x8x128xf32, #tpu.memory_space<hbm>>
      %dma_start3A_815 = arith.constant 0 : i32
      %dma_start3A_816 = arith.constant 0 : i32
      %dma_start3A_817 = arith.constant 0 : i32
      %dma_start3A_818 = tpu.memref_slice %arg4[%select_n3A_802, %dma_start3A_815, %sub3A_805, %dma_start3A_816, %dma_start3A_817] : memref<50x8x128x8x128xf32, #tpu.memory_space<hbm>> -> memref<1x8x1x8x128xf32, #tpu.memory_space<hbm>>
      %dma_start3A_819 = tpu.memref_squeeze %dma_start3A_818 : memref<1x8x1x8x128xf32, #tpu.memory_space<hbm>> -> memref<8x8x128xf32, #tpu.memory_space<hbm>>
      %dma_start3A_820 = arith.constant 0 : i32
      %dma_start3A_821 = arith.constant 0 : i32
      %dma_start3A_822 = arith.constant 0 : i32
      %dma_start3A_823 = tpu.memref_slice %arg8[%dma_start3A_820, %dma_start3A_821, %dma_start3A_822] : memref<8x8x133xf32, #tpu.memory_space<vmem>> -> memref<8x8x128xf32, #tpu.memory_space<vmem>>
      tpu.enqueue_dma source(%dma_start3A_823 : memref<8x8x128xf32, #tpu.memory_space<vmem>>) target(%dma_start3A_819 : memref<8x8x128xf32, #tpu.memory_space<hbm>>) target_semaphore(%arg12 : memref<!tpu.dma_semaphore, #tpu.memory_space<semaphore_mem>>)
      %not3A_824 = arith.constant false
      %not3A_825 = arith.constant true
      %not3A_826 = arith.xori %not3A_824, %not3A_825 : i1
      %or3A_827 = arith.constant true
      %or3A_828 = arith.ori %not3A_826, %or3A_827 : i1
      %convert_element_type3A_829 = arith.extui %or3A_828 : i1 to i32
      %cond3A_830 = arith.constant 0 : i32
      %cond3A_831 = arith.cmpi ne, %convert_element_type3A_829, %cond3A_830 : i32
      scf.if %cond3A_831 {
        %dma_wait3A_946 = arith.constant 0 : i32
        %dma_wait3A_947 = arith.constant 0 : i32
        %dma_wait3A_948 = arith.constant 0 : i32
        %dma_wait3A_949 = arith.constant 0 : i32
        %dma_wait3A_950 = arith.constant 0 : i32
        %dma_wait3A_951 = tpu.memref_slice %arg9[%dma_wait3A_948, %dma_wait3A_949, %dma_wait3A_950] : memref<8x8x133xf32, #tpu.memory_space<vmem>> -> memref<8x8x128xf32, #tpu.memory_space<vmem>>
        %dma_wait3A_952 = arith.constant 0 : i32
        %dma_wait3A_953 = arith.constant 0 : i32
        %dma_wait3A_954 = arith.constant 0 : i32
        %dma_wait3A_955 = tpu.memref_slice %arg4[%dma_wait3A_946, %dma_wait3A_952, %dma_wait3A_947, %dma_wait3A_953, %dma_wait3A_954] : memref<50x8x128x8x128xf32, #tpu.memory_space<hbm>> -> memref<1x8x1x8x128xf32, #tpu.memory_space<hbm>>
        %dma_wait3A_956 = tpu.memref_squeeze %dma_wait3A_955 : memref<1x8x1x8x128xf32, #tpu.memory_space<hbm>> -> memref<8x8x128xf32, #tpu.memory_space<hbm>>
        %dma_wait3A_957 = arith.constant 0 : i32
        %dma_wait3A_958 = arith.constant 0 : i32
        %dma_wait3A_959 = arith.constant 0 : i32
        %dma_wait3A_960 = tpu.memref_slice %arg4[%dma_wait3A_946, %dma_wait3A_957, %dma_wait3A_947, %dma_wait3A_958, %dma_wait3A_959] : memref<50x8x128x8x128xf32, #tpu.memory_space<hbm>> -> memref<1x8x1x8x128xf32, #tpu.memory_space<hbm>>
        %dma_wait3A_961 = tpu.memref_squeeze %dma_wait3A_960 : memref<1x8x1x8x128xf32, #tpu.memory_space<hbm>> -> memref<8x8x128xf32, #tpu.memory_space<hbm>>
        %dma_wait3A_962 = arith.constant 0 : i32
        %dma_wait3A_963 = arith.constant 0 : i32
        %dma_wait3A_964 = arith.constant 0 : i32
        %dma_wait3A_965 = tpu.memref_slice %arg9[%dma_wait3A_962, %dma_wait3A_963, %dma_wait3A_964] : memref<8x8x133xf32, #tpu.memory_space<vmem>> -> memref<8x8x128xf32, #tpu.memory_space<vmem>>
        tpu.wait_dma2 semaphore(%arg13 : memref<!tpu.dma_semaphore, #tpu.memory_space<semaphore_mem>>) src(%dma_wait3A_965 : memref<8x8x128xf32, #tpu.memory_space<vmem>>) dst(%dma_wait3A_961 : memref<8x8x128xf32, #tpu.memory_space<hbm>>)
      } else {
      }
      %parallel_loop3A_832 = arith.constant 0 : i32
      %parallel_loop3A_833 = arith.constant 128 : i32
      %parallel_loop3A_834 = arith.constant 1 : i32
      scf.for %parallel_loop3A_946 = %parallel_loop3A_832 to %parallel_loop3A_833 step %parallel_loop3A_834  : i32 {
        %parallel_loop3A_947 = vector.broadcast %parallel_loop3A_946 : i32 to vector<16xi32>
        %parallel_loop3A_948 = arith.addi %broadcast_in_dim3A_49, %parallel_loop3A_947 : vector<16xi32>
        %parallel_loop3A_949 = arith.constant 384 : i32
        %parallel_loop3A_950 = arith.addi %parallel_loop3A_949, %parallel_loop3A_946 : i32
        %parallel_loop3A_951 = arith.index_cast %parallel_loop3A_950 : i32 to index
        %parallel_loop3A_952 = arith.constant 0 : index
        %parallel_loop3A_953 = tpu.vector_load %arg7[%parallel_loop3A_951, %parallel_loop3A_952] {strides = array<i32>} : memref<640x64xf32, #tpu.memory_space<vmem>>, vector<16xf32>,
        tpu.vector_store_idx %arg9[%shift_right_arithmetic3A_7, %and3A_30, %parallel_loop3A_948], %parallel_loop3A_953 : memref<8x8x133xf32, #tpu.memory_space<vmem>>[vector<16xi32>, vector<16xi32>, vector<16xi32>], vector<16xf32>,
        %parallel_loop3A_954 = arith.constant 384 : i32
        %parallel_loop3A_955 = arith.addi %parallel_loop3A_954, %parallel_loop3A_946 : i32
        %parallel_loop3A_956 = arith.index_cast %parallel_loop3A_955 : i32 to index
        %parallel_loop3A_957 = arith.constant 16 : index
        %parallel_loop3A_958 = tpu.vector_load %arg7[%parallel_loop3A_956, %parallel_loop3A_957] {strides = array<i32>} : memref<640x64xf32, #tpu.memory_space<vmem>>, vector<16xf32>,
        tpu.vector_store_idx %arg9[%shift_right_arithmetic3A_13, %and3A_36, %parallel_loop3A_948], %parallel_loop3A_958 : memref<8x8x133xf32, #tpu.memory_space<vmem>>[vector<16xi32>, vector<16xi32>, vector<16xi32>], vector<16xf32>,
        %parallel_loop3A_959 = arith.constant 384 : i32
        %parallel_loop3A_960 = arith.addi %parallel_loop3A_959, %parallel_loop3A_946 : i32
        %parallel_loop3A_961 = arith.index_cast %parallel_loop3A_960 : i32 to index
        %parallel_loop3A_962 = arith.constant 32 : index
        %parallel_loop3A_963 = tpu.vector_load %arg7[%parallel_loop3A_961, %parallel_loop3A_962] {strides = array<i32>} : memref<640x64xf32, #tpu.memory_space<vmem>>, vector<16xf32>,
        tpu.vector_store_idx %arg9[%shift_right_arithmetic3A_19, %and3A_42, %parallel_loop3A_948], %parallel_loop3A_963 : memref<8x8x133xf32, #tpu.memory_space<vmem>>[vector<16xi32>, vector<16xi32>, vector<16xi32>], vector<16xf32>,
        %parallel_loop3A_964 = arith.constant 384 : i32
        %parallel_loop3A_965 = arith.addi %parallel_loop3A_964, %parallel_loop3A_946 : i32
        %parallel_loop3A_966 = arith.index_cast %parallel_loop3A_965 : i32 to index
        %parallel_loop3A_967 = arith.constant 48 : index
        %parallel_loop3A_968 = tpu.vector_load %arg7[%parallel_loop3A_966, %parallel_loop3A_967] {strides = array<i32>} : memref<640x64xf32, #tpu.memory_space<vmem>>, vector<16xf32>,
        tpu.vector_store_idx %arg9[%shift_right_arithmetic3A_25, %and3A_48, %parallel_loop3A_948], %parallel_loop3A_968 : memref<8x8x133xf32, #tpu.memory_space<vmem>>[vector<16xi32>, vector<16xi32>, vector<16xi32>], vector<16xf32>,
      } {sc.loop_unroll_factor = 4 : i64, sc.parallel_access}
      %mul3A_835 = arith.constant 5 : i32
      %mul3A_836 = arith.muli %add3A_575, %mul3A_835 : i32
      %add3A_837 = arith.addi %mul3A_2, %mul3A_836 : i32
      %add3A_838 = arith.constant 3 : i32
      %add3A_839 = arith.addi %add3A_837, %add3A_838 : i32
      %jit3A_840 = arith.constant 128 : i32
      %div3A_841 = arith.divsi %add3A_839, %jit3A_840 : i32
      %sign3A_842 = arith.constant 0 : i32
      %sign3A_843 = arith.cmpi sgt, %add3A_839, %sign3A_842 : i32
      %sign3A_844 = arith.extui %sign3A_843 : i1 to i32
      %sign3A_845 = arith.constant 0 : i32
      %sign3A_846 = arith.cmpi slt, %add3A_839, %sign3A_845 : i32
      %sign3A_847 = arith.extui %sign3A_846 : i1 to i32
      %sign3A_848 = arith.subi %sign3A_844, %sign3A_847 : i32
      %sign3A_849 = arith.constant 0 : i32
      %sign3A_850 = arith.cmpi sgt, %jit3A_840, %sign3A_849 : i32
      %sign3A_851 = arith.extui %sign3A_850 : i1 to i32
      %sign3A_852 = arith.constant 0 : i32
      %sign3A_853 = arith.cmpi slt, %jit3A_840, %sign3A_852 : i32
      %sign3A_854 = arith.extui %sign3A_853 : i1 to i32
      %sign3A_855 = arith.subi %sign3A_851, %sign3A_854 : i32
      %ne3A_856 = arith.cmpi ne, %sign3A_848, %sign3A_855 : i32
      %rem3A_857 = arith.remsi %add3A_839, %jit3A_840 : i32
      %ne3A_858 = arith.constant 0 : i32
      %ne3A_859 = arith.cmpi ne, %rem3A_857, %ne3A_858 : i32
      %and3A_860 = arith.andi %ne3A_856, %ne3A_859 : i1
      %sub3A_861 = arith.constant 1 : i32
      %sub3A_862 = arith.subi %div3A_841, %sub3A_861 : i32
      %select_n3A_863 = arith.select %and3A_860, %sub3A_862, %div3A_841 : i32
      %mul3A_864 = arith.constant 128 : i32
      %mul3A_865 = arith.muli %select_n3A_863, %mul3A_864 : i32
      %sub3A_866 = arith.subi %add3A_839, %mul3A_865 : i32
      %dma_start3A_867 = arith.constant 0 : i32
      %dma_start3A_868 = arith.constant 0 : i32
      %dma_start3A_869 = arith.constant 0 : i32
      %dma_start3A_870 = tpu.memref_slice %arg9[%dma_start3A_867, %dma_start3A_868, %dma_start3A_869] : memref<8x8x133xf32, #tpu.memory_space<vmem>> -> memref<8x8x128xf32, #tpu.memory_space<vmem>>
      %dma_start3A_871 = arith.constant 0 : i32
      %dma_start3A_872 = arith.constant 0 : i32
      %dma_start3A_873 = arith.constant 0 : i32
      %dma_start3A_874 = tpu.memref_slice %arg4[%select_n3A_863, %dma_start3A_871, %sub3A_866, %dma_start3A_872, %dma_start3A_873] : memref<50x8x128x8x128xf32, #tpu.memory_space<hbm>> -> memref<1x8x1x8x128xf32, #tpu.memory_space<hbm>>
      %dma_start3A_875 = tpu.memref_squeeze %dma_start3A_874 : memref<1x8x1x8x128xf32, #tpu.memory_space<hbm>> -> memref<8x8x128xf32, #tpu.memory_space<hbm>>
      %dma_start3A_876 = arith.constant 0 : i32
      %dma_start3A_877 = arith.constant 0 : i32
      %dma_start3A_878 = arith.constant 0 : i32
      %dma_start3A_879 = tpu.memref_slice %arg4[%select_n3A_863, %dma_start3A_876, %sub3A_866, %dma_start3A_877, %dma_start3A_878] : memref<50x8x128x8x128xf32, #tpu.memory_space<hbm>> -> memref<1x8x1x8x128xf32, #tpu.memory_space<hbm>>
      %dma_start3A_880 = tpu.memref_squeeze %dma_start3A_879 : memref<1x8x1x8x128xf32, #tpu.memory_space<hbm>> -> memref<8x8x128xf32, #tpu.memory_space<hbm>>
      %dma_start3A_881 = arith.constant 0 : i32
      %dma_start3A_882 = arith.constant 0 : i32
      %dma_start3A_883 = arith.constant 0 : i32
      %dma_start3A_884 = tpu.memref_slice %arg9[%dma_start3A_881, %dma_start3A_882, %dma_start3A_883] : memref<8x8x133xf32, #tpu.memory_space<vmem>> -> memref<8x8x128xf32, #tpu.memory_space<vmem>>
      tpu.enqueue_dma source(%dma_start3A_884 : memref<8x8x128xf32, #tpu.memory_space<vmem>>) target(%dma_start3A_880 : memref<8x8x128xf32, #tpu.memory_space<hbm>>) target_semaphore(%arg13 : memref<!tpu.dma_semaphore, #tpu.memory_space<semaphore_mem>>)
      %not3A_885 = arith.constant false
      %not3A_886 = arith.constant true
      %not3A_887 = arith.xori %not3A_885, %not3A_886 : i1
      %or3A_888 = arith.constant true
      %or3A_889 = arith.ori %not3A_887, %or3A_888 : i1
      %convert_element_type3A_890 = arith.extui %or3A_889 : i1 to i32
      %cond3A_891 = arith.constant 0 : i32
      %cond3A_892 = arith.cmpi ne, %convert_element_type3A_890, %cond3A_891 : i32
      scf.if %cond3A_892 {
        %dma_wait3A_946 = arith.constant 0 : i32
        %dma_wait3A_947 = arith.constant 0 : i32
        %dma_wait3A_948 = arith.constant 0 : i32
        %dma_wait3A_949 = arith.constant 0 : i32
        %dma_wait3A_950 = arith.constant 0 : i32
        %dma_wait3A_951 = tpu.memref_slice %arg8[%dma_wait3A_948, %dma_wait3A_949, %dma_wait3A_950] : memref<8x8x133xf32, #tpu.memory_space<vmem>> -> memref<8x8x128xf32, #tpu.memory_space<vmem>>
        %dma_wait3A_952 = arith.constant 0 : i32
        %dma_wait3A_953 = arith.constant 0 : i32
        %dma_wait3A_954 = arith.constant 0 : i32
        %dma_wait3A_955 = tpu.memref_slice %arg4[%dma_wait3A_946, %dma_wait3A_952, %dma_wait3A_947, %dma_wait3A_953, %dma_wait3A_954] : memref<50x8x128x8x128xf32, #tpu.memory_space<hbm>> -> memref<1x8x1x8x128xf32, #tpu.memory_space<hbm>>
        %dma_wait3A_956 = tpu.memref_squeeze %dma_wait3A_955 : memref<1x8x1x8x128xf32, #tpu.memory_space<hbm>> -> memref<8x8x128xf32, #tpu.memory_space<hbm>>
        %dma_wait3A_957 = arith.constant 0 : i32
        %dma_wait3A_958 = arith.constant 0 : i32
        %dma_wait3A_959 = arith.constant 0 : i32
        %dma_wait3A_960 = tpu.memref_slice %arg4[%dma_wait3A_946, %dma_wait3A_957, %dma_wait3A_947, %dma_wait3A_958, %dma_wait3A_959] : memref<50x8x128x8x128xf32, #tpu.memory_space<hbm>> -> memref<1x8x1x8x128xf32, #tpu.memory_space<hbm>>
        %dma_wait3A_961 = tpu.memref_squeeze %dma_wait3A_960 : memref<1x8x1x8x128xf32, #tpu.memory_space<hbm>> -> memref<8x8x128xf32, #tpu.memory_space<hbm>>
        %dma_wait3A_962 = arith.constant 0 : i32
        %dma_wait3A_963 = arith.constant 0 : i32
        %dma_wait3A_964 = arith.constant 0 : i32
        %dma_wait3A_965 = tpu.memref_slice %arg8[%dma_wait3A_962, %dma_wait3A_963, %dma_wait3A_964] : memref<8x8x133xf32, #tpu.memory_space<vmem>> -> memref<8x8x128xf32, #tpu.memory_space<vmem>>
        tpu.wait_dma2 semaphore(%arg12 : memref<!tpu.dma_semaphore, #tpu.memory_space<semaphore_mem>>) src(%dma_wait3A_965 : memref<8x8x128xf32, #tpu.memory_space<vmem>>) dst(%dma_wait3A_961 : memref<8x8x128xf32, #tpu.memory_space<hbm>>)
      } else {
      }
      %parallel_loop3A_893 = arith.constant 0 : i32
      %parallel_loop3A_894 = arith.constant 128 : i32
      %parallel_loop3A_895 = arith.constant 1 : i32
      scf.for %parallel_loop3A_946 = %parallel_loop3A_893 to %parallel_loop3A_894 step %parallel_loop3A_895  : i32 {
        %parallel_loop3A_947 = vector.broadcast %parallel_loop3A_946 : i32 to vector<16xi32>
        %parallel_loop3A_948 = arith.addi %broadcast_in_dim3A_49, %parallel_loop3A_947 : vector<16xi32>
        %parallel_loop3A_949 = arith.constant 512 : i32
        %parallel_loop3A_950 = arith.addi %parallel_loop3A_949, %parallel_loop3A_946 : i32
        %parallel_loop3A_951 = arith.index_cast %parallel_loop3A_950 : i32 to index
        %parallel_loop3A_952 = arith.constant 0 : index
        %parallel_loop3A_953 = tpu.vector_load %arg7[%parallel_loop3A_951, %parallel_loop3A_952] {strides = array<i32>} : memref<640x64xf32, #tpu.memory_space<vmem>>, vector<16xf32>,
        tpu.vector_store_idx %arg8[%shift_right_arithmetic3A_7, %and3A_30, %parallel_loop3A_948], %parallel_loop3A_953 : memref<8x8x133xf32, #tpu.memory_space<vmem>>[vector<16xi32>, vector<16xi32>, vector<16xi32>], vector<16xf32>,
        %parallel_loop3A_954 = arith.constant 512 : i32
        %parallel_loop3A_955 = arith.addi %parallel_loop3A_954, %parallel_loop3A_946 : i32
        %parallel_loop3A_956 = arith.index_cast %parallel_loop3A_955 : i32 to index
        %parallel_loop3A_957 = arith.constant 16 : index
        %parallel_loop3A_958 = tpu.vector_load %arg7[%parallel_loop3A_956, %parallel_loop3A_957] {strides = array<i32>} : memref<640x64xf32, #tpu.memory_space<vmem>>, vector<16xf32>,
        tpu.vector_store_idx %arg8[%shift_right_arithmetic3A_13, %and3A_36, %parallel_loop3A_948], %parallel_loop3A_958 : memref<8x8x133xf32, #tpu.memory_space<vmem>>[vector<16xi32>, vector<16xi32>, vector<16xi32>], vector<16xf32>,
        %parallel_loop3A_959 = arith.constant 512 : i32
        %parallel_loop3A_960 = arith.addi %parallel_loop3A_959, %parallel_loop3A_946 : i32
        %parallel_loop3A_961 = arith.index_cast %parallel_loop3A_960 : i32 to index
        %parallel_loop3A_962 = arith.constant 32 : index
        %parallel_loop3A_963 = tpu.vector_load %arg7[%parallel_loop3A_961, %parallel_loop3A_962] {strides = array<i32>} : memref<640x64xf32, #tpu.memory_space<vmem>>, vector<16xf32>,
        tpu.vector_store_idx %arg8[%shift_right_arithmetic3A_19, %and3A_42, %parallel_loop3A_948], %parallel_loop3A_963 : memref<8x8x133xf32, #tpu.memory_space<vmem>>[vector<16xi32>, vector<16xi32>, vector<16xi32>], vector<16xf32>,
        %parallel_loop3A_964 = arith.constant 512 : i32
        %parallel_loop3A_965 = arith.addi %parallel_loop3A_964, %parallel_loop3A_946 : i32
        %parallel_loop3A_966 = arith.index_cast %parallel_loop3A_965 : i32 to index
        %parallel_loop3A_967 = arith.constant 48 : index
        %parallel_loop3A_968 = tpu.vector_load %arg7[%parallel_loop3A_966, %parallel_loop3A_967] {strides = array<i32>} : memref<640x64xf32, #tpu.memory_space<vmem>>, vector<16xf32>,
        tpu.vector_store_idx %arg8[%shift_right_arithmetic3A_25, %and3A_48, %parallel_loop3A_948], %parallel_loop3A_968 : memref<8x8x133xf32, #tpu.memory_space<vmem>>[vector<16xi32>, vector<16xi32>, vector<16xi32>], vector<16xf32>,
      } {sc.loop_unroll_factor = 4 : i64, sc.parallel_access}
      %mul3A_896 = arith.constant 5 : i32
      %mul3A_897 = arith.muli %add3A_575, %mul3A_896 : i32
      %add3A_898 = arith.addi %mul3A_2, %mul3A_897 : i32
      %add3A_899 = arith.constant 4 : i32
      %add3A_900 = arith.addi %add3A_898, %add3A_899 : i32
      %jit3A_901 = arith.constant 128 : i32
      %div3A_902 = arith.divsi %add3A_900, %jit3A_901 : i32
      %sign3A_903 = arith.constant 0 : i32
      %sign3A_904 = arith.cmpi sgt, %add3A_900, %sign3A_903 : i32
      %sign3A_905 = arith.extui %sign3A_904 : i1 to i32
      %sign3A_906 = arith.constant 0 : i32
      %sign3A_907 = arith.cmpi slt, %add3A_900, %sign3A_906 : i32
      %sign3A_908 = arith.extui %sign3A_907 : i1 to i32
      %sign3A_909 = arith.subi %sign3A_905, %sign3A_908 : i32
      %sign3A_910 = arith.constant 0 : i32
      %sign3A_911 = arith.cmpi sgt, %jit3A_901, %sign3A_910 : i32
      %sign3A_912 = arith.extui %sign3A_911 : i1 to i32
      %sign3A_913 = arith.constant 0 : i32
      %sign3A_914 = arith.cmpi slt, %jit3A_901, %sign3A_913 : i32
      %sign3A_915 = arith.extui %sign3A_914 : i1 to i32
      %sign3A_916 = arith.subi %sign3A_912, %sign3A_915 : i32
      %ne3A_917 = arith.cmpi ne, %sign3A_909, %sign3A_916 : i32
      %rem3A_918 = arith.remsi %add3A_900, %jit3A_901 : i32
      %ne3A_919 = arith.constant 0 : i32
      %ne3A_920 = arith.cmpi ne, %rem3A_918, %ne3A_919 : i32
      %and3A_921 = arith.andi %ne3A_917, %ne3A_920 : i1
      %sub3A_922 = arith.constant 1 : i32
      %sub3A_923 = arith.subi %div3A_902, %sub3A_922 : i32
      %select_n3A_924 = arith.select %and3A_921, %sub3A_923, %div3A_902 : i32
      %mul3A_925 = arith.constant 128 : i32
      %mul3A_926 = arith.muli %select_n3A_924, %mul3A_925 : i32
      %sub3A_927 = arith.subi %add3A_900, %mul3A_926 : i32
      %dma_start3A_928 = arith.constant 0 : i32
      %dma_start3A_929 = arith.constant 0 : i32
      %dma_start3A_930 = arith.constant 0 : i32
      %dma_start3A_931 = tpu.memref_slice %arg8[%dma_start3A_928, %dma_start3A_929, %dma_start3A_930] : memref<8x8x133xf32, #tpu.memory_space<vmem>> -> memref<8x8x128xf32, #tpu.memory_space<vmem>>
      %dma_start3A_932 = arith.constant 0 : i32
      %dma_start3A_933 = arith.constant 0 : i32
      %dma_start3A_934 = arith.constant 0 : i32
      %dma_start3A_935 = tpu.memref_slice %arg4[%select_n3A_924, %dma_start3A_932, %sub3A_927, %dma_start3A_933, %dma_start3A_934] : memref<50x8x128x8x128xf32, #tpu.memory_space<hbm>> -> memref<1x8x1x8x128xf32, #tpu.memory_space<hbm>>
      %dma_start3A_936 = tpu.memref_squeeze %dma_start3A_935 : memref<1x8x1x8x128xf32, #tpu.memory_space<hbm>> -> memref<8x8x128xf32, #tpu.memory_space<hbm>>
      %dma_start3A_937 = arith.constant 0 : i32
      %dma_start3A_938 = arith.constant 0 : i32
      %dma_start3A_939 = arith.constant 0 : i32
      %dma_start3A_940 = tpu.memref_slice %arg4[%select_n3A_924, %dma_start3A_937, %sub3A_927, %dma_start3A_938, %dma_start3A_939] : memref<50x8x128x8x128xf32, #tpu.memory_space<hbm>> -> memref<1x8x1x8x128xf32, #tpu.memory_space<hbm>>
      %dma_start3A_941 = tpu.memref_squeeze %dma_start3A_940 : memref<1x8x1x8x128xf32, #tpu.memory_space<hbm>> -> memref<8x8x128xf32, #tpu.memory_space<hbm>>
      %dma_start3A_942 = arith.constant 0 : i32
      %dma_start3A_943 = arith.constant 0 : i32
      %dma_start3A_944 = arith.constant 0 : i32
      %dma_start3A_945 = tpu.memref_slice %arg8[%dma_start3A_942, %dma_start3A_943, %dma_start3A_944] : memref<8x8x133xf32, #tpu.memory_space<vmem>> -> memref<8x8x128xf32, #tpu.memory_space<vmem>>
      tpu.enqueue_dma source(%dma_start3A_945 : memref<8x8x128xf32, #tpu.memory_space<vmem>>) target(%dma_start3A_941 : memref<8x8x128xf32, #tpu.memory_space<hbm>>) target_semaphore(%arg12 : memref<!tpu.dma_semaphore, #tpu.memory_space<semaphore_mem>>)
    }
    %scan3A_102 = arith.constant 20 : i32
    %dma_wait3A = arith.constant 0 : i32
    %dma_wait3A_103 = arith.constant 0 : i32
    %dma_wait3A_104 = arith.constant 0 : i32
    %dma_wait3A_105 = arith.constant 0 : i32
    %dma_wait3A_106 = arith.constant 0 : i32
    %dma_wait3A_107 = tpu.memref_slice %arg8[%dma_wait3A_104, %dma_wait3A_105, %dma_wait3A_106] : memref<8x8x133xf32, #tpu.memory_space<vmem>> -> memref<8x8x128xf32, #tpu.memory_space<vmem>>
    %dma_wait3A_108 = arith.constant 0 : i32
    %dma_wait3A_109 = arith.constant 0 : i32
    %dma_wait3A_110 = arith.constant 0 : i32
    %dma_wait3A_111 = tpu.memref_slice %arg4[%dma_wait3A, %dma_wait3A_108, %dma_wait3A_103, %dma_wait3A_109, %dma_wait3A_110] : memref<50x8x128x8x128xf32, #tpu.memory_space<hbm>> -> memref<1x8x1x8x128xf32, #tpu.memory_space<hbm>>
    %dma_wait3A_112 = tpu.memref_squeeze %dma_wait3A_111 : memref<1x8x1x8x128xf32, #tpu.memory_space<hbm>> -> memref<8x8x128xf32, #tpu.memory_space<hbm>>
    %dma_wait3A_113 = arith.constant 0 : i32
    %dma_wait3A_114 = arith.constant 0 : i32
    %dma_wait3A_115 = arith.constant 0 : i32
    %dma_wait3A_116 = tpu.memref_slice %arg4[%dma_wait3A, %dma_wait3A_113, %dma_wait3A_103, %dma_wait3A_114, %dma_wait3A_115] : memref<50x8x128x8x128xf32, #tpu.memory_space<hbm>> -> memref<1x8x1x8x128xf32, #tpu.memory_space<hbm>>
    %dma_wait3A_117 = tpu.memref_squeeze %dma_wait3A_116 : memref<1x8x1x8x128xf32, #tpu.memory_space<hbm>> -> memref<8x8x128xf32, #tpu.memory_space<hbm>>
    %dma_wait3A_118 = arith.constant 0 : i32
    %dma_wait3A_119 = arith.constant 0 : i32
    %dma_wait3A_120 = arith.constant 0 : i32
    %dma_wait3A_121 = tpu.memref_slice %arg8[%dma_wait3A_118, %dma_wait3A_119, %dma_wait3A_120] : memref<8x8x133xf32, #tpu.memory_space<vmem>> -> memref<8x8x128xf32, #tpu.memory_space<vmem>>
    tpu.wait_dma2 semaphore(%arg12 : memref<!tpu.dma_semaphore, #tpu.memory_space<semaphore_mem>>) src(%dma_wait3A_121 : memref<8x8x128xf32, #tpu.memory_space<vmem>>) dst(%dma_wait3A_117 : memref<8x8x128xf32, #tpu.memory_space<hbm>>)
    %dma_wait3A_122 = arith.constant 0 : i32
    %dma_wait3A_123 = arith.constant 0 : i32
    %dma_wait3A_124 = arith.constant 0 : i32
    %dma_wait3A_125 = arith.constant 0 : i32
    %dma_wait3A_126 = arith.constant 0 : i32
    %dma_wait3A_127 = tpu.memref_slice %arg9[%dma_wait3A_124, %dma_wait3A_125, %dma_wait3A_126] : memref<8x8x133xf32, #tpu.memory_space<vmem>> -> memref<8x8x128xf32, #tpu.memory_space<vmem>>
    %dma_wait3A_128 = arith.constant 0 : i32
    %dma_wait3A_129 = arith.constant 0 : i32
    %dma_wait3A_130 = arith.constant 0 : i32
    %dma_wait3A_131 = tpu.memref_slice %arg4[%dma_wait3A_122, %dma_wait3A_128, %dma_wait3A_123, %dma_wait3A_129, %dma_wait3A_130] : memref<50x8x128x8x128xf32, #tpu.memory_space<hbm>> -> memref<1x8x1x8x128xf32, #tpu.memory_space<hbm>>
    %dma_wait3A_132 = tpu.memref_squeeze %dma_wait3A_131 : memref<1x8x1x8x128xf32, #tpu.memory_space<hbm>> -> memref<8x8x128xf32, #tpu.memory_space<hbm>>
    %dma_wait3A_133 = arith.constant 0 : i32
    %dma_wait3A_134 = arith.constant 0 : i32
    %dma_wait3A_135 = arith.constant 0 : i32
    %dma_wait3A_136 = tpu.memref_slice %arg4[%dma_wait3A_122, %dma_wait3A_133, %dma_wait3A_123, %dma_wait3A_134, %dma_wait3A_135] : memref<50x8x128x8x128xf32, #tpu.memory_space<hbm>> -> memref<1x8x1x8x128xf32, #tpu.memory_space<hbm>>
    %dma_wait3A_137 = tpu.memref_squeeze %dma_wait3A_136 : memref<1x8x1x8x128xf32, #tpu.memory_space<hbm>> -> memref<8x8x128xf32, #tpu.memory_space<hbm>>
    %dma_wait3A_138 = arith.constant 0 : i32
    %dma_wait3A_139 = arith.constant 0 : i32
    %dma_wait3A_140 = arith.constant 0 : i32
    %dma_wait3A_141 = tpu.memref_slice %arg9[%dma_wait3A_138, %dma_wait3A_139, %dma_wait3A_140] : memref<8x8x133xf32, #tpu.memory_space<vmem>> -> memref<8x8x128xf32, #tpu.memory_space<vmem>>
    tpu.wait_dma2 semaphore(%arg13 : memref<!tpu.dma_semaphore, #tpu.memory_space<semaphore_mem>>) src(%dma_wait3A_141 : memref<8x8x128xf32, #tpu.memory_space<vmem>>) dst(%dma_wait3A_137 : memref<8x8x128xf32, #tpu.memory_space<hbm>>)
    return
  }
}

</mosaic_0001>

<sc_bundles>
// kernel: kernel.4.cloned.1.call-start
scs
__scs_entry_jumppad:
0x0: {  	(pc) =	sbr.rel $0x88, $3  }
0x1: {  	(tag) =	ssettag $0x0;
	lr =	simm.s32 $0x1  }
0x2: {  	[smem:$0x3F9F] =	sst lr;
	_ =	strace $0xD0000000  }
0x3: {  	_ = 	snop  }
0x4: {  	_ = 	snop  }
0x5: {  	_ = 	snop  }
0x6: {  	_ = 	snop  }
0x7: {  	_ = 	snop  }
__scs_overlays_trampoline_lowered:
0x8: {  	[smem:$0x3FAE] =	sst s0  }
0x9: {  	[smem:$0x3FAF] =	sst s1  }
0xa: {  	[smem:$0x3FB0] =	sst s2  }
0xb: {  	[smem:$0x3FB1] =	sst s3  }
0xc: {  	[smem:$0x3FB2] =	sst s4  }
0xd: {  	[smem:$0x3FB3] =	sst s5  }
0xe: {  	[smem:$0x3FB4] =	sst s6  }
0xf: {  	[smem:$0x3FB5] =	sst s7  }
0x10: {  	[smem:$0x3FB6] =	sst s8  }
0x11: {  	[smem:$0x3FB7] =	sst s9;
	s0 =	simm.s32 @!p0 $0x0  }
0x12: {  	s1 =	sld [smem:$0x3F9D];
	s0 =	simm.s32 @p0 $0x1  }
0x13: {  	[smem:$0x3FB8] =	sst s0;
	s0 =	simm.s32 @!p1 $0x0  }
0x14: {  	s2 =	sld [smem:$0x3F9C];
	s0 =	simm.s32 @p1 $0x1  }
0x15: {  	[smem:$0x3FB9] =	sst s0;
	s0 =	simm.s32 @!p2 $0x0  }
0x16: {  	s3 =	sld [smem:$0x3FDB];
	s0 =	simm.s32 @p2 $0x1  }
0x17: {  	s4 =	simm.s32 $0x1BF5;
	[smem:$0x3FBB] =	sst s0  }
0x18: {  	s0 =	sld [smem:$0x3F9E];
	_ =	swait.ge [sflag:s4], $0x0  }
0x19: {  	s7 =	sld [smem:$0x3F9F]  }
0x1a: {  	s8 =	sadd.s32 $0xFFFFE003, lr  }
0x1b: {  	s9 =	sadd.s32 $0xFFFFFEF7, lr;
	s5 =	simm.s32 $0xFFFFFFFF;
	p2 =	slt.u32 s8, $0xFFFFF086  }
0x1c: {  	p1 =	slt.u32 s9, $0xF7A;
	s5 =	simm.s32 @!p2 $0x0  }
0x1d: {  	s5 =	simm.s32 @p1 $0x1;
	p0 =	seq.s32 s7, s2  }
0x1e: {  	s7 =	smul.u32 @!p0 $0xF7A, s2;
	p2 =	seq.s32 @!p0 s5, $0x0  }
0x1f: {  	s9 =	smul.u32 $0xF7A, s1;
	s8 =	simm.s32 @!p0 $0x1BF5;
	p2 =	por !p2, p0  }
0x20: {  	[sflag:s8] =	ssyncset.s32 @!p0 $0xFFFFF086;
	s6 =	sadd.s32 @!p0 s3, s7;
	s7 =	simm.s32 @!p0 $0x108  }
0x21: {  	s3 =	sadd.s32 s3, s9;
	s6 =	sadd.s32 @!p0 $0x88, s6;
	s7 =	simm.s32 @p2 $0x1082  }
0x22: {  	[simem:s7], [sflag:s8] =	dma.local @!p0 [hbm:s6], $0xF7A  }
0x23: {  	s9 =	sor.u32 $0xD0000000, s2;
	s6 =	simm.s32 $0x108;
	_ =	swait.ge @!p0 [sflag:s8], $0x0  }
0x24: {  	s3 =	sadd.s32 $0x88, s3;
	s6 =	simm.s32 @!p1 $0x1082;
	[sflag:s4] =	ssyncset.s32 $0xFFFFF086  }
0x25: {  	[simem:s6], [sflag:s4] =	dma.local [hbm:s3], $0xF7A  }
0x26: {  	[smem:$0x3F9F] =	sst s1;
	(tag) =	ssettag s2;
	_ =	strace s9  }
0x27: {  	s1 =	sld [smem:$0x3FAF]  }
0x28: {  	s2 =	sld [smem:$0x3FB0]  }
0x29: {  	s4 =	sld [smem:$0x3FB2]  }
0x2a: {  	p0 =	seq.s32 s5, $0x0;
	s5 =	sld [smem:$0x3FB3]  }
0x2b: {  	s6 =	sld [smem:$0x3FB4]  }
0x2c: {  	s7 =	sld [smem:$0x3FB5]  }
0x2d: {  	s3 =	simm.s32 $0x108;
	s8 =	sld [smem:$0x3FB6]  }
0x2e: {  	s3 =	simm.s32 @!p0 $0x1082;
	s9 =	sld [smem:$0x3FB7]  }
0x2f: {  	lr =	sadd.s32 s0, s3;
	s0 =	sld [smem:$0x3FAE]  }
0x30: {  	s3 =	sld [smem:$0x3FB1]  }
0x31: {  	[smem:$0x3FBA] =	sst s10  }
0x32: {  	s10 =	sld [smem:$0x3FB8];
	_ =	sdelay $0x3  }
0x33: {  	p0 =	seq.s32 s10, $0x1;
	s10 =	sld [smem:$0x3FBA];
	_ =	sdelay $0x3  }
0x34: {  	[smem:$0x3FBA] =	sst s10  }
0x35: {  	s10 =	sld [smem:$0x3FB9];
	_ =	sdelay $0x3  }
0x36: {  	p1 =	seq.s32 s10, $0x1;
	s10 =	sld [smem:$0x3FBA];
	_ =	sdelay $0x3  }
0x37: {  	[smem:$0x3FBA] =	sst s10  }
0x38: {  	s10 =	sld [smem:$0x3FBB]  }
0x39: {  	_ = 	snop;
	(pc) =	sbr.ind lr, $3  }
0x3a: {  	_ = 	snop  }
0x3b: {  	_ = 	snop  }
0x3c: {  	p2 =	seq.s32 s10, $0x1;
	s10 =	sld [smem:$0x3FBA]  }
0x3d: {  	_ =	shalt  }
0x3e: {  	_ =	shalt  }
0x3f: {  	_ =	shalt  }
0x40: {  	_ =	shalt  }
0x41: {  	_ =	shalt  }
0x42: {  	_ =	shalt  }
0x43: {  	_ =	shalt  }
0x44: {  	_ =	shalt  }
0x45: {  	_ =	shalt  }
0x46: {  	_ =	shalt  }
0x47: {  	_ =	shalt  }
0x48: {  	_ =	shalt  }
0x49: {  	_ =	shalt  }
0x4a: {  	_ =	shalt  }
0x4b: {  	_ =	shalt  }
0x4c: {  	_ =	shalt  }
0x4d: {  	_ =	shalt  }
0x4e: {  	_ =	shalt  }
0x4f: {  	_ =	shalt  }
0x50: {  	_ =	shalt  }
0x51: {  	_ =	shalt  }
0x52: {  	_ =	shalt  }
0x53: {  	_ =	shalt  }
0x54: {  	_ =	shalt  }
0x55: {  	_ =	shalt  }
0x56: {  	_ =	shalt  }
0x57: {  	_ =	shalt  }
0x58: {  	_ =	shalt  }
0x59: {  	_ =	shalt  }
0x5a: {  	_ =	shalt  }
0x5b: {  	_ =	shalt  }
0x5c: {  	_ =	shalt  }
0x5d: {  	_ =	shalt  }
0x5e: {  	_ =	shalt  }
0x5f: {  	_ =	shalt  }
0x60: {  	_ =	shalt  }
0x61: {  	_ =	shalt  }
0x62: {  	_ =	shalt  }
0x63: {  	_ =	shalt  }
0x64: {  	_ =	shalt  }
0x65: {  	_ =	shalt  }
0x66: {  	_ =	shalt  }
0x67: {  	_ =	shalt  }
0x68: {  	_ =	shalt  }
0x69: {  	_ =	shalt  }
0x6a: {  	_ =	shalt  }
0x6b: {  	_ =	shalt  }
0x6c: {  	_ =	shalt  }
0x6d: {  	_ =	shalt  }
0x6e: {  	_ =	shalt  }
0x6f: {  	_ =	shalt  }
0x70: {  	_ =	shalt  }
0x71: {  	_ =	shalt  }
0x72: {  	_ =	shalt  }
0x73: {  	_ =	shalt  }
0x74: {  	_ =	shalt  }
0x75: {  	_ =	shalt  }
0x76: {  	_ =	shalt  }
0x77: {  	_ =	shalt  }
0x78: {  	_ =	shalt  }
0x79: {  	_ =	shalt  }
0x7a: {  	_ =	shalt  }
0x7b: {  	_ =	shalt  }
0x7c: {  	_ =	shalt  }
0x7d: {  	_ =	shalt  }
0x7e: {  	_ =	shalt  }
0x7f: {  	_ =	shalt  }
0x80: {  	_ =	shalt  }
0x81: {  	_ =	shalt  }
0x82: {  	_ =	shalt  }
0x83: {  	_ =	shalt  }
0x84: {  	_ =	shalt  }
0x85: {  	_ =	shalt  }
0x86: {  	_ =	shalt  }
0x87: {  	_ =	shalt  }
.Lfunc_end0:
.L_simem_size_0:
called_computation_lowered:
.L_overlay_start_0:
0x88: {  	s2 =	sld [smem:$0x3FD9]  }
0x89: {  	s3 =	sld [smem:$0x3FFE];
	_ =	sdelay $0x1  }
0x8a: {  	s1 =	srdreg.scid  }
0x8b: {  	s0 =	sand.u32 $0x1, s1  }
0x8c: {  	s17 =	sshll.u32 s0, $0xA;
	s2 =	sadd.s32 s3, s2  }
0x8d: {  	s2 =	sadd.s32 s2, s17  }
0x8e: {  	[smem:$0x3FC6] =	sst s2  }
0x8f: {  	_ = 	snop  }
0x90: {  	s2 =	sld [smem:$0x3FC8]  }
0x91: {  	s18 =	sld [smem:$0x3FD0];
	(tm) =	ssettm $0x1  }
0x92: {  	s4 =	sld [smem:$0x3FFB];
	_ =	sdelay $0x3  }
0x93: {  	_ =	strace s4  }
0x94: {  	s4 =	sld [smem:$0x3FFC];
	_ =	sdelay $0x3  }
0x95: {  	_ =	strace s4  }
0x96: {  	s4 =	sld [smem:$0x3FFD];
	_ =	sdelay $0x3  }
0x97: {  	_ =	strace s4  }
0x98: {  	_ =	strace $0x8FFFFFFF  }
0x99: {  	s19 =	sld [smem:$0x3FDB];
	_ =	sdelay $0x1  }
0x9a: {  	s5 =	simm.s32 $_scs_section_size  }
0x9b: {  	s6 =	simm.s32 $_size__tile_overlayer_lowered;
	s7 =	simm.s32 $_tile_overlayer_lowered  }
0x9c: {  	s22 =	simm.s32 $0x1BFF;
	s21 =	sshll.u32 s7, $0x1;
	s4 =	sadd.s32 s5, s19  }
0x9d: {  	s8 =	simm.s32 $0x0;
	s20 =	sshll.u32 s6, $0x1;
	s6 =	sadd.s32 s21, s4  }
0x9e: {  	[timem:s8], [sflag:s22] =	dma.local [hbm:s6], s20  }
0x9f: {  	_ =	swait.ge [sflag:s22], s20  }
0xa0: {  	s5 =	ssub.s32 $0x0, s20;
	[sflag:s22] =	ssyncset.done $0x0  }
0xa1: {  	[sflag:s22] =	ssyncadd.s32 s5;
	_ =	sdelay $0x1  }
0xa2: {  	s23 =	simm.s32 $0x1B8B  }
0xa3: {  	_ =	swait.ge [sflag:s23], $0x1  }
0xa4: {  	[sflag:s23] =	ssyncset.done $0x0  }
0xa5: {  	s25 =	simm.s32 $0x1B8E;
	s24 =	sld [smem:$0x3FFE];
	[sflag:s23] =	ssyncadd.s32 $0xFFFFFFFF  }
0xa6: {  	s26 =	simm.s32 $execute0_lowered;
	[smem:$0x3FD2] =	sst s25  }
0xa7: {  	s6 =	sshll.u32 s26, $0x1;
	_ =	strace $0x80000046;
	[dreg:$0x1] =	wrdreg $0xFFFFFFFF  }
0xa8: {  	s28 =	simm.s32 $_size_execute0_lowered;
	s4 =	sadd.s32 s4, s6;
	[dreg:$0x0] =	wrdreg $0x0  }
0xa9: {  	s6 =	sshll.u32 s28, $0x1;
	[dreg:$0x2] =	wrdreg s4  }
0xaa: {  	[dreg:$0x3] =	wrdreg s6  }
0xab: {  	[dreg:$0x4] =	wrdreg $0xC0  }
0xac: {  	_ =	task [dreg:s8], $0x5FFFF  }
0xad: {  	[dreg:$0x1] =	wrdreg $0xFFFFFFFF  }
0xae: {  	[dreg:$0x0] =	wrdreg $0x60  }
0xaf: {  	[dreg:$0x2] =	wrdreg s2  }
0xb0: {  	[dreg:$0x3] =	wrdreg s18  }
0xb1: {  	[dreg:$0x4] =	wrdreg s24  }
0xb2: {  	[dreg:$0x5] =	wrdreg $0x9  }
0xb3: {  	_ =	task.clear_ibuf [dreg:s8], $0x6FFFF;
	_ =	strace $0x90000046  }
0xb4: {  	s29 =	simm.s32 $0x9;
	_ =	strace $0x80000048  }
0xb5: {  	_ =	swait.ge [sflag:s29], $0x1  }
0xb6: {  	[sflag:s29] =	ssyncadd.s32 $0xFFFFFFFF  }
0xb7: {  	_ =	strace $0x90000048  }
0xb8: {  	_ =	sfence  }
0xb9: {  	s30 =	sld [smem:$0x0];
	_ =	sdelay $0x2  }
0xba: {  	s31 =	sshll.u32 s1, $0xD;
	s1 =	sshrl.u32 s1, $0x2  }
0xbb: {  	s3 =	sand.u32 $0x4000, s31;
	s1 =	sadd.s32 s1, s30  }
0xbc: {  	s0 =	sor.u32 s3, s0;
	s1 =	sshll.u32 s1, $0x11  }
0xbd: {  	s0 =	sor.u32 s1, s0  }
0xbe: {  	s0 =	sadd.s32 $0x8F2B, s0  }
0xbf: {  	[sflag:s0] =	ssyncadd.remote.s32 $0x1  }
0xc0: {  	_ =	sfence.sel $0xFFFF  }
0xc1: {  	[dreg:$0x0] =	wrdreg $0xFFFFFFFF;
	(pc) =	sbr.abs _section_cstart, $3  }
0xc2: {  	[dreg:$0x1] =	wrdreg $0xFFFFFFFF  }
0xc3: {  	_ =	task.clear_ibuf [dreg:s8], $0x2FFFF;
	_ =	strace $0x9FFFFFFF  }
0xc4: {  	(tm) =	ssettm $0x7FFFFFFF  }
0xc5: {  	_ =	shalt  }
tec
execute0_lowered:
.L_overlay_start_1:
0x0: {  	(tag) =	ssettag $0x1  }
0x1: {  	s1 =	rddreg [dreg:$0x0];
	s0 =	srdreg.scid  }
0x2: {  	s2 =	stileid.u32;
	s3 =	rddreg [dreg:$0x2];
	s4 =	simm.s32 $0x0  }
0x3: {  	s16 =	simm.s32 $0x1;
	s17 =	simm.s32 $0x4000;
	s25 =	simm.s32 $0x2  }
0x4: {  	s28 =	simm.s32 $0x8800;
	s29 =	simm.s32 $0x9000;
	s30 =	simm.s32 $0x9800  }
0x5: {  	s31 =	simm.s32 $0xA000;
	s0 =	sand.u32 $0x1, s0;
	s2 =	sshll.u32 s2, $0x1  }
0x6: {  	[smem:$0x7FF] =	sst s4;
	s6 =	sadd.s32 $0xA00, s3;
	s2 =	sor.u32 s0, s2  }
0x7: {  	s3 =	sadd.s32 $0x7A1A00, s3;
	s0 =	ssub.s32 $0x2, s0;
	s5 =	smul.u32 $0xF5, s2  }
0x8: {  	_ =	strace $0x80000047;
	[dreg:$0x6] =	wrdreg s3;
	s7 =	smul.u32 $0x3D400, s2  }
0x9: {  	s3 =	simm.s32 $0xB800;
	s8 =	sshrl.u32 s0, $0x1;
	s10 =	smul.u32 $0x7A80, s2  }
0xa: {  	v0 =	vlaneseq.u32;
	p0 =	sne.s32 s2, $0x1F;
	s2 =	simm.s32 $0xA800;
	s0 =	ssub.s32 s0, s8  }
.Ltmp0:
0xb: {  	v0 =	vmul.u32 $0x40, v0;
	s9 =	ssub.s32 $0x1E84, s5;
	s10 =	sadd.s32 s1, s10;
	(pc) =	sbr.rel .LBB2_1-.Ltmp0, $4  }
0xc: {  	s11 =	sshrl.u32 s7, $0x3;
	s0 =	smax.u32 s0, $0x1;
	[dreg:$0x4] =	wrdreg s10  }
0xd: {  	v1 =	vor.u32 $0x800, v0;
	s7 =	smin.u32 s9, $0xF5;
	s26 =	sadd.s32 s1, s11;
	[dreg:$0x7] =	wrdreg s0  }
0xe: {  	v2 =	vor.u32 $0x1000, v0;
	v3 =	vor.u32 $0x1800, v0;
	v4 =	vor.u32 $0x2000, v0;
	s0 =	simm.s32 $0xB000;
	s11 =	simm.s32 $0x0;
	s9 =	sadd.s32 $0x80, s26  }
0xf: {  	v5 =	vor.u32 $0x2800, v0;
	v6 =	vor.u32 $0x3000, v0;
	v7 =	vor.u32 $0x3800, v0;
	s8 =	sadd.s32 s5, s7;
	s26 =	simm.s32 $0x8000;
	[dreg:$0x5] =	wrdreg s9  }
.LBB2_11:
0x10: {  	s9 =	simm.s32 $0x3  }
0x11: {  	_ =	swait.ge [sflag:s9], $0x2000  }
0x12: {  	[sflag:s9] =	ssyncset.done $0x0  }
0x13: {  	s22 =	simm.s32 $0x4;
	[sflag:s9] =	ssyncadd.s32 $0xFFFFE000  }
0x14: {  	_ =	swait.ge [sflag:s22], $0x2000  }
0x15: {  	[sflag:s22] =	ssyncset.done $0x0  }
0x16: {  	[sflag:s22] =	ssyncadd.s32 $0xFFFFE000  }
0x17: {  	s9 =	simm.s32 @!p0 $0x0;
	s10 =	rddreg [dreg:$0x1]  }
0x18: {  	[tilespmem:s9], [sflag:$0x5] =	stream.linear.gather @!p0 [hbm4b:s10+s9], $0x1000, $0x38;
	[tilespmem:$0xC000] =	vst v63  }
0x19: {  	s10 =	simm.s32 @!p0 $0x5  }
0x1a: {  	_ =	swait.ge @!p0 [sflag:s10], $0x1000  }
0x1b: {  	[sflag:s10] =	ssyncset.done @!p0 $0x0  }
0x1c: {  	s11 =	rddreg [dreg:$0x6];
	[sflag:s10] =	ssyncadd.s32 @!p0 $0xFFFFF000  }
0x1d: {  	[hbm4b:s11+s9] =	stream.linear.scatter @!p0 [tilespmem:s9], [sflag:$0x5], $0x1000, $0x38;
	[tilespmem:$0xC000] =	vst v63  }
0x1e: {  	_ =	swait.ge @!p0 [sflag:s10], $0x1000  }
0x1f: {  	s23 =	rddreg [dreg:$0x8]  }
0x20: {  	s24 =	rddreg [dreg:$0x7];
	s11 =	sadd.s32 $0x1, s23  }
0x21: {  	p1 =	sne.s32 s11, s24  }
.Ltmp1:
0x22: {  	_ = 	snop;
	(pc) =	sbr.rel @!p1 .LBB2_12-.Ltmp1, $3  }
0x23: {  	_ =	sdelay $0x1  }
0x24: {  	[sflag:s10] =	ssyncset.done @!p0 $0x0  }
0x25: {  	[sflag:s10] =	ssyncadd.s32 @!p0 $0xFFFFF000  }
.LBB2_1:
.Ltmp2:
0x26: {  	[dreg:$0x8] =	wrdreg s11;
	(pc) =	sbr.rel .LBB2_2-.Ltmp2, $4  }
0x27: {  	s9 =	rddreg [dreg:$0x4];
	s10 =	simm.s32 $0x400;
	s23 =	simm.s32 $0x7A1400  }
0x28: {  	[tilespmem:s4], [sflag:$0x1] =	stream.strided.gather [hbm4b:s9+s10], $0x2000, s23, s10, $0x38;
	[tilespmem:$0xC000] =	vst v63  }
0x29: {  	s24 =	rddreg [dreg:$0x5];
	s12 =	simm.s32 $0x2000;
	s9 =	simm.s32 $0x0  }
0x2a: {  	[tilespmem:s12], [sflag:$0x2] =	stream.strided.gather [hbm4b:s24+s10], $0x2000, s23, s10, $0x38;
	[tilespmem:$0xC000] =	vst v63  }
.LBB2_10:
0x2b: {  	s9 =	sadd.s32 $0x1, s9  }
0x2c: {  	p1 =	sne.s32 s9, $0x7B  }
.Ltmp3:
0x2d: {  	_ = 	snop;
	(pc) =	sbr.rel @!p1 .LBB2_11-.Ltmp3, $1  }
0x2e: {  	_ =	sdelay $0x3  }
.LBB2_2:
0x2f: {  	s10 =	sshll.u32 s9, $0x1  }
0x30: {  	p2 =	sge.u32 s10, s7  }
.Ltmp4:
0x31: {  	_ = 	snop;
	(pc) =	sbr.rel @p2 .LBB2_6-.Ltmp4, $2  }
0x32: {  	_ =	sdelay $0x2  }
0x33: {  	p1 =	seq.s32 s9, $0x0;
	s10 =	sadd.s32 s5, s10  }
0x34: {  	_ =	swait.ge [sflag:s16], $0x2000  }
0x35: {  	[sflag:s16] =	ssyncset.done $0x0  }
0x36: {  	s11 =	simm.s32 @!p1 $0x3;
	[sflag:s16] =	ssyncadd.s32 $0xFFFFE000  }
0x37: {  	_ =	swait.ge @!p1 [sflag:s11], $0x2000  }
0x38: {  	[sflag:s11] =	ssyncset.done @!p1 $0x0  }
0x39: {  	s18 =	simm.s32 $0x100;
	s22 =	simm.s32 $0x3;
	[sflag:s11] =	ssyncadd.s32 @!p1 $0xFFFFE000  }
0x3a: {  	s20 =	simm.s32 $0x2;
	v9 =	vor.u32 s22, v0;
	v8 =	vld [tilespmem:s18+$0x80]  }
0x3b: {  	s21 =	simm.s32 $0x1;
	v13 =	vor.u32 s20, v0;
	v12 =	vld [tilespmem:s18+$0x0]  }
0x3c: {  	v11 =	vor.u32 s21, v0;
	v10 =	vld [tilespmem:s18+$0xFFFFFF80];
	_ =	sdelay $0x1  }
0x3d: {  	s19 =	simm.s32 $0x0  }
0x3e: {  	v15 =	vor.u32 s19, v0;
	v14 =	vld [tilespmem:s18+$0xFFFFFF00];
	[tilespmem:v9+s17+$0x0] =	vst.idx.msk $0xffff, v8  }
0x3f: {  	v9 =	vor.u32 s22, v1;
	[tilespmem:v13+s17+$0x0] =	vst.idx.msk $0xffff, v12;
	v8 =	vld [tilespmem:s18+$0x90]  }
0x40: {  	[tilespmem:v11+s17+$0x0] =	vst.idx.msk $0xffff, v10;
	v13 =	vor.u32 s20, v1;
	v12 =	vld [tilespmem:s18+$0x10]  }
0x41: {  	v11 =	vor.u32 s21, v1;
	v10 =	vld [tilespmem:s18+$0xFFFFFF90];
	_ =	sdelay $0x1  }
0x42: {  	[tilespmem:v15+s17+$0x0] =	vst.idx.msk $0xffff, v14  }
0x43: {  	v15 =	vor.u32 s19, v1;
	v14 =	vld [tilespmem:s18+$0xFFFFFF10];
	[tilespmem:v9+s17+$0x0] =	vst.idx.msk $0xffff, v8  }
0x44: {  	v9 =	vor.u32 s22, v2;
	[tilespmem:v13+s17+$0x0] =	vst.idx.msk $0xffff, v12;
	v8 =	vld [tilespmem:s18+$0xA0]  }
0x45: {  	[tilespmem:v11+s17+$0x0] =	vst.idx.msk $0xffff, v10;
	v13 =	vor.u32 s20, v2;
	v12 =	vld [tilespmem:s18+$0x20]  }
0x46: {  	v11 =	vor.u32 s21, v2;
	v10 =	vld [tilespmem:s18+$0xFFFFFFA0];
	_ =	sdelay $0x1  }
0x47: {  	[tilespmem:v15+s17+$0x0] =	vst.idx.msk $0xffff, v14  }
0x48: {  	v15 =	vor.u32 s19, v2;
	v14 =	vld [tilespmem:s18+$0xFFFFFF20];
	[tilespmem:v9+s17+$0x0] =	vst.idx.msk $0xffff, v8  }
0x49: {  	v9 =	vor.u32 s22, v3;
	[tilespmem:v13+s17+$0x0] =	vst.idx.msk $0xffff, v12;
	v8 =	vld [tilespmem:s18+$0xB0]  }
0x4a: {  	[tilespmem:v11+s17+$0x0] =	vst.idx.msk $0xffff, v10;
	v13 =	vor.u32 s20, v3;
	v12 =	vld [tilespmem:s18+$0x30]  }
0x4b: {  	v11 =	vor.u32 s21, v3;
	v10 =	vld [tilespmem:s18+$0xFFFFFFB0];
	_ =	sdelay $0x1  }
0x4c: {  	[tilespmem:v15+s17+$0x0] =	vst.idx.msk $0xffff, v14  }
0x4d: {  	v15 =	vor.u32 s19, v3;
	v14 =	vld [tilespmem:s18+$0xFFFFFF30];
	[tilespmem:v9+s17+$0x0] =	vst.idx.msk $0xffff, v8  }
0x4e: {  	v9 =	vor.u32 s22, v4;
	[tilespmem:v13+s17+$0x0] =	vst.idx.msk $0xffff, v12;
	v8 =	vld [tilespmem:s18+$0xC0]  }
0x4f: {  	[tilespmem:v11+s17+$0x0] =	vst.idx.msk $0xffff, v10;
	v13 =	vor.u32 s20, v4;
	v12 =	vld [tilespmem:s18+$0x40]  }
0x50: {  	v11 =	vor.u32 s21, v4;
	v10 =	vld [tilespmem:s18+$0xFFFFFFC0]  }
0x51: {  	s14 =	simm.s32 $0x7;
	s11 =	simm.s32 $0x300  }
0x52: {  	v17 =	vor.u32 s14, v0;
	v16 =	vld [tilespmem:s11+$0x80];
	[tilespmem:v15+s17+$0x0] =	vst.idx.msk $0xffff, v14  }
0x53: {  	s13 =	simm.s32 $0x5;
	v15 =	vor.u32 s19, v4;
	v14 =	vld [tilespmem:s18+$0xFFFFFF40];
	[tilespmem:v9+s17+$0x0] =	vst.idx.msk $0xffff, v8  }
0x54: {  	[tilespmem:v13+s17+$0x0] =	vst.idx.msk $0xffff, v12;
	v12 =	vld [tilespmem:s11+$0xFFFFFF80];
	v13 =	vor.u32 s13, v0  }
0x55: {  	[tilespmem:v11+s17+$0x0] =	vst.idx.msk $0xffff, v10;
	v9 =	vor.u32 s22, v5;
	v8 =	vld [tilespmem:s18+$0xD0]  }
0x56: {  	v11 =	vor.u32 s21, v5;
	v10 =	vld [tilespmem:s18+$0xFFFFFFD0]  }
0x57: {  	s15 =	simm.s32 $0x6;
	[tilespmem:v17+s17+$0x0] =	vst.idx.msk $0xffff, v16  }
0x58: {  	s12 =	simm.s32 $0x4;
	[tilespmem:v15+s17+$0x0] =	vst.idx.msk $0xffff, v14;
	v14 =	vld [tilespmem:s11+$0x0];
	v15 =	vor.u32 s15, v0  }
0x59: {  	v19 =	vor.u32 s12, v0;
	v18 =	vld [tilespmem:s11+$0xFFFFFF00];
	[tilespmem:v13+s17+$0x0] =	vst.idx.msk $0xffff, v12  }
0x5a: {  	v12 =	vld [tilespmem:s11+$0x90];
	v13 =	vor.u32 s14, v1;
	[tilespmem:v9+s17+$0x0] =	vst.idx.msk $0xffff, v8  }
0x5b: {  	[tilespmem:v11+s17+$0x0] =	vst.idx.msk $0xffff, v10;
	v10 =	vld [tilespmem:s18+$0x50];
	v11 =	vor.u32 s20, v5  }
0x5c: {  	v9 =	vor.u32 s22, v6;
	v8 =	vld [tilespmem:s18+$0xE0]  }
0x5d: {  	v17 =	vor.u32 s13, v1;
	[tilespmem:v15+s17+$0x0] =	vst.idx.msk $0xffff, v14;
	v16 =	vld [tilespmem:s11+$0xFFFFFF90]  }
0x5e: {  	[tilespmem:v19+s17+$0x0] =	vst.idx.msk $0xffff, v18;
	v15 =	vor.u32 s15, v1;
	v14 =	vld [tilespmem:s11+$0x10]  }
0x5f: {  	v19 =	vor.u32 s12, v1;
	v18 =	vld [tilespmem:s11+$0xFFFFFF10];
	[tilespmem:v13+s17+$0x0] =	vst.idx.msk $0xffff, v12  }
0x60: {  	v13 =	vor.u32 s14, v2;
	[tilespmem:v11+s17+$0x0] =	vst.idx.msk $0xffff, v10;
	v12 =	vld [tilespmem:s11+$0xA0]  }
0x61: {  	v10 =	vld [tilespmem:s18+$0xFFFFFF50];
	v11 =	vor.u32 s19, v5;
	[tilespmem:v9+s17+$0x0] =	vst.idx.msk $0xffff, v8  }
0x62: {  	[tilespmem:v17+s17+$0x0] =	vst.idx.msk $0xffff, v16;
	v9 =	vor.u32 s22, v7;
	v8 =	vld [tilespmem:s18+$0xF0]  }
0x63: {  	v17 =	vor.u32 s13, v2;
	[tilespmem:v15+s17+$0x0] =	vst.idx.msk $0xffff, v14;
	v16 =	vld [tilespmem:s11+$0xFFFFFFA0]  }
0x64: {  	[tilespmem:v19+s17+$0x0] =	vst.idx.msk $0xffff, v18;
	v15 =	vor.u32 s15, v2;
	v14 =	vld [tilespmem:s11+$0x20]  }
0x65: {  	v19 =	vor.u32 s12, v2;
	v18 =	vld [tilespmem:s11+$0xFFFFFF20];
	[tilespmem:v13+s17+$0x0] =	vst.idx.msk $0xffff, v12  }
0x66: {  	[tilespmem:v11+s17+$0x0] =	vst.idx.msk $0xffff, v10;
	v13 =	vor.u32 s14, v3;
	v12 =	vld [tilespmem:s11+$0xB0]  }
0x67: {  	[tilespmem:v9+s17+$0x0] =	vst.idx.msk $0xffff, v8;
	v8 =	vld [tilespmem:s18+$0xFFFFFFE0];
	v9 =	vor.u32 s21, v6  }
0x68: {  	v10 =	vld [tilespmem:s18+$0x60];
	v11 =	vor.u32 s20, v6;
	[tilespmem:v17+s17+$0x0] =	vst.idx.msk $0xffff, v16  }
0x69: {  	v17 =	vor.u32 s13, v3;
	[tilespmem:v15+s17+$0x0] =	vst.idx.msk $0xffff, v14;
	v16 =	vld [tilespmem:s11+$0xFFFFFFB0]  }
0x6a: {  	[tilespmem:v19+s17+$0x0] =	vst.idx.msk $0xffff, v18;
	v15 =	vor.u32 s15, v3;
	v14 =	vld [tilespmem:s11+$0x30]  }
0x6b: {  	v19 =	vor.u32 s12, v3;
	v18 =	vld [tilespmem:s11+$0xFFFFFF30];
	[tilespmem:v13+s17+$0x0] =	vst.idx.msk $0xffff, v12  }
0x6c: {  	[tilespmem:v9+s17+$0x0] =	vst.idx.msk $0xffff, v8;
	v8 =	vld [tilespmem:s18+$0xFFFFFF60];
	v9 =	vor.u32 s19, v6  }
0x6d: {  	[tilespmem:v11+s17+$0x0] =	vst.idx.msk $0xffff, v10;
	v13 =	vor.u32 s14, v4;
	v12 =	vld [tilespmem:s11+$0xC0]  }
0x6e: {  	v11 =	vor.u32 s21, v7;
	[tilespmem:v17+s17+$0x0] =	vst.idx.msk $0xffff, v16;
	v10 =	vld [tilespmem:s18+$0xFFFFFFF0]  }
0x6f: {  	v21 =	vor.u32 s13, v4;
	[tilespmem:v15+s17+$0x0] =	vst.idx.msk $0xffff, v14;
	v20 =	vld [tilespmem:s11+$0xFFFFFFC0]  }
0x70: {  	[tilespmem:v19+s17+$0x0] =	vst.idx.msk $0xffff, v18;
	v19 =	vor.u32 s15, v4;
	v18 =	vld [tilespmem:s11+$0x40]  }
0x71: {  	v16 =	vld [tilespmem:s11+$0xFFFFFF40];
	v17 =	vor.u32 s12, v4;
	[tilespmem:v9+s17+$0x0] =	vst.idx.msk $0xffff, v8  }
0x72: {  	v15 =	vor.u32 s20, v7;
	v9 =	vld [tilespmem:s18+$0x70];
	[tilespmem:v13+s17+$0x0] =	vst.idx.msk $0xffff, v12  }
0x73: {  	v14 =	vor.u32 s19, v7;
	[tilespmem:v11+s17+$0x0] =	vst.idx.msk $0xffff, v10;
	v11 =	vld [tilespmem:s18+$0xFFFFFF70]  }
0x74: {  	s21 =	simm.s32 $0xC;
	[tilespmem:v21+s17+$0x0] =	vst.idx.msk $0xffff, v20;
	v8 =	vld [tilespmem:s11+$0xD0];
	v10 =	vor.u32 s14, v5  }
0x75: {  	s20 =	simm.s32 $0xB;
	s19 =	simm.s32 $0x500;
	v13 =	vor.u32 s13, v5;
	s18 =	simm.s32 $0x8;
	[tilespmem:v19+s17+$0x0] =	vst.idx.msk $0xffff, v18;
	v12 =	vld [tilespmem:s11+$0xFFFFFFD0]  }
.LBB2_4:
0x76: {  	p2 =	slt.u32 s21, $0x3C;
	s23 =	sadd.s32 $0x1, s18;
	v18 =	vld [tilespmem:s19+$0x80];
	v19 =	vor.u32 s20, v0;
	[tilespmem:v17+s17+$0x0] =	vst.idx.msk $0xffff, v16  }
0x77: {  	s22 =	sadd.s32 $0x2, s18;
	v16 =	vld [tilespmem:s19+$0xFFFFFF80];
	v17 =	vor.u32 s23, v0;
	[tilespmem:v15+s17+$0x0] =	vst.idx.msk $0xffff, v9  }
0x78: {  	v15 =	vor.u32 s22, v0;
	v9 =	vld [tilespmem:s19+$0x0];
	[tilespmem:v14+s17+$0x0] =	vst.idx.msk $0xffff, v11  }
0x79: {  	v14 =	vor.u32 s18, v0;
	v11 =	vld [tilespmem:s19+$0xFFFFFF00];
	[tilespmem:v10+s17+$0x0] =	vst.idx.msk $0xffff, v8  }
0x7a: {  	v10 =	vor.u32 s14, v6;
	[tilespmem:v13+s17+$0x0] =	vst.idx.msk $0xffff, v12;
	v8 =	vld [tilespmem:s11+$0xE0]  }
0x7b: {  	v13 =	vor.u32 s15, v5;
	[tilespmem:v19+s17+$0x0] =	vst.idx.msk $0xffff, v18;
	v12 =	vld [tilespmem:s11+$0x50]  }
0x7c: {  	[tilespmem:v17+s17+$0x0] =	vst.idx.msk $0xffff, v16;
	v16 =	vld [tilespmem:s19+$0x90];
	v17 =	vor.u32 s20, v1  }
0x7d: {  	v19 =	vor.u32 s23, v1;
	v18 =	vld [tilespmem:s19+$0xFFFFFF90];
	[tilespmem:v15+s17+$0x0] =	vst.idx.msk $0xffff, v9  }
0x7e: {  	[tilespmem:v14+s17+$0x0] =	vst.idx.msk $0xffff, v11;
	v9 =	vld [tilespmem:s19+$0x10];
	v11 =	vor.u32 s22, v1  }
0x7f: {  	v15 =	vor.u32 s18, v1;
	v14 =	vld [tilespmem:s19+$0xFFFFFF10];
	[tilespmem:v10+s17+$0x0] =	vst.idx.msk $0xffff, v8  }
0x80: {  	v10 =	vor.u32 s14, v7;
	s14 =	smov.u32 s20;
	[tilespmem:v13+s17+$0x0] =	vst.idx.msk $0xffff, v12;
	v8 =	vld [tilespmem:s11+$0xF0]  }
0x81: {  	v13 =	vor.u32 s12, v5;
	[tilespmem:v17+s17+$0x0] =	vst.idx.msk $0xffff, v16;
	v12 =	vld [tilespmem:s11+$0xFFFFFF50]  }
0x82: {  	v17 =	vor.u32 s14, v2;
	[tilespmem:v19+s17+$0x0] =	vst.idx.msk $0xffff, v18;
	v16 =	vld [tilespmem:s19+$0xA0]  }
0x83: {  	v19 =	vor.u32 s23, v2;
	v18 =	vld [tilespmem:s19+$0xFFFFFFA0];
	[tilespmem:v11+s17+$0x0] =	vst.idx.msk $0xffff, v9  }
0x84: {  	v11 =	vor.u32 s22, v2;
	[tilespmem:v15+s17+$0x0] =	vst.idx.msk $0xffff, v14;
	v9 =	vld [tilespmem:s19+$0x20]  }
0x85: {  	v15 =	vor.u32 s18, v2;
	v14 =	vld [tilespmem:s19+$0xFFFFFF20];
	[tilespmem:v10+s17+$0x0] =	vst.idx.msk $0xffff, v8  }
0x86: {  	v10 =	vor.u32 s13, v6;
	[tilespmem:v13+s17+$0x0] =	vst.idx.msk $0xffff, v12;
	v8 =	vld [tilespmem:s11+$0xFFFFFFE0]  }
0x87: {  	v13 =	vor.u32 s15, v6;
	[tilespmem:v17+s17+$0x0] =	vst.idx.msk $0xffff, v16;
	v12 =	vld [tilespmem:s11+$0x60]  }
0x88: {  	v17 =	vor.u32 s14, v3;
	[tilespmem:v19+s17+$0x0] =	vst.idx.msk $0xffff, v18;
	v16 =	vld [tilespmem:s19+$0xB0]  }
0x89: {  	v19 =	vor.u32 s23, v3;
	v18 =	vld [tilespmem:s19+$0xFFFFFFB0];
	[tilespmem:v11+s17+$0x0] =	vst.idx.msk $0xffff, v9  }
0x8a: {  	v11 =	vor.u32 s22, v3;
	[tilespmem:v15+s17+$0x0] =	vst.idx.msk $0xffff, v14;
	v9 =	vld [tilespmem:s19+$0x30]  }
0x8b: {  	v15 =	vor.u32 s18, v3;
	v14 =	vld [tilespmem:s19+$0xFFFFFF30];
	[tilespmem:v10+s17+$0x0] =	vst.idx.msk $0xffff, v8  }
0x8c: {  	v10 =	vor.u32 s12, v6;
	v8 =	vld [tilespmem:s11+$0xFFFFFF60];
	[tilespmem:v13+s17+$0x0] =	vst.idx.msk $0xffff, v12  }
0x8d: {  	v13 =	vor.u32 s13, v7;
	s13 =	smov.u32 s23;
	[tilespmem:v17+s17+$0x0] =	vst.idx.msk $0xffff, v16;
	v12 =	vld [tilespmem:s11+$0xFFFFFFF0]  }
0x8e: {  	[tilespmem:v19+s17+$0x0] =	vst.idx.msk $0xffff, v18;
	v18 =	vld [tilespmem:s19+$0xC0];
	v19 =	vor.u32 s14, v4  }
0x8f: {  	v21 =	vor.u32 s13, v4;
	v20 =	vld [tilespmem:s19+$0xFFFFFFC0];
	[tilespmem:v11+s17+$0x0] =	vst.idx.msk $0xffff, v9  }
0x90: {  	v23 =	vor.u32 s22, v4;
	[tilespmem:v15+s17+$0x0] =	vst.idx.msk $0xffff, v14;
	v22 =	vld [tilespmem:s19+$0x40]  }
.Ltmp5:
0x91: {  	v17 =	vor.u32 s18, v4;
	v16 =	vld [tilespmem:s19+$0xFFFFFF40];
	[tilespmem:v10+s17+$0x0] =	vst.idx.msk $0xffff, v8;
	(pc) =	sbr.rel @p2 .LBB2_4-.Ltmp5, $4  }
0x92: {  	v15 =	vor.u32 s15, v7;
	s15 =	smov.u32 s22;
	[tilespmem:v13+s17+$0x0] =	vst.idx.msk $0xffff, v12;
	v9 =	vld [tilespmem:s11+$0x70]  }
0x93: {  	v14 =	vor.u32 s12, v7;
	s12 =	smov.u32 s18;
	s18 =	smov.u32 s21;
	[tilespmem:v19+s17+$0x0] =	vst.idx.msk $0xffff, v18;
	v11 =	vld [tilespmem:s11+$0xFFFFFF70];
	s11 =	smov.u32 s19  }
0x94: {  	v10 =	vor.u32 s14, v5;
	[tilespmem:v21+s17+$0x0] =	vst.idx.msk $0xffff, v20;
	v8 =	vld [tilespmem:s19+$0xD0]  }
0x95: {  	s21 =	sadd.s32 $0x4, s21;
	s20 =	sadd.s32 $0x3, s18;
	v13 =	vor.u32 s13, v5;
	s19 =	sadd.s32 $0x200, s19;
	v12 =	vld [tilespmem:s11+$0xFFFFFFD0];
	[tilespmem:v23+s17+$0x0] =	vst.idx.msk $0xffff, v22  }
0x96: {  	v18 =	vld [tilespmem:s19+$0x80];
	v19 =	vor.u32 s20, v0  }
0x97: {  	s21 =	sadd.s32 $0x1, s18;
	v24 =	vld [tilespmem:s19+$0xFFFFFF00];
	v25 =	vor.u32 s18, v0  }
0x98: {  	v20 =	vld [tilespmem:s19+$0xFFFFFF80];
	s22 =	sadd.s32 $0x2, s18;
	v21 =	vor.u32 s21, v0  }
0x99: {  	v22 =	vld [tilespmem:s19+$0x0];
	v23 =	vor.u32 s22, v0  }
0x9a: {  	[tilespmem:v17+s17+$0x0] =	vst.idx.msk $0xffff, v16  }
0x9b: {  	[tilespmem:v19+s17+$0x0] =	vst.idx.msk $0xffff, v18  }
0x9c: {  	v52 =	vor.u32 s20, v1;
	[tilespmem:v25+s17+$0x0] =	vst.idx.msk $0xffff, v24;
	v51 =	vld [tilespmem:s19+$0x90]  }
0x9d: {  	v58 =	vor.u32 s18, v1;
	[tilespmem:v21+s17+$0x0] =	vst.idx.msk $0xffff, v20;
	v57 =	vld [tilespmem:s19+$0xFFFFFF10]  }
0x9e: {  	v54 =	vor.u32 s21, v1;
	[tilespmem:v23+s17+$0x0] =	vst.idx.msk $0xffff, v22;
	v53 =	vld [tilespmem:s19+$0xFFFFFF90]  }
0x9f: {  	v56 =	vor.u32 s22, v1;
	[tilespmem:v15+s17+$0x0] =	vst.idx.msk $0xffff, v9;
	v55 =	vld [tilespmem:s19+$0x10]  }
0xa0: {  	[tilespmem:v10+s17+$0x0] =	vst.idx.msk $0xffff, v8  }
0xa1: {  	[tilespmem:v52+s17+$0x0] =	vst.idx.msk $0xffff, v51  }
0xa2: {  	v60 =	vor.u32 s20, v2;
	[tilespmem:v58+s17+$0x0] =	vst.idx.msk $0xffff, v57;
	v59 =	vld [tilespmem:s19+$0xA0]  }
0xa3: {  	v22 =	vor.u32 s18, v2;
	[tilespmem:v54+s17+$0x0] =	vst.idx.msk $0xffff, v53;
	v8 =	vld [tilespmem:s19+$0xFFFFFF20]  }
0xa4: {  	v62 =	vor.u32 s21, v2;
	[tilespmem:v56+s17+$0x0] =	vst.idx.msk $0xffff, v55;
	v61 =	vld [tilespmem:s19+$0xFFFFFFA0]  }
0xa5: {  	[tilespmem:v14+s17+$0x0] =	vst.idx.msk $0xffff, v11;
	v21 =	vor.u32 s22, v2;
	v63 =	vld [tilespmem:s19+$0x20]  }
0xa6: {  	v33 =	vor.u32 s12, v5;
	v32 =	vld [tilespmem:s11+$0xFFFFFF50];
	[tilespmem:v13+s17+$0x0] =	vst.idx.msk $0xffff, v12  }
0xa7: {  	v26 =	vor.u32 s15, v5;
	v25 =	vld [tilespmem:s11+$0x50];
	[tilespmem:v60+s17+$0x0] =	vst.idx.msk $0xffff, v59  }
0xa8: {  	v27 =	vor.u32 s20, v3;
	[tilespmem:v22+s17+$0x0] =	vst.idx.msk $0xffff, v8;
	v11 =	vld [tilespmem:s19+$0xB0]  }
0xa9: {  	v30 =	vor.u32 s18, v3;
	[tilespmem:v62+s17+$0x0] =	vst.idx.msk $0xffff, v61;
	v10 =	vld [tilespmem:s19+$0xFFFFFF30]  }
0xaa: {  	v28 =	vor.u32 s21, v3;
	[tilespmem:v21+s17+$0x0] =	vst.idx.msk $0xffff, v63;
	v16 =	vld [tilespmem:s19+$0xFFFFFFB0]  }
0xab: {  	v29 =	vor.u32 s22, v3;
	[tilespmem:v33+s17+$0x0] =	vst.idx.msk $0xffff, v32;
	v8 =	vld [tilespmem:s19+$0x30]  }
0xac: {  	v39 =	vor.u32 s13, v6;
	v38 =	vld [tilespmem:s11+$0xFFFFFFE0];
	[tilespmem:v26+s17+$0x0] =	vst.idx.msk $0xffff, v25  }
0xad: {  	v24 =	vor.u32 s14, v6;
	v23 =	vld [tilespmem:s11+$0xE0];
	[tilespmem:v27+s17+$0x0] =	vst.idx.msk $0xffff, v11  }
0xae: {  	v34 =	vor.u32 s20, v4;
	[tilespmem:v30+s17+$0x0] =	vst.idx.msk $0xffff, v10;
	v11 =	vld [tilespmem:s19+$0xC0]  }
0xaf: {  	v37 =	vor.u32 s18, v4;
	[tilespmem:v28+s17+$0x0] =	vst.idx.msk $0xffff, v16;
	v10 =	vld [tilespmem:s19+$0xFFFFFF40]  }
0xb0: {  	v35 =	vor.u32 s21, v4;
	[tilespmem:v29+s17+$0x0] =	vst.idx.msk $0xffff, v8;
	v16 =	vld [tilespmem:s19+$0xFFFFFFC0]  }
0xb1: {  	v36 =	vor.u32 s22, v4;
	[tilespmem:v39+s17+$0x0] =	vst.idx.msk $0xffff, v38;
	v8 =	vld [tilespmem:s19+$0x40]  }
0xb2: {  	v47 =	vor.u32 s12, v6;
	v46 =	vld [tilespmem:s11+$0xFFFFFF60];
	[tilespmem:v24+s17+$0x0] =	vst.idx.msk $0xffff, v23  }
0xb3: {  	v41 =	vor.u32 s15, v6;
	v40 =	vld [tilespmem:s11+$0x60];
	[tilespmem:v34+s17+$0x0] =	vst.idx.msk $0xffff, v11  }
0xb4: {  	v42 =	vor.u32 s20, v5;
	[tilespmem:v37+s17+$0x0] =	vst.idx.msk $0xffff, v10;
	v11 =	vld [tilespmem:s19+$0xD0]  }
0xb5: {  	v45 =	vor.u32 s18, v5;
	[tilespmem:v35+s17+$0x0] =	vst.idx.msk $0xffff, v16;
	v10 =	vld [tilespmem:s19+$0xFFFFFF50]  }
0xb6: {  	v43 =	vor.u32 s21, v5;
	[tilespmem:v36+s17+$0x0] =	vst.idx.msk $0xffff, v8;
	v16 =	vld [tilespmem:s19+$0xFFFFFFD0]  }
0xb7: {  	v44 =	vor.u32 s22, v5;
	[tilespmem:v47+s17+$0x0] =	vst.idx.msk $0xffff, v46;
	v8 =	vld [tilespmem:s19+$0x50]  }
0xb8: {  	v49 =	vor.u32 s13, v7;
	v48 =	vld [tilespmem:s11+$0xFFFFFFF0];
	[tilespmem:v41+s17+$0x0] =	vst.idx.msk $0xffff, v40  }
0xb9: {  	v31 =	vor.u32 s14, v7;
	v13 =	vld [tilespmem:s11+$0xF0];
	[tilespmem:v42+s17+$0x0] =	vst.idx.msk $0xffff, v11  }
0xba: {  	v50 =	vor.u32 s20, v6;
	[tilespmem:v45+s17+$0x0] =	vst.idx.msk $0xffff, v10;
	v11 =	vld [tilespmem:s19+$0xE0]  }
0xbb: {  	v55 =	vor.u32 s18, v6;
	[tilespmem:v43+s17+$0x0] =	vst.idx.msk $0xffff, v16;
	v54 =	vld [tilespmem:s19+$0xFFFFFF60]  }
0xbc: {  	v51 =	vor.u32 s21, v6;
	[tilespmem:v44+s17+$0x0] =	vst.idx.msk $0xffff, v8;
	v8 =	vld [tilespmem:s19+$0xFFFFFFE0]  }
0xbd: {  	v53 =	vor.u32 s22, v6;
	[tilespmem:v49+s17+$0x0] =	vst.idx.msk $0xffff, v48;
	v52 =	vld [tilespmem:s19+$0x60]  }
0xbe: {  	v57 =	vor.u32 s15, v7;
	[tilespmem:v31+s17+$0x0] =	vst.idx.msk $0xffff, v13;
	v56 =	vld [tilespmem:s11+$0x70]  }
0xbf: {  	v58 =	vld [tilespmem:s11+$0xFFFFFF70];
	v59 =	vor.u32 s12, v7;
	[tilespmem:v50+s17+$0x0] =	vst.idx.msk $0xffff, v11  }
0xc0: {  	v60 =	vor.u32 s20, v7;
	[tilespmem:v55+s17+$0x0] =	vst.idx.msk $0xffff, v54;
	v11 =	vld [tilespmem:s19+$0xF0]  }
0xc1: {  	v63 =	vor.u32 s18, v7;
	[tilespmem:v51+s17+$0x0] =	vst.idx.msk $0xffff, v8;
	v13 =	vld [tilespmem:s19+$0xFFFFFF70]  }
0xc2: {  	v61 =	vor.u32 s21, v7;
	[tilespmem:v53+s17+$0x0] =	vst.idx.msk $0xffff, v52;
	v8 =	vld [tilespmem:s19+$0xFFFFFFF0]  }
0xc3: {  	v62 =	vor.u32 s22, v7;
	[tilespmem:v57+s17+$0x0] =	vst.idx.msk $0xffff, v56;
	v10 =	vld [tilespmem:s19+$0x70]  }
0xc4: {  	[tilespmem:v59+s17+$0x0] =	vst.idx.msk $0xffff, v58  }
0xc5: {  	[tilespmem:v60+s17+$0x0] =	vst.idx.msk $0xffff, v11  }
0xc6: {  	[tilespmem:v63+s17+$0x0] =	vst.idx.msk $0xffff, v13  }
0xc7: {  	s20 =	sshll.u32 s10, $0xA;
	[tilespmem:v61+s17+$0x0] =	vst.idx.msk $0xffff, v8  }
0xc8: {  	s11 =	sadd.s32 s6, s20;
	[tilespmem:v62+s17+$0x0] =	vst.idx.msk $0xffff, v10  }
0xc9: {  	[hbm4b:s11+s4] =	stream.linear.scatter [tilespmem:s17], [sflag:$0x3], $0x400, $0x38;
	[tilespmem:$0xC000] =	vst v63  }
0xca: {  	s22 =	simm.s32 $0x4800;
	s21 =	sadd.s32 $0x80, s11  }
0xcb: {  	[hbm4b:s21+s4] =	stream.linear.scatter [tilespmem:s22], [sflag:$0x3], $0x400, $0x38;
	[tilespmem:$0xC000] =	vst v63  }
0xcc: {  	s24 =	simm.s32 $0x5000;
	s23 =	sadd.s32 $0x100, s11  }
0xcd: {  	[hbm4b:s23+s4] =	stream.linear.scatter [tilespmem:s24], [sflag:$0x3], $0x400, $0x38;
	[tilespmem:$0xC000] =	vst v63  }
0xce: {  	s15 =	simm.s32 $0x5800;
	s14 =	sadd.s32 $0x180, s11  }
0xcf: {  	[hbm4b:s14+s4] =	stream.linear.scatter [tilespmem:s15], [sflag:$0x3], $0x400, $0x38;
	[tilespmem:$0xC000] =	vst v63  }
0xd0: {  	s18 =	sadd.s32 $0x200, s11;
	s19 =	simm.s32 $0x6000  }
0xd1: {  	[hbm4b:s18+s4] =	stream.linear.scatter [tilespmem:s19], [sflag:$0x3], $0x400, $0x38;
	[tilespmem:$0xC000] =	vst v63  }
0xd2: {  	s20 =	sadd.s32 $0x280, s11;
	s21 =	simm.s32 $0x6800  }
0xd3: {  	[hbm4b:s20+s4] =	stream.linear.scatter [tilespmem:s21], [sflag:$0x3], $0x400, $0x38;
	[tilespmem:$0xC000] =	vst v63  }
0xd4: {  	s22 =	sadd.s32 $0x300, s11;
	s23 =	simm.s32 $0x7000  }
0xd5: {  	[hbm4b:s22+s4] =	stream.linear.scatter [tilespmem:s23], [sflag:$0x3], $0x400, $0x38;
	[tilespmem:$0xC000] =	vst v63  }
0xd6: {  	s11 =	sadd.s32 $0x380, s11;
	s24 =	simm.s32 $0x7800  }
0xd7: {  	[hbm4b:s11+s4] =	stream.linear.scatter [tilespmem:s24], [sflag:$0x3], $0x400, $0x38;
	[tilespmem:$0xC000] =	vst v63  }
0xd8: {  	s11 =	sadd.s32 $0x2, s10  }
0xd9: {  	p2 =	sge.u32 s11, s8  }
0xda: {  	s11 =	sshll.u32 @!p2 s11, $0x7  }
0xdb: {  	s12 =	simm.s32 @!p2 $0x400;
	s11 =	sand.u32 @!p2 $0x1FFFFF80, s11  }
0xdc: {  	s13 =	simm.s32 @!p2 $0x7A1400;
	s14 =	simm.s32 @!p2 $0x0;
	s11 =	sadd.s32 @!p2 s1, s11  }
0xdd: {  	[tilespmem:s14], [sflag:$0x1] =	stream.strided.gather @!p2 [hbm4b:s11+s12], $0x2000, s13, s12, $0x38;
	[tilespmem:$0xC000] =	vst v63  }
.LBB2_6:
0xde: {  	s11 =	sadd.s32 $0x1, s10  }
0xdf: {  	p2 =	sge.u32 s11, s8  }
.Ltmp6:
0xe0: {  	_ = 	snop;
	(pc) =	sbr.rel @p2 .LBB2_10-.Ltmp6, $1  }
0xe1: {  	_ =	sdelay $0x3  }
0xe2: {  	_ =	swait.ge [sflag:s25], $0x2000  }
0xe3: {  	[sflag:s25] =	ssyncset.done $0x0  }
0xe4: {  	s12 =	simm.s32 @!p1 $0x4;
	[sflag:s25] =	ssyncadd.s32 $0xFFFFE000  }
0xe5: {  	_ =	swait.ge @!p1 [sflag:s12], $0x2000  }
0xe6: {  	[sflag:s12] =	ssyncset.done @!p1 $0x0  }
0xe7: {  	s19 =	simm.s32 $0x2100;
	s23 =	simm.s32 $0x3;
	[sflag:s12] =	ssyncadd.s32 @!p1 $0xFFFFE000  }
0xe8: {  	s21 =	simm.s32 $0x2;
	v9 =	vor.u32 s23, v0;
	v8 =	vld [tilespmem:s19+$0x80]  }
0xe9: {  	s22 =	simm.s32 $0x1;
	v13 =	vor.u32 s21, v0;
	v12 =	vld [tilespmem:s19+$0x0]  }
0xea: {  	v11 =	vor.u32 s22, v0;
	v10 =	vld [tilespmem:s19+$0xFFFFFF80];
	_ =	sdelay $0x1  }
0xeb: {  	s20 =	simm.s32 $0x0  }
0xec: {  	v15 =	vor.u32 s20, v0;
	v14 =	vld [tilespmem:s19+$0xFFFFFF00];
	[tilespmem:v9+s26+$0x0] =	vst.idx.msk $0xffff, v8  }
0xed: {  	v9 =	vor.u32 s23, v1;
	[tilespmem:v13+s26+$0x0] =	vst.idx.msk $0xffff, v12;
	v8 =	vld [tilespmem:s19+$0x90]  }
0xee: {  	[tilespmem:v11+s26+$0x0] =	vst.idx.msk $0xffff, v10;
	v13 =	vor.u32 s21, v1;
	v12 =	vld [tilespmem:s19+$0x10]  }
0xef: {  	v11 =	vor.u32 s22, v1;
	v10 =	vld [tilespmem:s19+$0xFFFFFF90];
	_ =	sdelay $0x1  }
0xf0: {  	[tilespmem:v15+s26+$0x0] =	vst.idx.msk $0xffff, v14  }
0xf1: {  	v15 =	vor.u32 s20, v1;
	v14 =	vld [tilespmem:s19+$0xFFFFFF10];
	[tilespmem:v9+s26+$0x0] =	vst.idx.msk $0xffff, v8  }
0xf2: {  	v9 =	vor.u32 s23, v2;
	[tilespmem:v13+s26+$0x0] =	vst.idx.msk $0xffff, v12;
	v8 =	vld [tilespmem:s19+$0xA0]  }
0xf3: {  	[tilespmem:v11+s26+$0x0] =	vst.idx.msk $0xffff, v10;
	v13 =	vor.u32 s21, v2;
	v12 =	vld [tilespmem:s19+$0x20]  }
0xf4: {  	v11 =	vor.u32 s22, v2;
	v10 =	vld [tilespmem:s19+$0xFFFFFFA0];
	_ =	sdelay $0x1  }
0xf5: {  	[tilespmem:v15+s26+$0x0] =	vst.idx.msk $0xffff, v14  }
0xf6: {  	v15 =	vor.u32 s20, v2;
	v14 =	vld [tilespmem:s19+$0xFFFFFF20];
	[tilespmem:v9+s26+$0x0] =	vst.idx.msk $0xffff, v8  }
0xf7: {  	v9 =	vor.u32 s23, v3;
	[tilespmem:v13+s26+$0x0] =	vst.idx.msk $0xffff, v12;
	v8 =	vld [tilespmem:s19+$0xB0]  }
0xf8: {  	[tilespmem:v11+s26+$0x0] =	vst.idx.msk $0xffff, v10;
	v13 =	vor.u32 s21, v3;
	v12 =	vld [tilespmem:s19+$0x30]  }
0xf9: {  	v11 =	vor.u32 s22, v3;
	v10 =	vld [tilespmem:s19+$0xFFFFFFB0];
	_ =	sdelay $0x1  }
0xfa: {  	[tilespmem:v15+s26+$0x0] =	vst.idx.msk $0xffff, v14  }
0xfb: {  	v15 =	vor.u32 s20, v3;
	v14 =	vld [tilespmem:s19+$0xFFFFFF30];
	[tilespmem:v9+s26+$0x0] =	vst.idx.msk $0xffff, v8  }
0xfc: {  	v9 =	vor.u32 s23, v4;
	[tilespmem:v13+s26+$0x0] =	vst.idx.msk $0xffff, v12;
	v8 =	vld [tilespmem:s19+$0xC0]  }
0xfd: {  	[tilespmem:v11+s26+$0x0] =	vst.idx.msk $0xffff, v10;
	v13 =	vor.u32 s21, v4;
	v12 =	vld [tilespmem:s19+$0x40]  }
0xfe: {  	v11 =	vor.u32 s22, v4;
	v10 =	vld [tilespmem:s19+$0xFFFFFFC0]  }
0xff: {  	s18 =	simm.s32 $0x7;
	s12 =	simm.s32 $0x2300  }
0x100: {  	v17 =	vor.u32 s18, v0;
	v16 =	vld [tilespmem:s12+$0x80];
	[tilespmem:v15+s26+$0x0] =	vst.idx.msk $0xffff, v14  }
0x101: {  	s14 =	simm.s32 $0x5;
	v15 =	vor.u32 s20, v4;
	v14 =	vld [tilespmem:s19+$0xFFFFFF40];
	[tilespmem:v9+s26+$0x0] =	vst.idx.msk $0xffff, v8  }
0x102: {  	[tilespmem:v13+s26+$0x0] =	vst.idx.msk $0xffff, v12;
	v12 =	vld [tilespmem:s12+$0xFFFFFF80];
	v13 =	vor.u32 s14, v0  }
0x103: {  	[tilespmem:v11+s26+$0x0] =	vst.idx.msk $0xffff, v10;
	v9 =	vor.u32 s23, v5;
	v8 =	vld [tilespmem:s19+$0xD0]  }
0x104: {  	v11 =	vor.u32 s22, v5;
	v10 =	vld [tilespmem:s19+$0xFFFFFFD0]  }
0x105: {  	s13 =	simm.s32 $0x6;
	[tilespmem:v17+s26+$0x0] =	vst.idx.msk $0xffff, v16  }
0x106: {  	s15 =	simm.s32 $0x4;
	[tilespmem:v15+s26+$0x0] =	vst.idx.msk $0xffff, v14;
	v14 =	vld [tilespmem:s12+$0x0];
	v15 =	vor.u32 s13, v0  }
0x107: {  	v19 =	vor.u32 s15, v0;
	v18 =	vld [tilespmem:s12+$0xFFFFFF00];
	[tilespmem:v13+s26+$0x0] =	vst.idx.msk $0xffff, v12  }
0x108: {  	v12 =	vld [tilespmem:s12+$0x90];
	v13 =	vor.u32 s18, v1;
	[tilespmem:v9+s26+$0x0] =	vst.idx.msk $0xffff, v8  }
0x109: {  	[tilespmem:v11+s26+$0x0] =	vst.idx.msk $0xffff, v10;
	v10 =	vld [tilespmem:s19+$0x50];
	v11 =	vor.u32 s21, v5  }
0x10a: {  	v9 =	vor.u32 s23, v6;
	v8 =	vld [tilespmem:s19+$0xE0]  }
0x10b: {  	v17 =	vor.u32 s14, v1;
	[tilespmem:v15+s26+$0x0] =	vst.idx.msk $0xffff, v14;
	v16 =	vld [tilespmem:s12+$0xFFFFFF90]  }
0x10c: {  	[tilespmem:v19+s26+$0x0] =	vst.idx.msk $0xffff, v18;
	v15 =	vor.u32 s13, v1;
	v14 =	vld [tilespmem:s12+$0x10]  }
0x10d: {  	v19 =	vor.u32 s15, v1;
	v18 =	vld [tilespmem:s12+$0xFFFFFF10];
	[tilespmem:v13+s26+$0x0] =	vst.idx.msk $0xffff, v12  }
0x10e: {  	v13 =	vor.u32 s18, v2;
	[tilespmem:v11+s26+$0x0] =	vst.idx.msk $0xffff, v10;
	v12 =	vld [tilespmem:s12+$0xA0]  }
0x10f: {  	v10 =	vld [tilespmem:s19+$0xFFFFFF50];
	v11 =	vor.u32 s20, v5;
	[tilespmem:v9+s26+$0x0] =	vst.idx.msk $0xffff, v8  }
0x110: {  	[tilespmem:v17+s26+$0x0] =	vst.idx.msk $0xffff, v16;
	v9 =	vor.u32 s23, v7;
	v8 =	vld [tilespmem:s19+$0xF0]  }
0x111: {  	v17 =	vor.u32 s14, v2;
	[tilespmem:v15+s26+$0x0] =	vst.idx.msk $0xffff, v14;
	v16 =	vld [tilespmem:s12+$0xFFFFFFA0]  }
0x112: {  	[tilespmem:v19+s26+$0x0] =	vst.idx.msk $0xffff, v18;
	v15 =	vor.u32 s13, v2;
	v14 =	vld [tilespmem:s12+$0x20]  }
0x113: {  	v19 =	vor.u32 s15, v2;
	v18 =	vld [tilespmem:s12+$0xFFFFFF20];
	[tilespmem:v13+s26+$0x0] =	vst.idx.msk $0xffff, v12  }
0x114: {  	[tilespmem:v11+s26+$0x0] =	vst.idx.msk $0xffff, v10;
	v13 =	vor.u32 s18, v3;
	v12 =	vld [tilespmem:s12+$0xB0]  }
0x115: {  	[tilespmem:v9+s26+$0x0] =	vst.idx.msk $0xffff, v8;
	v8 =	vld [tilespmem:s19+$0xFFFFFFE0];
	v9 =	vor.u32 s22, v6  }
0x116: {  	v10 =	vld [tilespmem:s19+$0x60];
	v11 =	vor.u32 s21, v6;
	[tilespmem:v17+s26+$0x0] =	vst.idx.msk $0xffff, v16  }
0x117: {  	v17 =	vor.u32 s14, v3;
	[tilespmem:v15+s26+$0x0] =	vst.idx.msk $0xffff, v14;
	v16 =	vld [tilespmem:s12+$0xFFFFFFB0]  }
0x118: {  	[tilespmem:v19+s26+$0x0] =	vst.idx.msk $0xffff, v18;
	v15 =	vor.u32 s13, v3;
	v14 =	vld [tilespmem:s12+$0x30]  }
0x119: {  	v19 =	vor.u32 s15, v3;
	v18 =	vld [tilespmem:s12+$0xFFFFFF30];
	[tilespmem:v13+s26+$0x0] =	vst.idx.msk $0xffff, v12  }
0x11a: {  	[tilespmem:v9+s26+$0x0] =	vst.idx.msk $0xffff, v8;
	v8 =	vld [tilespmem:s19+$0xFFFFFF60];
	v9 =	vor.u32 s20, v6  }
0x11b: {  	[tilespmem:v11+s26+$0x0] =	vst.idx.msk $0xffff, v10;
	v13 =	vor.u32 s18, v4;
	v12 =	vld [tilespmem:s12+$0xC0]  }
0x11c: {  	v11 =	vor.u32 s22, v7;
	[tilespmem:v17+s26+$0x0] =	vst.idx.msk $0xffff, v16;
	v10 =	vld [tilespmem:s19+$0xFFFFFFF0]  }
0x11d: {  	v21 =	vor.u32 s14, v4;
	[tilespmem:v15+s26+$0x0] =	vst.idx.msk $0xffff, v14;
	v20 =	vld [tilespmem:s12+$0xFFFFFFC0]  }
0x11e: {  	[tilespmem:v19+s26+$0x0] =	vst.idx.msk $0xffff, v18;
	v19 =	vor.u32 s13, v4;
	v18 =	vld [tilespmem:s12+$0x40]  }
0x11f: {  	v16 =	vld [tilespmem:s12+$0xFFFFFF40];
	v17 =	vor.u32 s15, v4;
	[tilespmem:v9+s26+$0x0] =	vst.idx.msk $0xffff, v8  }
0x120: {  	v15 =	vor.u32 s21, v7;
	v9 =	vld [tilespmem:s19+$0x70];
	[tilespmem:v13+s26+$0x0] =	vst.idx.msk $0xffff, v12  }
0x121: {  	v14 =	vor.u32 s20, v7;
	[tilespmem:v11+s26+$0x0] =	vst.idx.msk $0xffff, v10;
	v11 =	vld [tilespmem:s19+$0xFFFFFF70]  }
0x122: {  	s22 =	simm.s32 $0xC;
	[tilespmem:v21+s26+$0x0] =	vst.idx.msk $0xffff, v20;
	v8 =	vld [tilespmem:s12+$0xD0];
	v10 =	vor.u32 s18, v5  }
0x123: {  	s21 =	simm.s32 $0xB;
	s20 =	simm.s32 $0x2500;
	v13 =	vor.u32 s14, v5;
	s19 =	simm.s32 $0x8;
	[tilespmem:v19+s26+$0x0] =	vst.idx.msk $0xffff, v18;
	v12 =	vld [tilespmem:s12+$0xFFFFFFD0]  }
.LBB2_8:
0x124: {  	p1 =	slt.u32 s22, $0x3C;
	s24 =	sadd.s32 $0x1, s19;
	v18 =	vld [tilespmem:s20+$0x80];
	v19 =	vor.u32 s21, v0;
	[tilespmem:v17+s26+$0x0] =	vst.idx.msk $0xffff, v16  }
0x125: {  	s23 =	sadd.s32 $0x2, s19;
	v16 =	vld [tilespmem:s20+$0xFFFFFF80];
	v17 =	vor.u32 s24, v0;
	[tilespmem:v15+s26+$0x0] =	vst.idx.msk $0xffff, v9  }
0x126: {  	v15 =	vor.u32 s23, v0;
	v9 =	vld [tilespmem:s20+$0x0];
	[tilespmem:v14+s26+$0x0] =	vst.idx.msk $0xffff, v11  }
0x127: {  	v14 =	vor.u32 s19, v0;
	v11 =	vld [tilespmem:s20+$0xFFFFFF00];
	[tilespmem:v10+s26+$0x0] =	vst.idx.msk $0xffff, v8  }
0x128: {  	v10 =	vor.u32 s18, v6;
	[tilespmem:v13+s26+$0x0] =	vst.idx.msk $0xffff, v12;
	v8 =	vld [tilespmem:s12+$0xE0]  }
0x129: {  	v13 =	vor.u32 s13, v5;
	[tilespmem:v19+s26+$0x0] =	vst.idx.msk $0xffff, v18;
	v12 =	vld [tilespmem:s12+$0x50]  }
0x12a: {  	[tilespmem:v17+s26+$0x0] =	vst.idx.msk $0xffff, v16;
	v16 =	vld [tilespmem:s20+$0x90];
	v17 =	vor.u32 s21, v1  }
0x12b: {  	v19 =	vor.u32 s24, v1;
	v18 =	vld [tilespmem:s20+$0xFFFFFF90];
	[tilespmem:v15+s26+$0x0] =	vst.idx.msk $0xffff, v9  }
0x12c: {  	[tilespmem:v14+s26+$0x0] =	vst.idx.msk $0xffff, v11;
	v9 =	vld [tilespmem:s20+$0x10];
	v11 =	vor.u32 s23, v1  }
0x12d: {  	v15 =	vor.u32 s19, v1;
	v14 =	vld [tilespmem:s20+$0xFFFFFF10];
	[tilespmem:v10+s26+$0x0] =	vst.idx.msk $0xffff, v8  }
0x12e: {  	v10 =	vor.u32 s18, v7;
	s18 =	smov.u32 s21;
	[tilespmem:v13+s26+$0x0] =	vst.idx.msk $0xffff, v12;
	v8 =	vld [tilespmem:s12+$0xF0]  }
0x12f: {  	v13 =	vor.u32 s15, v5;
	[tilespmem:v17+s26+$0x0] =	vst.idx.msk $0xffff, v16;
	v12 =	vld [tilespmem:s12+$0xFFFFFF50]  }
0x130: {  	v17 =	vor.u32 s18, v2;
	[tilespmem:v19+s26+$0x0] =	vst.idx.msk $0xffff, v18;
	v16 =	vld [tilespmem:s20+$0xA0]  }
0x131: {  	v19 =	vor.u32 s24, v2;
	v18 =	vld [tilespmem:s20+$0xFFFFFFA0];
	[tilespmem:v11+s26+$0x0] =	vst.idx.msk $0xffff, v9  }
0x132: {  	v11 =	vor.u32 s23, v2;
	[tilespmem:v15+s26+$0x0] =	vst.idx.msk $0xffff, v14;
	v9 =	vld [tilespmem:s20+$0x20]  }
0x133: {  	v15 =	vor.u32 s19, v2;
	v14 =	vld [tilespmem:s20+$0xFFFFFF20];
	[tilespmem:v10+s26+$0x0] =	vst.idx.msk $0xffff, v8  }
0x134: {  	v10 =	vor.u32 s14, v6;
	[tilespmem:v13+s26+$0x0] =	vst.idx.msk $0xffff, v12;
	v8 =	vld [tilespmem:s12+$0xFFFFFFE0]  }
0x135: {  	v13 =	vor.u32 s13, v6;
	[tilespmem:v17+s26+$0x0] =	vst.idx.msk $0xffff, v16;
	v12 =	vld [tilespmem:s12+$0x60]  }
0x136: {  	v17 =	vor.u32 s18, v3;
	[tilespmem:v19+s26+$0x0] =	vst.idx.msk $0xffff, v18;
	v16 =	vld [tilespmem:s20+$0xB0]  }
0x137: {  	v19 =	vor.u32 s24, v3;
	v18 =	vld [tilespmem:s20+$0xFFFFFFB0];
	[tilespmem:v11+s26+$0x0] =	vst.idx.msk $0xffff, v9  }
0x138: {  	v11 =	vor.u32 s23, v3;
	[tilespmem:v15+s26+$0x0] =	vst.idx.msk $0xffff, v14;
	v9 =	vld [tilespmem:s20+$0x30]  }
0x139: {  	v15 =	vor.u32 s19, v3;
	v14 =	vld [tilespmem:s20+$0xFFFFFF30];
	[tilespmem:v10+s26+$0x0] =	vst.idx.msk $0xffff, v8  }
0x13a: {  	v10 =	vor.u32 s15, v6;
	v8 =	vld [tilespmem:s12+$0xFFFFFF60];
	[tilespmem:v13+s26+$0x0] =	vst.idx.msk $0xffff, v12  }
0x13b: {  	v13 =	vor.u32 s14, v7;
	s14 =	smov.u32 s24;
	[tilespmem:v17+s26+$0x0] =	vst.idx.msk $0xffff, v16;
	v12 =	vld [tilespmem:s12+$0xFFFFFFF0]  }
0x13c: {  	[tilespmem:v19+s26+$0x0] =	vst.idx.msk $0xffff, v18;
	v18 =	vld [tilespmem:s20+$0xC0];
	v19 =	vor.u32 s18, v4  }
0x13d: {  	v21 =	vor.u32 s14, v4;
	v20 =	vld [tilespmem:s20+$0xFFFFFFC0];
	[tilespmem:v11+s26+$0x0] =	vst.idx.msk $0xffff, v9  }
0x13e: {  	v23 =	vor.u32 s23, v4;
	[tilespmem:v15+s26+$0x0] =	vst.idx.msk $0xffff, v14;
	v22 =	vld [tilespmem:s20+$0x40]  }
.Ltmp7:
0x13f: {  	v17 =	vor.u32 s19, v4;
	v16 =	vld [tilespmem:s20+$0xFFFFFF40];
	[tilespmem:v10+s26+$0x0] =	vst.idx.msk $0xffff, v8;
	(pc) =	sbr.rel @p1 .LBB2_8-.Ltmp7, $4  }
0x140: {  	v15 =	vor.u32 s13, v7;
	s13 =	smov.u32 s23;
	[tilespmem:v13+s26+$0x0] =	vst.idx.msk $0xffff, v12;
	v9 =	vld [tilespmem:s12+$0x70]  }
0x141: {  	v14 =	vor.u32 s15, v7;
	s15 =	smov.u32 s19;
	s19 =	smov.u32 s22;
	[tilespmem:v19+s26+$0x0] =	vst.idx.msk $0xffff, v18;
	v11 =	vld [tilespmem:s12+$0xFFFFFF70];
	s12 =	smov.u32 s20  }
0x142: {  	v10 =	vor.u32 s18, v5;
	[tilespmem:v21+s26+$0x0] =	vst.idx.msk $0xffff, v20;
	v8 =	vld [tilespmem:s20+$0xD0]  }
0x143: {  	s22 =	sadd.s32 $0x4, s22;
	s21 =	sadd.s32 $0x3, s19;
	v13 =	vor.u32 s14, v5;
	s20 =	sadd.s32 $0x200, s20;
	v12 =	vld [tilespmem:s12+$0xFFFFFFD0];
	[tilespmem:v23+s26+$0x0] =	vst.idx.msk $0xffff, v22  }
0x144: {  	v18 =	vld [tilespmem:s20+$0x80];
	v19 =	vor.u32 s21, v0  }
0x145: {  	s22 =	sadd.s32 $0x1, s19;
	v24 =	vld [tilespmem:s20+$0xFFFFFF00];
	v25 =	vor.u32 s19, v0  }
0x146: {  	v20 =	vld [tilespmem:s20+$0xFFFFFF80];
	s23 =	sadd.s32 $0x2, s19;
	v21 =	vor.u32 s22, v0  }
0x147: {  	v22 =	vld [tilespmem:s20+$0x0];
	v23 =	vor.u32 s23, v0  }
0x148: {  	[tilespmem:v17+s26+$0x0] =	vst.idx.msk $0xffff, v16  }
0x149: {  	[tilespmem:v19+s26+$0x0] =	vst.idx.msk $0xffff, v18  }
0x14a: {  	v52 =	vor.u32 s21, v1;
	[tilespmem:v25+s26+$0x0] =	vst.idx.msk $0xffff, v24;
	v51 =	vld [tilespmem:s20+$0x90]  }
0x14b: {  	v58 =	vor.u32 s19, v1;
	[tilespmem:v21+s26+$0x0] =	vst.idx.msk $0xffff, v20;
	v57 =	vld [tilespmem:s20+$0xFFFFFF10]  }
0x14c: {  	v54 =	vor.u32 s22, v1;
	[tilespmem:v23+s26+$0x0] =	vst.idx.msk $0xffff, v22;
	v53 =	vld [tilespmem:s20+$0xFFFFFF90]  }
0x14d: {  	v56 =	vor.u32 s23, v1;
	[tilespmem:v15+s26+$0x0] =	vst.idx.msk $0xffff, v9;
	v55 =	vld [tilespmem:s20+$0x10]  }
0x14e: {  	[tilespmem:v10+s26+$0x0] =	vst.idx.msk $0xffff, v8  }
0x14f: {  	[tilespmem:v52+s26+$0x0] =	vst.idx.msk $0xffff, v51  }
0x150: {  	v60 =	vor.u32 s21, v2;
	[tilespmem:v58+s26+$0x0] =	vst.idx.msk $0xffff, v57;
	v59 =	vld [tilespmem:s20+$0xA0]  }
0x151: {  	v22 =	vor.u32 s19, v2;
	[tilespmem:v54+s26+$0x0] =	vst.idx.msk $0xffff, v53;
	v8 =	vld [tilespmem:s20+$0xFFFFFF20]  }
0x152: {  	v62 =	vor.u32 s22, v2;
	[tilespmem:v56+s26+$0x0] =	vst.idx.msk $0xffff, v55;
	v61 =	vld [tilespmem:s20+$0xFFFFFFA0]  }
0x153: {  	[tilespmem:v14+s26+$0x0] =	vst.idx.msk $0xffff, v11;
	v21 =	vor.u32 s23, v2;
	v63 =	vld [tilespmem:s20+$0x20]  }
0x154: {  	v33 =	vor.u32 s15, v5;
	v32 =	vld [tilespmem:s12+$0xFFFFFF50];
	[tilespmem:v13+s26+$0x0] =	vst.idx.msk $0xffff, v12  }
0x155: {  	v26 =	vor.u32 s13, v5;
	v25 =	vld [tilespmem:s12+$0x50];
	[tilespmem:v60+s26+$0x0] =	vst.idx.msk $0xffff, v59  }
0x156: {  	v27 =	vor.u32 s21, v3;
	[tilespmem:v22+s26+$0x0] =	vst.idx.msk $0xffff, v8;
	v11 =	vld [tilespmem:s20+$0xB0]  }
0x157: {  	v30 =	vor.u32 s19, v3;
	[tilespmem:v62+s26+$0x0] =	vst.idx.msk $0xffff, v61;
	v10 =	vld [tilespmem:s20+$0xFFFFFF30]  }
0x158: {  	v28 =	vor.u32 s22, v3;
	[tilespmem:v21+s26+$0x0] =	vst.idx.msk $0xffff, v63;
	v16 =	vld [tilespmem:s20+$0xFFFFFFB0]  }
0x159: {  	v29 =	vor.u32 s23, v3;
	[tilespmem:v33+s26+$0x0] =	vst.idx.msk $0xffff, v32;
	v8 =	vld [tilespmem:s20+$0x30]  }
0x15a: {  	v39 =	vor.u32 s14, v6;
	v38 =	vld [tilespmem:s12+$0xFFFFFFE0];
	[tilespmem:v26+s26+$0x0] =	vst.idx.msk $0xffff, v25  }
0x15b: {  	v24 =	vor.u32 s18, v6;
	v23 =	vld [tilespmem:s12+$0xE0];
	[tilespmem:v27+s26+$0x0] =	vst.idx.msk $0xffff, v11  }
0x15c: {  	v34 =	vor.u32 s21, v4;
	[tilespmem:v30+s26+$0x0] =	vst.idx.msk $0xffff, v10;
	v11 =	vld [tilespmem:s20+$0xC0]  }
0x15d: {  	v37 =	vor.u32 s19, v4;
	[tilespmem:v28+s26+$0x0] =	vst.idx.msk $0xffff, v16;
	v10 =	vld [tilespmem:s20+$0xFFFFFF40]  }
0x15e: {  	v35 =	vor.u32 s22, v4;
	[tilespmem:v29+s26+$0x0] =	vst.idx.msk $0xffff, v8;
	v16 =	vld [tilespmem:s20+$0xFFFFFFC0]  }
0x15f: {  	v36 =	vor.u32 s23, v4;
	[tilespmem:v39+s26+$0x0] =	vst.idx.msk $0xffff, v38;
	v8 =	vld [tilespmem:s20+$0x40]  }
0x160: {  	v47 =	vor.u32 s15, v6;
	v46 =	vld [tilespmem:s12+$0xFFFFFF60];
	[tilespmem:v24+s26+$0x0] =	vst.idx.msk $0xffff, v23  }
0x161: {  	v41 =	vor.u32 s13, v6;
	v40 =	vld [tilespmem:s12+$0x60];
	[tilespmem:v34+s26+$0x0] =	vst.idx.msk $0xffff, v11  }
0x162: {  	v42 =	vor.u32 s21, v5;
	[tilespmem:v37+s26+$0x0] =	vst.idx.msk $0xffff, v10;
	v11 =	vld [tilespmem:s20+$0xD0]  }
0x163: {  	v45 =	vor.u32 s19, v5;
	[tilespmem:v35+s26+$0x0] =	vst.idx.msk $0xffff, v16;
	v10 =	vld [tilespmem:s20+$0xFFFFFF50]  }
0x164: {  	v43 =	vor.u32 s22, v5;
	[tilespmem:v36+s26+$0x0] =	vst.idx.msk $0xffff, v8;
	v16 =	vld [tilespmem:s20+$0xFFFFFFD0]  }
0x165: {  	v44 =	vor.u32 s23, v5;
	[tilespmem:v47+s26+$0x0] =	vst.idx.msk $0xffff, v46;
	v8 =	vld [tilespmem:s20+$0x50]  }
0x166: {  	v49 =	vor.u32 s14, v7;
	v48 =	vld [tilespmem:s12+$0xFFFFFFF0];
	[tilespmem:v41+s26+$0x0] =	vst.idx.msk $0xffff, v40  }
0x167: {  	v31 =	vor.u32 s18, v7;
	v13 =	vld [tilespmem:s12+$0xF0];
	[tilespmem:v42+s26+$0x0] =	vst.idx.msk $0xffff, v11  }
0x168: {  	v50 =	vor.u32 s21, v6;
	[tilespmem:v45+s26+$0x0] =	vst.idx.msk $0xffff, v10;
	v11 =	vld [tilespmem:s20+$0xE0]  }
0x169: {  	v55 =	vor.u32 s19, v6;
	[tilespmem:v43+s26+$0x0] =	vst.idx.msk $0xffff, v16;
	v54 =	vld [tilespmem:s20+$0xFFFFFF60]  }
0x16a: {  	v51 =	vor.u32 s22, v6;
	[tilespmem:v44+s26+$0x0] =	vst.idx.msk $0xffff, v8;
	v8 =	vld [tilespmem:s20+$0xFFFFFFE0]  }
0x16b: {  	v53 =	vor.u32 s23, v6;
	[tilespmem:v49+s26+$0x0] =	vst.idx.msk $0xffff, v48;
	v52 =	vld [tilespmem:s20+$0x60]  }
0x16c: {  	v57 =	vor.u32 s13, v7;
	[tilespmem:v31+s26+$0x0] =	vst.idx.msk $0xffff, v13;
	v56 =	vld [tilespmem:s12+$0x70]  }
0x16d: {  	v58 =	vld [tilespmem:s12+$0xFFFFFF70];
	v59 =	vor.u32 s15, v7;
	[tilespmem:v50+s26+$0x0] =	vst.idx.msk $0xffff, v11  }
0x16e: {  	v60 =	vor.u32 s21, v7;
	[tilespmem:v55+s26+$0x0] =	vst.idx.msk $0xffff, v54;
	v11 =	vld [tilespmem:s20+$0xF0]  }
0x16f: {  	v63 =	vor.u32 s19, v7;
	[tilespmem:v51+s26+$0x0] =	vst.idx.msk $0xffff, v8;
	v13 =	vld [tilespmem:s20+$0xFFFFFF70]  }
0x170: {  	v61 =	vor.u32 s22, v7;
	[tilespmem:v53+s26+$0x0] =	vst.idx.msk $0xffff, v52;
	v8 =	vld [tilespmem:s20+$0xFFFFFFF0]  }
0x171: {  	v62 =	vor.u32 s23, v7;
	[tilespmem:v57+s26+$0x0] =	vst.idx.msk $0xffff, v56;
	v10 =	vld [tilespmem:s20+$0x70]  }
0x172: {  	[tilespmem:v59+s26+$0x0] =	vst.idx.msk $0xffff, v58  }
0x173: {  	[tilespmem:v60+s26+$0x0] =	vst.idx.msk $0xffff, v11  }
0x174: {  	s11 =	sshll.u32 s11, $0xA;
	[tilespmem:v63+s26+$0x0] =	vst.idx.msk $0xffff, v13  }
0x175: {  	s11 =	sand.u32 $0x1FFFFC00, s11;
	[tilespmem:v61+s26+$0x0] =	vst.idx.msk $0xffff, v8  }
0x176: {  	s11 =	sadd.s32 s6, s11;
	[tilespmem:v62+s26+$0x0] =	vst.idx.msk $0xffff, v10  }
0x177: {  	[hbm4b:s11+s4] =	stream.linear.scatter [tilespmem:s26], [sflag:$0x4], $0x400, $0x38;
	[tilespmem:$0xC000] =	vst v63  }
0x178: {  	s19 =	sadd.s32 $0x80, s11  }
0x179: {  	[hbm4b:s19+s4] =	stream.linear.scatter [tilespmem:s28], [sflag:$0x4], $0x400, $0x38;
	[tilespmem:$0xC000] =	vst v63  }
0x17a: {  	s20 =	sadd.s32 $0x100, s11  }
0x17b: {  	[hbm4b:s20+s4] =	stream.linear.scatter [tilespmem:s29], [sflag:$0x4], $0x400, $0x38;
	[tilespmem:$0xC000] =	vst v63  }
0x17c: {  	s21 =	sadd.s32 $0x180, s11  }
0x17d: {  	[hbm4b:s21+s4] =	stream.linear.scatter [tilespmem:s30], [sflag:$0x4], $0x400, $0x38;
	[tilespmem:$0xC000] =	vst v63  }
0x17e: {  	s10 =	sadd.s32 $0x3, s10;
	s22 =	sadd.s32 $0x200, s11  }
0x17f: {  	[hbm4b:s22+s4] =	stream.linear.scatter [tilespmem:s31], [sflag:$0x4], $0x400, $0x38;
	[tilespmem:$0xC000] =	vst v63  }
0x180: {  	p1 =	sge.u32 s10, s8;
	s23 =	sadd.s32 $0x280, s11  }
0x181: {  	[hbm4b:s23+s4] =	stream.linear.scatter [tilespmem:s2], [sflag:$0x4], $0x400, $0x38;
	[tilespmem:$0xC000] =	vst v63  }
0x182: {  	s10 =	sshll.u32 @!p1 s10, $0x7;
	s24 =	sadd.s32 $0x300, s11  }
0x183: {  	[hbm4b:s24+s4] =	stream.linear.scatter [tilespmem:s0], [sflag:$0x4], $0x400, $0x38;
	[tilespmem:$0xC000] =	vst v63  }
.Ltmp8:
0x184: {  	s10 =	sand.u32 @!p1 $0x1FFFFF80, s10;
	(pc) =	sbr.rel .LBB2_10-.Ltmp8, $4  }
0x185: {  	s10 =	sadd.s32 @!p1 s1, s10;
	s11 =	sadd.s32 $0x380, s11  }
0x186: {  	[hbm4b:s11+s4] =	stream.linear.scatter [tilespmem:s3], [sflag:$0x4], $0x400, $0x38;
	[tilespmem:$0xC000] =	vst v63  }
0x187: {  	s13 =	simm.s32 @!p1 $0x2000;
	s12 =	simm.s32 @!p1 $0x7A1400;
	s11 =	simm.s32 @!p1 $0x400  }
0x188: {  	[tilespmem:s13], [sflag:$0x2] =	stream.strided.gather @!p1 [hbm4b:s10+s11], $0x2000, s12, s11, $0x38;
	[tilespmem:$0xC000] =	vst v63  }
.LBB2_12:
0x189: {  	_ =	sfence.sel $0x180000  }
0x18a: {  	[bflag:$0x0] =	sbarrier.arrive $0xFFFF  }
0x18b: {  	_ =	strace $0x90000047  }
0x18c: {  	s0 =	stileid.u32;
	[bflag:$0x2] =	sbarrier.arrive $0xFFFF  }
0x18d: {  	p0 =	sne.s32 s0, $0x0;
	s0 =	rddreg [dreg:$0x3]  }
0x18e: {  	s0 =	sadd.s32 @!p0 $0x100000, s0  }
0x18f: {  	[sflag:s0] =	ssyncadd.tile.s32 @!p0 $0x1;
	_ =	shalt  }
.Lfunc_end2:
_tile_overlayer_lowered:
.L_overlay_start_2:
0x190: {  	(tag) =	ssettag $0x2  }
0x191: {  	s0 =	rddreg [dreg:$0x0];
	s2 =	stileid.u32  }
0x192: {  	s1 =	rddreg [dreg:$0x1];
	p0 =	sne.s32 s2, $0x0  }
0x193: {  	s3 =	rddreg [dreg:$0x2];
	[bflag:$0x3] =	sbarrier.arrive $0xFFFF;
	s2 =	simm.s32 @!p0 $0x1C05  }
0x194: {  	[timem:s3], [sflag:s2] =	dma.local @!p0 [hbm:s0], s1  }
0x195: {  	s0 =	simm.s32 @!p0 $0x5  }
0x196: {  	_ =	swait.ge @!p0 [sflag:s0], s1  }
0x197: {  	s1 =	ssub.s32 @!p0 $0x0, s1;
	[sflag:s0] =	ssyncset.done @!p0 $0x0  }
0x198: {  	[sflag:s0] =	ssyncadd.s32 @!p0 s1  }
0x199: {  	[bflag:$0x3] =	sbarrier.arrive $0xFFFF  }
0x19a: {  	_ =	shalt  }

// kernel: kernel.7.cloned.1.call-start
scs
__scs_entry_jumppad:
0x0: {  	(pc) =	sbr.rel $0x88, $3  }
0x1: {  	(tag) =	ssettag $0x0;
	lr =	simm.s32 $0x1  }
0x2: {  	[smem:$0x3F9F] =	sst lr;
	_ =	strace $0xD0000000  }
0x3: {  	_ = 	snop  }
0x4: {  	_ = 	snop  }
0x5: {  	_ = 	snop  }
0x6: {  	_ = 	snop  }
0x7: {  	_ = 	snop  }
__scs_overlays_trampoline_lowered:
0x8: {  	[smem:$0x3FAE] =	sst s0  }
0x9: {  	[smem:$0x3FAF] =	sst s1  }
0xa: {  	[smem:$0x3FB0] =	sst s2  }
0xb: {  	[smem:$0x3FB1] =	sst s3  }
0xc: {  	[smem:$0x3FB2] =	sst s4  }
0xd: {  	[smem:$0x3FB3] =	sst s5  }
0xe: {  	[smem:$0x3FB4] =	sst s6  }
0xf: {  	[smem:$0x3FB5] =	sst s7  }
0x10: {  	[smem:$0x3FB6] =	sst s8  }
0x11: {  	[smem:$0x3FB7] =	sst s9;
	s0 =	simm.s32 @!p0 $0x0  }
0x12: {  	s1 =	sld [smem:$0x3F9D];
	s0 =	simm.s32 @p0 $0x1  }
0x13: {  	[smem:$0x3FB8] =	sst s0;
	s0 =	simm.s32 @!p1 $0x0  }
0x14: {  	s2 =	sld [smem:$0x3F9C];
	s0 =	simm.s32 @p1 $0x1  }
0x15: {  	[smem:$0x3FB9] =	sst s0;
	s0 =	simm.s32 @!p2 $0x0  }
0x16: {  	s3 =	sld [smem:$0x3FDB];
	s0 =	simm.s32 @p2 $0x1  }
0x17: {  	s4 =	simm.s32 $0x1BF5;
	[smem:$0x3FBB] =	sst s0  }
0x18: {  	s0 =	sld [smem:$0x3F9E];
	_ =	swait.ge [sflag:s4], $0x0  }
0x19: {  	s7 =	sld [smem:$0x3F9F]  }
0x1a: {  	s8 =	sadd.s32 $0xFFFFE003, lr  }
0x1b: {  	s9 =	sadd.s32 $0xFFFFFEF7, lr;
	s5 =	simm.s32 $0xFFFFFFFF;
	p2 =	slt.u32 s8, $0xFFFFF086  }
0x1c: {  	p1 =	slt.u32 s9, $0xF7A;
	s5 =	simm.s32 @!p2 $0x0  }
0x1d: {  	s5 =	simm.s32 @p1 $0x1;
	p0 =	seq.s32 s7, s2  }
0x1e: {  	s7 =	smul.u32 @!p0 $0xF7A, s2;
	p2 =	seq.s32 @!p0 s5, $0x0  }
0x1f: {  	s9 =	smul.u32 $0xF7A, s1;
	s8 =	simm.s32 @!p0 $0x1BF5;
	p2 =	por !p2, p0  }
0x20: {  	[sflag:s8] =	ssyncset.s32 @!p0 $0xFFFFF086;
	s6 =	sadd.s32 @!p0 s3, s7;
	s7 =	simm.s32 @!p0 $0x108  }
0x21: {  	s3 =	sadd.s32 s3, s9;
	s6 =	sadd.s32 @!p0 $0x88, s6;
	s7 =	simm.s32 @p2 $0x1082  }
0x22: {  	[simem:s7], [sflag:s8] =	dma.local @!p0 [hbm:s6], $0xF7A  }
0x23: {  	s9 =	sor.u32 $0xD0000000, s2;
	s6 =	simm.s32 $0x108;
	_ =	swait.ge @!p0 [sflag:s8], $0x0  }
0x24: {  	s3 =	sadd.s32 $0x88, s3;
	s6 =	simm.s32 @!p1 $0x1082;
	[sflag:s4] =	ssyncset.s32 $0xFFFFF086  }
0x25: {  	[simem:s6], [sflag:s4] =	dma.local [hbm:s3], $0xF7A  }
0x26: {  	[smem:$0x3F9F] =	sst s1;
	(tag) =	ssettag s2;
	_ =	strace s9  }
0x27: {  	s1 =	sld [smem:$0x3FAF]  }
0x28: {  	s2 =	sld [smem:$0x3FB0]  }
0x29: {  	s4 =	sld [smem:$0x3FB2]  }
0x2a: {  	p0 =	seq.s32 s5, $0x0;
	s5 =	sld [smem:$0x3FB3]  }
0x2b: {  	s6 =	sld [smem:$0x3FB4]  }
0x2c: {  	s7 =	sld [smem:$0x3FB5]  }
0x2d: {  	s3 =	simm.s32 $0x108;
	s8 =	sld [smem:$0x3FB6]  }
0x2e: {  	s3 =	simm.s32 @!p0 $0x1082;
	s9 =	sld [smem:$0x3FB7]  }
0x2f: {  	lr =	sadd.s32 s0, s3;
	s0 =	sld [smem:$0x3FAE]  }
0x30: {  	s3 =	sld [smem:$0x3FB1]  }
0x31: {  	[smem:$0x3FBA] =	sst s10  }
0x32: {  	s10 =	sld [smem:$0x3FB8];
	_ =	sdelay $0x3  }
0x33: {  	p0 =	seq.s32 s10, $0x1;
	s10 =	sld [smem:$0x3FBA];
	_ =	sdelay $0x3  }
0x34: {  	[smem:$0x3FBA] =	sst s10  }
0x35: {  	s10 =	sld [smem:$0x3FB9];
	_ =	sdelay $0x3  }
0x36: {  	p1 =	seq.s32 s10, $0x1;
	s10 =	sld [smem:$0x3FBA];
	_ =	sdelay $0x3  }
0x37: {  	[smem:$0x3FBA] =	sst s10  }
0x38: {  	s10 =	sld [smem:$0x3FBB]  }
0x39: {  	_ = 	snop;
	(pc) =	sbr.ind lr, $3  }
0x3a: {  	_ = 	snop  }
0x3b: {  	_ = 	snop  }
0x3c: {  	p2 =	seq.s32 s10, $0x1;
	s10 =	sld [smem:$0x3FBA]  }
0x3d: {  	_ =	shalt  }
0x3e: {  	_ =	shalt  }
0x3f: {  	_ =	shalt  }
0x40: {  	_ =	shalt  }
0x41: {  	_ =	shalt  }
0x42: {  	_ =	shalt  }
0x43: {  	_ =	shalt  }
0x44: {  	_ =	shalt  }
0x45: {  	_ =	shalt  }
0x46: {  	_ =	shalt  }
0x47: {  	_ =	shalt  }
0x48: {  	_ =	shalt  }
0x49: {  	_ =	shalt  }
0x4a: {  	_ =	shalt  }
0x4b: {  	_ =	shalt  }
0x4c: {  	_ =	shalt  }
0x4d: {  	_ =	shalt  }
0x4e: {  	_ =	shalt  }
0x4f: {  	_ =	shalt  }
0x50: {  	_ =	shalt  }
0x51: {  	_ =	shalt  }
0x52: {  	_ =	shalt  }
0x53: {  	_ =	shalt  }
0x54: {  	_ =	shalt  }
0x55: {  	_ =	shalt  }
0x56: {  	_ =	shalt  }
0x57: {  	_ =	shalt  }
0x58: {  	_ =	shalt  }
0x59: {  	_ =	shalt  }
0x5a: {  	_ =	shalt  }
0x5b: {  	_ =	shalt  }
0x5c: {  	_ =	shalt  }
0x5d: {  	_ =	shalt  }
0x5e: {  	_ =	shalt  }
0x5f: {  	_ =	shalt  }
0x60: {  	_ =	shalt  }
0x61: {  	_ =	shalt  }
0x62: {  	_ =	shalt  }
0x63: {  	_ =	shalt  }
0x64: {  	_ =	shalt  }
0x65: {  	_ =	shalt  }
0x66: {  	_ =	shalt  }
0x67: {  	_ =	shalt  }
0x68: {  	_ =	shalt  }
0x69: {  	_ =	shalt  }
0x6a: {  	_ =	shalt  }
0x6b: {  	_ =	shalt  }
0x6c: {  	_ =	shalt  }
0x6d: {  	_ =	shalt  }
0x6e: {  	_ =	shalt  }
0x6f: {  	_ =	shalt  }
0x70: {  	_ =	shalt  }
0x71: {  	_ =	shalt  }
0x72: {  	_ =	shalt  }
0x73: {  	_ =	shalt  }
0x74: {  	_ =	shalt  }
0x75: {  	_ =	shalt  }
0x76: {  	_ =	shalt  }
0x77: {  	_ =	shalt  }
0x78: {  	_ =	shalt  }
0x79: {  	_ =	shalt  }
0x7a: {  	_ =	shalt  }
0x7b: {  	_ =	shalt  }
0x7c: {  	_ =	shalt  }
0x7d: {  	_ =	shalt  }
0x7e: {  	_ =	shalt  }
0x7f: {  	_ =	shalt  }
0x80: {  	_ =	shalt  }
0x81: {  	_ =	shalt  }
0x82: {  	_ =	shalt  }
0x83: {  	_ =	shalt  }
0x84: {  	_ =	shalt  }
0x85: {  	_ =	shalt  }
0x86: {  	_ =	shalt  }
0x87: {  	_ =	shalt  }
.Lfunc_end0:
.L_simem_size_0:
called_computation.1_lowered:
.L_overlay_start_0:
0x88: {  	s2 =	sld [smem:$0x3FD9]  }
0x89: {  	s3 =	sld [smem:$0x3FFE];
	_ =	sdelay $0x1  }
0x8a: {  	s1 =	srdreg.scid  }
0x8b: {  	s0 =	sand.u32 $0x1, s1  }
0x8c: {  	s17 =	sshll.u32 s0, $0xA;
	s2 =	sadd.s32 s3, s2  }
0x8d: {  	s2 =	sadd.s32 s2, s17  }
0x8e: {  	[smem:$0x3FC6] =	sst s2  }
0x8f: {  	_ = 	snop  }
0x90: {  	s2 =	sld [smem:$0x3FD0];
	(tm) =	ssettm $0x1  }
0x91: {  	s18 =	sld [smem:$0x3FFB];
	_ =	sdelay $0x3  }
0x92: {  	_ =	strace s18  }
0x93: {  	s3 =	sld [smem:$0x3FFC];
	_ =	sdelay $0x3  }
0x94: {  	_ =	strace s3  }
0x95: {  	s3 =	sld [smem:$0x3FFD];
	_ =	sdelay $0x3  }
0x96: {  	_ =	strace s3  }
0x97: {  	_ =	strace $0x8FFFFFFF  }
0x98: {  	s19 =	sld [smem:$0x3FDB];
	_ =	sdelay $0x1  }
0x99: {  	s4 =	simm.s32 $_scs_section_size  }
0x9a: {  	s5 =	simm.s32 $_size__tile_overlayer_lowered;
	s6 =	simm.s32 $_tile_overlayer_lowered  }
0x9b: {  	s22 =	simm.s32 $0x1BFF;
	s21 =	sshll.u32 s6, $0x1;
	s3 =	sadd.s32 s4, s19  }
0x9c: {  	s7 =	simm.s32 $0x0;
	s20 =	sshll.u32 s5, $0x1;
	s5 =	sadd.s32 s21, s3  }
0x9d: {  	[timem:s7], [sflag:s22] =	dma.local [hbm:s5], s20  }
0x9e: {  	_ =	swait.ge [sflag:s22], s20  }
0x9f: {  	s4 =	ssub.s32 $0x0, s20;
	[sflag:s22] =	ssyncset.done $0x0  }
0xa0: {  	[sflag:s22] =	ssyncadd.s32 s4;
	_ =	sdelay $0x1  }
0xa1: {  	s23 =	simm.s32 $0x1B8B  }
0xa2: {  	_ =	swait.ge [sflag:s23], $0x1  }
0xa3: {  	[sflag:s23] =	ssyncset.done $0x0  }
0xa4: {  	s25 =	simm.s32 $0x1B8E;
	s24 =	sld [smem:$0x3FFE];
	[sflag:s23] =	ssyncadd.s32 $0xFFFFFFFF  }
0xa5: {  	s26 =	simm.s32 $execute0_lowered;
	[smem:$0x3FD2] =	sst s25  }
0xa6: {  	s5 =	sshll.u32 s26, $0x1;
	_ =	strace $0x80000049;
	[dreg:$0x1] =	wrdreg $0xFFFFFFFF  }
0xa7: {  	s28 =	simm.s32 $_size_execute0_lowered;
	s3 =	sadd.s32 s3, s5;
	[dreg:$0x0] =	wrdreg $0x0  }
0xa8: {  	s5 =	sshll.u32 s28, $0x1;
	[dreg:$0x2] =	wrdreg s3  }
0xa9: {  	[dreg:$0x3] =	wrdreg s5  }
0xaa: {  	[dreg:$0x4] =	wrdreg $0xC0  }
0xab: {  	_ =	task [dreg:s7], $0x5FFFF  }
0xac: {  	[dreg:$0x1] =	wrdreg $0xFFFFFFFF  }
0xad: {  	[dreg:$0x0] =	wrdreg $0x60  }
0xae: {  	[dreg:$0x2] =	wrdreg s24  }
0xaf: {  	[dreg:$0x3] =	wrdreg s2  }
0xb0: {  	[dreg:$0x4] =	wrdreg $0x9  }
0xb1: {  	_ =	task.clear_ibuf [dreg:s7], $0x5FFFF;
	_ =	strace $0x90000049  }
0xb2: {  	s29 =	simm.s32 $0x9;
	_ =	strace $0x8000004B  }
0xb3: {  	_ =	swait.ge [sflag:s29], $0x1  }
0xb4: {  	[sflag:s29] =	ssyncadd.s32 $0xFFFFFFFF  }
0xb5: {  	_ =	strace $0x9000004B  }
0xb6: {  	_ =	sfence  }
0xb7: {  	s30 =	sld [smem:$0x0];
	_ =	sdelay $0x2  }
0xb8: {  	s31 =	sshll.u32 s1, $0xD;
	s1 =	sshrl.u32 s1, $0x2  }
0xb9: {  	s3 =	sand.u32 $0x4000, s31;
	s1 =	sadd.s32 s1, s30  }
0xba: {  	s0 =	sor.u32 s3, s0;
	s1 =	sshll.u32 s1, $0x11  }
0xbb: {  	s0 =	sor.u32 s1, s0  }
0xbc: {  	s0 =	sadd.s32 $0x8F2B, s0  }
0xbd: {  	[sflag:s0] =	ssyncadd.remote.s32 $0x1  }
0xbe: {  	_ =	sfence.sel $0xFFFF  }
0xbf: {  	[dreg:$0x0] =	wrdreg $0xFFFFFFFF;
	(pc) =	sbr.abs _section_cstart, $3  }
0xc0: {  	[dreg:$0x1] =	wrdreg $0xFFFFFFFF  }
0xc1: {  	_ =	task.clear_ibuf [dreg:s7], $0x2FFFF;
	_ =	strace $0x9FFFFFFF  }
0xc2: {  	(tm) =	ssettm $0x7FFFFFFF  }
0xc3: {  	_ =	shalt  }
tec
execute0_lowered:
.L_overlay_start_1:
0x0: {  	(tag) =	ssettag $0x1  }
0x1: {  	s0 =	srdreg.scid;
	s2 =	stileid.u32  }
0x2: {  	s1 =	rddreg [dreg:$0x0];
	s8 =	simm.s32 $0x5;
	s9 =	simm.s32 $0x80  }
0x3: {  	s18 =	simm.s32 $0x10400;
	s19 =	simm.s32 $0x12400;
	s20 =	simm.s32 $0x14400  }
0x4: {  	s21 =	simm.s32 $0x16400;
	s22 =	simm.s32 $0x18400;
	s23 =	simm.s32 $0x1  }
0x5: {  	s24 =	simm.s32 $0x1A400;
	s25 =	simm.s32 $0x1C600;
	s26 =	simm.s32 $0x3  }
0x6: {  	s28 =	simm.s32 $0x4;
	s0 =	sand.u32 $0x1, s0;
	s3 =	sshll.u32 s2, $0x1  }
0x7: {  	s29 =	simm.s32 $0x2;
	s5 =	sor.u32 s0, s3;
	s0 =	ssub.s32 $0x2, s0  }
0x8: {  	s30 =	simm.s32 $0x0;
	s4 =	smul.u32 $0xC80, s5;
	s7 =	sshrl.u32 s0, $0x1  }
0x9: {  	v0 =	vlaneseq.u32;
	s2 =	rddreg [dreg:$0x1];
	s3 =	simm.s32 $0x0;
	s0 =	ssub.s32 s0, s7  }
0xa: {  	v0 =	vmul.u32 $0x88, v0;
	[smem:$0x7FF] =	sst s3;
	s6 =	sadd.s32 s4, s1;
	s0 =	smax.u32 s0, $0x1  }
0xb: {  	_ =	strace $0x8000004A;
	s31 =	sadd.s32 $0x7A1C00, s6;
	[dreg:$0x4] =	wrdreg s0  }
0xc: {  	s5 =	smul.u32 $0xC8, s5;
	v1 =	vadd.s32 $0x880, v0;
	v2 =	vadd.s32 $0x1100, v0;
	v3 =	vadd.s32 $0x1980, v0;
	s4 =	sadd.s32 $0xA00, s1;
	[dreg:$0x3] =	wrdreg s31  }
.LBB2_1:
0xd: {  	s0 =	rddreg [dreg:$0x3]  }
0xe: {  	[tilespmem:s3], [sflag:$0x5] =	stream.linear.gather [hbm4b:s0+s3], $0x6400, $0x38;
	[tilespmem:$0x1E800] =	vst v63  }
0xf: {  	_ =	swait.ge [sflag:s8], $0x6400  }
0x10: {  	[sflag:s8] =	ssyncset.done $0x0  }
0x11: {  	s11 =	simm.s32 $0x6400;
	[sflag:s8] =	ssyncadd.s32 $0xFFFF9C00  }
0x12: {  	[tilespmem:s11], [sflag:$0x1] =	stream.indirect.gather [hbm4b:s4+s9], $0x40, s3, s9, $0xb8;
	[tilespmem:$0x1E800] =	vst v63  }
0x13: {  	s12 =	simm.s32 $0x8400  }
0x14: {  	[tilespmem:s12], [sflag:$0x1] =	stream.indirect.gather [hbm4b:s4+s9], $0x40, s9, s9, $0xb8;
	[tilespmem:$0x1E800] =	vst v63  }
0x15: {  	s13 =	simm.s32 $0x100;
	s1 =	simm.s32 $0xA400  }
0x16: {  	[tilespmem:s1], [sflag:$0x1] =	stream.indirect.gather [hbm4b:s4+s9], $0x40, s13, s9, $0xb8;
	[tilespmem:$0x1E800] =	vst v63  }
0x17: {  	s14 =	simm.s32 $0x180;
	s15 =	simm.s32 $0xC400  }
0x18: {  	[tilespmem:s15], [sflag:$0x1] =	stream.indirect.gather [hbm4b:s4+s9], $0x40, s14, s9, $0xb8;
	[tilespmem:$0x1E800] =	vst v63  }
0x19: {  	s16 =	simm.s32 $0x200;
	s17 =	simm.s32 $0xE400;
	s31 =	simm.s32 $0x0  }
0x1a: {  	[tilespmem:s17], [sflag:$0x1] =	stream.indirect.gather [hbm4b:s4+s9], $0x40, s16, s9, $0xb8;
	[tilespmem:$0x1E800] =	vst v63  }
.LBB2_2:
0x1b: {  	s10 =	smul.u32 $0xA, s31;
	_ =	sdelay $0x1  }
0x1c: {  	s1 =	sadd.s32 $0x5, s10  }
0x1d: {  	s0 =	sshll.u32 s1, $0x7  }
0x1e: {  	s6 =	smul.u32 $0x1400, s31;
	s0 =	sand.u32 $0x3FFFFF80, s0  }
0x1f: {  	[tilespmem:s18], [sflag:$0x2] =	stream.indirect.gather [hbm4b:s4+s9], $0x40, s0, s9, $0xb8;
	[tilespmem:$0x1E800] =	vst v63  }
0x20: {  	s0 =	sshra.s32 s6, $0x2  }
0x21: {  	s6 =	sadd.s32 $0x300, s0  }
0x22: {  	[tilespmem:s19], [sflag:$0x2] =	stream.indirect.gather [hbm4b:s4+s9], $0x40, s6, s9, $0xb8;
	[tilespmem:$0x1E800] =	vst v63  }
0x23: {  	s15 =	sadd.s32 $0x380, s0  }
0x24: {  	[tilespmem:s20], [sflag:$0x2] =	stream.indirect.gather [hbm4b:s4+s9], $0x40, s15, s9, $0xb8;
	[tilespmem:$0x1E800] =	vst v63  }
0x25: {  	s16 =	sadd.s32 $0x400, s0  }
0x26: {  	[tilespmem:s21], [sflag:$0x2] =	stream.indirect.gather [hbm4b:s4+s9], $0x40, s16, s9, $0xb8;
	[tilespmem:$0x1E800] =	vst v63  }
0x27: {  	s17 =	sadd.s32 $0x480, s0  }
0x28: {  	[tilespmem:s22], [sflag:$0x2] =	stream.indirect.gather [hbm4b:s4+s9], $0x40, s17, s9, $0xb8;
	[tilespmem:$0x1E800] =	vst v63  }
0x29: {  	_ =	swait.ge [sflag:s23], $0x2000  }
0x2a: {  	[sflag:s23] =	ssyncset.done $0x0  }
0x2b: {  	[sflag:s23] =	ssyncadd.s32 $0xFFFFE000  }
0x2c: {  	_ =	swait.ge [sflag:s23], $0x2000  }
0x2d: {  	[sflag:s23] =	ssyncset.done $0x0  }
0x2e: {  	[sflag:s23] =	ssyncadd.s32 $0xFFFFE000  }
0x2f: {  	_ =	swait.ge [sflag:s23], $0x2000  }
0x30: {  	[sflag:s23] =	ssyncset.done $0x0  }
0x31: {  	[sflag:s23] =	ssyncadd.s32 $0xFFFFE000  }
0x32: {  	_ =	swait.ge [sflag:s23], $0x2000  }
0x33: {  	[sflag:s23] =	ssyncset.done $0x0  }
0x34: {  	[sflag:s23] =	ssyncadd.s32 $0xFFFFE000  }
0x35: {  	_ =	swait.ge [sflag:s23], $0x2000  }
0x36: {  	p0 =	seq.s32 s31, $0x0;
	[sflag:s23] =	ssyncset.done $0x0  }
0x37: {  	s6 =	simm.s32 @!p0 $0x3;
	[sflag:s23] =	ssyncadd.s32 $0xFFFFE000  }
0x38: {  	s11 =	simm.s32 $0x3;
	_ =	swait.ge @!p0 [sflag:s6], $0x2000  }
0x39: {  	s7 =	simm.s32 $0x0;
	v4 =	vmov s11;
	[sflag:s6] =	ssyncset.done @!p0 $0x0  }
0x3a: {  	s12 =	simm.s32 $0x6480;
	s11 =	simm.s32 $0x1;
	v5 =	vand.u32 $0x7F, v4;
	v4 =	vmov s7;
	[sflag:s6] =	ssyncadd.s32 @!p0 $0xFFFFE000  }
0x3b: {  	v8 =	vadd.s32 v0, v5;
	v6 =	vand.u32 $0x7C, v4;
	v4 =	vmov s11;
	v7 =	vld [tilespmem:s12+$0x40]  }
0x3c: {  	v10 =	vadd.s32 v0, v6;
	v11 =	vand.u32 $0x7D, v4;
	v9 =	vld [tilespmem:s12+$0xFFFFFF80]  }
0x3d: {  	s13 =	simm.s32 $0x2;
	v12 =	vadd.s32 v0, v11;
	v4 =	vld [tilespmem:s12+$0xFFFFFFC0]  }
0x3e: {  	v13 =	vmov s13  }
0x3f: {  	v13 =	vand.u32 $0x7E, v13  }
0x40: {  	v15 =	vadd.s32 v0, v13;
	v14 =	vld [tilespmem:s12+$0x0];
	[tilespmem:v8+s24+$0x0] =	vst.idx.msk $0xffff, v7  }
0x41: {  	v8 =	vadd.s32 v1, v5;
	[tilespmem:v10+s24+$0x0] =	vst.idx.msk $0xffff, v9;
	v7 =	vld [tilespmem:s12+$0x50]  }
0x42: {  	v10 =	vadd.s32 v1, v6;
	[tilespmem:v12+s24+$0x0] =	vst.idx.msk $0xffff, v4;
	v9 =	vld [tilespmem:s12+$0xFFFFFF90]  }
0x43: {  	v12 =	vadd.s32 v1, v11;
	v4 =	vld [tilespmem:s12+$0xFFFFFFD0];
	_ =	sdelay $0x1  }
0x44: {  	[tilespmem:v15+s24+$0x0] =	vst.idx.msk $0xffff, v14  }
0x45: {  	v16 =	vadd.s32 v1, v13;
	v15 =	vld [tilespmem:s12+$0x10];
	[tilespmem:v8+s24+$0x0] =	vst.idx.msk $0xffff, v7  }
0x46: {  	s14 =	simm.s32 $0x7;
	v14 =	vadd.s32 v2, v5;
	[tilespmem:v10+s24+$0x0] =	vst.idx.msk $0xffff, v9;
	v7 =	vld [tilespmem:s12+$0x60]  }
0x47: {  	v10 =	vadd.s32 v2, v6;
	v8 =	vmov s14;
	[tilespmem:v12+s24+$0x0] =	vst.idx.msk $0xffff, v4;
	v9 =	vld [tilespmem:s12+$0xFFFFFFA0]  }
0x48: {  	s11 =	simm.s32 $0x6580;
	v17 =	vadd.s32 v2, v11;
	v8 =	vand.u32 $0x7F, v8;
	v12 =	vld [tilespmem:s12+$0xFFFFFFE0]  }
0x49: {  	s15 =	simm.s32 $0x4;
	v18 =	vld [tilespmem:s11+$0x40];
	v19 =	vadd.s32 v0, v8  }
0x4a: {  	s16 =	simm.s32 $0x5;
	v4 =	vmov s15;
	[tilespmem:v16+s24+$0x0] =	vst.idx.msk $0xffff, v15  }
0x4b: {  	v22 =	vmov s16;
	v4 =	vand.u32 $0x7C, v4;
	[tilespmem:v14+s24+$0x0] =	vst.idx.msk $0xffff, v7  }
0x4c: {  	s17 =	simm.s32 $0x6;
	v20 =	vld [tilespmem:s11+$0xFFFFFF80];
	v21 =	vadd.s32 v0, v4;
	v7 =	vand.u32 $0x7D, v22;
	[tilespmem:v10+s24+$0x0] =	vst.idx.msk $0xffff, v9  }
0x4d: {  	v14 =	vmov s17;
	v9 =	vld [tilespmem:s11+$0xFFFFFFC0];
	[tilespmem:v17+s24+$0x0] =	vst.idx.msk $0xffff, v12;
	v10 =	vadd.s32 v0, v7  }
0x4e: {  	v16 =	vadd.s32 v3, v5;
	v12 =	vld [tilespmem:s12+$0x20];
	v5 =	vand.u32 $0x7E, v14;
	[tilespmem:v19+s24+$0x0] =	vst.idx.msk $0xffff, v18;
	v18 =	vadd.s32 v2, v13  }
0x4f: {  	v14 =	vld [tilespmem:s11+$0x0];
	v63 =	vadd.s32 v0, v5  }
0x50: {  	v15 =	vld [tilespmem:s12+$0x70]  }
0x51: {  	[tilespmem:v21+s24+$0x0] =	vst.idx.msk $0xffff, v20;
	v20 =	vadd.s32 v1, v8;
	v19 =	vld [tilespmem:s11+$0x50]  }
0x52: {  	v23 =	vadd.s32 v1, v4;
	v21 =	vld [tilespmem:s11+$0xFFFFFF90];
	[tilespmem:v10+s24+$0x0] =	vst.idx.msk $0xffff, v9  }
0x53: {  	v25 =	vadd.s32 v3, v11;
	v24 =	vld [tilespmem:s12+$0xFFFFFFF0];
	[tilespmem:v18+s24+$0x0] =	vst.idx.msk $0xffff, v12  }
0x54: {  	v18 =	vadd.s32 v1, v7;
	v17 =	vld [tilespmem:s11+$0xFFFFFFD0];
	[tilespmem:v63+s24+$0x0] =	vst.idx.msk $0xffff, v14  }
0x55: {  	[tilespmem:v16+s24+$0x0] =	vst.idx.msk $0xffff, v15;
	v16 =	vadd.s32 v1, v5;
	v15 =	vld [tilespmem:s11+$0x10]  }
0x56: {  	[tilespmem:v20+s24+$0x0] =	vst.idx.msk $0xffff, v19;
	v11 =	vld [tilespmem:s12+$0x30];
	v14 =	vadd.s32 v3, v13  }
0x57: {  	v12 =	vadd.s32 v2, v8;
	[tilespmem:v23+s24+$0x0] =	vst.idx.msk $0xffff, v21;
	v9 =	vld [tilespmem:s11+$0x60]  }
0x58: {  	s13 =	simm.s32 $0x8;
	s15 =	simm.s32 $0xB;
	s14 =	simm.s32 $0xC;
	[tilespmem:v25+s24+$0x0] =	vst.idx.msk $0xffff, v24;
	v13 =	vadd.s32 v2, v4;
	v10 =	vld [tilespmem:s11+$0xFFFFFFA0]  }
.LBB2_3:
0x59: {  	p1 =	slt.u32 s14, $0x7C;
	v19 =	vmov s15;
	[tilespmem:v18+s24+$0x0] =	vst.idx.msk $0xffff, v17;
	v17 =	vld [tilespmem:s12+$0xFFFFFFB0];
	v18 =	vadd.s32 v3, v6;
	v6 =	vmov v4;
	s12 =	smov.u32 s11  }
0x5a: {  	v4 =	vmov s13;
	v21 =	vadd.s32 v2, v7;
	s11 =	sadd.s32 $0x100, s11;
	v19 =	vand.u32 $0x7F, v19;
	v20 =	vld [tilespmem:s12+$0xFFFFFFE0];
	[tilespmem:v16+s24+$0x0] =	vst.idx.msk $0xffff, v15  }
0x5b: {  	s6 =	sadd.s32 $0x1, s13;
	v4 =	vand.u32 $0x7C, v4;
	v15 =	vld [tilespmem:s11+$0x40];
	v16 =	vadd.s32 v0, v19;
	[tilespmem:v14+s24+$0x0] =	vst.idx.msk $0xffff, v11  }
0x5c: {  	v22 =	vmov s6;
	s6 =	sadd.s32 $0x2, s13;
	s13 =	smov.u32 s14;
	v14 =	vadd.s32 v0, v4;
	v11 =	vld [tilespmem:s11+$0xFFFFFF80];
	[tilespmem:v12+s24+$0x0] =	vst.idx.msk $0xffff, v9  }
0x5d: {  	v9 =	vand.u32 $0x7D, v22;
	v12 =	vmov s6;
	[tilespmem:v13+s24+$0x0] =	vst.idx.msk $0xffff, v10;
	v10 =	vld [tilespmem:s12+$0x70];
	v13 =	vadd.s32 v3, v8;
	v8 =	vmovc v19  }
0x5e: {  	v22 =	vadd.s32 v0, v9;
	v12 =	vand.u32 $0x7E, v12;
	v19 =	vld [tilespmem:s11+$0xFFFFFFC0];
	[tilespmem:v18+s24+$0x0] =	vst.idx.msk $0xffff, v17  }
0x5f: {  	v24 =	vadd.s32 v0, v12;
	v23 =	vld [tilespmem:s11+$0x0];
	[tilespmem:v21+s24+$0x0] =	vst.idx.msk $0xffff, v20  }
0x60: {  	v21 =	vadd.s32 v2, v5;
	[tilespmem:v16+s24+$0x0] =	vst.idx.msk $0xffff, v15;
	v20 =	vld [tilespmem:s12+$0x20]  }
0x61: {  	[tilespmem:v14+s24+$0x0] =	vst.idx.msk $0xffff, v11;
	v11 =	vld [tilespmem:s11+$0x50];
	v14 =	vadd.s32 v1, v8  }
0x62: {  	v26 =	vadd.s32 v1, v4;
	v25 =	vld [tilespmem:s11+$0xFFFFFF90];
	[tilespmem:v13+s24+$0x0] =	vst.idx.msk $0xffff, v10  }
0x63: {  	[tilespmem:v22+s24+$0x0] =	vst.idx.msk $0xffff, v19;
	v19 =	vld [tilespmem:s12+$0xFFFFFFF0];
	v22 =	vadd.s32 v3, v7;
	v7 =	vmov v9  }
.Ltmp0:
0x64: {  	v17 =	vld [tilespmem:s11+$0xFFFFFFD0];
	v18 =	vadd.s32 v1, v7;
	[tilespmem:v24+s24+$0x0] =	vst.idx.msk $0xffff, v23;
	(pc) =	sbr.rel @p1 .LBB2_3-.Ltmp0, $4  }
0x65: {  	v16 =	vadd.s32 v1, v12;
	v15 =	vld [tilespmem:s11+$0x10];
	[tilespmem:v21+s24+$0x0] =	vst.idx.msk $0xffff, v20  }
0x66: {  	[tilespmem:v14+s24+$0x0] =	vst.idx.msk $0xffff, v11;
	v11 =	vld [tilespmem:s12+$0x30];
	v14 =	vadd.s32 v3, v5;
	v5 =	vmov v12  }
0x67: {  	v12 =	vadd.s32 v2, v8;
	[tilespmem:v26+s24+$0x0] =	vst.idx.msk $0xffff, v25;
	v9 =	vld [tilespmem:s11+$0x60]  }
0x68: {  	s14 =	sadd.s32 $0x4, s14;
	s15 =	sadd.s32 $0x3, s13;
	v13 =	vadd.s32 v2, v4;
	v10 =	vld [tilespmem:s11+$0xFFFFFFA0];
	[tilespmem:v22+s24+$0x0] =	vst.idx.msk $0xffff, v19  }
0x69: {  	_ =	sdelay $0x2  }
0x6a: {  	v19 =	vmov s15  }
0x6b: {  	s6 =	sadd.s32 $0x1, s13;
	[tilespmem:v18+s24+$0x0] =	vst.idx.msk $0xffff, v17;
	v30 =	vld [tilespmem:s12+$0xFFFFFFB0];
	v6 =	vadd.s32 v3, v6;
	s7 =	sadd.s32 $0x100, s11;
	v21 =	vmov s13;
	v31 =	vand.u32 $0x7F, v19  }
0x6c: {  	s14 =	sadd.s32 $0x2, s13;
	v32 =	vmov s6;
	[tilespmem:v16+s24+$0x0] =	vst.idx.msk $0xffff, v15;
	v33 =	vld [tilespmem:s7+$0x40];
	v21 =	vand.u32 $0x7C, v21;
	v34 =	vadd.s32 v0, v31  }
0x6d: {  	v20 =	vmov s14;
	v22 =	vld [tilespmem:s7+$0xFFFFFF80];
	v19 =	vand.u32 $0x7D, v32;
	[tilespmem:v14+s24+$0x0] =	vst.idx.msk $0xffff, v11;
	v39 =	vadd.s32 v0, v21  }
0x6e: {  	v35 =	vld [tilespmem:s7+$0xFFFFFFC0];
	v20 =	vand.u32 $0x7E, v20;
	v36 =	vadd.s32 v0, v19;
	[tilespmem:v12+s24+$0x0] =	vst.idx.msk $0xffff, v9  }
0x6f: {  	v37 =	vld [tilespmem:s7+$0x0];
	v38 =	vadd.s32 v0, v20;
	[tilespmem:v13+s24+$0x0] =	vst.idx.msk $0xffff, v10  }
0x70: {  	v41 =	vadd.s32 v2, v7;
	v40 =	vld [tilespmem:s11+$0xFFFFFFE0];
	[tilespmem:v6+s24+$0x0] =	vst.idx.msk $0xffff, v30  }
0x71: {  	v49 =	vadd.s32 v2, v5;
	v48 =	vld [tilespmem:s11+$0x20];
	[tilespmem:v34+s24+$0x0] =	vst.idx.msk $0xffff, v33  }
0x72: {  	v43 =	vadd.s32 v1, v31;
	[tilespmem:v39+s24+$0x0] =	vst.idx.msk $0xffff, v22;
	v15 =	vld [tilespmem:s7+$0x50]  }
0x73: {  	v47 =	vadd.s32 v1, v21;
	[tilespmem:v36+s24+$0x0] =	vst.idx.msk $0xffff, v35;
	v46 =	vld [tilespmem:s7+$0xFFFFFF90]  }
0x74: {  	v44 =	vadd.s32 v1, v19;
	[tilespmem:v38+s24+$0x0] =	vst.idx.msk $0xffff, v37;
	v11 =	vld [tilespmem:s7+$0xFFFFFFD0]  }
0x75: {  	v45 =	vadd.s32 v1, v20;
	[tilespmem:v41+s24+$0x0] =	vst.idx.msk $0xffff, v40;
	v9 =	vld [tilespmem:s7+$0x10]  }
0x76: {  	v8 =	vadd.s32 v3, v8;
	v42 =	vld [tilespmem:s11+$0x70];
	[tilespmem:v49+s24+$0x0] =	vst.idx.msk $0xffff, v48  }
0x77: {  	v5 =	vadd.s32 v3, v5;
	v13 =	vld [tilespmem:s11+$0x30];
	[tilespmem:v43+s24+$0x0] =	vst.idx.msk $0xffff, v15  }
0x78: {  	v52 =	vadd.s32 v2, v31;
	[tilespmem:v47+s24+$0x0] =	vst.idx.msk $0xffff, v46;
	v15 =	vld [tilespmem:s7+$0x60]  }
0x79: {  	v57 =	vadd.s32 v2, v21;
	[tilespmem:v44+s24+$0x0] =	vst.idx.msk $0xffff, v11;
	v56 =	vld [tilespmem:s7+$0xFFFFFFA0]  }
0x7a: {  	v53 =	vadd.s32 v2, v19;
	[tilespmem:v45+s24+$0x0] =	vst.idx.msk $0xffff, v9;
	v11 =	vld [tilespmem:s7+$0xFFFFFFE0]  }
0x7b: {  	v55 =	vadd.s32 v2, v20;
	[tilespmem:v8+s24+$0x0] =	vst.idx.msk $0xffff, v42;
	v54 =	vld [tilespmem:s7+$0x20]  }
0x7c: {  	v4 =	vadd.s32 v3, v4;
	v58 =	vld [tilespmem:s11+$0xFFFFFFB0];
	[tilespmem:v5+s24+$0x0] =	vst.idx.msk $0xffff, v13  }
0x7d: {  	v51 =	vadd.s32 v3, v7;
	v50 =	vld [tilespmem:s11+$0xFFFFFFF0];
	[tilespmem:v52+s24+$0x0] =	vst.idx.msk $0xffff, v15  }
0x7e: {  	v60 =	vadd.s32 v3, v31;
	[tilespmem:v57+s24+$0x0] =	vst.idx.msk $0xffff, v56;
	v59 =	vld [tilespmem:s7+$0x70]  }
0x7f: {  	v63 =	vadd.s32 v3, v21;
	[tilespmem:v53+s24+$0x0] =	vst.idx.msk $0xffff, v11;
	v5 =	vld [tilespmem:s7+$0xFFFFFFB0]  }
0x80: {  	s10 =	sadd.s32 s5, s10;
	v61 =	vadd.s32 v3, v19;
	[tilespmem:v55+s24+$0x0] =	vst.idx.msk $0xffff, v54;
	v11 =	vld [tilespmem:s7+$0xFFFFFFF0]  }
0x81: {  	s15 =	sshrl.u32 s10, $0x7;
	v62 =	vadd.s32 v3, v20;
	[tilespmem:v4+s24+$0x0] =	vst.idx.msk $0xffff, v58;
	v6 =	vld [tilespmem:s7+$0x30]  }
0x82: {  	s13 =	sshll.u32 s15, $0x11;
	s11 =	sshll.u32 s10, $0xA;
	[tilespmem:v51+s24+$0x0] =	vst.idx.msk $0xffff, v50  }
0x83: {  	s12 =	sshll.u32 s15, $0x14;
	s16 =	ssub.s32 s11, s13;
	[tilespmem:v60+s24+$0x0] =	vst.idx.msk $0xffff, v59  }
0x84: {  	s6 =	sadd.s32 s12, s16;
	[tilespmem:v63+s24+$0x0] =	vst.idx.msk $0xffff, v5  }
0x85: {  	s6 =	sshrl.u32 s6, $0x3;
	[tilespmem:v61+s24+$0x0] =	vst.idx.msk $0xffff, v11  }
0x86: {  	s17 =	simm.s32 $0x1A400;
	s15 =	sadd.s32 s2, s6;
	[tilespmem:v62+s24+$0x0] =	vst.idx.msk $0xffff, v6  }
0x87: {  	[hbm4b:s15+s3] =	stream.linear.scatter [tilespmem:s17], [sflag:$0x3], $0x80, $0x38;
	[tilespmem:$0x1E800] =	vst v63  }
0x88: {  	s14 =	sadd.s32 $0x10, s15;
	s7 =	simm.s32 $0x1A488  }
0x89: {  	[hbm4b:s14+s3] =	stream.linear.scatter [tilespmem:s7], [sflag:$0x3], $0x80, $0x38;
	[tilespmem:$0x1E800] =	vst v63  }
0x8a: {  	s16 =	sadd.s32 $0x20, s15;
	s14 =	simm.s32 $0x1A510  }
0x8b: {  	[hbm4b:s16+s3] =	stream.linear.scatter [tilespmem:s14], [sflag:$0x3], $0x80, $0x38;
	[tilespmem:$0x1E800] =	vst v63  }
0x8c: {  	s17 =	simm.s32 $0x1A598;
	s7 =	sadd.s32 $0x30, s15  }
0x8d: {  	[hbm4b:s7+s3] =	stream.linear.scatter [tilespmem:s17], [sflag:$0x3], $0x80, $0x38;
	[tilespmem:$0x1E800] =	vst v63  }
0x8e: {  	s13 =	ssub.s32 $0x0, s13;
	s14 =	simm.s32 $0x1A620;
	s16 =	sadd.s32 $0x40, s15  }
0x8f: {  	[hbm4b:s16+s3] =	stream.linear.scatter [tilespmem:s14], [sflag:$0x3], $0x80, $0x38;
	[tilespmem:$0x1E800] =	vst v63  }
0x90: {  	s6 =	simm.s32 $0x1A7B8;
	s17 =	simm.s32 $0x1A6A8;
	s7 =	sadd.s32 $0x50, s15  }
0x91: {  	[hbm4b:s7+s3] =	stream.linear.scatter [tilespmem:s17], [sflag:$0x3], $0x80, $0x38;
	[tilespmem:$0x1E800] =	vst v63  }
0x92: {  	s16 =	simm.s32 $0x1A730;
	s14 =	simm.s32 $0x440;
	s17 =	sadd.s32 $0x60, s15  }
0x93: {  	[hbm4b:s17+s3] =	stream.linear.scatter [tilespmem:s16], [sflag:$0x3], $0x80, $0x38;
	[tilespmem:$0x1E800] =	vst v63  }
0x94: {  	s16 =	simm.s32 $0x2200;
	s17 =	sadd.s32 $0x70, s15;
	s15 =	sadd.s32 $0x4000, s15  }
.LBB2_5:
0x95: {  	[hbm4b:s17+s3] =	stream.linear.scatter [tilespmem:s6], [sflag:$0x3], $0x80, $0x38;
	[tilespmem:$0x1E800] =	vst v63  }
0x96: {  	s6 =	smov.u32 s14;
	s14 =	smov.u32 s16  }
0x97: {  	s7 =	sadd.s32 $0x1100, s16;
	s14 =	sshra.s32 s14, $0x2;
	s17 =	sadd.s32 $0x1A400, s6  }
0x98: {  	[hbm4b:s15+s3] =	stream.linear.scatter [tilespmem:s17], [sflag:$0x3], $0x80, $0x38;
	[tilespmem:$0x1E800] =	vst v63  }
0x99: {  	p1 =	sne.s32 s16, $0x7700;
	s16 =	sadd.s32 $0x1A488, s6;
	s17 =	sadd.s32 $0x10, s15  }
0x9a: {  	[hbm4b:s17+s3] =	stream.linear.scatter [tilespmem:s16], [sflag:$0x3], $0x80, $0x38;
	[tilespmem:$0x1E800] =	vst v63  }
0x9b: {  	s16 =	sadd.s32 $0x1A510, s6;
	s17 =	sadd.s32 $0x20, s15  }
0x9c: {  	[hbm4b:s17+s3] =	stream.linear.scatter [tilespmem:s16], [sflag:$0x3], $0x80, $0x38;
	[tilespmem:$0x1E800] =	vst v63  }
0x9d: {  	s16 =	sadd.s32 $0x1A598, s6;
	s17 =	sadd.s32 $0x30, s15  }
0x9e: {  	[hbm4b:s17+s3] =	stream.linear.scatter [tilespmem:s16], [sflag:$0x3], $0x80, $0x38;
	[tilespmem:$0x1E800] =	vst v63  }
0x9f: {  	s16 =	sadd.s32 $0x1A620, s6;
	s17 =	sadd.s32 $0x40, s15  }
0xa0: {  	[hbm4b:s17+s3] =	stream.linear.scatter [tilespmem:s16], [sflag:$0x3], $0x80, $0x38;
	[tilespmem:$0x1E800] =	vst v63  }
.Ltmp1:
0xa1: {  	s16 =	sadd.s32 $0x1A6A8, s6;
	s17 =	sadd.s32 $0x50, s15;
	(pc) =	sbr.rel @p1 .LBB2_5-.Ltmp1, $4  }
0xa2: {  	[hbm4b:s17+s3] =	stream.linear.scatter [tilespmem:s16], [sflag:$0x3], $0x80, $0x38;
	[tilespmem:$0x1E800] =	vst v63  }
0xa3: {  	s16 =	sadd.s32 $0x1A730, s6;
	s17 =	sadd.s32 $0x60, s15;
	s6 =	sadd.s32 $0x1A7B8, s6  }
0xa4: {  	[hbm4b:s17+s3] =	stream.linear.scatter [tilespmem:s16], [sflag:$0x3], $0x80, $0x38;
	[tilespmem:$0x1E800] =	vst v63  }
0xa5: {  	s17 =	sadd.s32 $0x70, s15;
	s15 =	sadd.s32 $0x4000, s15;
	s16 =	smov.u32 s7  }
0xa6: {  	[hbm4b:s17+s3] =	stream.linear.scatter [tilespmem:s6], [sflag:$0x3], $0x80, $0x38;
	[tilespmem:$0x1E800] =	vst v63  }
0xa7: {  	s16 =	sadd.s32 $0x1A400, s14  }
0xa8: {  	[hbm4b:s15+s3] =	stream.linear.scatter [tilespmem:s16], [sflag:$0x3], $0x80, $0x38;
	[tilespmem:$0x1E800] =	vst v63  }
0xa9: {  	s17 =	sadd.s32 $0x1A488, s14;
	s7 =	sadd.s32 $0x10, s15  }
0xaa: {  	[hbm4b:s7+s3] =	stream.linear.scatter [tilespmem:s17], [sflag:$0x3], $0x80, $0x38;
	[tilespmem:$0x1E800] =	vst v63  }
0xab: {  	s16 =	sadd.s32 $0x1A510, s14;
	s17 =	sadd.s32 $0x20, s15  }
0xac: {  	[hbm4b:s17+s3] =	stream.linear.scatter [tilespmem:s16], [sflag:$0x3], $0x80, $0x38;
	[tilespmem:$0x1E800] =	vst v63  }
0xad: {  	s16 =	sadd.s32 $0x1A598, s14;
	s17 =	sadd.s32 $0x30, s15  }
0xae: {  	[hbm4b:s17+s3] =	stream.linear.scatter [tilespmem:s16], [sflag:$0x3], $0x80, $0x38;
	[tilespmem:$0x1E800] =	vst v63  }
0xaf: {  	s16 =	sadd.s32 $0x1A620, s14;
	s17 =	sadd.s32 $0x40, s15  }
0xb0: {  	[hbm4b:s17+s3] =	stream.linear.scatter [tilespmem:s16], [sflag:$0x3], $0x80, $0x38;
	[tilespmem:$0x1E800] =	vst v63  }
0xb1: {  	s16 =	sadd.s32 $0x1A6A8, s14;
	s17 =	sadd.s32 $0x50, s15  }
0xb2: {  	[hbm4b:s17+s3] =	stream.linear.scatter [tilespmem:s16], [sflag:$0x3], $0x80, $0x38;
	[tilespmem:$0x1E800] =	vst v63  }
0xb3: {  	s16 =	sadd.s32 $0x1A730, s14;
	s17 =	sadd.s32 $0x60, s15  }
0xb4: {  	[hbm4b:s17+s3] =	stream.linear.scatter [tilespmem:s16], [sflag:$0x3], $0x80, $0x38;
	[tilespmem:$0x1E800] =	vst v63  }
0xb5: {  	s6 =	simm.s32 @!p0 $0x4;
	s14 =	sadd.s32 $0x1A7B8, s14;
	s16 =	sadd.s32 $0x70, s15  }
0xb6: {  	[hbm4b:s16+s3] =	stream.linear.scatter [tilespmem:s14], [sflag:$0x3], $0x80, $0x38;
	[tilespmem:$0x1E800] =	vst v63  }
0xb7: {  	s17 =	simm.s32 $0x3;
	_ =	swait.ge @!p0 [sflag:s6], $0x2000  }
0xb8: {  	v4 =	vmov s17;
	s14 =	simm.s32 $0x0;
	[sflag:s6] =	ssyncset.done @!p0 $0x0  }
0xb9: {  	s15 =	simm.s32 $0x84F0;
	v5 =	vand.u32 $0x7F, v4;
	s16 =	simm.s32 $0x1;
	v4 =	vmov s14;
	[sflag:s6] =	ssyncadd.s32 @!p0 $0xFFFFE000  }
0xba: {  	v8 =	vadd.s32 v0, v5;
	v6 =	vand.u32 $0x7C, v4;
	v4 =	vmov s16;
	v7 =	vld [tilespmem:s15+$0xFFFFFFD0]  }
0xbb: {  	v10 =	vadd.s32 v0, v6;
	v11 =	vand.u32 $0x7D, v4;
	v9 =	vld [tilespmem:s15+$0xFFFFFF10]  }
0xbc: {  	s17 =	simm.s32 $0x2;
	v4 =	vld [tilespmem:s15+$0xFFFFFF50];
	v12 =	vadd.s32 v0, v11  }
0xbd: {  	v13 =	vmov s17  }
0xbe: {  	v13 =	vand.u32 $0x7E, v13  }
0xbf: {  	v15 =	vadd.s32 v0, v13;
	v14 =	vld [tilespmem:s15+$0xFFFFFF90];
	[tilespmem:v8+s25+$0x0] =	vst.idx.msk $0xffff, v7  }
0xc0: {  	v8 =	vadd.s32 v1, v5;
	[tilespmem:v10+s25+$0x0] =	vst.idx.msk $0xffff, v9;
	v7 =	vld [tilespmem:s15+$0xFFFFFFE0]  }
0xc1: {  	v10 =	vadd.s32 v1, v6;
	[tilespmem:v12+s25+$0x0] =	vst.idx.msk $0xffff, v4;
	v9 =	vld [tilespmem:s15+$0xFFFFFF20]  }
0xc2: {  	v12 =	vadd.s32 v1, v11;
	v4 =	vld [tilespmem:s15+$0xFFFFFF60];
	_ =	sdelay $0x1  }
0xc3: {  	[tilespmem:v15+s25+$0x0] =	vst.idx.msk $0xffff, v14  }
0xc4: {  	v16 =	vadd.s32 v1, v13;
	v15 =	vld [tilespmem:s15+$0xFFFFFFA0];
	[tilespmem:v8+s25+$0x0] =	vst.idx.msk $0xffff, v7  }
0xc5: {  	s7 =	simm.s32 $0x7;
	v14 =	vadd.s32 v2, v5;
	[tilespmem:v10+s25+$0x0] =	vst.idx.msk $0xffff, v9;
	v7 =	vld [tilespmem:s15+$0xFFFFFFF0]  }
0xc6: {  	s14 =	simm.s32 $0x4;
	v10 =	vadd.s32 v2, v6;
	v8 =	vmov s7;
	[tilespmem:v12+s25+$0x0] =	vst.idx.msk $0xffff, v4;
	v9 =	vld [tilespmem:s15+$0xFFFFFF30]  }
0xc7: {  	v17 =	vadd.s32 v2, v11;
	v4 =	vmov s14;
	s14 =	simm.s32 $0x85F0;
	v8 =	vand.u32 $0x7F, v8;
	v12 =	vld [tilespmem:s15+$0xFFFFFF70]  }
0xc8: {  	v18 =	vld [tilespmem:s14+$0xFFFFFFD0];
	v19 =	vadd.s32 v0, v8  }
0xc9: {  	s16 =	simm.s32 $0x5;
	[tilespmem:v16+s25+$0x0] =	vst.idx.msk $0xffff, v15  }
0xca: {  	v22 =	vmov s16;
	v4 =	vand.u32 $0x7C, v4;
	[tilespmem:v14+s25+$0x0] =	vst.idx.msk $0xffff, v7  }
0xcb: {  	s17 =	simm.s32 $0x6;
	v20 =	vld [tilespmem:s14+$0xFFFFFF10];
	v21 =	vadd.s32 v0, v4;
	v7 =	vand.u32 $0x7D, v22;
	[tilespmem:v10+s25+$0x0] =	vst.idx.msk $0xffff, v9  }
0xcc: {  	v14 =	vmov s17;
	v9 =	vld [tilespmem:s14+$0xFFFFFF50];
	[tilespmem:v17+s25+$0x0] =	vst.idx.msk $0xffff, v12;
	v10 =	vadd.s32 v0, v7  }
0xcd: {  	v16 =	vadd.s32 v3, v5;
	v12 =	vld [tilespmem:s15+$0xFFFFFFB0];
	v5 =	vand.u32 $0x7E, v14;
	[tilespmem:v19+s25+$0x0] =	vst.idx.msk $0xffff, v18;
	v18 =	vadd.s32 v2, v13  }
0xce: {  	v14 =	vld [tilespmem:s14+$0xFFFFFF90];
	v63 =	vadd.s32 v0, v5  }
0xcf: {  	v15 =	vld [tilespmem:s15+$0x0]  }
0xd0: {  	[tilespmem:v21+s25+$0x0] =	vst.idx.msk $0xffff, v20;
	v20 =	vadd.s32 v1, v8;
	v19 =	vld [tilespmem:s14+$0xFFFFFFE0]  }
0xd1: {  	v23 =	vadd.s32 v1, v4;
	v21 =	vld [tilespmem:s14+$0xFFFFFF20];
	[tilespmem:v10+s25+$0x0] =	vst.idx.msk $0xffff, v9  }
0xd2: {  	v25 =	vadd.s32 v3, v11;
	v24 =	vld [tilespmem:s15+$0xFFFFFF80];
	[tilespmem:v18+s25+$0x0] =	vst.idx.msk $0xffff, v12  }
0xd3: {  	v18 =	vadd.s32 v1, v7;
	v17 =	vld [tilespmem:s14+$0xFFFFFF60];
	[tilespmem:v63+s25+$0x0] =	vst.idx.msk $0xffff, v14  }
0xd4: {  	[tilespmem:v16+s25+$0x0] =	vst.idx.msk $0xffff, v15;
	v16 =	vadd.s32 v1, v5;
	v15 =	vld [tilespmem:s14+$0xFFFFFFA0]  }
0xd5: {  	[tilespmem:v20+s25+$0x0] =	vst.idx.msk $0xffff, v19;
	v11 =	vld [tilespmem:s15+$0xFFFFFFC0];
	v14 =	vadd.s32 v3, v13  }
0xd6: {  	v12 =	vadd.s32 v2, v8;
	[tilespmem:v23+s25+$0x0] =	vst.idx.msk $0xffff, v21;
	v9 =	vld [tilespmem:s14+$0xFFFFFFF0]  }
0xd7: {  	s16 =	simm.s32 $0x8;
	s6 =	simm.s32 $0xB;
	s17 =	simm.s32 $0xC;
	[tilespmem:v25+s25+$0x0] =	vst.idx.msk $0xffff, v24;
	v13 =	vadd.s32 v2, v4;
	v10 =	vld [tilespmem:s14+$0xFFFFFF30]  }
.LBB2_7:
0xd8: {  	p0 =	slt.u32 s17, $0x7C;
	v19 =	vmov s6;
	[tilespmem:v18+s25+$0x0] =	vst.idx.msk $0xffff, v17;
	v17 =	vld [tilespmem:s15+$0xFFFFFF40];
	v18 =	vadd.s32 v3, v6;
	v6 =	vmov v4;
	s15 =	smov.u32 s14  }
0xd9: {  	v4 =	vmov s16;
	v21 =	vadd.s32 v2, v7;
	s14 =	sadd.s32 $0x100, s14;
	v19 =	vand.u32 $0x7F, v19;
	v20 =	vld [tilespmem:s15+$0xFFFFFF70];
	[tilespmem:v16+s25+$0x0] =	vst.idx.msk $0xffff, v15  }
0xda: {  	s6 =	sadd.s32 $0x1, s16;
	v4 =	vand.u32 $0x7C, v4;
	v15 =	vld [tilespmem:s14+$0xFFFFFFD0];
	v16 =	vadd.s32 v0, v19;
	[tilespmem:v14+s25+$0x0] =	vst.idx.msk $0xffff, v11  }
0xdb: {  	v22 =	vmov s6;
	s6 =	sadd.s32 $0x2, s16;
	s16 =	smov.u32 s17;
	v14 =	vadd.s32 v0, v4;
	v11 =	vld [tilespmem:s14+$0xFFFFFF10];
	[tilespmem:v12+s25+$0x0] =	vst.idx.msk $0xffff, v9  }
0xdc: {  	v9 =	vand.u32 $0x7D, v22;
	v12 =	vmov s6;
	[tilespmem:v13+s25+$0x0] =	vst.idx.msk $0xffff, v10;
	v10 =	vld [tilespmem:s15+$0x0];
	v13 =	vadd.s32 v3, v8;
	v8 =	vmovc v19  }
0xdd: {  	v22 =	vadd.s32 v0, v9;
	v12 =	vand.u32 $0x7E, v12;
	v19 =	vld [tilespmem:s14+$0xFFFFFF50];
	[tilespmem:v18+s25+$0x0] =	vst.idx.msk $0xffff, v17  }
0xde: {  	v24 =	vadd.s32 v0, v12;
	v23 =	vld [tilespmem:s14+$0xFFFFFF90];
	[tilespmem:v21+s25+$0x0] =	vst.idx.msk $0xffff, v20  }
0xdf: {  	v21 =	vadd.s32 v2, v5;
	[tilespmem:v16+s25+$0x0] =	vst.idx.msk $0xffff, v15;
	v20 =	vld [tilespmem:s15+$0xFFFFFFB0]  }
0xe0: {  	[tilespmem:v14+s25+$0x0] =	vst.idx.msk $0xffff, v11;
	v11 =	vld [tilespmem:s14+$0xFFFFFFE0];
	v14 =	vadd.s32 v1, v8  }
0xe1: {  	v26 =	vadd.s32 v1, v4;
	v25 =	vld [tilespmem:s14+$0xFFFFFF20];
	[tilespmem:v13+s25+$0x0] =	vst.idx.msk $0xffff, v10  }
0xe2: {  	[tilespmem:v22+s25+$0x0] =	vst.idx.msk $0xffff, v19;
	v19 =	vld [tilespmem:s15+$0xFFFFFF80];
	v22 =	vadd.s32 v3, v7;
	v7 =	vmov v9  }
.Ltmp2:
0xe3: {  	v17 =	vld [tilespmem:s14+$0xFFFFFF60];
	v18 =	vadd.s32 v1, v7;
	[tilespmem:v24+s25+$0x0] =	vst.idx.msk $0xffff, v23;
	(pc) =	sbr.rel @p0 .LBB2_7-.Ltmp2, $4  }
0xe4: {  	v16 =	vadd.s32 v1, v12;
	v15 =	vld [tilespmem:s14+$0xFFFFFFA0];
	[tilespmem:v21+s25+$0x0] =	vst.idx.msk $0xffff, v20  }
0xe5: {  	[tilespmem:v14+s25+$0x0] =	vst.idx.msk $0xffff, v11;
	v11 =	vld [tilespmem:s15+$0xFFFFFFC0];
	v14 =	vadd.s32 v3, v5;
	v5 =	vmov v12  }
0xe6: {  	v12 =	vadd.s32 v2, v8;
	[tilespmem:v26+s25+$0x0] =	vst.idx.msk $0xffff, v25;
	v9 =	vld [tilespmem:s14+$0xFFFFFFF0]  }
0xe7: {  	s17 =	sadd.s32 $0x4, s17;
	s6 =	sadd.s32 $0x3, s16;
	v13 =	vadd.s32 v2, v4;
	v10 =	vld [tilespmem:s14+$0xFFFFFF30];
	[tilespmem:v22+s25+$0x0] =	vst.idx.msk $0xffff, v19  }
0xe8: {  	_ =	sdelay $0x2  }
0xe9: {  	v19 =	vmov s6  }
0xea: {  	s17 =	sadd.s32 $0x1, s16;
	[tilespmem:v18+s25+$0x0] =	vst.idx.msk $0xffff, v17;
	v30 =	vld [tilespmem:s15+$0xFFFFFF40];
	v6 =	vadd.s32 v3, v6;
	s7 =	sadd.s32 $0x100, s14;
	v21 =	vmov s16;
	v31 =	vand.u32 $0x7F, v19  }
0xeb: {  	v32 =	vmov s17;
	s17 =	sadd.s32 $0x2, s16;
	[tilespmem:v16+s25+$0x0] =	vst.idx.msk $0xffff, v15;
	v33 =	vld [tilespmem:s7+$0xFFFFFFD0];
	v21 =	vand.u32 $0x7C, v21;
	v34 =	vadd.s32 v0, v31  }
0xec: {  	v22 =	vld [tilespmem:s7+$0xFFFFFF10];
	v19 =	vand.u32 $0x7D, v32;
	v20 =	vmov s17;
	[tilespmem:v14+s25+$0x0] =	vst.idx.msk $0xffff, v11;
	v39 =	vadd.s32 v0, v21  }
0xed: {  	v35 =	vld [tilespmem:s7+$0xFFFFFF50];
	v36 =	vadd.s32 v0, v19;
	v20 =	vand.u32 $0x7E, v20;
	[tilespmem:v12+s25+$0x0] =	vst.idx.msk $0xffff, v9  }
0xee: {  	v37 =	vld [tilespmem:s7+$0xFFFFFF90];
	v38 =	vadd.s32 v0, v20;
	[tilespmem:v13+s25+$0x0] =	vst.idx.msk $0xffff, v10  }
0xef: {  	v41 =	vadd.s32 v2, v7;
	v40 =	vld [tilespmem:s14+$0xFFFFFF70];
	[tilespmem:v6+s25+$0x0] =	vst.idx.msk $0xffff, v30  }
0xf0: {  	v49 =	vadd.s32 v2, v5;
	v48 =	vld [tilespmem:s14+$0xFFFFFFB0];
	[tilespmem:v34+s25+$0x0] =	vst.idx.msk $0xffff, v33  }
0xf1: {  	v43 =	vadd.s32 v1, v31;
	[tilespmem:v39+s25+$0x0] =	vst.idx.msk $0xffff, v22;
	v15 =	vld [tilespmem:s7+$0xFFFFFFE0]  }
0xf2: {  	v47 =	vadd.s32 v1, v21;
	[tilespmem:v36+s25+$0x0] =	vst.idx.msk $0xffff, v35;
	v46 =	vld [tilespmem:s7+$0xFFFFFF20]  }
0xf3: {  	v44 =	vadd.s32 v1, v19;
	v11 =	vld [tilespmem:s7+$0xFFFFFF60];
	[tilespmem:v38+s25+$0x0] =	vst.idx.msk $0xffff, v37  }
0xf4: {  	v45 =	vadd.s32 v1, v20;
	[tilespmem:v41+s25+$0x0] =	vst.idx.msk $0xffff, v40;
	v9 =	vld [tilespmem:s7+$0xFFFFFFA0]  }
0xf5: {  	v8 =	vadd.s32 v3, v8;
	v42 =	vld [tilespmem:s14+$0x0];
	[tilespmem:v49+s25+$0x0] =	vst.idx.msk $0xffff, v48  }
0xf6: {  	v5 =	vadd.s32 v3, v5;
	v13 =	vld [tilespmem:s14+$0xFFFFFFC0];
	[tilespmem:v43+s25+$0x0] =	vst.idx.msk $0xffff, v15  }
0xf7: {  	v52 =	vadd.s32 v2, v31;
	[tilespmem:v47+s25+$0x0] =	vst.idx.msk $0xffff, v46;
	v15 =	vld [tilespmem:s7+$0xFFFFFFF0]  }
0xf8: {  	v57 =	vadd.s32 v2, v21;
	[tilespmem:v44+s25+$0x0] =	vst.idx.msk $0xffff, v11;
	v56 =	vld [tilespmem:s7+$0xFFFFFF30]  }
0xf9: {  	v53 =	vadd.s32 v2, v19;
	v11 =	vld [tilespmem:s7+$0xFFFFFF70];
	[tilespmem:v45+s25+$0x0] =	vst.idx.msk $0xffff, v9  }
0xfa: {  	v55 =	vadd.s32 v2, v20;
	[tilespmem:v8+s25+$0x0] =	vst.idx.msk $0xffff, v42;
	v54 =	vld [tilespmem:s7+$0xFFFFFFB0]  }
0xfb: {  	v4 =	vadd.s32 v3, v4;
	v58 =	vld [tilespmem:s14+$0xFFFFFF40];
	[tilespmem:v5+s25+$0x0] =	vst.idx.msk $0xffff, v13  }
0xfc: {  	v51 =	vadd.s32 v3, v7;
	v50 =	vld [tilespmem:s14+$0xFFFFFF80];
	[tilespmem:v52+s25+$0x0] =	vst.idx.msk $0xffff, v15  }
0xfd: {  	v60 =	vadd.s32 v3, v31;
	[tilespmem:v57+s25+$0x0] =	vst.idx.msk $0xffff, v56;
	v59 =	vld [tilespmem:s7+$0x0]  }
0xfe: {  	v63 =	vadd.s32 v3, v21;
	[tilespmem:v53+s25+$0x0] =	vst.idx.msk $0xffff, v11;
	v5 =	vld [tilespmem:s7+$0xFFFFFF40]  }
0xff: {  	v61 =	vadd.s32 v3, v19;
	v11 =	vld [tilespmem:s7+$0xFFFFFF80];
	[tilespmem:v55+s25+$0x0] =	vst.idx.msk $0xffff, v54  }
0x100: {  	v62 =	vadd.s32 v3, v20;
	[tilespmem:v4+s25+$0x0] =	vst.idx.msk $0xffff, v58;
	v6 =	vld [tilespmem:s7+$0xFFFFFFC0]  }
0x101: {  	[tilespmem:v51+s25+$0x0] =	vst.idx.msk $0xffff, v50;
	s7 =	sadd.s32 s11, s13  }
0x102: {  	s6 =	sadd.s32 s12, s7;
	[tilespmem:v60+s25+$0x0] =	vst.idx.msk $0xffff, v59  }
0x103: {  	s6 =	sadd.s32 $0x400, s6;
	[tilespmem:v63+s25+$0x0] =	vst.idx.msk $0xffff, v5  }
0x104: {  	s6 =	sshrl.u32 s6, $0x3;
	[tilespmem:v61+s25+$0x0] =	vst.idx.msk $0xffff, v11  }
0x105: {  	s11 =	simm.s32 $0x1C600;
	s7 =	sadd.s32 s2, s6;
	[tilespmem:v62+s25+$0x0] =	vst.idx.msk $0xffff, v6  }
0x106: {  	[hbm4b:s7+s3] =	stream.linear.scatter [tilespmem:s11], [sflag:$0x4], $0x80, $0x38;
	[tilespmem:$0x1E800] =	vst v63  }
0x107: {  	s12 =	simm.s32 $0x1C688;
	s13 =	sadd.s32 $0x10, s7  }
0x108: {  	[hbm4b:s13+s3] =	stream.linear.scatter [tilespmem:s12], [sflag:$0x4], $0x80, $0x38;
	[tilespmem:$0x1E800] =	vst v63  }
0x109: {  	s16 =	simm.s32 $0x1C798;
	s14 =	simm.s32 $0x1C710;
	s15 =	sadd.s32 $0x20, s7  }
0x10a: {  	[hbm4b:s15+s3] =	stream.linear.scatter [tilespmem:s14], [sflag:$0x4], $0x80, $0x38;
	[tilespmem:$0x1E800] =	vst v63  }
0x10b: {  	s6 =	simm.s32 $0x1C9B8;
	s17 =	sadd.s32 $0x30, s7;
	s11 =	simm.s32 $0x440  }
0x10c: {  	[hbm4b:s17+s3] =	stream.linear.scatter [tilespmem:s16], [sflag:$0x4], $0x80, $0x38;
	[tilespmem:$0x1E800] =	vst v63  }
0x10d: {  	s12 =	simm.s32 $0x1C820;
	s13 =	sadd.s32 $0x40, s7;
	s14 =	simm.s32 $0x1C8A8  }
0x10e: {  	[hbm4b:s13+s3] =	stream.linear.scatter [tilespmem:s12], [sflag:$0x4], $0x80, $0x38;
	[tilespmem:$0x1E800] =	vst v63  }
0x10f: {  	s15 =	sadd.s32 $0x50, s7;
	s16 =	simm.s32 $0x1C930;
	s17 =	sadd.s32 $0x60, s7  }
0x110: {  	[hbm4b:s15+s3] =	stream.linear.scatter [tilespmem:s14], [sflag:$0x4], $0x80, $0x38;
	[tilespmem:$0x1E800] =	vst v63  }
0x111: {  	s13 =	simm.s32 $0x2200;
	s12 =	sadd.s32 $0x4000, s7;
	s14 =	sadd.s32 $0x70, s7  }
0x112: {  	[hbm4b:s17+s3] =	stream.linear.scatter [tilespmem:s16], [sflag:$0x4], $0x80, $0x38;
	[tilespmem:$0x1E800] =	vst v63  }
.LBB2_9:
0x113: {  	[hbm4b:s14+s3] =	stream.linear.scatter [tilespmem:s6], [sflag:$0x4], $0x80, $0x38;
	[tilespmem:$0x1E800] =	vst v63  }
0x114: {  	s6 =	smov.u32 s11;
	s7 =	smov.u32 s13  }
0x115: {  	s11 =	sshra.s32 s7, $0x2;
	s7 =	sadd.s32 $0x1100, s13;
	s14 =	sadd.s32 $0x1C600, s6  }
0x116: {  	[hbm4b:s12+s3] =	stream.linear.scatter [tilespmem:s14], [sflag:$0x4], $0x80, $0x38;
	[tilespmem:$0x1E800] =	vst v63  }
0x117: {  	p0 =	sne.s32 s13, $0x7700;
	s13 =	sadd.s32 $0x1C688, s6;
	s14 =	sadd.s32 $0x10, s12  }
0x118: {  	[hbm4b:s14+s3] =	stream.linear.scatter [tilespmem:s13], [sflag:$0x4], $0x80, $0x38;
	[tilespmem:$0x1E800] =	vst v63  }
0x119: {  	s13 =	sadd.s32 $0x1C710, s6;
	s14 =	sadd.s32 $0x20, s12  }
0x11a: {  	[hbm4b:s14+s3] =	stream.linear.scatter [tilespmem:s13], [sflag:$0x4], $0x80, $0x38;
	[tilespmem:$0x1E800] =	vst v63  }
0x11b: {  	s13 =	sadd.s32 $0x1C798, s6;
	s14 =	sadd.s32 $0x30, s12  }
0x11c: {  	[hbm4b:s14+s3] =	stream.linear.scatter [tilespmem:s13], [sflag:$0x4], $0x80, $0x38;
	[tilespmem:$0x1E800] =	vst v63  }
0x11d: {  	s13 =	sadd.s32 $0x1C820, s6;
	s14 =	sadd.s32 $0x40, s12  }
0x11e: {  	[hbm4b:s14+s3] =	stream.linear.scatter [tilespmem:s13], [sflag:$0x4], $0x80, $0x38;
	[tilespmem:$0x1E800] =	vst v63  }
.Ltmp3:
0x11f: {  	s13 =	sadd.s32 $0x1C8A8, s6;
	s14 =	sadd.s32 $0x50, s12;
	(pc) =	sbr.rel @p0 .LBB2_9-.Ltmp3, $4  }
0x120: {  	[hbm4b:s14+s3] =	stream.linear.scatter [tilespmem:s13], [sflag:$0x4], $0x80, $0x38;
	[tilespmem:$0x1E800] =	vst v63  }
0x121: {  	s13 =	sadd.s32 $0x1C930, s6;
	s14 =	sadd.s32 $0x60, s12;
	s6 =	sadd.s32 $0x1C9B8, s6  }
0x122: {  	[hbm4b:s14+s3] =	stream.linear.scatter [tilespmem:s13], [sflag:$0x4], $0x80, $0x38;
	[tilespmem:$0x1E800] =	vst v63  }
0x123: {  	s14 =	sadd.s32 $0x70, s12;
	s12 =	sadd.s32 $0x4000, s12;
	s13 =	smov.u32 s7  }
0x124: {  	[hbm4b:s14+s3] =	stream.linear.scatter [tilespmem:s6], [sflag:$0x4], $0x80, $0x38;
	[tilespmem:$0x1E800] =	vst v63  }
0x125: {  	s14 =	sadd.s32 $0x1C600, s11  }
0x126: {  	[hbm4b:s12+s3] =	stream.linear.scatter [tilespmem:s14], [sflag:$0x4], $0x80, $0x38;
	[tilespmem:$0x1E800] =	vst v63  }
0x127: {  	s15 =	sadd.s32 $0x1C688, s11;
	s7 =	sadd.s32 $0x10, s12  }
0x128: {  	[hbm4b:s7+s3] =	stream.linear.scatter [tilespmem:s15], [sflag:$0x4], $0x80, $0x38;
	[tilespmem:$0x1E800] =	vst v63  }
0x129: {  	s16 =	sadd.s32 $0x1C710, s11;
	s17 =	sadd.s32 $0x20, s12  }
0x12a: {  	[hbm4b:s17+s3] =	stream.linear.scatter [tilespmem:s16], [sflag:$0x4], $0x80, $0x38;
	[tilespmem:$0x1E800] =	vst v63  }
0x12b: {  	s13 =	sadd.s32 $0x30, s12;
	s7 =	sadd.s32 $0x1C798, s11  }
0x12c: {  	[hbm4b:s13+s3] =	stream.linear.scatter [tilespmem:s7], [sflag:$0x4], $0x80, $0x38;
	[tilespmem:$0x1E800] =	vst v63  }
0x12d: {  	s14 =	sadd.s32 $0x1C820, s11;
	s15 =	sadd.s32 $0x40, s12  }
0x12e: {  	[hbm4b:s15+s3] =	stream.linear.scatter [tilespmem:s14], [sflag:$0x4], $0x80, $0x38;
	[tilespmem:$0x1E800] =	vst v63  }
0x12f: {  	s16 =	sadd.s32 $0x1C8A8, s11;
	s17 =	sadd.s32 $0x50, s12  }
0x130: {  	[hbm4b:s17+s3] =	stream.linear.scatter [tilespmem:s16], [sflag:$0x4], $0x80, $0x38;
	[tilespmem:$0x1E800] =	vst v63  }
0x131: {  	s13 =	sadd.s32 $0x1C930, s11;
	s14 =	sadd.s32 $0x60, s12  }
0x132: {  	[hbm4b:s14+s3] =	stream.linear.scatter [tilespmem:s13], [sflag:$0x4], $0x80, $0x38;
	[tilespmem:$0x1E800] =	vst v63  }
0x133: {  	s15 =	sadd.s32 $0x1C9B8, s11;
	s16 =	sadd.s32 $0x70, s12  }
0x134: {  	[hbm4b:s16+s3] =	stream.linear.scatter [tilespmem:s15], [sflag:$0x4], $0x80, $0x38;
	[tilespmem:$0x1E800] =	vst v63  }
0x135: {  	s17 =	simm.s32 $0x3;
	_ =	swait.ge [sflag:s26], $0x2000  }
0x136: {  	s7 =	simm.s32 $0x0;
	v4 =	vmov s17;
	[sflag:s26] =	ssyncset.done $0x0  }
0x137: {  	s11 =	simm.s32 $0x1;
	s12 =	simm.s32 $0xA400;
	v5 =	vand.u32 $0x7F, v4;
	v4 =	vmov s7;
	[sflag:s26] =	ssyncadd.s32 $0xFFFFE000  }
0x138: {  	v8 =	vadd.s32 v0, v5;
	v6 =	vand.u32 $0x7C, v4;
	v4 =	vmov s11;
	v7 =	vld [tilespmem:s12+$0xC0]  }
0x139: {  	v10 =	vadd.s32 v0, v6;
	v11 =	vand.u32 $0x7D, v4;
	v9 =	vld [tilespmem:s12+$0x0]  }
0x13a: {  	s13 =	simm.s32 $0x2;
	v12 =	vadd.s32 v0, v11;
	v4 =	vld [tilespmem:s12+$0x40]  }
0x13b: {  	v13 =	vmov s13  }
0x13c: {  	v13 =	vand.u32 $0x7E, v13  }
0x13d: {  	v15 =	vadd.s32 v0, v13;
	v14 =	vld [tilespmem:s12+$0x80];
	[tilespmem:v8+s24+$0x0] =	vst.idx.msk $0xffff, v7  }
0x13e: {  	v8 =	vadd.s32 v1, v5;
	[tilespmem:v10+s24+$0x0] =	vst.idx.msk $0xffff, v9;
	v7 =	vld [tilespmem:s12+$0xD0]  }
0x13f: {  	v10 =	vadd.s32 v1, v6;
	[tilespmem:v12+s24+$0x0] =	vst.idx.msk $0xffff, v4;
	v9 =	vld [tilespmem:s12+$0x10]  }
0x140: {  	v12 =	vadd.s32 v1, v11;
	v4 =	vld [tilespmem:s12+$0x50];
	_ =	sdelay $0x1  }
0x141: {  	[tilespmem:v15+s24+$0x0] =	vst.idx.msk $0xffff, v14  }
0x142: {  	v16 =	vadd.s32 v1, v13;
	v15 =	vld [tilespmem:s12+$0x90];
	[tilespmem:v8+s24+$0x0] =	vst.idx.msk $0xffff, v7  }
0x143: {  	s14 =	simm.s32 $0x7;
	v14 =	vadd.s32 v2, v5;
	[tilespmem:v10+s24+$0x0] =	vst.idx.msk $0xffff, v9;
	v7 =	vld [tilespmem:s12+$0xE0]  }
0x144: {  	v10 =	vadd.s32 v2, v6;
	v8 =	vmov s14;
	[tilespmem:v12+s24+$0x0] =	vst.idx.msk $0xffff, v4;
	v9 =	vld [tilespmem:s12+$0x20]  }
0x145: {  	s11 =	simm.s32 $0xA500;
	v17 =	vadd.s32 v2, v11;
	v8 =	vand.u32 $0x7F, v8;
	v12 =	vld [tilespmem:s12+$0x60]  }
0x146: {  	s15 =	simm.s32 $0x4;
	v18 =	vld [tilespmem:s11+$0xC0];
	v19 =	vadd.s32 v0, v8  }
0x147: {  	s16 =	simm.s32 $0x5;
	v4 =	vmov s15;
	[tilespmem:v16+s24+$0x0] =	vst.idx.msk $0xffff, v15  }
0x148: {  	v22 =	vmov s16;
	v4 =	vand.u32 $0x7C, v4;
	[tilespmem:v14+s24+$0x0] =	vst.idx.msk $0xffff, v7  }
0x149: {  	s17 =	simm.s32 $0x6;
	v20 =	vld [tilespmem:s11+$0x0];
	v21 =	vadd.s32 v0, v4;
	v7 =	vand.u32 $0x7D, v22;
	[tilespmem:v10+s24+$0x0] =	vst.idx.msk $0xffff, v9  }
0x14a: {  	v14 =	vmov s17;
	v9 =	vld [tilespmem:s11+$0x40];
	[tilespmem:v17+s24+$0x0] =	vst.idx.msk $0xffff, v12;
	v10 =	vadd.s32 v0, v7  }
0x14b: {  	v16 =	vadd.s32 v3, v5;
	v12 =	vld [tilespmem:s12+$0xA0];
	v5 =	vand.u32 $0x7E, v14;
	[tilespmem:v19+s24+$0x0] =	vst.idx.msk $0xffff, v18;
	v18 =	vadd.s32 v2, v13  }
0x14c: {  	v14 =	vld [tilespmem:s11+$0x80];
	v63 =	vadd.s32 v0, v5  }
0x14d: {  	v15 =	vld [tilespmem:s12+$0xF0]  }
0x14e: {  	[tilespmem:v21+s24+$0x0] =	vst.idx.msk $0xffff, v20;
	v20 =	vadd.s32 v1, v8;
	v19 =	vld [tilespmem:s11+$0xD0]  }
0x14f: {  	v23 =	vadd.s32 v1, v4;
	v21 =	vld [tilespmem:s11+$0x10];
	[tilespmem:v10+s24+$0x0] =	vst.idx.msk $0xffff, v9  }
0x150: {  	v25 =	vadd.s32 v3, v11;
	v24 =	vld [tilespmem:s12+$0x70];
	[tilespmem:v18+s24+$0x0] =	vst.idx.msk $0xffff, v12  }
0x151: {  	v18 =	vadd.s32 v1, v7;
	v17 =	vld [tilespmem:s11+$0x50];
	[tilespmem:v63+s24+$0x0] =	vst.idx.msk $0xffff, v14  }
0x152: {  	[tilespmem:v16+s24+$0x0] =	vst.idx.msk $0xffff, v15;
	v16 =	vadd.s32 v1, v5;
	v15 =	vld [tilespmem:s11+$0x90]  }
0x153: {  	[tilespmem:v20+s24+$0x0] =	vst.idx.msk $0xffff, v19;
	v11 =	vld [tilespmem:s12+$0xB0];
	v14 =	vadd.s32 v3, v13  }
0x154: {  	v12 =	vadd.s32 v2, v8;
	[tilespmem:v23+s24+$0x0] =	vst.idx.msk $0xffff, v21;
	v9 =	vld [tilespmem:s11+$0xE0]  }
0x155: {  	s6 =	simm.s32 $0xB;
	s13 =	simm.s32 $0x8;
	s14 =	simm.s32 $0xC;
	[tilespmem:v25+s24+$0x0] =	vst.idx.msk $0xffff, v24;
	v13 =	vadd.s32 v2, v4;
	v10 =	vld [tilespmem:s11+$0x20]  }
.LBB2_11:
0x156: {  	p0 =	slt.u32 s14, $0x7C;
	v19 =	vmov s6;
	[tilespmem:v18+s24+$0x0] =	vst.idx.msk $0xffff, v17;
	v17 =	vld [tilespmem:s12+$0x30];
	v18 =	vadd.s32 v3, v6;
	v6 =	vmov v4;
	s12 =	smov.u32 s11  }
0x157: {  	v4 =	vmov s13;
	v21 =	vadd.s32 v2, v7;
	s11 =	sadd.s32 $0x100, s11;
	v19 =	vand.u32 $0x7F, v19;
	v20 =	vld [tilespmem:s12+$0x60];
	[tilespmem:v16+s24+$0x0] =	vst.idx.msk $0xffff, v15  }
0x158: {  	s6 =	sadd.s32 $0x1, s13;
	v4 =	vand.u32 $0x7C, v4;
	v15 =	vld [tilespmem:s11+$0xC0];
	v16 =	vadd.s32 v0, v19;
	[tilespmem:v14+s24+$0x0] =	vst.idx.msk $0xffff, v11  }
0x159: {  	v22 =	vmov s6;
	s6 =	sadd.s32 $0x2, s13;
	s13 =	smov.u32 s14;
	v14 =	vadd.s32 v0, v4;
	v11 =	vld [tilespmem:s11+$0x0];
	[tilespmem:v12+s24+$0x0] =	vst.idx.msk $0xffff, v9  }
0x15a: {  	v9 =	vand.u32 $0x7D, v22;
	v12 =	vmov s6;
	[tilespmem:v13+s24+$0x0] =	vst.idx.msk $0xffff, v10;
	v10 =	vld [tilespmem:s12+$0xF0];
	v13 =	vadd.s32 v3, v8;
	v8 =	vmovc v19  }
0x15b: {  	v22 =	vadd.s32 v0, v9;
	v12 =	vand.u32 $0x7E, v12;
	v19 =	vld [tilespmem:s11+$0x40];
	[tilespmem:v18+s24+$0x0] =	vst.idx.msk $0xffff, v17  }
0x15c: {  	v24 =	vadd.s32 v0, v12;
	v23 =	vld [tilespmem:s11+$0x80];
	[tilespmem:v21+s24+$0x0] =	vst.idx.msk $0xffff, v20  }
0x15d: {  	v21 =	vadd.s32 v2, v5;
	[tilespmem:v16+s24+$0x0] =	vst.idx.msk $0xffff, v15;
	v20 =	vld [tilespmem:s12+$0xA0]  }
0x15e: {  	[tilespmem:v14+s24+$0x0] =	vst.idx.msk $0xffff, v11;
	v11 =	vld [tilespmem:s11+$0xD0];
	v14 =	vadd.s32 v1, v8  }
0x15f: {  	v26 =	vadd.s32 v1, v4;
	v25 =	vld [tilespmem:s11+$0x10];
	[tilespmem:v13+s24+$0x0] =	vst.idx.msk $0xffff, v10  }
0x160: {  	[tilespmem:v22+s24+$0x0] =	vst.idx.msk $0xffff, v19;
	v19 =	vld [tilespmem:s12+$0x70];
	v22 =	vadd.s32 v3, v7;
	v7 =	vmov v9  }
.Ltmp4:
0x161: {  	v17 =	vld [tilespmem:s11+$0x50];
	v18 =	vadd.s32 v1, v7;
	[tilespmem:v24+s24+$0x0] =	vst.idx.msk $0xffff, v23;
	(pc) =	sbr.rel @p0 .LBB2_11-.Ltmp4, $4  }
0x162: {  	v16 =	vadd.s32 v1, v12;
	v15 =	vld [tilespmem:s11+$0x90];
	[tilespmem:v21+s24+$0x0] =	vst.idx.msk $0xffff, v20  }
0x163: {  	[tilespmem:v14+s24+$0x0] =	vst.idx.msk $0xffff, v11;
	v11 =	vld [tilespmem:s12+$0xB0];
	v14 =	vadd.s32 v3, v5;
	v5 =	vmov v12  }
0x164: {  	v12 =	vadd.s32 v2, v8;
	[tilespmem:v26+s24+$0x0] =	vst.idx.msk $0xffff, v25;
	v9 =	vld [tilespmem:s11+$0xE0]  }
0x165: {  	s14 =	sadd.s32 $0x4, s14;
	s6 =	sadd.s32 $0x3, s13;
	v13 =	vadd.s32 v2, v4;
	v10 =	vld [tilespmem:s11+$0x20];
	[tilespmem:v22+s24+$0x0] =	vst.idx.msk $0xffff, v19  }
0x166: {  	_ =	sdelay $0x2  }
0x167: {  	v19 =	vmov s6  }
0x168: {  	s7 =	sadd.s32 $0x1, s13;
	[tilespmem:v18+s24+$0x0] =	vst.idx.msk $0xffff, v17;
	v30 =	vld [tilespmem:s12+$0x30];
	v6 =	vadd.s32 v3, v6;
	s14 =	sadd.s32 $0x100, s11;
	v21 =	vmov s13;
	v31 =	vand.u32 $0x7F, v19  }
0x169: {  	s15 =	sadd.s32 $0x2, s13;
	v32 =	vmov s7;
	[tilespmem:v16+s24+$0x0] =	vst.idx.msk $0xffff, v15;
	v33 =	vld [tilespmem:s14+$0xC0];
	v21 =	vand.u32 $0x7C, v21;
	v34 =	vadd.s32 v0, v31  }
0x16a: {  	v20 =	vmov s15;
	v22 =	vld [tilespmem:s14+$0x0];
	v19 =	vand.u32 $0x7D, v32;
	[tilespmem:v14+s24+$0x0] =	vst.idx.msk $0xffff, v11;
	v39 =	vadd.s32 v0, v21  }
0x16b: {  	v35 =	vld [tilespmem:s14+$0x40];
	v20 =	vand.u32 $0x7E, v20;
	v36 =	vadd.s32 v0, v19;
	[tilespmem:v12+s24+$0x0] =	vst.idx.msk $0xffff, v9  }
0x16c: {  	v37 =	vld [tilespmem:s14+$0x80];
	v38 =	vadd.s32 v0, v20;
	[tilespmem:v13+s24+$0x0] =	vst.idx.msk $0xffff, v10  }
0x16d: {  	v41 =	vadd.s32 v2, v7;
	v40 =	vld [tilespmem:s11+$0x60];
	[tilespmem:v6+s24+$0x0] =	vst.idx.msk $0xffff, v30  }
0x16e: {  	v49 =	vadd.s32 v2, v5;
	v48 =	vld [tilespmem:s11+$0xA0];
	[tilespmem:v34+s24+$0x0] =	vst.idx.msk $0xffff, v33  }
0x16f: {  	v43 =	vadd.s32 v1, v31;
	[tilespmem:v39+s24+$0x0] =	vst.idx.msk $0xffff, v22;
	v15 =	vld [tilespmem:s14+$0xD0]  }
0x170: {  	v47 =	vadd.s32 v1, v21;
	[tilespmem:v36+s24+$0x0] =	vst.idx.msk $0xffff, v35;
	v46 =	vld [tilespmem:s14+$0x10]  }
0x171: {  	v44 =	vadd.s32 v1, v19;
	[tilespmem:v38+s24+$0x0] =	vst.idx.msk $0xffff, v37;
	v11 =	vld [tilespmem:s14+$0x50]  }
0x172: {  	v45 =	vadd.s32 v1, v20;
	[tilespmem:v41+s24+$0x0] =	vst.idx.msk $0xffff, v40;
	v9 =	vld [tilespmem:s14+$0x90]  }
0x173: {  	v8 =	vadd.s32 v3, v8;
	v42 =	vld [tilespmem:s11+$0xF0];
	[tilespmem:v49+s24+$0x0] =	vst.idx.msk $0xffff, v48  }
0x174: {  	v5 =	vadd.s32 v3, v5;
	v13 =	vld [tilespmem:s11+$0xB0];
	[tilespmem:v43+s24+$0x0] =	vst.idx.msk $0xffff, v15  }
0x175: {  	v52 =	vadd.s32 v2, v31;
	[tilespmem:v47+s24+$0x0] =	vst.idx.msk $0xffff, v46;
	v15 =	vld [tilespmem:s14+$0xE0]  }
0x176: {  	v57 =	vadd.s32 v2, v21;
	[tilespmem:v44+s24+$0x0] =	vst.idx.msk $0xffff, v11;
	v56 =	vld [tilespmem:s14+$0x20]  }
0x177: {  	v53 =	vadd.s32 v2, v19;
	[tilespmem:v45+s24+$0x0] =	vst.idx.msk $0xffff, v9;
	v11 =	vld [tilespmem:s14+$0x60]  }
0x178: {  	v55 =	vadd.s32 v2, v20;
	[tilespmem:v8+s24+$0x0] =	vst.idx.msk $0xffff, v42;
	v54 =	vld [tilespmem:s14+$0xA0]  }
0x179: {  	v4 =	vadd.s32 v3, v4;
	v58 =	vld [tilespmem:s11+$0x30];
	[tilespmem:v5+s24+$0x0] =	vst.idx.msk $0xffff, v13  }
0x17a: {  	v51 =	vadd.s32 v3, v7;
	v50 =	vld [tilespmem:s11+$0x70];
	[tilespmem:v52+s24+$0x0] =	vst.idx.msk $0xffff, v15  }
0x17b: {  	v60 =	vadd.s32 v3, v31;
	[tilespmem:v57+s24+$0x0] =	vst.idx.msk $0xffff, v56;
	v59 =	vld [tilespmem:s14+$0xF0]  }
0x17c: {  	v63 =	vadd.s32 v3, v21;
	[tilespmem:v53+s24+$0x0] =	vst.idx.msk $0xffff, v11;
	v5 =	vld [tilespmem:s14+$0x30]  }
0x17d: {  	s16 =	sadd.s32 $0x2, s10;
	v61 =	vadd.s32 v3, v19;
	[tilespmem:v55+s24+$0x0] =	vst.idx.msk $0xffff, v54;
	v11 =	vld [tilespmem:s14+$0x70]  }
0x17e: {  	s7 =	sshrl.u32 s16, $0x7;
	v62 =	vadd.s32 v3, v20;
	[tilespmem:v4+s24+$0x0] =	vst.idx.msk $0xffff, v58;
	v6 =	vld [tilespmem:s14+$0xB0]  }
0x17f: {  	s6 =	sshll.u32 s16, $0xA;
	s17 =	sshll.u32 s7, $0x11;
	[tilespmem:v51+s24+$0x0] =	vst.idx.msk $0xffff, v50  }
0x180: {  	s7 =	sshll.u32 s7, $0x14;
	s6 =	ssub.s32 s6, s17;
	[tilespmem:v60+s24+$0x0] =	vst.idx.msk $0xffff, v59  }
0x181: {  	s6 =	sadd.s32 s7, s6;
	[tilespmem:v63+s24+$0x0] =	vst.idx.msk $0xffff, v5  }
0x182: {  	s6 =	sshrl.u32 s6, $0x3;
	[tilespmem:v61+s24+$0x0] =	vst.idx.msk $0xffff, v11  }
0x183: {  	s7 =	sadd.s32 s2, s6;
	s11 =	simm.s32 $0x1A400;
	[tilespmem:v62+s24+$0x0] =	vst.idx.msk $0xffff, v6  }
0x184: {  	[hbm4b:s7+s3] =	stream.linear.scatter [tilespmem:s11], [sflag:$0x3], $0x80, $0x38;
	[tilespmem:$0x1E800] =	vst v63  }
0x185: {  	s12 =	simm.s32 $0x1A488;
	s13 =	sadd.s32 $0x10, s7  }
0x186: {  	[hbm4b:s13+s3] =	stream.linear.scatter [tilespmem:s12], [sflag:$0x3], $0x80, $0x38;
	[tilespmem:$0x1E800] =	vst v63  }
0x187: {  	s16 =	simm.s32 $0x1A598;
	s15 =	sadd.s32 $0x20, s7;
	s14 =	simm.s32 $0x1A510  }
0x188: {  	[hbm4b:s15+s3] =	stream.linear.scatter [tilespmem:s14], [sflag:$0x3], $0x80, $0x38;
	[tilespmem:$0x1E800] =	vst v63  }
0x189: {  	s6 =	simm.s32 $0x1A7B8;
	s17 =	sadd.s32 $0x30, s7;
	s11 =	simm.s32 $0x440  }
0x18a: {  	[hbm4b:s17+s3] =	stream.linear.scatter [tilespmem:s16], [sflag:$0x3], $0x80, $0x38;
	[tilespmem:$0x1E800] =	vst v63  }
0x18b: {  	s12 =	simm.s32 $0x1A620;
	s13 =	sadd.s32 $0x40, s7;
	s14 =	simm.s32 $0x1A6A8  }
0x18c: {  	[hbm4b:s13+s3] =	stream.linear.scatter [tilespmem:s12], [sflag:$0x3], $0x80, $0x38;
	[tilespmem:$0x1E800] =	vst v63  }
0x18d: {  	s15 =	sadd.s32 $0x50, s7;
	s16 =	simm.s32 $0x1A730;
	s17 =	sadd.s32 $0x60, s7  }
0x18e: {  	[hbm4b:s15+s3] =	stream.linear.scatter [tilespmem:s14], [sflag:$0x3], $0x80, $0x38;
	[tilespmem:$0x1E800] =	vst v63  }
0x18f: {  	s13 =	simm.s32 $0x2200;
	s12 =	sadd.s32 $0x4000, s7;
	s14 =	sadd.s32 $0x70, s7  }
0x190: {  	[hbm4b:s17+s3] =	stream.linear.scatter [tilespmem:s16], [sflag:$0x3], $0x80, $0x38;
	[tilespmem:$0x1E800] =	vst v63  }
.LBB2_13:
0x191: {  	[hbm4b:s14+s3] =	stream.linear.scatter [tilespmem:s6], [sflag:$0x3], $0x80, $0x38;
	[tilespmem:$0x1E800] =	vst v63  }
0x192: {  	s6 =	smov.u32 s11;
	s7 =	smov.u32 s13  }
0x193: {  	s11 =	sshra.s32 s7, $0x2;
	s7 =	sadd.s32 $0x1100, s13;
	s14 =	sadd.s32 $0x1A400, s6  }
0x194: {  	[hbm4b:s12+s3] =	stream.linear.scatter [tilespmem:s14], [sflag:$0x3], $0x80, $0x38;
	[tilespmem:$0x1E800] =	vst v63  }
0x195: {  	p0 =	sne.s32 s13, $0x7700;
	s13 =	sadd.s32 $0x1A488, s6;
	s14 =	sadd.s32 $0x10, s12  }
0x196: {  	[hbm4b:s14+s3] =	stream.linear.scatter [tilespmem:s13], [sflag:$0x3], $0x80, $0x38;
	[tilespmem:$0x1E800] =	vst v63  }
0x197: {  	s13 =	sadd.s32 $0x1A510, s6;
	s14 =	sadd.s32 $0x20, s12  }
0x198: {  	[hbm4b:s14+s3] =	stream.linear.scatter [tilespmem:s13], [sflag:$0x3], $0x80, $0x38;
	[tilespmem:$0x1E800] =	vst v63  }
0x199: {  	s13 =	sadd.s32 $0x1A598, s6;
	s14 =	sadd.s32 $0x30, s12  }
0x19a: {  	[hbm4b:s14+s3] =	stream.linear.scatter [tilespmem:s13], [sflag:$0x3], $0x80, $0x38;
	[tilespmem:$0x1E800] =	vst v63  }
0x19b: {  	s13 =	sadd.s32 $0x1A620, s6;
	s14 =	sadd.s32 $0x40, s12  }
0x19c: {  	[hbm4b:s14+s3] =	stream.linear.scatter [tilespmem:s13], [sflag:$0x3], $0x80, $0x38;
	[tilespmem:$0x1E800] =	vst v63  }
.Ltmp5:
0x19d: {  	s13 =	sadd.s32 $0x1A6A8, s6;
	s14 =	sadd.s32 $0x50, s12;
	(pc) =	sbr.rel @p0 .LBB2_13-.Ltmp5, $4  }
0x19e: {  	[hbm4b:s14+s3] =	stream.linear.scatter [tilespmem:s13], [sflag:$0x3], $0x80, $0x38;
	[tilespmem:$0x1E800] =	vst v63  }
0x19f: {  	s13 =	sadd.s32 $0x1A730, s6;
	s14 =	sadd.s32 $0x60, s12;
	s6 =	sadd.s32 $0x1A7B8, s6  }
0x1a0: {  	[hbm4b:s14+s3] =	stream.linear.scatter [tilespmem:s13], [sflag:$0x3], $0x80, $0x38;
	[tilespmem:$0x1E800] =	vst v63  }
0x1a1: {  	s14 =	sadd.s32 $0x70, s12;
	s12 =	sadd.s32 $0x4000, s12;
	s13 =	smov.u32 s7  }
0x1a2: {  	[hbm4b:s14+s3] =	stream.linear.scatter [tilespmem:s6], [sflag:$0x3], $0x80, $0x38;
	[tilespmem:$0x1E800] =	vst v63  }
0x1a3: {  	s14 =	sadd.s32 $0x1A400, s11  }
0x1a4: {  	[hbm4b:s12+s3] =	stream.linear.scatter [tilespmem:s14], [sflag:$0x3], $0x80, $0x38;
	[tilespmem:$0x1E800] =	vst v63  }
0x1a5: {  	s15 =	sadd.s32 $0x1A488, s11;
	s7 =	sadd.s32 $0x10, s12  }
0x1a6: {  	[hbm4b:s7+s3] =	stream.linear.scatter [tilespmem:s15], [sflag:$0x3], $0x80, $0x38;
	[tilespmem:$0x1E800] =	vst v63  }
0x1a7: {  	s16 =	sadd.s32 $0x1A510, s11;
	s17 =	sadd.s32 $0x20, s12  }
0x1a8: {  	[hbm4b:s17+s3] =	stream.linear.scatter [tilespmem:s16], [sflag:$0x3], $0x80, $0x38;
	[tilespmem:$0x1E800] =	vst v63  }
0x1a9: {  	s13 =	sadd.s32 $0x30, s12;
	s7 =	sadd.s32 $0x1A598, s11  }
0x1aa: {  	[hbm4b:s13+s3] =	stream.linear.scatter [tilespmem:s7], [sflag:$0x3], $0x80, $0x38;
	[tilespmem:$0x1E800] =	vst v63  }
0x1ab: {  	s14 =	sadd.s32 $0x1A620, s11;
	s15 =	sadd.s32 $0x40, s12  }
0x1ac: {  	[hbm4b:s15+s3] =	stream.linear.scatter [tilespmem:s14], [sflag:$0x3], $0x80, $0x38;
	[tilespmem:$0x1E800] =	vst v63  }
0x1ad: {  	s16 =	sadd.s32 $0x1A6A8, s11;
	s17 =	sadd.s32 $0x50, s12  }
0x1ae: {  	[hbm4b:s17+s3] =	stream.linear.scatter [tilespmem:s16], [sflag:$0x3], $0x80, $0x38;
	[tilespmem:$0x1E800] =	vst v63  }
0x1af: {  	s13 =	sadd.s32 $0x1A730, s11;
	s14 =	sadd.s32 $0x60, s12  }
0x1b0: {  	[hbm4b:s14+s3] =	stream.linear.scatter [tilespmem:s13], [sflag:$0x3], $0x80, $0x38;
	[tilespmem:$0x1E800] =	vst v63  }
0x1b1: {  	s15 =	sadd.s32 $0x1A7B8, s11;
	s16 =	sadd.s32 $0x70, s12  }
0x1b2: {  	[hbm4b:s16+s3] =	stream.linear.scatter [tilespmem:s15], [sflag:$0x3], $0x80, $0x38;
	[tilespmem:$0x1E800] =	vst v63  }
0x1b3: {  	s17 =	simm.s32 $0x3;
	_ =	swait.ge [sflag:s28], $0x2000  }
0x1b4: {  	s7 =	simm.s32 $0x0;
	v4 =	vmov s17;
	[sflag:s28] =	ssyncset.done $0x0  }
0x1b5: {  	s11 =	simm.s32 $0x1;
	s12 =	simm.s32 $0xC400;
	v5 =	vand.u32 $0x7F, v4;
	v4 =	vmov s7;
	[sflag:s28] =	ssyncadd.s32 $0xFFFFE000  }
0x1b6: {  	v8 =	vadd.s32 v0, v5;
	v6 =	vand.u32 $0x7C, v4;
	v4 =	vmov s11;
	v7 =	vld [tilespmem:s12+$0xC0]  }
0x1b7: {  	v10 =	vadd.s32 v0, v6;
	v11 =	vand.u32 $0x7D, v4;
	v9 =	vld [tilespmem:s12+$0x0]  }
0x1b8: {  	s13 =	simm.s32 $0x2;
	v12 =	vadd.s32 v0, v11;
	v4 =	vld [tilespmem:s12+$0x40]  }
0x1b9: {  	v13 =	vmov s13  }
0x1ba: {  	v13 =	vand.u32 $0x7E, v13  }
0x1bb: {  	v15 =	vadd.s32 v0, v13;
	v14 =	vld [tilespmem:s12+$0x80];
	[tilespmem:v8+s25+$0x0] =	vst.idx.msk $0xffff, v7  }
0x1bc: {  	v8 =	vadd.s32 v1, v5;
	[tilespmem:v10+s25+$0x0] =	vst.idx.msk $0xffff, v9;
	v7 =	vld [tilespmem:s12+$0xD0]  }
0x1bd: {  	v10 =	vadd.s32 v1, v6;
	[tilespmem:v12+s25+$0x0] =	vst.idx.msk $0xffff, v4;
	v9 =	vld [tilespmem:s12+$0x10]  }
0x1be: {  	v12 =	vadd.s32 v1, v11;
	v4 =	vld [tilespmem:s12+$0x50];
	_ =	sdelay $0x1  }
0x1bf: {  	[tilespmem:v15+s25+$0x0] =	vst.idx.msk $0xffff, v14  }
0x1c0: {  	v16 =	vadd.s32 v1, v13;
	v15 =	vld [tilespmem:s12+$0x90];
	[tilespmem:v8+s25+$0x0] =	vst.idx.msk $0xffff, v7  }
0x1c1: {  	s14 =	simm.s32 $0x7;
	v14 =	vadd.s32 v2, v5;
	[tilespmem:v10+s25+$0x0] =	vst.idx.msk $0xffff, v9;
	v7 =	vld [tilespmem:s12+$0xE0]  }
0x1c2: {  	v10 =	vadd.s32 v2, v6;
	v8 =	vmov s14;
	[tilespmem:v12+s25+$0x0] =	vst.idx.msk $0xffff, v4;
	v9 =	vld [tilespmem:s12+$0x20]  }
0x1c3: {  	s11 =	simm.s32 $0xC500;
	v17 =	vadd.s32 v2, v11;
	v8 =	vand.u32 $0x7F, v8;
	v12 =	vld [tilespmem:s12+$0x60]  }
0x1c4: {  	s15 =	simm.s32 $0x4;
	v18 =	vld [tilespmem:s11+$0xC0];
	v19 =	vadd.s32 v0, v8  }
0x1c5: {  	s16 =	simm.s32 $0x5;
	v4 =	vmov s15;
	[tilespmem:v16+s25+$0x0] =	vst.idx.msk $0xffff, v15  }
0x1c6: {  	v22 =	vmov s16;
	v4 =	vand.u32 $0x7C, v4;
	[tilespmem:v14+s25+$0x0] =	vst.idx.msk $0xffff, v7  }
0x1c7: {  	s17 =	simm.s32 $0x6;
	v20 =	vld [tilespmem:s11+$0x0];
	v21 =	vadd.s32 v0, v4;
	v7 =	vand.u32 $0x7D, v22;
	[tilespmem:v10+s25+$0x0] =	vst.idx.msk $0xffff, v9  }
0x1c8: {  	v14 =	vmov s17;
	v9 =	vld [tilespmem:s11+$0x40];
	[tilespmem:v17+s25+$0x0] =	vst.idx.msk $0xffff, v12;
	v10 =	vadd.s32 v0, v7  }
0x1c9: {  	v16 =	vadd.s32 v3, v5;
	v12 =	vld [tilespmem:s12+$0xA0];
	v5 =	vand.u32 $0x7E, v14;
	[tilespmem:v19+s25+$0x0] =	vst.idx.msk $0xffff, v18;
	v18 =	vadd.s32 v2, v13  }
0x1ca: {  	v14 =	vld [tilespmem:s11+$0x80];
	v63 =	vadd.s32 v0, v5  }
0x1cb: {  	v15 =	vld [tilespmem:s12+$0xF0]  }
0x1cc: {  	[tilespmem:v21+s25+$0x0] =	vst.idx.msk $0xffff, v20;
	v20 =	vadd.s32 v1, v8;
	v19 =	vld [tilespmem:s11+$0xD0]  }
0x1cd: {  	v23 =	vadd.s32 v1, v4;
	v21 =	vld [tilespmem:s11+$0x10];
	[tilespmem:v10+s25+$0x0] =	vst.idx.msk $0xffff, v9  }
0x1ce: {  	v25 =	vadd.s32 v3, v11;
	v24 =	vld [tilespmem:s12+$0x70];
	[tilespmem:v18+s25+$0x0] =	vst.idx.msk $0xffff, v12  }
0x1cf: {  	v18 =	vadd.s32 v1, v7;
	v17 =	vld [tilespmem:s11+$0x50];
	[tilespmem:v63+s25+$0x0] =	vst.idx.msk $0xffff, v14  }
0x1d0: {  	[tilespmem:v16+s25+$0x0] =	vst.idx.msk $0xffff, v15;
	v16 =	vadd.s32 v1, v5;
	v15 =	vld [tilespmem:s11+$0x90]  }
0x1d1: {  	[tilespmem:v20+s25+$0x0] =	vst.idx.msk $0xffff, v19;
	v11 =	vld [tilespmem:s12+$0xB0];
	v14 =	vadd.s32 v3, v13  }
0x1d2: {  	v12 =	vadd.s32 v2, v8;
	[tilespmem:v23+s25+$0x0] =	vst.idx.msk $0xffff, v21;
	v9 =	vld [tilespmem:s11+$0xE0]  }
0x1d3: {  	s6 =	simm.s32 $0xB;
	s13 =	simm.s32 $0x8;
	s14 =	simm.s32 $0xC;
	[tilespmem:v25+s25+$0x0] =	vst.idx.msk $0xffff, v24;
	v13 =	vadd.s32 v2, v4;
	v10 =	vld [tilespmem:s11+$0x20]  }
.LBB2_15:
0x1d4: {  	p0 =	slt.u32 s14, $0x7C;
	v19 =	vmov s6;
	[tilespmem:v18+s25+$0x0] =	vst.idx.msk $0xffff, v17;
	v17 =	vld [tilespmem:s12+$0x30];
	v18 =	vadd.s32 v3, v6;
	v6 =	vmov v4;
	s12 =	smov.u32 s11  }
0x1d5: {  	v4 =	vmov s13;
	v21 =	vadd.s32 v2, v7;
	s11 =	sadd.s32 $0x100, s11;
	v19 =	vand.u32 $0x7F, v19;
	v20 =	vld [tilespmem:s12+$0x60];
	[tilespmem:v16+s25+$0x0] =	vst.idx.msk $0xffff, v15  }
0x1d6: {  	s6 =	sadd.s32 $0x1, s13;
	v4 =	vand.u32 $0x7C, v4;
	v15 =	vld [tilespmem:s11+$0xC0];
	v16 =	vadd.s32 v0, v19;
	[tilespmem:v14+s25+$0x0] =	vst.idx.msk $0xffff, v11  }
0x1d7: {  	v22 =	vmov s6;
	s6 =	sadd.s32 $0x2, s13;
	s13 =	smov.u32 s14;
	v14 =	vadd.s32 v0, v4;
	v11 =	vld [tilespmem:s11+$0x0];
	[tilespmem:v12+s25+$0x0] =	vst.idx.msk $0xffff, v9  }
0x1d8: {  	v9 =	vand.u32 $0x7D, v22;
	v12 =	vmov s6;
	[tilespmem:v13+s25+$0x0] =	vst.idx.msk $0xffff, v10;
	v10 =	vld [tilespmem:s12+$0xF0];
	v13 =	vadd.s32 v3, v8;
	v8 =	vmovc v19  }
0x1d9: {  	v22 =	vadd.s32 v0, v9;
	v12 =	vand.u32 $0x7E, v12;
	v19 =	vld [tilespmem:s11+$0x40];
	[tilespmem:v18+s25+$0x0] =	vst.idx.msk $0xffff, v17  }
0x1da: {  	v24 =	vadd.s32 v0, v12;
	v23 =	vld [tilespmem:s11+$0x80];
	[tilespmem:v21+s25+$0x0] =	vst.idx.msk $0xffff, v20  }
0x1db: {  	v21 =	vadd.s32 v2, v5;
	[tilespmem:v16+s25+$0x0] =	vst.idx.msk $0xffff, v15;
	v20 =	vld [tilespmem:s12+$0xA0]  }
0x1dc: {  	[tilespmem:v14+s25+$0x0] =	vst.idx.msk $0xffff, v11;
	v11 =	vld [tilespmem:s11+$0xD0];
	v14 =	vadd.s32 v1, v8  }
0x1dd: {  	v26 =	vadd.s32 v1, v4;
	v25 =	vld [tilespmem:s11+$0x10];
	[tilespmem:v13+s25+$0x0] =	vst.idx.msk $0xffff, v10  }
0x1de: {  	[tilespmem:v22+s25+$0x0] =	vst.idx.msk $0xffff, v19;
	v19 =	vld [tilespmem:s12+$0x70];
	v22 =	vadd.s32 v3, v7;
	v7 =	vmov v9  }
.Ltmp6:
0x1df: {  	v17 =	vld [tilespmem:s11+$0x50];
	v18 =	vadd.s32 v1, v7;
	[tilespmem:v24+s25+$0x0] =	vst.idx.msk $0xffff, v23;
	(pc) =	sbr.rel @p0 .LBB2_15-.Ltmp6, $4  }
0x1e0: {  	v16 =	vadd.s32 v1, v12;
	v15 =	vld [tilespmem:s11+$0x90];
	[tilespmem:v21+s25+$0x0] =	vst.idx.msk $0xffff, v20  }
0x1e1: {  	[tilespmem:v14+s25+$0x0] =	vst.idx.msk $0xffff, v11;
	v11 =	vld [tilespmem:s12+$0xB0];
	v14 =	vadd.s32 v3, v5;
	v5 =	vmov v12  }
0x1e2: {  	v12 =	vadd.s32 v2, v8;
	[tilespmem:v26+s25+$0x0] =	vst.idx.msk $0xffff, v25;
	v9 =	vld [tilespmem:s11+$0xE0]  }
0x1e3: {  	s14 =	sadd.s32 $0x4, s14;
	s6 =	sadd.s32 $0x3, s13;
	v13 =	vadd.s32 v2, v4;
	v10 =	vld [tilespmem:s11+$0x20];
	[tilespmem:v22+s25+$0x0] =	vst.idx.msk $0xffff, v19  }
0x1e4: {  	_ =	sdelay $0x2  }
0x1e5: {  	v19 =	vmov s6  }
0x1e6: {  	s7 =	sadd.s32 $0x1, s13;
	[tilespmem:v18+s25+$0x0] =	vst.idx.msk $0xffff, v17;
	v30 =	vld [tilespmem:s12+$0x30];
	v6 =	vadd.s32 v3, v6;
	s14 =	sadd.s32 $0x100, s11;
	v21 =	vmov s13;
	v31 =	vand.u32 $0x7F, v19  }
0x1e7: {  	s15 =	sadd.s32 $0x2, s13;
	v32 =	vmov s7;
	[tilespmem:v16+s25+$0x0] =	vst.idx.msk $0xffff, v15;
	v33 =	vld [tilespmem:s14+$0xC0];
	v21 =	vand.u32 $0x7C, v21;
	v34 =	vadd.s32 v0, v31  }
0x1e8: {  	v20 =	vmov s15;
	v22 =	vld [tilespmem:s14+$0x0];
	v19 =	vand.u32 $0x7D, v32;
	[tilespmem:v14+s25+$0x0] =	vst.idx.msk $0xffff, v11;
	v39 =	vadd.s32 v0, v21  }
0x1e9: {  	v35 =	vld [tilespmem:s14+$0x40];
	v20 =	vand.u32 $0x7E, v20;
	v36 =	vadd.s32 v0, v19;
	[tilespmem:v12+s25+$0x0] =	vst.idx.msk $0xffff, v9  }
0x1ea: {  	v37 =	vld [tilespmem:s14+$0x80];
	v38 =	vadd.s32 v0, v20;
	[tilespmem:v13+s25+$0x0] =	vst.idx.msk $0xffff, v10  }
0x1eb: {  	v41 =	vadd.s32 v2, v7;
	v40 =	vld [tilespmem:s11+$0x60];
	[tilespmem:v6+s25+$0x0] =	vst.idx.msk $0xffff, v30  }
0x1ec: {  	v49 =	vadd.s32 v2, v5;
	v48 =	vld [tilespmem:s11+$0xA0];
	[tilespmem:v34+s25+$0x0] =	vst.idx.msk $0xffff, v33  }
0x1ed: {  	v43 =	vadd.s32 v1, v31;
	[tilespmem:v39+s25+$0x0] =	vst.idx.msk $0xffff, v22;
	v15 =	vld [tilespmem:s14+$0xD0]  }
0x1ee: {  	v47 =	vadd.s32 v1, v21;
	[tilespmem:v36+s25+$0x0] =	vst.idx.msk $0xffff, v35;
	v46 =	vld [tilespmem:s14+$0x10]  }
0x1ef: {  	v44 =	vadd.s32 v1, v19;
	[tilespmem:v38+s25+$0x0] =	vst.idx.msk $0xffff, v37;
	v11 =	vld [tilespmem:s14+$0x50]  }
0x1f0: {  	v45 =	vadd.s32 v1, v20;
	[tilespmem:v41+s25+$0x0] =	vst.idx.msk $0xffff, v40;
	v9 =	vld [tilespmem:s14+$0x90]  }
0x1f1: {  	v8 =	vadd.s32 v3, v8;
	v42 =	vld [tilespmem:s11+$0xF0];
	[tilespmem:v49+s25+$0x0] =	vst.idx.msk $0xffff, v48  }
0x1f2: {  	v5 =	vadd.s32 v3, v5;
	v13 =	vld [tilespmem:s11+$0xB0];
	[tilespmem:v43+s25+$0x0] =	vst.idx.msk $0xffff, v15  }
0x1f3: {  	v52 =	vadd.s32 v2, v31;
	[tilespmem:v47+s25+$0x0] =	vst.idx.msk $0xffff, v46;
	v15 =	vld [tilespmem:s14+$0xE0]  }
0x1f4: {  	v57 =	vadd.s32 v2, v21;
	[tilespmem:v44+s25+$0x0] =	vst.idx.msk $0xffff, v11;
	v56 =	vld [tilespmem:s14+$0x20]  }
0x1f5: {  	v53 =	vadd.s32 v2, v19;
	[tilespmem:v45+s25+$0x0] =	vst.idx.msk $0xffff, v9;
	v11 =	vld [tilespmem:s14+$0x60]  }
0x1f6: {  	v55 =	vadd.s32 v2, v20;
	[tilespmem:v8+s25+$0x0] =	vst.idx.msk $0xffff, v42;
	v54 =	vld [tilespmem:s14+$0xA0]  }
0x1f7: {  	v4 =	vadd.s32 v3, v4;
	v58 =	vld [tilespmem:s11+$0x30];
	[tilespmem:v5+s25+$0x0] =	vst.idx.msk $0xffff, v13  }
0x1f8: {  	v51 =	vadd.s32 v3, v7;
	v50 =	vld [tilespmem:s11+$0x70];
	[tilespmem:v52+s25+$0x0] =	vst.idx.msk $0xffff, v15  }
0x1f9: {  	v60 =	vadd.s32 v3, v31;
	[tilespmem:v57+s25+$0x0] =	vst.idx.msk $0xffff, v56;
	v59 =	vld [tilespmem:s14+$0xF0]  }
0x1fa: {  	v63 =	vadd.s32 v3, v21;
	[tilespmem:v53+s25+$0x0] =	vst.idx.msk $0xffff, v11;
	v5 =	vld [tilespmem:s14+$0x30]  }
0x1fb: {  	s16 =	sadd.s32 $0x3, s10;
	v61 =	vadd.s32 v3, v19;
	[tilespmem:v55+s25+$0x0] =	vst.idx.msk $0xffff, v54;
	v11 =	vld [tilespmem:s14+$0x70]  }
0x1fc: {  	s7 =	sshrl.u32 s16, $0x7;
	v62 =	vadd.s32 v3, v20;
	[tilespmem:v4+s25+$0x0] =	vst.idx.msk $0xffff, v58;
	v6 =	vld [tilespmem:s14+$0xB0]  }
0x1fd: {  	s6 =	sshll.u32 s16, $0xA;
	s17 =	sshll.u32 s7, $0x11;
	[tilespmem:v51+s25+$0x0] =	vst.idx.msk $0xffff, v50  }
0x1fe: {  	s7 =	sshll.u32 s7, $0x14;
	s6 =	ssub.s32 s6, s17;
	[tilespmem:v60+s25+$0x0] =	vst.idx.msk $0xffff, v59  }
0x1ff: {  	s6 =	sadd.s32 s7, s6;
	[tilespmem:v63+s25+$0x0] =	vst.idx.msk $0xffff, v5  }
0x200: {  	s6 =	sshrl.u32 s6, $0x3;
	[tilespmem:v61+s25+$0x0] =	vst.idx.msk $0xffff, v11  }
0x201: {  	s7 =	sadd.s32 s2, s6;
	s11 =	simm.s32 $0x1C600;
	[tilespmem:v62+s25+$0x0] =	vst.idx.msk $0xffff, v6  }
0x202: {  	[hbm4b:s7+s3] =	stream.linear.scatter [tilespmem:s11], [sflag:$0x4], $0x80, $0x38;
	[tilespmem:$0x1E800] =	vst v63  }
0x203: {  	s12 =	simm.s32 $0x1C688;
	s13 =	sadd.s32 $0x10, s7  }
0x204: {  	[hbm4b:s13+s3] =	stream.linear.scatter [tilespmem:s12], [sflag:$0x4], $0x80, $0x38;
	[tilespmem:$0x1E800] =	vst v63  }
0x205: {  	s16 =	simm.s32 $0x1C798;
	s15 =	sadd.s32 $0x20, s7;
	s14 =	simm.s32 $0x1C710  }
0x206: {  	[hbm4b:s15+s3] =	stream.linear.scatter [tilespmem:s14], [sflag:$0x4], $0x80, $0x38;
	[tilespmem:$0x1E800] =	vst v63  }
0x207: {  	s6 =	simm.s32 $0x1C9B8;
	s17 =	sadd.s32 $0x30, s7;
	s11 =	simm.s32 $0x440  }
0x208: {  	[hbm4b:s17+s3] =	stream.linear.scatter [tilespmem:s16], [sflag:$0x4], $0x80, $0x38;
	[tilespmem:$0x1E800] =	vst v63  }
0x209: {  	s12 =	simm.s32 $0x1C820;
	s13 =	sadd.s32 $0x40, s7;
	s14 =	simm.s32 $0x1C8A8  }
0x20a: {  	[hbm4b:s13+s3] =	stream.linear.scatter [tilespmem:s12], [sflag:$0x4], $0x80, $0x38;
	[tilespmem:$0x1E800] =	vst v63  }
0x20b: {  	s15 =	sadd.s32 $0x50, s7;
	s16 =	simm.s32 $0x1C930;
	s17 =	sadd.s32 $0x60, s7  }
0x20c: {  	[hbm4b:s15+s3] =	stream.linear.scatter [tilespmem:s14], [sflag:$0x4], $0x80, $0x38;
	[tilespmem:$0x1E800] =	vst v63  }
0x20d: {  	s13 =	simm.s32 $0x2200;
	s12 =	sadd.s32 $0x4000, s7;
	s14 =	sadd.s32 $0x70, s7  }
0x20e: {  	[hbm4b:s17+s3] =	stream.linear.scatter [tilespmem:s16], [sflag:$0x4], $0x80, $0x38;
	[tilespmem:$0x1E800] =	vst v63  }
.LBB2_17:
0x20f: {  	[hbm4b:s14+s3] =	stream.linear.scatter [tilespmem:s6], [sflag:$0x4], $0x80, $0x38;
	[tilespmem:$0x1E800] =	vst v63  }
0x210: {  	s6 =	smov.u32 s11;
	s7 =	smov.u32 s13  }
0x211: {  	s11 =	sshra.s32 s7, $0x2;
	s7 =	sadd.s32 $0x1100, s13;
	s14 =	sadd.s32 $0x1C600, s6  }
0x212: {  	[hbm4b:s12+s3] =	stream.linear.scatter [tilespmem:s14], [sflag:$0x4], $0x80, $0x38;
	[tilespmem:$0x1E800] =	vst v63  }
0x213: {  	p0 =	sne.s32 s13, $0x7700;
	s13 =	sadd.s32 $0x1C688, s6;
	s14 =	sadd.s32 $0x10, s12  }
0x214: {  	[hbm4b:s14+s3] =	stream.linear.scatter [tilespmem:s13], [sflag:$0x4], $0x80, $0x38;
	[tilespmem:$0x1E800] =	vst v63  }
0x215: {  	s13 =	sadd.s32 $0x1C710, s6;
	s14 =	sadd.s32 $0x20, s12  }
0x216: {  	[hbm4b:s14+s3] =	stream.linear.scatter [tilespmem:s13], [sflag:$0x4], $0x80, $0x38;
	[tilespmem:$0x1E800] =	vst v63  }
0x217: {  	s13 =	sadd.s32 $0x1C798, s6;
	s14 =	sadd.s32 $0x30, s12  }
0x218: {  	[hbm4b:s14+s3] =	stream.linear.scatter [tilespmem:s13], [sflag:$0x4], $0x80, $0x38;
	[tilespmem:$0x1E800] =	vst v63  }
0x219: {  	s13 =	sadd.s32 $0x1C820, s6;
	s14 =	sadd.s32 $0x40, s12  }
0x21a: {  	[hbm4b:s14+s3] =	stream.linear.scatter [tilespmem:s13], [sflag:$0x4], $0x80, $0x38;
	[tilespmem:$0x1E800] =	vst v63  }
.Ltmp7:
0x21b: {  	s13 =	sadd.s32 $0x1C8A8, s6;
	s14 =	sadd.s32 $0x50, s12;
	(pc) =	sbr.rel @p0 .LBB2_17-.Ltmp7, $4  }
0x21c: {  	[hbm4b:s14+s3] =	stream.linear.scatter [tilespmem:s13], [sflag:$0x4], $0x80, $0x38;
	[tilespmem:$0x1E800] =	vst v63  }
0x21d: {  	s13 =	sadd.s32 $0x1C930, s6;
	s14 =	sadd.s32 $0x60, s12;
	s6 =	sadd.s32 $0x1C9B8, s6  }
0x21e: {  	[hbm4b:s14+s3] =	stream.linear.scatter [tilespmem:s13], [sflag:$0x4], $0x80, $0x38;
	[tilespmem:$0x1E800] =	vst v63  }
0x21f: {  	s14 =	sadd.s32 $0x70, s12;
	s12 =	sadd.s32 $0x4000, s12;
	s13 =	smov.u32 s7  }
0x220: {  	[hbm4b:s14+s3] =	stream.linear.scatter [tilespmem:s6], [sflag:$0x4], $0x80, $0x38;
	[tilespmem:$0x1E800] =	vst v63  }
0x221: {  	s14 =	sadd.s32 $0x1C600, s11  }
0x222: {  	[hbm4b:s12+s3] =	stream.linear.scatter [tilespmem:s14], [sflag:$0x4], $0x80, $0x38;
	[tilespmem:$0x1E800] =	vst v63  }
0x223: {  	s15 =	sadd.s32 $0x1C688, s11;
	s7 =	sadd.s32 $0x10, s12  }
0x224: {  	[hbm4b:s7+s3] =	stream.linear.scatter [tilespmem:s15], [sflag:$0x4], $0x80, $0x38;
	[tilespmem:$0x1E800] =	vst v63  }
0x225: {  	s16 =	sadd.s32 $0x1C710, s11;
	s17 =	sadd.s32 $0x20, s12  }
0x226: {  	[hbm4b:s17+s3] =	stream.linear.scatter [tilespmem:s16], [sflag:$0x4], $0x80, $0x38;
	[tilespmem:$0x1E800] =	vst v63  }
0x227: {  	s13 =	sadd.s32 $0x30, s12;
	s7 =	sadd.s32 $0x1C798, s11  }
0x228: {  	[hbm4b:s13+s3] =	stream.linear.scatter [tilespmem:s7], [sflag:$0x4], $0x80, $0x38;
	[tilespmem:$0x1E800] =	vst v63  }
0x229: {  	s14 =	sadd.s32 $0x1C820, s11;
	s15 =	sadd.s32 $0x40, s12  }
0x22a: {  	[hbm4b:s15+s3] =	stream.linear.scatter [tilespmem:s14], [sflag:$0x4], $0x80, $0x38;
	[tilespmem:$0x1E800] =	vst v63  }
0x22b: {  	s16 =	sadd.s32 $0x1C8A8, s11;
	s17 =	sadd.s32 $0x50, s12  }
0x22c: {  	[hbm4b:s17+s3] =	stream.linear.scatter [tilespmem:s16], [sflag:$0x4], $0x80, $0x38;
	[tilespmem:$0x1E800] =	vst v63  }
0x22d: {  	s13 =	sadd.s32 $0x1C930, s11;
	s14 =	sadd.s32 $0x60, s12  }
0x22e: {  	[hbm4b:s14+s3] =	stream.linear.scatter [tilespmem:s13], [sflag:$0x4], $0x80, $0x38;
	[tilespmem:$0x1E800] =	vst v63  }
0x22f: {  	s15 =	sadd.s32 $0x1C9B8, s11;
	s16 =	sadd.s32 $0x70, s12  }
0x230: {  	[hbm4b:s16+s3] =	stream.linear.scatter [tilespmem:s15], [sflag:$0x4], $0x80, $0x38;
	[tilespmem:$0x1E800] =	vst v63  }
0x231: {  	s17 =	simm.s32 $0x3;
	_ =	swait.ge [sflag:s26], $0x2000  }
0x232: {  	s7 =	simm.s32 $0x0;
	v4 =	vmov s17;
	[sflag:s26] =	ssyncset.done $0x0  }
0x233: {  	s11 =	simm.s32 $0x1;
	s12 =	simm.s32 $0xE400;
	v5 =	vand.u32 $0x7F, v4;
	v4 =	vmov s7;
	[sflag:s26] =	ssyncadd.s32 $0xFFFFE000  }
0x234: {  	v8 =	vadd.s32 v0, v5;
	v6 =	vand.u32 $0x7C, v4;
	v4 =	vmov s11;
	v7 =	vld [tilespmem:s12+$0xC0]  }
0x235: {  	v10 =	vadd.s32 v0, v6;
	v11 =	vand.u32 $0x7D, v4;
	v9 =	vld [tilespmem:s12+$0x0]  }
0x236: {  	s13 =	simm.s32 $0x2;
	v12 =	vadd.s32 v0, v11;
	v4 =	vld [tilespmem:s12+$0x40]  }
0x237: {  	v13 =	vmov s13  }
0x238: {  	v13 =	vand.u32 $0x7E, v13  }
0x239: {  	v15 =	vadd.s32 v0, v13;
	v14 =	vld [tilespmem:s12+$0x80];
	[tilespmem:v8+s24+$0x0] =	vst.idx.msk $0xffff, v7  }
0x23a: {  	v8 =	vadd.s32 v1, v5;
	[tilespmem:v10+s24+$0x0] =	vst.idx.msk $0xffff, v9;
	v7 =	vld [tilespmem:s12+$0xD0]  }
0x23b: {  	v10 =	vadd.s32 v1, v6;
	[tilespmem:v12+s24+$0x0] =	vst.idx.msk $0xffff, v4;
	v9 =	vld [tilespmem:s12+$0x10]  }
0x23c: {  	v12 =	vadd.s32 v1, v11;
	v4 =	vld [tilespmem:s12+$0x50];
	_ =	sdelay $0x1  }
0x23d: {  	[tilespmem:v15+s24+$0x0] =	vst.idx.msk $0xffff, v14  }
0x23e: {  	v16 =	vadd.s32 v1, v13;
	v15 =	vld [tilespmem:s12+$0x90];
	[tilespmem:v8+s24+$0x0] =	vst.idx.msk $0xffff, v7  }
0x23f: {  	s14 =	simm.s32 $0x7;
	v14 =	vadd.s32 v2, v5;
	[tilespmem:v10+s24+$0x0] =	vst.idx.msk $0xffff, v9;
	v7 =	vld [tilespmem:s12+$0xE0]  }
0x240: {  	v10 =	vadd.s32 v2, v6;
	v8 =	vmov s14;
	[tilespmem:v12+s24+$0x0] =	vst.idx.msk $0xffff, v4;
	v9 =	vld [tilespmem:s12+$0x20]  }
0x241: {  	s11 =	simm.s32 $0xE500;
	v17 =	vadd.s32 v2, v11;
	v8 =	vand.u32 $0x7F, v8;
	v12 =	vld [tilespmem:s12+$0x60]  }
0x242: {  	s15 =	simm.s32 $0x4;
	v18 =	vld [tilespmem:s11+$0xC0];
	v19 =	vadd.s32 v0, v8  }
0x243: {  	s16 =	simm.s32 $0x5;
	v4 =	vmov s15;
	[tilespmem:v16+s24+$0x0] =	vst.idx.msk $0xffff, v15  }
0x244: {  	v22 =	vmov s16;
	v4 =	vand.u32 $0x7C, v4;
	[tilespmem:v14+s24+$0x0] =	vst.idx.msk $0xffff, v7  }
0x245: {  	s17 =	simm.s32 $0x6;
	v20 =	vld [tilespmem:s11+$0x0];
	v21 =	vadd.s32 v0, v4;
	v7 =	vand.u32 $0x7D, v22;
	[tilespmem:v10+s24+$0x0] =	vst.idx.msk $0xffff, v9  }
0x246: {  	v14 =	vmov s17;
	v9 =	vld [tilespmem:s11+$0x40];
	[tilespmem:v17+s24+$0x0] =	vst.idx.msk $0xffff, v12;
	v10 =	vadd.s32 v0, v7  }
0x247: {  	v16 =	vadd.s32 v3, v5;
	v12 =	vld [tilespmem:s12+$0xA0];
	v5 =	vand.u32 $0x7E, v14;
	[tilespmem:v19+s24+$0x0] =	vst.idx.msk $0xffff, v18;
	v18 =	vadd.s32 v2, v13  }
0x248: {  	v14 =	vld [tilespmem:s11+$0x80];
	v63 =	vadd.s32 v0, v5  }
0x249: {  	v15 =	vld [tilespmem:s12+$0xF0]  }
0x24a: {  	[tilespmem:v21+s24+$0x0] =	vst.idx.msk $0xffff, v20;
	v20 =	vadd.s32 v1, v8;
	v19 =	vld [tilespmem:s11+$0xD0]  }
0x24b: {  	v23 =	vadd.s32 v1, v4;
	v21 =	vld [tilespmem:s11+$0x10];
	[tilespmem:v10+s24+$0x0] =	vst.idx.msk $0xffff, v9  }
0x24c: {  	v25 =	vadd.s32 v3, v11;
	v24 =	vld [tilespmem:s12+$0x70];
	[tilespmem:v18+s24+$0x0] =	vst.idx.msk $0xffff, v12  }
0x24d: {  	v18 =	vadd.s32 v1, v7;
	v17 =	vld [tilespmem:s11+$0x50];
	[tilespmem:v63+s24+$0x0] =	vst.idx.msk $0xffff, v14  }
0x24e: {  	[tilespmem:v16+s24+$0x0] =	vst.idx.msk $0xffff, v15;
	v16 =	vadd.s32 v1, v5;
	v15 =	vld [tilespmem:s11+$0x90]  }
0x24f: {  	[tilespmem:v20+s24+$0x0] =	vst.idx.msk $0xffff, v19;
	v11 =	vld [tilespmem:s12+$0xB0];
	v14 =	vadd.s32 v3, v13  }
0x250: {  	v12 =	vadd.s32 v2, v8;
	[tilespmem:v23+s24+$0x0] =	vst.idx.msk $0xffff, v21;
	v9 =	vld [tilespmem:s11+$0xE0]  }
0x251: {  	s6 =	simm.s32 $0xB;
	s13 =	simm.s32 $0x8;
	s14 =	simm.s32 $0xC;
	[tilespmem:v25+s24+$0x0] =	vst.idx.msk $0xffff, v24;
	v13 =	vadd.s32 v2, v4;
	v10 =	vld [tilespmem:s11+$0x20]  }
.LBB2_19:
0x252: {  	p0 =	slt.u32 s14, $0x7C;
	v19 =	vmov s6;
	[tilespmem:v18+s24+$0x0] =	vst.idx.msk $0xffff, v17;
	v17 =	vld [tilespmem:s12+$0x30];
	v18 =	vadd.s32 v3, v6;
	v6 =	vmov v4;
	s12 =	smov.u32 s11  }
0x253: {  	v4 =	vmov s13;
	v21 =	vadd.s32 v2, v7;
	s11 =	sadd.s32 $0x100, s11;
	v19 =	vand.u32 $0x7F, v19;
	v20 =	vld [tilespmem:s12+$0x60];
	[tilespmem:v16+s24+$0x0] =	vst.idx.msk $0xffff, v15  }
0x254: {  	s6 =	sadd.s32 $0x1, s13;
	v4 =	vand.u32 $0x7C, v4;
	v15 =	vld [tilespmem:s11+$0xC0];
	v16 =	vadd.s32 v0, v19;
	[tilespmem:v14+s24+$0x0] =	vst.idx.msk $0xffff, v11  }
0x255: {  	v22 =	vmov s6;
	s6 =	sadd.s32 $0x2, s13;
	s13 =	smov.u32 s14;
	v14 =	vadd.s32 v0, v4;
	v11 =	vld [tilespmem:s11+$0x0];
	[tilespmem:v12+s24+$0x0] =	vst.idx.msk $0xffff, v9  }
0x256: {  	v9 =	vand.u32 $0x7D, v22;
	v12 =	vmov s6;
	[tilespmem:v13+s24+$0x0] =	vst.idx.msk $0xffff, v10;
	v10 =	vld [tilespmem:s12+$0xF0];
	v13 =	vadd.s32 v3, v8;
	v8 =	vmovc v19  }
0x257: {  	v22 =	vadd.s32 v0, v9;
	v12 =	vand.u32 $0x7E, v12;
	v19 =	vld [tilespmem:s11+$0x40];
	[tilespmem:v18+s24+$0x0] =	vst.idx.msk $0xffff, v17  }
0x258: {  	v24 =	vadd.s32 v0, v12;
	v23 =	vld [tilespmem:s11+$0x80];
	[tilespmem:v21+s24+$0x0] =	vst.idx.msk $0xffff, v20  }
0x259: {  	v21 =	vadd.s32 v2, v5;
	[tilespmem:v16+s24+$0x0] =	vst.idx.msk $0xffff, v15;
	v20 =	vld [tilespmem:s12+$0xA0]  }
0x25a: {  	[tilespmem:v14+s24+$0x0] =	vst.idx.msk $0xffff, v11;
	v11 =	vld [tilespmem:s11+$0xD0];
	v14 =	vadd.s32 v1, v8  }
0x25b: {  	v26 =	vadd.s32 v1, v4;
	v25 =	vld [tilespmem:s11+$0x10];
	[tilespmem:v13+s24+$0x0] =	vst.idx.msk $0xffff, v10  }
0x25c: {  	[tilespmem:v22+s24+$0x0] =	vst.idx.msk $0xffff, v19;
	v19 =	vld [tilespmem:s12+$0x70];
	v22 =	vadd.s32 v3, v7;
	v7 =	vmov v9  }
.Ltmp8:
0x25d: {  	v17 =	vld [tilespmem:s11+$0x50];
	v18 =	vadd.s32 v1, v7;
	[tilespmem:v24+s24+$0x0] =	vst.idx.msk $0xffff, v23;
	(pc) =	sbr.rel @p0 .LBB2_19-.Ltmp8, $4  }
0x25e: {  	v16 =	vadd.s32 v1, v12;
	v15 =	vld [tilespmem:s11+$0x90];
	[tilespmem:v21+s24+$0x0] =	vst.idx.msk $0xffff, v20  }
0x25f: {  	[tilespmem:v14+s24+$0x0] =	vst.idx.msk $0xffff, v11;
	v11 =	vld [tilespmem:s12+$0xB0];
	v14 =	vadd.s32 v3, v5;
	v5 =	vmov v12  }
0x260: {  	v12 =	vadd.s32 v2, v8;
	[tilespmem:v26+s24+$0x0] =	vst.idx.msk $0xffff, v25;
	v9 =	vld [tilespmem:s11+$0xE0]  }
0x261: {  	s14 =	sadd.s32 $0x4, s14;
	s6 =	sadd.s32 $0x3, s13;
	v13 =	vadd.s32 v2, v4;
	v10 =	vld [tilespmem:s11+$0x20];
	[tilespmem:v22+s24+$0x0] =	vst.idx.msk $0xffff, v19  }
0x262: {  	_ =	sdelay $0x2  }
0x263: {  	v19 =	vmov s6  }
0x264: {  	s16 =	sadd.s32 $0x1, s13;
	[tilespmem:v18+s24+$0x0] =	vst.idx.msk $0xffff, v17;
	v30 =	vld [tilespmem:s12+$0x30];
	v6 =	vadd.s32 v3, v6;
	s17 =	sadd.s32 $0x100, s11;
	v21 =	vmov s13;
	v31 =	vand.u32 $0x7F, v19  }
0x265: {  	s7 =	sadd.s32 $0x2, s13;
	v32 =	vmov s16;
	[tilespmem:v16+s24+$0x0] =	vst.idx.msk $0xffff, v15;
	v33 =	vld [tilespmem:s17+$0xC0];
	v21 =	vand.u32 $0x7C, v21;
	v34 =	vadd.s32 v0, v31  }
0x266: {  	v20 =	vmov s7;
	v22 =	vld [tilespmem:s17+$0x0];
	v19 =	vand.u32 $0x7D, v32;
	[tilespmem:v14+s24+$0x0] =	vst.idx.msk $0xffff, v11;
	v39 =	vadd.s32 v0, v21  }
0x267: {  	v35 =	vld [tilespmem:s17+$0x40];
	v20 =	vand.u32 $0x7E, v20;
	v36 =	vadd.s32 v0, v19;
	[tilespmem:v12+s24+$0x0] =	vst.idx.msk $0xffff, v9  }
0x268: {  	v37 =	vld [tilespmem:s17+$0x80];
	v38 =	vadd.s32 v0, v20;
	[tilespmem:v13+s24+$0x0] =	vst.idx.msk $0xffff, v10  }
0x269: {  	v41 =	vadd.s32 v2, v7;
	v40 =	vld [tilespmem:s11+$0x60];
	[tilespmem:v6+s24+$0x0] =	vst.idx.msk $0xffff, v30  }
0x26a: {  	v49 =	vadd.s32 v2, v5;
	v48 =	vld [tilespmem:s11+$0xA0];
	[tilespmem:v34+s24+$0x0] =	vst.idx.msk $0xffff, v33  }
0x26b: {  	v43 =	vadd.s32 v1, v31;
	[tilespmem:v39+s24+$0x0] =	vst.idx.msk $0xffff, v22;
	v15 =	vld [tilespmem:s17+$0xD0]  }
0x26c: {  	v47 =	vadd.s32 v1, v21;
	[tilespmem:v36+s24+$0x0] =	vst.idx.msk $0xffff, v35;
	v46 =	vld [tilespmem:s17+$0x10]  }
0x26d: {  	v44 =	vadd.s32 v1, v19;
	[tilespmem:v38+s24+$0x0] =	vst.idx.msk $0xffff, v37;
	v11 =	vld [tilespmem:s17+$0x50]  }
0x26e: {  	v45 =	vadd.s32 v1, v20;
	[tilespmem:v41+s24+$0x0] =	vst.idx.msk $0xffff, v40;
	v9 =	vld [tilespmem:s17+$0x90]  }
0x26f: {  	v8 =	vadd.s32 v3, v8;
	v42 =	vld [tilespmem:s11+$0xF0];
	[tilespmem:v49+s24+$0x0] =	vst.idx.msk $0xffff, v48  }
0x270: {  	v5 =	vadd.s32 v3, v5;
	v13 =	vld [tilespmem:s11+$0xB0];
	[tilespmem:v43+s24+$0x0] =	vst.idx.msk $0xffff, v15  }
0x271: {  	v52 =	vadd.s32 v2, v31;
	[tilespmem:v47+s24+$0x0] =	vst.idx.msk $0xffff, v46;
	v15 =	vld [tilespmem:s17+$0xE0]  }
0x272: {  	v57 =	vadd.s32 v2, v21;
	[tilespmem:v44+s24+$0x0] =	vst.idx.msk $0xffff, v11;
	v56 =	vld [tilespmem:s17+$0x20]  }
0x273: {  	v53 =	vadd.s32 v2, v19;
	[tilespmem:v45+s24+$0x0] =	vst.idx.msk $0xffff, v9;
	v11 =	vld [tilespmem:s17+$0x60]  }
0x274: {  	v55 =	vadd.s32 v2, v20;
	[tilespmem:v8+s24+$0x0] =	vst.idx.msk $0xffff, v42;
	v54 =	vld [tilespmem:s17+$0xA0]  }
0x275: {  	v4 =	vadd.s32 v3, v4;
	v58 =	vld [tilespmem:s11+$0x30];
	[tilespmem:v5+s24+$0x0] =	vst.idx.msk $0xffff, v13  }
0x276: {  	v51 =	vadd.s32 v3, v7;
	v50 =	vld [tilespmem:s11+$0x70];
	[tilespmem:v52+s24+$0x0] =	vst.idx.msk $0xffff, v15  }
0x277: {  	v60 =	vadd.s32 v3, v31;
	[tilespmem:v57+s24+$0x0] =	vst.idx.msk $0xffff, v56;
	v59 =	vld [tilespmem:s17+$0xF0]  }
0x278: {  	v63 =	vadd.s32 v3, v21;
	[tilespmem:v53+s24+$0x0] =	vst.idx.msk $0xffff, v11;
	v5 =	vld [tilespmem:s17+$0x30]  }
0x279: {  	v61 =	vadd.s32 v3, v19;
	s11 =	sadd.s32 $0x4, s10;
	[tilespmem:v55+s24+$0x0] =	vst.idx.msk $0xffff, v54;
	v11 =	vld [tilespmem:s17+$0x70]  }
0x27a: {  	v62 =	vadd.s32 v3, v20;
	s7 =	sshrl.u32 s11, $0x7;
	[tilespmem:v4+s24+$0x0] =	vst.idx.msk $0xffff, v58;
	v6 =	vld [tilespmem:s17+$0xB0]  }
0x27b: {  	s6 =	sshll.u32 s11, $0xA;
	s12 =	sshll.u32 s7, $0x11;
	[tilespmem:v51+s24+$0x0] =	vst.idx.msk $0xffff, v50  }
0x27c: {  	s7 =	sshll.u32 s7, $0x14;
	s6 =	ssub.s32 s6, s12;
	[tilespmem:v60+s24+$0x0] =	vst.idx.msk $0xffff, v59  }
0x27d: {  	s6 =	sadd.s32 s7, s6;
	[tilespmem:v63+s24+$0x0] =	vst.idx.msk $0xffff, v5  }
0x27e: {  	s6 =	sshrl.u32 s6, $0x3;
	[tilespmem:v61+s24+$0x0] =	vst.idx.msk $0xffff, v11  }
0x27f: {  	s13 =	simm.s32 $0x1A400;
	s7 =	sadd.s32 s2, s6;
	[tilespmem:v62+s24+$0x0] =	vst.idx.msk $0xffff, v6  }
0x280: {  	[hbm4b:s7+s3] =	stream.linear.scatter [tilespmem:s13], [sflag:$0x3], $0x80, $0x38;
	[tilespmem:$0x1E800] =	vst v63  }
0x281: {  	s14 =	simm.s32 $0x1A488;
	s15 =	sadd.s32 $0x10, s7  }
0x282: {  	[hbm4b:s15+s3] =	stream.linear.scatter [tilespmem:s14], [sflag:$0x3], $0x80, $0x38;
	[tilespmem:$0x1E800] =	vst v63  }
0x283: {  	s16 =	simm.s32 $0x1A510;
	s10 =	simm.s32 $0x1A598;
	s17 =	sadd.s32 $0x20, s7  }
0x284: {  	[hbm4b:s17+s3] =	stream.linear.scatter [tilespmem:s16], [sflag:$0x3], $0x80, $0x38;
	[tilespmem:$0x1E800] =	vst v63  }
0x285: {  	s12 =	simm.s32 $0x1A620;
	s6 =	simm.s32 $0x1A7B8;
	s11 =	sadd.s32 $0x30, s7  }
0x286: {  	[hbm4b:s11+s3] =	stream.linear.scatter [tilespmem:s10], [sflag:$0x3], $0x80, $0x38;
	[tilespmem:$0x1E800] =	vst v63  }
0x287: {  	s13 =	sadd.s32 $0x40, s7;
	s14 =	simm.s32 $0x1A6A8;
	s15 =	sadd.s32 $0x50, s7  }
0x288: {  	[hbm4b:s13+s3] =	stream.linear.scatter [tilespmem:s12], [sflag:$0x3], $0x80, $0x38;
	[tilespmem:$0x1E800] =	vst v63  }
0x289: {  	s16 =	simm.s32 $0x1A730;
	s17 =	sadd.s32 $0x60, s7;
	s10 =	simm.s32 $0x440  }
0x28a: {  	[hbm4b:s15+s3] =	stream.linear.scatter [tilespmem:s14], [sflag:$0x3], $0x80, $0x38;
	[tilespmem:$0x1E800] =	vst v63  }
0x28b: {  	s11 =	sadd.s32 $0x4000, s7;
	s12 =	simm.s32 $0x2200;
	s13 =	sadd.s32 $0x70, s7  }
0x28c: {  	[hbm4b:s17+s3] =	stream.linear.scatter [tilespmem:s16], [sflag:$0x3], $0x80, $0x38;
	[tilespmem:$0x1E800] =	vst v63  }
.LBB2_21:
0x28d: {  	[hbm4b:s13+s3] =	stream.linear.scatter [tilespmem:s6], [sflag:$0x3], $0x80, $0x38;
	[tilespmem:$0x1E800] =	vst v63  }
0x28e: {  	s6 =	smov.u32 s10;
	s7 =	smov.u32 s12  }
0x28f: {  	s10 =	sshra.s32 s7, $0x2;
	s7 =	sadd.s32 $0x1100, s12;
	s13 =	sadd.s32 $0x1A400, s6  }
0x290: {  	[hbm4b:s11+s3] =	stream.linear.scatter [tilespmem:s13], [sflag:$0x3], $0x80, $0x38;
	[tilespmem:$0x1E800] =	vst v63  }
0x291: {  	p0 =	sne.s32 s12, $0x7700;
	s12 =	sadd.s32 $0x1A488, s6;
	s13 =	sadd.s32 $0x10, s11  }
0x292: {  	[hbm4b:s13+s3] =	stream.linear.scatter [tilespmem:s12], [sflag:$0x3], $0x80, $0x38;
	[tilespmem:$0x1E800] =	vst v63  }
0x293: {  	s12 =	sadd.s32 $0x1A510, s6;
	s13 =	sadd.s32 $0x20, s11  }
0x294: {  	[hbm4b:s13+s3] =	stream.linear.scatter [tilespmem:s12], [sflag:$0x3], $0x80, $0x38;
	[tilespmem:$0x1E800] =	vst v63  }
0x295: {  	s12 =	sadd.s32 $0x1A598, s6;
	s13 =	sadd.s32 $0x30, s11  }
0x296: {  	[hbm4b:s13+s3] =	stream.linear.scatter [tilespmem:s12], [sflag:$0x3], $0x80, $0x38;
	[tilespmem:$0x1E800] =	vst v63  }
0x297: {  	s12 =	sadd.s32 $0x1A620, s6;
	s13 =	sadd.s32 $0x40, s11  }
0x298: {  	[hbm4b:s13+s3] =	stream.linear.scatter [tilespmem:s12], [sflag:$0x3], $0x80, $0x38;
	[tilespmem:$0x1E800] =	vst v63  }
.Ltmp9:
0x299: {  	s12 =	sadd.s32 $0x1A6A8, s6;
	s13 =	sadd.s32 $0x50, s11;
	(pc) =	sbr.rel @p0 .LBB2_21-.Ltmp9, $4  }
0x29a: {  	[hbm4b:s13+s3] =	stream.linear.scatter [tilespmem:s12], [sflag:$0x3], $0x80, $0x38;
	[tilespmem:$0x1E800] =	vst v63  }
0x29b: {  	s12 =	sadd.s32 $0x1A730, s6;
	s13 =	sadd.s32 $0x60, s11;
	s6 =	sadd.s32 $0x1A7B8, s6  }
0x29c: {  	[hbm4b:s13+s3] =	stream.linear.scatter [tilespmem:s12], [sflag:$0x3], $0x80, $0x38;
	[tilespmem:$0x1E800] =	vst v63  }
0x29d: {  	s13 =	sadd.s32 $0x70, s11;
	s11 =	sadd.s32 $0x4000, s11;
	s12 =	smov.u32 s7  }
0x29e: {  	[hbm4b:s13+s3] =	stream.linear.scatter [tilespmem:s6], [sflag:$0x3], $0x80, $0x38;
	[tilespmem:$0x1E800] =	vst v63  }
0x29f: {  	s16 =	sadd.s32 $0x1A400, s10  }
0x2a0: {  	[hbm4b:s11+s3] =	stream.linear.scatter [tilespmem:s16], [sflag:$0x3], $0x80, $0x38;
	[tilespmem:$0x1E800] =	vst v63  }
0x2a1: {  	s17 =	sadd.s32 $0x1A488, s10;
	s7 =	sadd.s32 $0x10, s11  }
0x2a2: {  	[hbm4b:s7+s3] =	stream.linear.scatter [tilespmem:s17], [sflag:$0x3], $0x80, $0x38;
	[tilespmem:$0x1E800] =	vst v63  }
0x2a3: {  	s12 =	sadd.s32 $0x1A510, s10;
	s13 =	sadd.s32 $0x20, s11  }
0x2a4: {  	[hbm4b:s13+s3] =	stream.linear.scatter [tilespmem:s12], [sflag:$0x3], $0x80, $0x38;
	[tilespmem:$0x1E800] =	vst v63  }
0x2a5: {  	s14 =	sadd.s32 $0x1A598, s10;
	s15 =	sadd.s32 $0x30, s11  }
0x2a6: {  	[hbm4b:s15+s3] =	stream.linear.scatter [tilespmem:s14], [sflag:$0x3], $0x80, $0x38;
	[tilespmem:$0x1E800] =	vst v63  }
0x2a7: {  	s16 =	sadd.s32 $0x1A620, s10;
	s17 =	sadd.s32 $0x40, s11  }
0x2a8: {  	[hbm4b:s17+s3] =	stream.linear.scatter [tilespmem:s16], [sflag:$0x3], $0x80, $0x38;
	[tilespmem:$0x1E800] =	vst v63  }
0x2a9: {  	s12 =	sadd.s32 $0x1A6A8, s10;
	s13 =	sadd.s32 $0x50, s11  }
0x2aa: {  	[hbm4b:s13+s3] =	stream.linear.scatter [tilespmem:s12], [sflag:$0x3], $0x80, $0x38;
	[tilespmem:$0x1E800] =	vst v63  }
0x2ab: {  	s14 =	sadd.s32 $0x1A730, s10;
	s15 =	sadd.s32 $0x60, s11  }
0x2ac: {  	[hbm4b:s15+s3] =	stream.linear.scatter [tilespmem:s14], [sflag:$0x3], $0x80, $0x38;
	[tilespmem:$0x1E800] =	vst v63  }
0x2ad: {  	p0 =	seq.s32 s31, $0x13;
	s16 =	sadd.s32 $0x1A7B8, s10;
	s17 =	sadd.s32 $0x70, s11  }
0x2ae: {  	[hbm4b:s17+s3] =	stream.linear.scatter [tilespmem:s16], [sflag:$0x3], $0x80, $0x38;
	[tilespmem:$0x1E800] =	vst v63  }
0x2af: {  	s6 =	sadd.s32 @!p0 $0x500, s0;
	s7 =	simm.s32 @!p0 $0x80;
	s10 =	simm.s32 @!p0 $0x6400  }
0x2b0: {  	[tilespmem:s10], [sflag:$0x1] =	stream.indirect.gather @!p0 [hbm4b:s4+s7], $0x40, s6, s7, $0xb8;
	[tilespmem:$0x1E800] =	vst v63  }
0x2b1: {  	s6 =	sadd.s32 @!p0 $0x580, s0;
	s10 =	simm.s32 @!p0 $0x8400  }
0x2b2: {  	[tilespmem:s10], [sflag:$0x1] =	stream.indirect.gather @!p0 [hbm4b:s4+s7], $0x40, s6, s7, $0xb8;
	[tilespmem:$0x1E800] =	vst v63  }
0x2b3: {  	s6 =	sadd.s32 @!p0 $0x600, s0;
	s10 =	simm.s32 @!p0 $0xA400  }
0x2b4: {  	[tilespmem:s10], [sflag:$0x1] =	stream.indirect.gather @!p0 [hbm4b:s4+s7], $0x40, s6, s7, $0xb8;
	[tilespmem:$0x1E800] =	vst v63  }
0x2b5: {  	s6 =	sadd.s32 @!p0 $0x680, s0;
	s10 =	simm.s32 @!p0 $0xC400  }
0x2b6: {  	[tilespmem:s10], [sflag:$0x1] =	stream.indirect.gather @!p0 [hbm4b:s4+s7], $0x40, s6, s7, $0xb8;
	[tilespmem:$0x1E800] =	vst v63  }
0x2b7: {  	s0 =	sadd.s32 @!p0 $0x700, s0;
	s6 =	simm.s32 @!p0 $0xE400  }
0x2b8: {  	[tilespmem:s6], [sflag:$0x1] =	stream.indirect.gather @!p0 [hbm4b:s4+s7], $0x40, s0, s7, $0xb8;
	[tilespmem:$0x1E800] =	vst v63  }
0x2b9: {  	_ =	swait.ge [sflag:s29], $0x2000  }
0x2ba: {  	[sflag:s29] =	ssyncset.done $0x0  }
0x2bb: {  	[sflag:s29] =	ssyncadd.s32 $0xFFFFE000  }
0x2bc: {  	_ =	swait.ge [sflag:s29], $0x2000  }
0x2bd: {  	[sflag:s29] =	ssyncset.done $0x0  }
0x2be: {  	[sflag:s29] =	ssyncadd.s32 $0xFFFFE000  }
0x2bf: {  	_ =	swait.ge [sflag:s29], $0x2000  }
0x2c0: {  	[sflag:s29] =	ssyncset.done $0x0  }
0x2c1: {  	[sflag:s29] =	ssyncadd.s32 $0xFFFFE000  }
0x2c2: {  	_ =	swait.ge [sflag:s29], $0x2000  }
0x2c3: {  	[sflag:s29] =	ssyncset.done $0x0  }
0x2c4: {  	[sflag:s29] =	ssyncadd.s32 $0xFFFFE000  }
0x2c5: {  	_ =	swait.ge [sflag:s29], $0x2000  }
0x2c6: {  	[sflag:s29] =	ssyncset.done $0x0  }
0x2c7: {  	[sflag:s29] =	ssyncadd.s32 $0xFFFFE000  }
0x2c8: {  	s10 =	simm.s32 $0x3;
	_ =	swait.ge [sflag:s26], $0x2000  }
0x2c9: {  	s11 =	simm.s32 $0x0;
	v4 =	vmov s10;
	[sflag:s26] =	ssyncset.done $0x0  }
0x2ca: {  	s12 =	simm.s32 $0x1;
	s10 =	simm.s32 $0x10480;
	v5 =	vand.u32 $0x7F, v4;
	v4 =	vmov s11;
	[sflag:s26] =	ssyncadd.s32 $0xFFFFE000  }
0x2cb: {  	v8 =	vadd.s32 v0, v5;
	v6 =	vand.u32 $0x7C, v4;
	v4 =	vmov s12;
	v7 =	vld [tilespmem:s10+$0x40]  }
0x2cc: {  	v10 =	vadd.s32 v0, v6;
	v11 =	vand.u32 $0x7D, v4;
	v9 =	vld [tilespmem:s10+$0xFFFFFF80]  }
0x2cd: {  	s13 =	simm.s32 $0x2;
	v12 =	vadd.s32 v0, v11;
	v4 =	vld [tilespmem:s10+$0xFFFFFFC0]  }
0x2ce: {  	v13 =	vmov s13  }
0x2cf: {  	v13 =	vand.u32 $0x7E, v13  }
0x2d0: {  	v15 =	vadd.s32 v0, v13;
	v14 =	vld [tilespmem:s10+$0x0];
	[tilespmem:v8+s24+$0x0] =	vst.idx.msk $0xffff, v7  }
0x2d1: {  	v8 =	vadd.s32 v1, v5;
	[tilespmem:v10+s24+$0x0] =	vst.idx.msk $0xffff, v9;
	v7 =	vld [tilespmem:s10+$0x50]  }
0x2d2: {  	v10 =	vadd.s32 v1, v6;
	[tilespmem:v12+s24+$0x0] =	vst.idx.msk $0xffff, v4;
	v9 =	vld [tilespmem:s10+$0xFFFFFF90]  }
0x2d3: {  	v12 =	vadd.s32 v1, v11;
	v4 =	vld [tilespmem:s10+$0xFFFFFFD0];
	_ =	sdelay $0x1  }
0x2d4: {  	[tilespmem:v15+s24+$0x0] =	vst.idx.msk $0xffff, v14  }
0x2d5: {  	v16 =	vadd.s32 v1, v13;
	v15 =	vld [tilespmem:s10+$0x10];
	[tilespmem:v8+s24+$0x0] =	vst.idx.msk $0xffff, v7  }
0x2d6: {  	s14 =	simm.s32 $0x7;
	v14 =	vadd.s32 v2, v5;
	[tilespmem:v10+s24+$0x0] =	vst.idx.msk $0xffff, v9;
	v7 =	vld [tilespmem:s10+$0x60]  }
0x2d7: {  	v10 =	vadd.s32 v2, v6;
	v8 =	vmov s14;
	[tilespmem:v12+s24+$0x0] =	vst.idx.msk $0xffff, v4;
	v9 =	vld [tilespmem:s10+$0xFFFFFFA0]  }
0x2d8: {  	s0 =	simm.s32 $0x10580;
	v17 =	vadd.s32 v2, v11;
	v8 =	vand.u32 $0x7F, v8;
	v12 =	vld [tilespmem:s10+$0xFFFFFFE0]  }
0x2d9: {  	s15 =	simm.s32 $0x4;
	v18 =	vld [tilespmem:s0+$0x40];
	v19 =	vadd.s32 v0, v8  }
0x2da: {  	s16 =	simm.s32 $0x5;
	v4 =	vmov s15;
	[tilespmem:v16+s24+$0x0] =	vst.idx.msk $0xffff, v15  }
0x2db: {  	v22 =	vmov s16;
	v4 =	vand.u32 $0x7C, v4;
	[tilespmem:v14+s24+$0x0] =	vst.idx.msk $0xffff, v7  }
0x2dc: {  	s17 =	simm.s32 $0x6;
	v20 =	vld [tilespmem:s0+$0xFFFFFF80];
	v21 =	vadd.s32 v0, v4;
	v7 =	vand.u32 $0x7D, v22;
	[tilespmem:v10+s24+$0x0] =	vst.idx.msk $0xffff, v9  }
0x2dd: {  	v14 =	vmov s17;
	v9 =	vld [tilespmem:s0+$0xFFFFFFC0];
	[tilespmem:v17+s24+$0x0] =	vst.idx.msk $0xffff, v12;
	v10 =	vadd.s32 v0, v7  }
0x2de: {  	v16 =	vadd.s32 v3, v5;
	v12 =	vld [tilespmem:s10+$0x20];
	v5 =	vand.u32 $0x7E, v14;
	[tilespmem:v19+s24+$0x0] =	vst.idx.msk $0xffff, v18;
	v18 =	vadd.s32 v2, v13  }
0x2df: {  	v14 =	vld [tilespmem:s0+$0x0];
	v63 =	vadd.s32 v0, v5  }
0x2e0: {  	v15 =	vld [tilespmem:s10+$0x70]  }
0x2e1: {  	[tilespmem:v21+s24+$0x0] =	vst.idx.msk $0xffff, v20;
	v20 =	vadd.s32 v1, v8;
	v19 =	vld [tilespmem:s0+$0x50]  }
0x2e2: {  	v23 =	vadd.s32 v1, v4;
	v21 =	vld [tilespmem:s0+$0xFFFFFF90];
	[tilespmem:v10+s24+$0x0] =	vst.idx.msk $0xffff, v9  }
0x2e3: {  	v25 =	vadd.s32 v3, v11;
	v24 =	vld [tilespmem:s10+$0xFFFFFFF0];
	[tilespmem:v18+s24+$0x0] =	vst.idx.msk $0xffff, v12  }
0x2e4: {  	v18 =	vadd.s32 v1, v7;
	v17 =	vld [tilespmem:s0+$0xFFFFFFD0];
	[tilespmem:v63+s24+$0x0] =	vst.idx.msk $0xffff, v14  }
0x2e5: {  	[tilespmem:v16+s24+$0x0] =	vst.idx.msk $0xffff, v15;
	v16 =	vadd.s32 v1, v5;
	v15 =	vld [tilespmem:s0+$0x10]  }
0x2e6: {  	[tilespmem:v20+s24+$0x0] =	vst.idx.msk $0xffff, v19;
	v11 =	vld [tilespmem:s10+$0x30];
	v14 =	vadd.s32 v3, v13  }
0x2e7: {  	v12 =	vadd.s32 v2, v8;
	[tilespmem:v23+s24+$0x0] =	vst.idx.msk $0xffff, v21;
	v9 =	vld [tilespmem:s0+$0x60]  }
0x2e8: {  	s11 =	simm.s32 $0x8;
	s6 =	simm.s32 $0xB;
	s12 =	simm.s32 $0xC;
	[tilespmem:v25+s24+$0x0] =	vst.idx.msk $0xffff, v24;
	v13 =	vadd.s32 v2, v4;
	v10 =	vld [tilespmem:s0+$0xFFFFFFA0]  }
.LBB2_23:
0x2e9: {  	p0 =	slt.u32 s12, $0x7C;
	v19 =	vmov s6;
	[tilespmem:v18+s24+$0x0] =	vst.idx.msk $0xffff, v17;
	v17 =	vld [tilespmem:s10+$0xFFFFFFB0];
	v18 =	vadd.s32 v3, v6;
	v6 =	vmov v4;
	s10 =	smov.u32 s0  }
0x2ea: {  	v4 =	vmov s11;
	v21 =	vadd.s32 v2, v7;
	s0 =	sadd.s32 $0x100, s0;
	v19 =	vand.u32 $0x7F, v19;
	v20 =	vld [tilespmem:s10+$0xFFFFFFE0];
	[tilespmem:v16+s24+$0x0] =	vst.idx.msk $0xffff, v15  }
0x2eb: {  	s6 =	sadd.s32 $0x1, s11;
	v4 =	vand.u32 $0x7C, v4;
	v15 =	vld [tilespmem:s0+$0x40];
	v16 =	vadd.s32 v0, v19;
	[tilespmem:v14+s24+$0x0] =	vst.idx.msk $0xffff, v11  }
0x2ec: {  	v22 =	vmov s6;
	s6 =	sadd.s32 $0x2, s11;
	s11 =	smov.u32 s12;
	v14 =	vadd.s32 v0, v4;
	v11 =	vld [tilespmem:s0+$0xFFFFFF80];
	[tilespmem:v12+s24+$0x0] =	vst.idx.msk $0xffff, v9  }
0x2ed: {  	v9 =	vand.u32 $0x7D, v22;
	v12 =	vmov s6;
	[tilespmem:v13+s24+$0x0] =	vst.idx.msk $0xffff, v10;
	v10 =	vld [tilespmem:s10+$0x70];
	v13 =	vadd.s32 v3, v8;
	v8 =	vmovc v19  }
0x2ee: {  	v22 =	vadd.s32 v0, v9;
	v12 =	vand.u32 $0x7E, v12;
	v19 =	vld [tilespmem:s0+$0xFFFFFFC0];
	[tilespmem:v18+s24+$0x0] =	vst.idx.msk $0xffff, v17  }
0x2ef: {  	v24 =	vadd.s32 v0, v12;
	v23 =	vld [tilespmem:s0+$0x0];
	[tilespmem:v21+s24+$0x0] =	vst.idx.msk $0xffff, v20  }
0x2f0: {  	v21 =	vadd.s32 v2, v5;
	[tilespmem:v16+s24+$0x0] =	vst.idx.msk $0xffff, v15;
	v20 =	vld [tilespmem:s10+$0x20]  }
0x2f1: {  	[tilespmem:v14+s24+$0x0] =	vst.idx.msk $0xffff, v11;
	v11 =	vld [tilespmem:s0+$0x50];
	v14 =	vadd.s32 v1, v8  }
0x2f2: {  	v26 =	vadd.s32 v1, v4;
	v25 =	vld [tilespmem:s0+$0xFFFFFF90];
	[tilespmem:v13+s24+$0x0] =	vst.idx.msk $0xffff, v10  }
0x2f3: {  	[tilespmem:v22+s24+$0x0] =	vst.idx.msk $0xffff, v19;
	v19 =	vld [tilespmem:s10+$0xFFFFFFF0];
	v22 =	vadd.s32 v3, v7;
	v7 =	vmov v9  }
.Ltmp10:
0x2f4: {  	v17 =	vld [tilespmem:s0+$0xFFFFFFD0];
	v18 =	vadd.s32 v1, v7;
	[tilespmem:v24+s24+$0x0] =	vst.idx.msk $0xffff, v23;
	(pc) =	sbr.rel @p0 .LBB2_23-.Ltmp10, $4  }
0x2f5: {  	v16 =	vadd.s32 v1, v12;
	v15 =	vld [tilespmem:s0+$0x10];
	[tilespmem:v21+s24+$0x0] =	vst.idx.msk $0xffff, v20  }
0x2f6: {  	[tilespmem:v14+s24+$0x0] =	vst.idx.msk $0xffff, v11;
	v11 =	vld [tilespmem:s10+$0x30];
	v14 =	vadd.s32 v3, v5;
	v5 =	vmov v12  }
0x2f7: {  	v12 =	vadd.s32 v2, v8;
	[tilespmem:v26+s24+$0x0] =	vst.idx.msk $0xffff, v25;
	v9 =	vld [tilespmem:s0+$0x60]  }
0x2f8: {  	s12 =	sadd.s32 $0x4, s12;
	s6 =	sadd.s32 $0x3, s11;
	v13 =	vadd.s32 v2, v4;
	v10 =	vld [tilespmem:s0+$0xFFFFFFA0];
	[tilespmem:v22+s24+$0x0] =	vst.idx.msk $0xffff, v19  }
0x2f9: {  	_ =	sdelay $0x2  }
0x2fa: {  	v19 =	vmov s6  }
0x2fb: {  	s16 =	sadd.s32 $0x1, s11;
	[tilespmem:v18+s24+$0x0] =	vst.idx.msk $0xffff, v17;
	v30 =	vld [tilespmem:s10+$0xFFFFFFB0];
	v6 =	vadd.s32 v3, v6;
	s17 =	sadd.s32 $0x100, s0;
	v21 =	vmov s11;
	v31 =	vand.u32 $0x7F, v19  }
0x2fc: {  	s7 =	sadd.s32 $0x2, s11;
	v32 =	vmov s16;
	[tilespmem:v16+s24+$0x0] =	vst.idx.msk $0xffff, v15;
	v33 =	vld [tilespmem:s17+$0x40];
	v21 =	vand.u32 $0x7C, v21;
	v34 =	vadd.s32 v0, v31  }
0x2fd: {  	v20 =	vmov s7;
	v22 =	vld [tilespmem:s17+$0xFFFFFF80];
	v19 =	vand.u32 $0x7D, v32;
	[tilespmem:v14+s24+$0x0] =	vst.idx.msk $0xffff, v11;
	v39 =	vadd.s32 v0, v21  }
0x2fe: {  	v35 =	vld [tilespmem:s17+$0xFFFFFFC0];
	v20 =	vand.u32 $0x7E, v20;
	v36 =	vadd.s32 v0, v19;
	[tilespmem:v12+s24+$0x0] =	vst.idx.msk $0xffff, v9  }
0x2ff: {  	v37 =	vld [tilespmem:s17+$0x0];
	v38 =	vadd.s32 v0, v20;
	[tilespmem:v13+s24+$0x0] =	vst.idx.msk $0xffff, v10  }
0x300: {  	v41 =	vadd.s32 v2, v7;
	v40 =	vld [tilespmem:s0+$0xFFFFFFE0];
	[tilespmem:v6+s24+$0x0] =	vst.idx.msk $0xffff, v30  }
0x301: {  	v49 =	vadd.s32 v2, v5;
	v48 =	vld [tilespmem:s0+$0x20];
	[tilespmem:v34+s24+$0x0] =	vst.idx.msk $0xffff, v33  }
0x302: {  	v43 =	vadd.s32 v1, v31;
	[tilespmem:v39+s24+$0x0] =	vst.idx.msk $0xffff, v22;
	v15 =	vld [tilespmem:s17+$0x50]  }
0x303: {  	v47 =	vadd.s32 v1, v21;
	[tilespmem:v36+s24+$0x0] =	vst.idx.msk $0xffff, v35;
	v46 =	vld [tilespmem:s17+$0xFFFFFF90]  }
0x304: {  	v44 =	vadd.s32 v1, v19;
	[tilespmem:v38+s24+$0x0] =	vst.idx.msk $0xffff, v37;
	v11 =	vld [tilespmem:s17+$0xFFFFFFD0]  }
0x305: {  	v45 =	vadd.s32 v1, v20;
	[tilespmem:v41+s24+$0x0] =	vst.idx.msk $0xffff, v40;
	v9 =	vld [tilespmem:s17+$0x10]  }
0x306: {  	v8 =	vadd.s32 v3, v8;
	v42 =	vld [tilespmem:s0+$0x70];
	[tilespmem:v49+s24+$0x0] =	vst.idx.msk $0xffff, v48  }
0x307: {  	v5 =	vadd.s32 v3, v5;
	v13 =	vld [tilespmem:s0+$0x30];
	[tilespmem:v43+s24+$0x0] =	vst.idx.msk $0xffff, v15  }
0x308: {  	v52 =	vadd.s32 v2, v31;
	[tilespmem:v47+s24+$0x0] =	vst.idx.msk $0xffff, v46;
	v15 =	vld [tilespmem:s17+$0x60]  }
0x309: {  	v57 =	vadd.s32 v2, v21;
	[tilespmem:v44+s24+$0x0] =	vst.idx.msk $0xffff, v11;
	v56 =	vld [tilespmem:s17+$0xFFFFFFA0]  }
0x30a: {  	v53 =	vadd.s32 v2, v19;
	[tilespmem:v45+s24+$0x0] =	vst.idx.msk $0xffff, v9;
	v11 =	vld [tilespmem:s17+$0xFFFFFFE0]  }
0x30b: {  	v55 =	vadd.s32 v2, v20;
	[tilespmem:v8+s24+$0x0] =	vst.idx.msk $0xffff, v42;
	v54 =	vld [tilespmem:s17+$0x20]  }
0x30c: {  	v4 =	vadd.s32 v3, v4;
	v58 =	vld [tilespmem:s0+$0xFFFFFFB0];
	[tilespmem:v5+s24+$0x0] =	vst.idx.msk $0xffff, v13  }
0x30d: {  	v51 =	vadd.s32 v3, v7;
	v50 =	vld [tilespmem:s0+$0xFFFFFFF0];
	[tilespmem:v52+s24+$0x0] =	vst.idx.msk $0xffff, v15  }
0x30e: {  	v60 =	vadd.s32 v3, v31;
	[tilespmem:v57+s24+$0x0] =	vst.idx.msk $0xffff, v56;
	v59 =	vld [tilespmem:s17+$0x70]  }
0x30f: {  	v63 =	vadd.s32 v3, v21;
	[tilespmem:v53+s24+$0x0] =	vst.idx.msk $0xffff, v11;
	v5 =	vld [tilespmem:s17+$0xFFFFFFB0]  }
0x310: {  	v61 =	vadd.s32 v3, v19;
	s0 =	sadd.s32 s5, s1;
	[tilespmem:v55+s24+$0x0] =	vst.idx.msk $0xffff, v54;
	v11 =	vld [tilespmem:s17+$0xFFFFFFF0]  }
0x311: {  	v62 =	vadd.s32 v3, v20;
	s1 =	sshrl.u32 s0, $0x7;
	[tilespmem:v4+s24+$0x0] =	vst.idx.msk $0xffff, v58;
	v6 =	vld [tilespmem:s17+$0x30]  }
0x312: {  	s12 =	sshll.u32 s0, $0xA;
	s7 =	sshll.u32 s1, $0x11;
	[tilespmem:v51+s24+$0x0] =	vst.idx.msk $0xffff, v50  }
0x313: {  	s1 =	sshll.u32 s1, $0x14;
	s6 =	ssub.s32 s12, s7;
	[tilespmem:v60+s24+$0x0] =	vst.idx.msk $0xffff, v59  }
0x314: {  	s1 =	sadd.s32 s1, s6;
	[tilespmem:v63+s24+$0x0] =	vst.idx.msk $0xffff, v5  }
0x315: {  	s1 =	sshrl.u32 s1, $0x3;
	[tilespmem:v61+s24+$0x0] =	vst.idx.msk $0xffff, v11  }
0x316: {  	s13 =	simm.s32 $0x1A400;
	s7 =	sadd.s32 s2, s1;
	[tilespmem:v62+s24+$0x0] =	vst.idx.msk $0xffff, v6  }
0x317: {  	[hbm4b:s7+s3] =	stream.linear.scatter [tilespmem:s13], [sflag:$0x3], $0x80, $0x38;
	[tilespmem:$0x1E800] =	vst v63  }
0x318: {  	s14 =	simm.s32 $0x1A488;
	s15 =	sadd.s32 $0x10, s7  }
0x319: {  	[hbm4b:s15+s3] =	stream.linear.scatter [tilespmem:s14], [sflag:$0x3], $0x80, $0x38;
	[tilespmem:$0x1E800] =	vst v63  }
0x31a: {  	s10 =	simm.s32 $0x1A598;
	s16 =	simm.s32 $0x1A510;
	s17 =	sadd.s32 $0x20, s7  }
0x31b: {  	[hbm4b:s17+s3] =	stream.linear.scatter [tilespmem:s16], [sflag:$0x3], $0x80, $0x38;
	[tilespmem:$0x1E800] =	vst v63  }
0x31c: {  	s12 =	simm.s32 $0x1A620;
	s6 =	simm.s32 $0x1A7B8;
	s11 =	sadd.s32 $0x30, s7  }
0x31d: {  	[hbm4b:s11+s3] =	stream.linear.scatter [tilespmem:s10], [sflag:$0x3], $0x80, $0x38;
	[tilespmem:$0x1E800] =	vst v63  }
0x31e: {  	s1 =	simm.s32 $0x440;
	s13 =	sadd.s32 $0x40, s7;
	s14 =	simm.s32 $0x1A6A8  }
0x31f: {  	[hbm4b:s13+s3] =	stream.linear.scatter [tilespmem:s12], [sflag:$0x3], $0x80, $0x38;
	[tilespmem:$0x1E800] =	vst v63  }
0x320: {  	s15 =	sadd.s32 $0x50, s7;
	s16 =	simm.s32 $0x1A730;
	s17 =	sadd.s32 $0x60, s7  }
0x321: {  	[hbm4b:s15+s3] =	stream.linear.scatter [tilespmem:s14], [sflag:$0x3], $0x80, $0x38;
	[tilespmem:$0x1E800] =	vst v63  }
0x322: {  	s11 =	simm.s32 $0x2200;
	s10 =	sadd.s32 $0x4000, s7;
	s12 =	sadd.s32 $0x70, s7  }
0x323: {  	[hbm4b:s17+s3] =	stream.linear.scatter [tilespmem:s16], [sflag:$0x3], $0x80, $0x38;
	[tilespmem:$0x1E800] =	vst v63  }
.LBB2_25:
0x324: {  	[hbm4b:s12+s3] =	stream.linear.scatter [tilespmem:s6], [sflag:$0x3], $0x80, $0x38;
	[tilespmem:$0x1E800] =	vst v63  }
0x325: {  	s6 =	smov.u32 s1;
	s1 =	smov.u32 s11  }
0x326: {  	s7 =	sadd.s32 $0x1100, s11;
	s1 =	sshra.s32 s1, $0x2;
	s12 =	sadd.s32 $0x1A400, s6  }
0x327: {  	[hbm4b:s10+s3] =	stream.linear.scatter [tilespmem:s12], [sflag:$0x3], $0x80, $0x38;
	[tilespmem:$0x1E800] =	vst v63  }
0x328: {  	p0 =	sne.s32 s11, $0x7700;
	s11 =	sadd.s32 $0x1A488, s6;
	s12 =	sadd.s32 $0x10, s10  }
0x329: {  	[hbm4b:s12+s3] =	stream.linear.scatter [tilespmem:s11], [sflag:$0x3], $0x80, $0x38;
	[tilespmem:$0x1E800] =	vst v63  }
0x32a: {  	s11 =	sadd.s32 $0x1A510, s6;
	s12 =	sadd.s32 $0x20, s10  }
0x32b: {  	[hbm4b:s12+s3] =	stream.linear.scatter [tilespmem:s11], [sflag:$0x3], $0x80, $0x38;
	[tilespmem:$0x1E800] =	vst v63  }
0x32c: {  	s11 =	sadd.s32 $0x1A598, s6;
	s12 =	sadd.s32 $0x30, s10  }
0x32d: {  	[hbm4b:s12+s3] =	stream.linear.scatter [tilespmem:s11], [sflag:$0x3], $0x80, $0x38;
	[tilespmem:$0x1E800] =	vst v63  }
0x32e: {  	s11 =	sadd.s32 $0x1A620, s6;
	s12 =	sadd.s32 $0x40, s10  }
0x32f: {  	[hbm4b:s12+s3] =	stream.linear.scatter [tilespmem:s11], [sflag:$0x3], $0x80, $0x38;
	[tilespmem:$0x1E800] =	vst v63  }
.Ltmp11:
0x330: {  	s11 =	sadd.s32 $0x1A6A8, s6;
	s12 =	sadd.s32 $0x50, s10;
	(pc) =	sbr.rel @p0 .LBB2_25-.Ltmp11, $4  }
0x331: {  	[hbm4b:s12+s3] =	stream.linear.scatter [tilespmem:s11], [sflag:$0x3], $0x80, $0x38;
	[tilespmem:$0x1E800] =	vst v63  }
0x332: {  	s11 =	sadd.s32 $0x1A730, s6;
	s12 =	sadd.s32 $0x60, s10;
	s6 =	sadd.s32 $0x1A7B8, s6  }
0x333: {  	[hbm4b:s12+s3] =	stream.linear.scatter [tilespmem:s11], [sflag:$0x3], $0x80, $0x38;
	[tilespmem:$0x1E800] =	vst v63  }
0x334: {  	s12 =	sadd.s32 $0x70, s10;
	s10 =	sadd.s32 $0x4000, s10;
	s11 =	smov.u32 s7  }
0x335: {  	[hbm4b:s12+s3] =	stream.linear.scatter [tilespmem:s6], [sflag:$0x3], $0x80, $0x38;
	[tilespmem:$0x1E800] =	vst v63  }
0x336: {  	s14 =	sadd.s32 $0x1A400, s1  }
0x337: {  	[hbm4b:s10+s3] =	stream.linear.scatter [tilespmem:s14], [sflag:$0x3], $0x80, $0x38;
	[tilespmem:$0x1E800] =	vst v63  }
0x338: {  	s15 =	sadd.s32 $0x1A488, s1;
	s7 =	sadd.s32 $0x10, s10  }
0x339: {  	[hbm4b:s7+s3] =	stream.linear.scatter [tilespmem:s15], [sflag:$0x3], $0x80, $0x38;
	[tilespmem:$0x1E800] =	vst v63  }
0x33a: {  	s16 =	sadd.s32 $0x1A510, s1;
	s17 =	sadd.s32 $0x20, s10  }
0x33b: {  	[hbm4b:s17+s3] =	stream.linear.scatter [tilespmem:s16], [sflag:$0x3], $0x80, $0x38;
	[tilespmem:$0x1E800] =	vst v63  }
0x33c: {  	s11 =	sadd.s32 $0x30, s10;
	s7 =	sadd.s32 $0x1A598, s1  }
0x33d: {  	[hbm4b:s11+s3] =	stream.linear.scatter [tilespmem:s7], [sflag:$0x3], $0x80, $0x38;
	[tilespmem:$0x1E800] =	vst v63  }
0x33e: {  	s12 =	sadd.s32 $0x1A620, s1;
	s13 =	sadd.s32 $0x40, s10  }
0x33f: {  	[hbm4b:s13+s3] =	stream.linear.scatter [tilespmem:s12], [sflag:$0x3], $0x80, $0x38;
	[tilespmem:$0x1E800] =	vst v63  }
0x340: {  	s14 =	sadd.s32 $0x1A6A8, s1;
	s15 =	sadd.s32 $0x50, s10  }
0x341: {  	[hbm4b:s15+s3] =	stream.linear.scatter [tilespmem:s14], [sflag:$0x3], $0x80, $0x38;
	[tilespmem:$0x1E800] =	vst v63  }
0x342: {  	s16 =	sadd.s32 $0x1A730, s1;
	s17 =	sadd.s32 $0x60, s10  }
0x343: {  	[hbm4b:s17+s3] =	stream.linear.scatter [tilespmem:s16], [sflag:$0x3], $0x80, $0x38;
	[tilespmem:$0x1E800] =	vst v63  }
0x344: {  	s6 =	sadd.s32 $0x1A7B8, s1;
	s7 =	sadd.s32 $0x70, s10  }
0x345: {  	[hbm4b:s7+s3] =	stream.linear.scatter [tilespmem:s6], [sflag:$0x3], $0x80, $0x38;
	[tilespmem:$0x1E800] =	vst v63  }
0x346: {  	s10 =	simm.s32 $0x3;
	_ =	swait.ge [sflag:s28], $0x2000  }
0x347: {  	s11 =	simm.s32 $0x0;
	v4 =	vmov s10;
	[sflag:s28] =	ssyncset.done $0x0  }
0x348: {  	s10 =	simm.s32 $0x124F0;
	v5 =	vand.u32 $0x7F, v4;
	v4 =	vmov s11;
	s12 =	simm.s32 $0x1;
	[sflag:s28] =	ssyncadd.s32 $0xFFFFE000  }
0x349: {  	v8 =	vadd.s32 v0, v5;
	v6 =	vand.u32 $0x7C, v4;
	v4 =	vmov s12;
	v7 =	vld [tilespmem:s10+$0xFFFFFFD0]  }
0x34a: {  	v10 =	vadd.s32 v0, v6;
	v11 =	vand.u32 $0x7D, v4;
	v9 =	vld [tilespmem:s10+$0xFFFFFF10]  }
0x34b: {  	s13 =	simm.s32 $0x2;
	v12 =	vadd.s32 v0, v11;
	v4 =	vld [tilespmem:s10+$0xFFFFFF50]  }
0x34c: {  	v13 =	vmov s13  }
0x34d: {  	v13 =	vand.u32 $0x7E, v13  }
0x34e: {  	v15 =	vadd.s32 v0, v13;
	v14 =	vld [tilespmem:s10+$0xFFFFFF90];
	[tilespmem:v8+s25+$0x0] =	vst.idx.msk $0xffff, v7  }
0x34f: {  	v8 =	vadd.s32 v1, v5;
	[tilespmem:v10+s25+$0x0] =	vst.idx.msk $0xffff, v9;
	v7 =	vld [tilespmem:s10+$0xFFFFFFE0]  }
0x350: {  	v10 =	vadd.s32 v1, v6;
	[tilespmem:v12+s25+$0x0] =	vst.idx.msk $0xffff, v4;
	v9 =	vld [tilespmem:s10+$0xFFFFFF20]  }
0x351: {  	v12 =	vadd.s32 v1, v11;
	v4 =	vld [tilespmem:s10+$0xFFFFFF60];
	_ =	sdelay $0x1  }
0x352: {  	[tilespmem:v15+s25+$0x0] =	vst.idx.msk $0xffff, v14  }
0x353: {  	v16 =	vadd.s32 v1, v13;
	v15 =	vld [tilespmem:s10+$0xFFFFFFA0];
	[tilespmem:v8+s25+$0x0] =	vst.idx.msk $0xffff, v7  }
0x354: {  	s14 =	simm.s32 $0x7;
	v14 =	vadd.s32 v2, v5;
	[tilespmem:v10+s25+$0x0] =	vst.idx.msk $0xffff, v9;
	v7 =	vld [tilespmem:s10+$0xFFFFFFF0]  }
0x355: {  	v10 =	vadd.s32 v2, v6;
	v8 =	vmov s14;
	[tilespmem:v12+s25+$0x0] =	vst.idx.msk $0xffff, v4;
	v9 =	vld [tilespmem:s10+$0xFFFFFF30]  }
0x356: {  	s1 =	simm.s32 $0x125F0;
	v17 =	vadd.s32 v2, v11;
	v8 =	vand.u32 $0x7F, v8;
	v12 =	vld [tilespmem:s10+$0xFFFFFF70]  }
0x357: {  	s15 =	simm.s32 $0x4;
	v18 =	vld [tilespmem:s1+$0xFFFFFFD0];
	v19 =	vadd.s32 v0, v8  }
0x358: {  	s16 =	simm.s32 $0x5;
	v4 =	vmov s15;
	[tilespmem:v16+s25+$0x0] =	vst.idx.msk $0xffff, v15  }
0x359: {  	v22 =	vmov s16;
	v4 =	vand.u32 $0x7C, v4;
	[tilespmem:v14+s25+$0x0] =	vst.idx.msk $0xffff, v7  }
0x35a: {  	s17 =	simm.s32 $0x6;
	v20 =	vld [tilespmem:s1+$0xFFFFFF10];
	v21 =	vadd.s32 v0, v4;
	v7 =	vand.u32 $0x7D, v22;
	[tilespmem:v10+s25+$0x0] =	vst.idx.msk $0xffff, v9  }
0x35b: {  	v14 =	vmov s17;
	v9 =	vld [tilespmem:s1+$0xFFFFFF50];
	[tilespmem:v17+s25+$0x0] =	vst.idx.msk $0xffff, v12;
	v10 =	vadd.s32 v0, v7  }
0x35c: {  	v16 =	vadd.s32 v3, v5;
	v12 =	vld [tilespmem:s10+$0xFFFFFFB0];
	v5 =	vand.u32 $0x7E, v14;
	[tilespmem:v19+s25+$0x0] =	vst.idx.msk $0xffff, v18;
	v18 =	vadd.s32 v2, v13  }
0x35d: {  	v14 =	vld [tilespmem:s1+$0xFFFFFF90];
	v63 =	vadd.s32 v0, v5  }
0x35e: {  	v15 =	vld [tilespmem:s10+$0x0]  }
0x35f: {  	[tilespmem:v21+s25+$0x0] =	vst.idx.msk $0xffff, v20;
	v20 =	vadd.s32 v1, v8;
	v19 =	vld [tilespmem:s1+$0xFFFFFFE0]  }
0x360: {  	v23 =	vadd.s32 v1, v4;
	v21 =	vld [tilespmem:s1+$0xFFFFFF20];
	[tilespmem:v10+s25+$0x0] =	vst.idx.msk $0xffff, v9  }
0x361: {  	v25 =	vadd.s32 v3, v11;
	v24 =	vld [tilespmem:s10+$0xFFFFFF80];
	[tilespmem:v18+s25+$0x0] =	vst.idx.msk $0xffff, v12  }
0x362: {  	v18 =	vadd.s32 v1, v7;
	v17 =	vld [tilespmem:s1+$0xFFFFFF60];
	[tilespmem:v63+s25+$0x0] =	vst.idx.msk $0xffff, v14  }
0x363: {  	[tilespmem:v16+s25+$0x0] =	vst.idx.msk $0xffff, v15;
	v16 =	vadd.s32 v1, v5;
	v15 =	vld [tilespmem:s1+$0xFFFFFFA0]  }
0x364: {  	[tilespmem:v20+s25+$0x0] =	vst.idx.msk $0xffff, v19;
	v11 =	vld [tilespmem:s10+$0xFFFFFFC0];
	v14 =	vadd.s32 v3, v13  }
0x365: {  	v12 =	vadd.s32 v2, v8;
	[tilespmem:v23+s25+$0x0] =	vst.idx.msk $0xffff, v21;
	v9 =	vld [tilespmem:s1+$0xFFFFFFF0]  }
0x366: {  	s11 =	simm.s32 $0x8;
	s12 =	simm.s32 $0xC;
	s6 =	simm.s32 $0xB;
	[tilespmem:v25+s25+$0x0] =	vst.idx.msk $0xffff, v24;
	v13 =	vadd.s32 v2, v4;
	v10 =	vld [tilespmem:s1+$0xFFFFFF30]  }
.LBB2_27:
0x367: {  	p0 =	slt.u32 s12, $0x7C;
	v19 =	vmov s6;
	[tilespmem:v18+s25+$0x0] =	vst.idx.msk $0xffff, v17;
	v17 =	vld [tilespmem:s10+$0xFFFFFF40];
	v18 =	vadd.s32 v3, v6;
	v6 =	vmov v4;
	s10 =	smov.u32 s1  }
0x368: {  	v4 =	vmov s11;
	v21 =	vadd.s32 v2, v7;
	s1 =	sadd.s32 $0x100, s1;
	v19 =	vand.u32 $0x7F, v19;
	v20 =	vld [tilespmem:s10+$0xFFFFFF70];
	[tilespmem:v16+s25+$0x0] =	vst.idx.msk $0xffff, v15  }
0x369: {  	s6 =	sadd.s32 $0x1, s11;
	v4 =	vand.u32 $0x7C, v4;
	v15 =	vld [tilespmem:s1+$0xFFFFFFD0];
	v16 =	vadd.s32 v0, v19;
	[tilespmem:v14+s25+$0x0] =	vst.idx.msk $0xffff, v11  }
0x36a: {  	v22 =	vmov s6;
	s6 =	sadd.s32 $0x2, s11;
	s11 =	smov.u32 s12;
	v14 =	vadd.s32 v0, v4;
	v11 =	vld [tilespmem:s1+$0xFFFFFF10];
	[tilespmem:v12+s25+$0x0] =	vst.idx.msk $0xffff, v9  }
0x36b: {  	v9 =	vand.u32 $0x7D, v22;
	v12 =	vmov s6;
	[tilespmem:v13+s25+$0x0] =	vst.idx.msk $0xffff, v10;
	v10 =	vld [tilespmem:s10+$0x0];
	v13 =	vadd.s32 v3, v8;
	v8 =	vmovc v19  }
0x36c: {  	v22 =	vadd.s32 v0, v9;
	v12 =	vand.u32 $0x7E, v12;
	v19 =	vld [tilespmem:s1+$0xFFFFFF50];
	[tilespmem:v18+s25+$0x0] =	vst.idx.msk $0xffff, v17  }
0x36d: {  	v24 =	vadd.s32 v0, v12;
	v23 =	vld [tilespmem:s1+$0xFFFFFF90];
	[tilespmem:v21+s25+$0x0] =	vst.idx.msk $0xffff, v20  }
0x36e: {  	v21 =	vadd.s32 v2, v5;
	[tilespmem:v16+s25+$0x0] =	vst.idx.msk $0xffff, v15;
	v20 =	vld [tilespmem:s10+$0xFFFFFFB0]  }
0x36f: {  	[tilespmem:v14+s25+$0x0] =	vst.idx.msk $0xffff, v11;
	v11 =	vld [tilespmem:s1+$0xFFFFFFE0];
	v14 =	vadd.s32 v1, v8  }
0x370: {  	v26 =	vadd.s32 v1, v4;
	v25 =	vld [tilespmem:s1+$0xFFFFFF20];
	[tilespmem:v13+s25+$0x0] =	vst.idx.msk $0xffff, v10  }
0x371: {  	[tilespmem:v22+s25+$0x0] =	vst.idx.msk $0xffff, v19;
	v19 =	vld [tilespmem:s10+$0xFFFFFF80];
	v22 =	vadd.s32 v3, v7;
	v7 =	vmov v9  }
.Ltmp12:
0x372: {  	v17 =	vld [tilespmem:s1+$0xFFFFFF60];
	v18 =	vadd.s32 v1, v7;
	[tilespmem:v24+s25+$0x0] =	vst.idx.msk $0xffff, v23;
	(pc) =	sbr.rel @p0 .LBB2_27-.Ltmp12, $4  }
0x373: {  	v16 =	vadd.s32 v1, v12;
	v15 =	vld [tilespmem:s1+$0xFFFFFFA0];
	[tilespmem:v21+s25+$0x0] =	vst.idx.msk $0xffff, v20  }
0x374: {  	[tilespmem:v14+s25+$0x0] =	vst.idx.msk $0xffff, v11;
	v11 =	vld [tilespmem:s10+$0xFFFFFFC0];
	v14 =	vadd.s32 v3, v5;
	v5 =	vmov v12  }
0x375: {  	v12 =	vadd.s32 v2, v8;
	[tilespmem:v26+s25+$0x0] =	vst.idx.msk $0xffff, v25;
	v9 =	vld [tilespmem:s1+$0xFFFFFFF0]  }
0x376: {  	s12 =	sadd.s32 $0x4, s12;
	s6 =	sadd.s32 $0x3, s11;
	v13 =	vadd.s32 v2, v4;
	v10 =	vld [tilespmem:s1+$0xFFFFFF30];
	[tilespmem:v22+s25+$0x0] =	vst.idx.msk $0xffff, v19  }
0x377: {  	_ =	sdelay $0x2  }
0x378: {  	v19 =	vmov s6  }
0x379: {  	s16 =	sadd.s32 $0x1, s11;
	[tilespmem:v18+s25+$0x0] =	vst.idx.msk $0xffff, v17;
	v30 =	vld [tilespmem:s10+$0xFFFFFF40];
	v6 =	vadd.s32 v3, v6;
	s17 =	sadd.s32 $0x100, s1;
	v21 =	vmov s11;
	v31 =	vand.u32 $0x7F, v19  }
0x37a: {  	s7 =	sadd.s32 $0x2, s11;
	v32 =	vmov s16;
	[tilespmem:v16+s25+$0x0] =	vst.idx.msk $0xffff, v15;
	v33 =	vld [tilespmem:s17+$0xFFFFFFD0];
	v21 =	vand.u32 $0x7C, v21;
	v34 =	vadd.s32 v0, v31  }
0x37b: {  	v20 =	vmov s7;
	v22 =	vld [tilespmem:s17+$0xFFFFFF10];
	v19 =	vand.u32 $0x7D, v32;
	[tilespmem:v14+s25+$0x0] =	vst.idx.msk $0xffff, v11;
	v39 =	vadd.s32 v0, v21  }
0x37c: {  	v35 =	vld [tilespmem:s17+$0xFFFFFF50];
	v20 =	vand.u32 $0x7E, v20;
	v36 =	vadd.s32 v0, v19;
	[tilespmem:v12+s25+$0x0] =	vst.idx.msk $0xffff, v9  }
0x37d: {  	v37 =	vld [tilespmem:s17+$0xFFFFFF90];
	v38 =	vadd.s32 v0, v20;
	[tilespmem:v13+s25+$0x0] =	vst.idx.msk $0xffff, v10  }
0x37e: {  	v41 =	vadd.s32 v2, v7;
	v40 =	vld [tilespmem:s1+$0xFFFFFF70];
	[tilespmem:v6+s25+$0x0] =	vst.idx.msk $0xffff, v30  }
0x37f: {  	v49 =	vadd.s32 v2, v5;
	v48 =	vld [tilespmem:s1+$0xFFFFFFB0];
	[tilespmem:v34+s25+$0x0] =	vst.idx.msk $0xffff, v33  }
0x380: {  	v43 =	vadd.s32 v1, v31;
	[tilespmem:v39+s25+$0x0] =	vst.idx.msk $0xffff, v22;
	v15 =	vld [tilespmem:s17+$0xFFFFFFE0]  }
0x381: {  	v47 =	vadd.s32 v1, v21;
	[tilespmem:v36+s25+$0x0] =	vst.idx.msk $0xffff, v35;
	v46 =	vld [tilespmem:s17+$0xFFFFFF20]  }
0x382: {  	v44 =	vadd.s32 v1, v19;
	[tilespmem:v38+s25+$0x0] =	vst.idx.msk $0xffff, v37;
	v11 =	vld [tilespmem:s17+$0xFFFFFF60]  }
0x383: {  	v45 =	vadd.s32 v1, v20;
	[tilespmem:v41+s25+$0x0] =	vst.idx.msk $0xffff, v40;
	v9 =	vld [tilespmem:s17+$0xFFFFFFA0]  }
0x384: {  	v8 =	vadd.s32 v3, v8;
	v42 =	vld [tilespmem:s1+$0x0];
	[tilespmem:v49+s25+$0x0] =	vst.idx.msk $0xffff, v48  }
0x385: {  	v5 =	vadd.s32 v3, v5;
	v13 =	vld [tilespmem:s1+$0xFFFFFFC0];
	[tilespmem:v43+s25+$0x0] =	vst.idx.msk $0xffff, v15  }
0x386: {  	v52 =	vadd.s32 v2, v31;
	[tilespmem:v47+s25+$0x0] =	vst.idx.msk $0xffff, v46;
	v15 =	vld [tilespmem:s17+$0xFFFFFFF0]  }
0x387: {  	v57 =	vadd.s32 v2, v21;
	[tilespmem:v44+s25+$0x0] =	vst.idx.msk $0xffff, v11;
	v56 =	vld [tilespmem:s17+$0xFFFFFF30]  }
0x388: {  	v53 =	vadd.s32 v2, v19;
	[tilespmem:v45+s25+$0x0] =	vst.idx.msk $0xffff, v9;
	v11 =	vld [tilespmem:s17+$0xFFFFFF70]  }
0x389: {  	v55 =	vadd.s32 v2, v20;
	[tilespmem:v8+s25+$0x0] =	vst.idx.msk $0xffff, v42;
	v54 =	vld [tilespmem:s17+$0xFFFFFFB0]  }
0x38a: {  	v4 =	vadd.s32 v3, v4;
	v58 =	vld [tilespmem:s1+$0xFFFFFF40];
	[tilespmem:v5+s25+$0x0] =	vst.idx.msk $0xffff, v13  }
0x38b: {  	v51 =	vadd.s32 v3, v7;
	v50 =	vld [tilespmem:s1+$0xFFFFFF80];
	[tilespmem:v52+s25+$0x0] =	vst.idx.msk $0xffff, v15  }
0x38c: {  	v60 =	vadd.s32 v3, v31;
	[tilespmem:v57+s25+$0x0] =	vst.idx.msk $0xffff, v56;
	v59 =	vld [tilespmem:s17+$0x0]  }
0x38d: {  	v63 =	vadd.s32 v3, v21;
	[tilespmem:v53+s25+$0x0] =	vst.idx.msk $0xffff, v11;
	v5 =	vld [tilespmem:s17+$0xFFFFFF40]  }
0x38e: {  	s11 =	sadd.s32 $0x1, s0;
	v61 =	vadd.s32 v3, v19;
	[tilespmem:v55+s25+$0x0] =	vst.idx.msk $0xffff, v54;
	v11 =	vld [tilespmem:s17+$0xFFFFFF80]  }
0x38f: {  	s12 =	sshrl.u32 s11, $0x7;
	v62 =	vadd.s32 v3, v20;
	[tilespmem:v4+s25+$0x0] =	vst.idx.msk $0xffff, v58;
	v6 =	vld [tilespmem:s17+$0xFFFFFFC0]  }
0x390: {  	s7 =	sshll.u32 s12, $0x11;
	s1 =	sshll.u32 s11, $0xA;
	[tilespmem:v51+s25+$0x0] =	vst.idx.msk $0xffff, v50  }
0x391: {  	s6 =	sshll.u32 s12, $0x14;
	s1 =	ssub.s32 s1, s7;
	[tilespmem:v60+s25+$0x0] =	vst.idx.msk $0xffff, v59  }
0x392: {  	s1 =	sadd.s32 s6, s1;
	[tilespmem:v63+s25+$0x0] =	vst.idx.msk $0xffff, v5  }
0x393: {  	s1 =	sshrl.u32 s1, $0x3;
	[tilespmem:v61+s25+$0x0] =	vst.idx.msk $0xffff, v11  }
0x394: {  	s13 =	simm.s32 $0x1C600;
	s7 =	sadd.s32 s2, s1;
	[tilespmem:v62+s25+$0x0] =	vst.idx.msk $0xffff, v6  }
0x395: {  	[hbm4b:s7+s3] =	stream.linear.scatter [tilespmem:s13], [sflag:$0x4], $0x80, $0x38;
	[tilespmem:$0x1E800] =	vst v63  }
0x396: {  	s14 =	simm.s32 $0x1C688;
	s15 =	sadd.s32 $0x10, s7  }
0x397: {  	[hbm4b:s15+s3] =	stream.linear.scatter [tilespmem:s14], [sflag:$0x4], $0x80, $0x38;
	[tilespmem:$0x1E800] =	vst v63  }
0x398: {  	s10 =	simm.s32 $0x1C798;
	s16 =	simm.s32 $0x1C710;
	s17 =	sadd.s32 $0x20, s7  }
0x399: {  	[hbm4b:s17+s3] =	stream.linear.scatter [tilespmem:s16], [sflag:$0x4], $0x80, $0x38;
	[tilespmem:$0x1E800] =	vst v63  }
0x39a: {  	s12 =	simm.s32 $0x1C820;
	s6 =	simm.s32 $0x1C9B8;
	s11 =	sadd.s32 $0x30, s7  }
0x39b: {  	[hbm4b:s11+s3] =	stream.linear.scatter [tilespmem:s10], [sflag:$0x4], $0x80, $0x38;
	[tilespmem:$0x1E800] =	vst v63  }
0x39c: {  	s1 =	simm.s32 $0x440;
	s13 =	sadd.s32 $0x40, s7;
	s14 =	simm.s32 $0x1C8A8  }
0x39d: {  	[hbm4b:s13+s3] =	stream.linear.scatter [tilespmem:s12], [sflag:$0x4], $0x80, $0x38;
	[tilespmem:$0x1E800] =	vst v63  }
0x39e: {  	s15 =	sadd.s32 $0x50, s7;
	s16 =	simm.s32 $0x1C930;
	s17 =	sadd.s32 $0x60, s7  }
0x39f: {  	[hbm4b:s15+s3] =	stream.linear.scatter [tilespmem:s14], [sflag:$0x4], $0x80, $0x38;
	[tilespmem:$0x1E800] =	vst v63  }
0x3a0: {  	s11 =	simm.s32 $0x2200;
	s10 =	sadd.s32 $0x4000, s7;
	s12 =	sadd.s32 $0x70, s7  }
0x3a1: {  	[hbm4b:s17+s3] =	stream.linear.scatter [tilespmem:s16], [sflag:$0x4], $0x80, $0x38;
	[tilespmem:$0x1E800] =	vst v63  }
.LBB2_29:
0x3a2: {  	[hbm4b:s12+s3] =	stream.linear.scatter [tilespmem:s6], [sflag:$0x4], $0x80, $0x38;
	[tilespmem:$0x1E800] =	vst v63  }
0x3a3: {  	s6 =	smov.u32 s1;
	s1 =	smov.u32 s11  }
0x3a4: {  	s7 =	sadd.s32 $0x1100, s11;
	s1 =	sshra.s32 s1, $0x2;
	s12 =	sadd.s32 $0x1C600, s6  }
0x3a5: {  	[hbm4b:s10+s3] =	stream.linear.scatter [tilespmem:s12], [sflag:$0x4], $0x80, $0x38;
	[tilespmem:$0x1E800] =	vst v63  }
0x3a6: {  	p0 =	sne.s32 s11, $0x7700;
	s11 =	sadd.s32 $0x1C688, s6;
	s12 =	sadd.s32 $0x10, s10  }
0x3a7: {  	[hbm4b:s12+s3] =	stream.linear.scatter [tilespmem:s11], [sflag:$0x4], $0x80, $0x38;
	[tilespmem:$0x1E800] =	vst v63  }
0x3a8: {  	s11 =	sadd.s32 $0x1C710, s6;
	s12 =	sadd.s32 $0x20, s10  }
0x3a9: {  	[hbm4b:s12+s3] =	stream.linear.scatter [tilespmem:s11], [sflag:$0x4], $0x80, $0x38;
	[tilespmem:$0x1E800] =	vst v63  }
0x3aa: {  	s11 =	sadd.s32 $0x1C798, s6;
	s12 =	sadd.s32 $0x30, s10  }
0x3ab: {  	[hbm4b:s12+s3] =	stream.linear.scatter [tilespmem:s11], [sflag:$0x4], $0x80, $0x38;
	[tilespmem:$0x1E800] =	vst v63  }
0x3ac: {  	s11 =	sadd.s32 $0x1C820, s6;
	s12 =	sadd.s32 $0x40, s10  }
0x3ad: {  	[hbm4b:s12+s3] =	stream.linear.scatter [tilespmem:s11], [sflag:$0x4], $0x80, $0x38;
	[tilespmem:$0x1E800] =	vst v63  }
.Ltmp13:
0x3ae: {  	s11 =	sadd.s32 $0x1C8A8, s6;
	s12 =	sadd.s32 $0x50, s10;
	(pc) =	sbr.rel @p0 .LBB2_29-.Ltmp13, $4  }
0x3af: {  	[hbm4b:s12+s3] =	stream.linear.scatter [tilespmem:s11], [sflag:$0x4], $0x80, $0x38;
	[tilespmem:$0x1E800] =	vst v63  }
0x3b0: {  	s11 =	sadd.s32 $0x1C930, s6;
	s12 =	sadd.s32 $0x60, s10;
	s6 =	sadd.s32 $0x1C9B8, s6  }
0x3b1: {  	[hbm4b:s12+s3] =	stream.linear.scatter [tilespmem:s11], [sflag:$0x4], $0x80, $0x38;
	[tilespmem:$0x1E800] =	vst v63  }
0x3b2: {  	s12 =	sadd.s32 $0x70, s10;
	s10 =	sadd.s32 $0x4000, s10;
	s11 =	smov.u32 s7  }
0x3b3: {  	[hbm4b:s12+s3] =	stream.linear.scatter [tilespmem:s6], [sflag:$0x4], $0x80, $0x38;
	[tilespmem:$0x1E800] =	vst v63  }
0x3b4: {  	s14 =	sadd.s32 $0x1C600, s1  }
0x3b5: {  	[hbm4b:s10+s3] =	stream.linear.scatter [tilespmem:s14], [sflag:$0x4], $0x80, $0x38;
	[tilespmem:$0x1E800] =	vst v63  }
0x3b6: {  	s15 =	sadd.s32 $0x1C688, s1;
	s7 =	sadd.s32 $0x10, s10  }
0x3b7: {  	[hbm4b:s7+s3] =	stream.linear.scatter [tilespmem:s15], [sflag:$0x4], $0x80, $0x38;
	[tilespmem:$0x1E800] =	vst v63  }
0x3b8: {  	s16 =	sadd.s32 $0x1C710, s1;
	s17 =	sadd.s32 $0x20, s10  }
0x3b9: {  	[hbm4b:s17+s3] =	stream.linear.scatter [tilespmem:s16], [sflag:$0x4], $0x80, $0x38;
	[tilespmem:$0x1E800] =	vst v63  }
0x3ba: {  	s11 =	sadd.s32 $0x30, s10;
	s7 =	sadd.s32 $0x1C798, s1  }
0x3bb: {  	[hbm4b:s11+s3] =	stream.linear.scatter [tilespmem:s7], [sflag:$0x4], $0x80, $0x38;
	[tilespmem:$0x1E800] =	vst v63  }
0x3bc: {  	s12 =	sadd.s32 $0x1C820, s1;
	s13 =	sadd.s32 $0x40, s10  }
0x3bd: {  	[hbm4b:s13+s3] =	stream.linear.scatter [tilespmem:s12], [sflag:$0x4], $0x80, $0x38;
	[tilespmem:$0x1E800] =	vst v63  }
0x3be: {  	s14 =	sadd.s32 $0x1C8A8, s1;
	s15 =	sadd.s32 $0x50, s10  }
0x3bf: {  	[hbm4b:s15+s3] =	stream.linear.scatter [tilespmem:s14], [sflag:$0x4], $0x80, $0x38;
	[tilespmem:$0x1E800] =	vst v63  }
0x3c0: {  	s16 =	sadd.s32 $0x1C930, s1;
	s17 =	sadd.s32 $0x60, s10  }
0x3c1: {  	[hbm4b:s17+s3] =	stream.linear.scatter [tilespmem:s16], [sflag:$0x4], $0x80, $0x38;
	[tilespmem:$0x1E800] =	vst v63  }
0x3c2: {  	s6 =	sadd.s32 $0x1C9B8, s1;
	s7 =	sadd.s32 $0x70, s10  }
0x3c3: {  	[hbm4b:s7+s3] =	stream.linear.scatter [tilespmem:s6], [sflag:$0x4], $0x80, $0x38;
	[tilespmem:$0x1E800] =	vst v63  }
0x3c4: {  	s10 =	simm.s32 $0x3;
	_ =	swait.ge [sflag:s26], $0x2000  }
0x3c5: {  	s11 =	simm.s32 $0x0;
	v4 =	vmov s10;
	[sflag:s26] =	ssyncset.done $0x0  }
0x3c6: {  	s10 =	simm.s32 $0x14400;
	v5 =	vand.u32 $0x7F, v4;
	v4 =	vmov s11;
	s12 =	simm.s32 $0x1;
	[sflag:s26] =	ssyncadd.s32 $0xFFFFE000  }
0x3c7: {  	v8 =	vadd.s32 v0, v5;
	v6 =	vand.u32 $0x7C, v4;
	v4 =	vmov s12;
	v7 =	vld [tilespmem:s10+$0xC0]  }
0x3c8: {  	v10 =	vadd.s32 v0, v6;
	v11 =	vand.u32 $0x7D, v4;
	v9 =	vld [tilespmem:s10+$0x0]  }
0x3c9: {  	s13 =	simm.s32 $0x2;
	v12 =	vadd.s32 v0, v11;
	v4 =	vld [tilespmem:s10+$0x40]  }
0x3ca: {  	v13 =	vmov s13  }
0x3cb: {  	v13 =	vand.u32 $0x7E, v13  }
0x3cc: {  	v15 =	vadd.s32 v0, v13;
	v14 =	vld [tilespmem:s10+$0x80];
	[tilespmem:v8+s24+$0x0] =	vst.idx.msk $0xffff, v7  }
0x3cd: {  	v8 =	vadd.s32 v1, v5;
	[tilespmem:v10+s24+$0x0] =	vst.idx.msk $0xffff, v9;
	v7 =	vld [tilespmem:s10+$0xD0]  }
0x3ce: {  	v10 =	vadd.s32 v1, v6;
	[tilespmem:v12+s24+$0x0] =	vst.idx.msk $0xffff, v4;
	v9 =	vld [tilespmem:s10+$0x10]  }
0x3cf: {  	v12 =	vadd.s32 v1, v11;
	v4 =	vld [tilespmem:s10+$0x50];
	_ =	sdelay $0x1  }
0x3d0: {  	[tilespmem:v15+s24+$0x0] =	vst.idx.msk $0xffff, v14  }
0x3d1: {  	v16 =	vadd.s32 v1, v13;
	v15 =	vld [tilespmem:s10+$0x90];
	[tilespmem:v8+s24+$0x0] =	vst.idx.msk $0xffff, v7  }
0x3d2: {  	s14 =	simm.s32 $0x7;
	v14 =	vadd.s32 v2, v5;
	[tilespmem:v10+s24+$0x0] =	vst.idx.msk $0xffff, v9;
	v7 =	vld [tilespmem:s10+$0xE0]  }
0x3d3: {  	v10 =	vadd.s32 v2, v6;
	v8 =	vmov s14;
	[tilespmem:v12+s24+$0x0] =	vst.idx.msk $0xffff, v4;
	v9 =	vld [tilespmem:s10+$0x20]  }
0x3d4: {  	s1 =	simm.s32 $0x14500;
	v17 =	vadd.s32 v2, v11;
	v8 =	vand.u32 $0x7F, v8;
	v12 =	vld [tilespmem:s10+$0x60]  }
0x3d5: {  	s15 =	simm.s32 $0x4;
	v18 =	vld [tilespmem:s1+$0xC0];
	v19 =	vadd.s32 v0, v8  }
0x3d6: {  	s16 =	simm.s32 $0x5;
	v4 =	vmov s15;
	[tilespmem:v16+s24+$0x0] =	vst.idx.msk $0xffff, v15  }
0x3d7: {  	v22 =	vmov s16;
	v4 =	vand.u32 $0x7C, v4;
	[tilespmem:v14+s24+$0x0] =	vst.idx.msk $0xffff, v7  }
0x3d8: {  	s17 =	simm.s32 $0x6;
	v20 =	vld [tilespmem:s1+$0x0];
	v21 =	vadd.s32 v0, v4;
	v7 =	vand.u32 $0x7D, v22;
	[tilespmem:v10+s24+$0x0] =	vst.idx.msk $0xffff, v9  }
0x3d9: {  	v14 =	vmov s17;
	v9 =	vld [tilespmem:s1+$0x40];
	[tilespmem:v17+s24+$0x0] =	vst.idx.msk $0xffff, v12;
	v10 =	vadd.s32 v0, v7  }
0x3da: {  	v16 =	vadd.s32 v3, v5;
	v12 =	vld [tilespmem:s10+$0xA0];
	v5 =	vand.u32 $0x7E, v14;
	[tilespmem:v19+s24+$0x0] =	vst.idx.msk $0xffff, v18;
	v18 =	vadd.s32 v2, v13  }
0x3db: {  	v14 =	vld [tilespmem:s1+$0x80];
	v63 =	vadd.s32 v0, v5  }
0x3dc: {  	v15 =	vld [tilespmem:s10+$0xF0]  }
0x3dd: {  	[tilespmem:v21+s24+$0x0] =	vst.idx.msk $0xffff, v20;
	v20 =	vadd.s32 v1, v8;
	v19 =	vld [tilespmem:s1+$0xD0]  }
0x3de: {  	v23 =	vadd.s32 v1, v4;
	v21 =	vld [tilespmem:s1+$0x10];
	[tilespmem:v10+s24+$0x0] =	vst.idx.msk $0xffff, v9  }
0x3df: {  	v25 =	vadd.s32 v3, v11;
	v24 =	vld [tilespmem:s10+$0x70];
	[tilespmem:v18+s24+$0x0] =	vst.idx.msk $0xffff, v12  }
0x3e0: {  	v18 =	vadd.s32 v1, v7;
	v17 =	vld [tilespmem:s1+$0x50];
	[tilespmem:v63+s24+$0x0] =	vst.idx.msk $0xffff, v14  }
0x3e1: {  	[tilespmem:v16+s24+$0x0] =	vst.idx.msk $0xffff, v15;
	v16 =	vadd.s32 v1, v5;
	v15 =	vld [tilespmem:s1+$0x90]  }
0x3e2: {  	[tilespmem:v20+s24+$0x0] =	vst.idx.msk $0xffff, v19;
	v11 =	vld [tilespmem:s10+$0xB0];
	v14 =	vadd.s32 v3, v13  }
0x3e3: {  	v12 =	vadd.s32 v2, v8;
	[tilespmem:v23+s24+$0x0] =	vst.idx.msk $0xffff, v21;
	v9 =	vld [tilespmem:s1+$0xE0]  }
0x3e4: {  	s11 =	simm.s32 $0x8;
	s12 =	simm.s32 $0xC;
	s6 =	simm.s32 $0xB;
	[tilespmem:v25+s24+$0x0] =	vst.idx.msk $0xffff, v24;
	v13 =	vadd.s32 v2, v4;
	v10 =	vld [tilespmem:s1+$0x20]  }
.LBB2_31:
0x3e5: {  	p0 =	slt.u32 s12, $0x7C;
	v19 =	vmov s6;
	[tilespmem:v18+s24+$0x0] =	vst.idx.msk $0xffff, v17;
	v17 =	vld [tilespmem:s10+$0x30];
	v18 =	vadd.s32 v3, v6;
	v6 =	vmov v4;
	s10 =	smov.u32 s1  }
0x3e6: {  	v4 =	vmov s11;
	v21 =	vadd.s32 v2, v7;
	s1 =	sadd.s32 $0x100, s1;
	v19 =	vand.u32 $0x7F, v19;
	v20 =	vld [tilespmem:s10+$0x60];
	[tilespmem:v16+s24+$0x0] =	vst.idx.msk $0xffff, v15  }
0x3e7: {  	s6 =	sadd.s32 $0x1, s11;
	v4 =	vand.u32 $0x7C, v4;
	v15 =	vld [tilespmem:s1+$0xC0];
	v16 =	vadd.s32 v0, v19;
	[tilespmem:v14+s24+$0x0] =	vst.idx.msk $0xffff, v11  }
0x3e8: {  	v22 =	vmov s6;
	s6 =	sadd.s32 $0x2, s11;
	s11 =	smov.u32 s12;
	v14 =	vadd.s32 v0, v4;
	v11 =	vld [tilespmem:s1+$0x0];
	[tilespmem:v12+s24+$0x0] =	vst.idx.msk $0xffff, v9  }
0x3e9: {  	v9 =	vand.u32 $0x7D, v22;
	v12 =	vmov s6;
	[tilespmem:v13+s24+$0x0] =	vst.idx.msk $0xffff, v10;
	v10 =	vld [tilespmem:s10+$0xF0];
	v13 =	vadd.s32 v3, v8;
	v8 =	vmovc v19  }
0x3ea: {  	v22 =	vadd.s32 v0, v9;
	v12 =	vand.u32 $0x7E, v12;
	v19 =	vld [tilespmem:s1+$0x40];
	[tilespmem:v18+s24+$0x0] =	vst.idx.msk $0xffff, v17  }
0x3eb: {  	v24 =	vadd.s32 v0, v12;
	v23 =	vld [tilespmem:s1+$0x80];
	[tilespmem:v21+s24+$0x0] =	vst.idx.msk $0xffff, v20  }
0x3ec: {  	v21 =	vadd.s32 v2, v5;
	[tilespmem:v16+s24+$0x0] =	vst.idx.msk $0xffff, v15;
	v20 =	vld [tilespmem:s10+$0xA0]  }
0x3ed: {  	[tilespmem:v14+s24+$0x0] =	vst.idx.msk $0xffff, v11;
	v11 =	vld [tilespmem:s1+$0xD0];
	v14 =	vadd.s32 v1, v8  }
0x3ee: {  	v26 =	vadd.s32 v1, v4;
	v25 =	vld [tilespmem:s1+$0x10];
	[tilespmem:v13+s24+$0x0] =	vst.idx.msk $0xffff, v10  }
0x3ef: {  	[tilespmem:v22+s24+$0x0] =	vst.idx.msk $0xffff, v19;
	v19 =	vld [tilespmem:s10+$0x70];
	v22 =	vadd.s32 v3, v7;
	v7 =	vmov v9  }
.Ltmp14:
0x3f0: {  	v17 =	vld [tilespmem:s1+$0x50];
	v18 =	vadd.s32 v1, v7;
	[tilespmem:v24+s24+$0x0] =	vst.idx.msk $0xffff, v23;
	(pc) =	sbr.rel @p0 .LBB2_31-.Ltmp14, $4  }
0x3f1: {  	v16 =	vadd.s32 v1, v12;
	v15 =	vld [tilespmem:s1+$0x90];
	[tilespmem:v21+s24+$0x0] =	vst.idx.msk $0xffff, v20  }
0x3f2: {  	[tilespmem:v14+s24+$0x0] =	vst.idx.msk $0xffff, v11;
	v11 =	vld [tilespmem:s10+$0xB0];
	v14 =	vadd.s32 v3, v5;
	v5 =	vmov v12  }
0x3f3: {  	v12 =	vadd.s32 v2, v8;
	[tilespmem:v26+s24+$0x0] =	vst.idx.msk $0xffff, v25;
	v9 =	vld [tilespmem:s1+$0xE0]  }
0x3f4: {  	s12 =	sadd.s32 $0x4, s12;
	s6 =	sadd.s32 $0x3, s11;
	v13 =	vadd.s32 v2, v4;
	v10 =	vld [tilespmem:s1+$0x20];
	[tilespmem:v22+s24+$0x0] =	vst.idx.msk $0xffff, v19  }
0x3f5: {  	_ =	sdelay $0x2  }
0x3f6: {  	v19 =	vmov s6  }
0x3f7: {  	s16 =	sadd.s32 $0x1, s11;
	[tilespmem:v18+s24+$0x0] =	vst.idx.msk $0xffff, v17;
	v30 =	vld [tilespmem:s10+$0x30];
	v6 =	vadd.s32 v3, v6;
	s17 =	sadd.s32 $0x100, s1;
	v21 =	vmov s11;
	v31 =	vand.u32 $0x7F, v19  }
0x3f8: {  	s7 =	sadd.s32 $0x2, s11;
	v32 =	vmov s16;
	[tilespmem:v16+s24+$0x0] =	vst.idx.msk $0xffff, v15;
	v33 =	vld [tilespmem:s17+$0xC0];
	v21 =	vand.u32 $0x7C, v21;
	v34 =	vadd.s32 v0, v31  }
0x3f9: {  	v20 =	vmov s7;
	v22 =	vld [tilespmem:s17+$0x0];
	v19 =	vand.u32 $0x7D, v32;
	[tilespmem:v14+s24+$0x0] =	vst.idx.msk $0xffff, v11;
	v39 =	vadd.s32 v0, v21  }
0x3fa: {  	v35 =	vld [tilespmem:s17+$0x40];
	v20 =	vand.u32 $0x7E, v20;
	v36 =	vadd.s32 v0, v19;
	[tilespmem:v12+s24+$0x0] =	vst.idx.msk $0xffff, v9  }
0x3fb: {  	v37 =	vld [tilespmem:s17+$0x80];
	v38 =	vadd.s32 v0, v20;
	[tilespmem:v13+s24+$0x0] =	vst.idx.msk $0xffff, v10  }
0x3fc: {  	v41 =	vadd.s32 v2, v7;
	v40 =	vld [tilespmem:s1+$0x60];
	[tilespmem:v6+s24+$0x0] =	vst.idx.msk $0xffff, v30  }
0x3fd: {  	v49 =	vadd.s32 v2, v5;
	v48 =	vld [tilespmem:s1+$0xA0];
	[tilespmem:v34+s24+$0x0] =	vst.idx.msk $0xffff, v33  }
0x3fe: {  	v43 =	vadd.s32 v1, v31;
	[tilespmem:v39+s24+$0x0] =	vst.idx.msk $0xffff, v22;
	v15 =	vld [tilespmem:s17+$0xD0]  }
0x3ff: {  	v47 =	vadd.s32 v1, v21;
	[tilespmem:v36+s24+$0x0] =	vst.idx.msk $0xffff, v35;
	v46 =	vld [tilespmem:s17+$0x10]  }
0x400: {  	v44 =	vadd.s32 v1, v19;
	[tilespmem:v38+s24+$0x0] =	vst.idx.msk $0xffff, v37;
	v11 =	vld [tilespmem:s17+$0x50]  }
0x401: {  	v45 =	vadd.s32 v1, v20;
	[tilespmem:v41+s24+$0x0] =	vst.idx.msk $0xffff, v40;
	v9 =	vld [tilespmem:s17+$0x90]  }
0x402: {  	v8 =	vadd.s32 v3, v8;
	v42 =	vld [tilespmem:s1+$0xF0];
	[tilespmem:v49+s24+$0x0] =	vst.idx.msk $0xffff, v48  }
0x403: {  	v5 =	vadd.s32 v3, v5;
	v13 =	vld [tilespmem:s1+$0xB0];
	[tilespmem:v43+s24+$0x0] =	vst.idx.msk $0xffff, v15  }
0x404: {  	v52 =	vadd.s32 v2, v31;
	[tilespmem:v47+s24+$0x0] =	vst.idx.msk $0xffff, v46;
	v15 =	vld [tilespmem:s17+$0xE0]  }
0x405: {  	v57 =	vadd.s32 v2, v21;
	[tilespmem:v44+s24+$0x0] =	vst.idx.msk $0xffff, v11;
	v56 =	vld [tilespmem:s17+$0x20]  }
0x406: {  	v53 =	vadd.s32 v2, v19;
	[tilespmem:v45+s24+$0x0] =	vst.idx.msk $0xffff, v9;
	v11 =	vld [tilespmem:s17+$0x60]  }
0x407: {  	v55 =	vadd.s32 v2, v20;
	[tilespmem:v8+s24+$0x0] =	vst.idx.msk $0xffff, v42;
	v54 =	vld [tilespmem:s17+$0xA0]  }
0x408: {  	v4 =	vadd.s32 v3, v4;
	v58 =	vld [tilespmem:s1+$0x30];
	[tilespmem:v5+s24+$0x0] =	vst.idx.msk $0xffff, v13  }
0x409: {  	v51 =	vadd.s32 v3, v7;
	v50 =	vld [tilespmem:s1+$0x70];
	[tilespmem:v52+s24+$0x0] =	vst.idx.msk $0xffff, v15  }
0x40a: {  	v60 =	vadd.s32 v3, v31;
	[tilespmem:v57+s24+$0x0] =	vst.idx.msk $0xffff, v56;
	v59 =	vld [tilespmem:s17+$0xF0]  }
0x40b: {  	v63 =	vadd.s32 v3, v21;
	[tilespmem:v53+s24+$0x0] =	vst.idx.msk $0xffff, v11;
	v5 =	vld [tilespmem:s17+$0x30]  }
0x40c: {  	s11 =	sadd.s32 $0x2, s0;
	v61 =	vadd.s32 v3, v19;
	[tilespmem:v55+s24+$0x0] =	vst.idx.msk $0xffff, v54;
	v11 =	vld [tilespmem:s17+$0x70]  }
0x40d: {  	s12 =	sshrl.u32 s11, $0x7;
	v62 =	vadd.s32 v3, v20;
	[tilespmem:v4+s24+$0x0] =	vst.idx.msk $0xffff, v58;
	v6 =	vld [tilespmem:s17+$0xB0]  }
0x40e: {  	s7 =	sshll.u32 s12, $0x11;
	s1 =	sshll.u32 s11, $0xA;
	[tilespmem:v51+s24+$0x0] =	vst.idx.msk $0xffff, v50  }
0x40f: {  	s6 =	sshll.u32 s12, $0x14;
	s1 =	ssub.s32 s1, s7;
	[tilespmem:v60+s24+$0x0] =	vst.idx.msk $0xffff, v59  }
0x410: {  	s1 =	sadd.s32 s6, s1;
	[tilespmem:v63+s24+$0x0] =	vst.idx.msk $0xffff, v5  }
0x411: {  	s1 =	sshrl.u32 s1, $0x3;
	[tilespmem:v61+s24+$0x0] =	vst.idx.msk $0xffff, v11  }
0x412: {  	s13 =	simm.s32 $0x1A400;
	s7 =	sadd.s32 s2, s1;
	[tilespmem:v62+s24+$0x0] =	vst.idx.msk $0xffff, v6  }
0x413: {  	[hbm4b:s7+s3] =	stream.linear.scatter [tilespmem:s13], [sflag:$0x3], $0x80, $0x38;
	[tilespmem:$0x1E800] =	vst v63  }
0x414: {  	s14 =	simm.s32 $0x1A488;
	s15 =	sadd.s32 $0x10, s7  }
0x415: {  	[hbm4b:s15+s3] =	stream.linear.scatter [tilespmem:s14], [sflag:$0x3], $0x80, $0x38;
	[tilespmem:$0x1E800] =	vst v63  }
0x416: {  	s10 =	simm.s32 $0x1A598;
	s16 =	simm.s32 $0x1A510;
	s17 =	sadd.s32 $0x20, s7  }
0x417: {  	[hbm4b:s17+s3] =	stream.linear.scatter [tilespmem:s16], [sflag:$0x3], $0x80, $0x38;
	[tilespmem:$0x1E800] =	vst v63  }
0x418: {  	s12 =	simm.s32 $0x1A620;
	s6 =	simm.s32 $0x1A7B8;
	s11 =	sadd.s32 $0x30, s7  }
0x419: {  	[hbm4b:s11+s3] =	stream.linear.scatter [tilespmem:s10], [sflag:$0x3], $0x80, $0x38;
	[tilespmem:$0x1E800] =	vst v63  }
0x41a: {  	s1 =	simm.s32 $0x440;
	s13 =	sadd.s32 $0x40, s7;
	s14 =	simm.s32 $0x1A6A8  }
0x41b: {  	[hbm4b:s13+s3] =	stream.linear.scatter [tilespmem:s12], [sflag:$0x3], $0x80, $0x38;
	[tilespmem:$0x1E800] =	vst v63  }
0x41c: {  	s15 =	sadd.s32 $0x50, s7;
	s16 =	simm.s32 $0x1A730;
	s17 =	sadd.s32 $0x60, s7  }
0x41d: {  	[hbm4b:s15+s3] =	stream.linear.scatter [tilespmem:s14], [sflag:$0x3], $0x80, $0x38;
	[tilespmem:$0x1E800] =	vst v63  }
0x41e: {  	s11 =	simm.s32 $0x2200;
	s10 =	sadd.s32 $0x4000, s7;
	s12 =	sadd.s32 $0x70, s7  }
0x41f: {  	[hbm4b:s17+s3] =	stream.linear.scatter [tilespmem:s16], [sflag:$0x3], $0x80, $0x38;
	[tilespmem:$0x1E800] =	vst v63  }
.LBB2_33:
0x420: {  	[hbm4b:s12+s3] =	stream.linear.scatter [tilespmem:s6], [sflag:$0x3], $0x80, $0x38;
	[tilespmem:$0x1E800] =	vst v63  }
0x421: {  	s6 =	smov.u32 s1;
	s1 =	smov.u32 s11  }
0x422: {  	s7 =	sadd.s32 $0x1100, s11;
	s1 =	sshra.s32 s1, $0x2;
	s12 =	sadd.s32 $0x1A400, s6  }
0x423: {  	[hbm4b:s10+s3] =	stream.linear.scatter [tilespmem:s12], [sflag:$0x3], $0x80, $0x38;
	[tilespmem:$0x1E800] =	vst v63  }
0x424: {  	p0 =	sne.s32 s11, $0x7700;
	s11 =	sadd.s32 $0x1A488, s6;
	s12 =	sadd.s32 $0x10, s10  }
0x425: {  	[hbm4b:s12+s3] =	stream.linear.scatter [tilespmem:s11], [sflag:$0x3], $0x80, $0x38;
	[tilespmem:$0x1E800] =	vst v63  }
0x426: {  	s11 =	sadd.s32 $0x1A510, s6;
	s12 =	sadd.s32 $0x20, s10  }
0x427: {  	[hbm4b:s12+s3] =	stream.linear.scatter [tilespmem:s11], [sflag:$0x3], $0x80, $0x38;
	[tilespmem:$0x1E800] =	vst v63  }
0x428: {  	s11 =	sadd.s32 $0x1A598, s6;
	s12 =	sadd.s32 $0x30, s10  }
0x429: {  	[hbm4b:s12+s3] =	stream.linear.scatter [tilespmem:s11], [sflag:$0x3], $0x80, $0x38;
	[tilespmem:$0x1E800] =	vst v63  }
0x42a: {  	s11 =	sadd.s32 $0x1A620, s6;
	s12 =	sadd.s32 $0x40, s10  }
0x42b: {  	[hbm4b:s12+s3] =	stream.linear.scatter [tilespmem:s11], [sflag:$0x3], $0x80, $0x38;
	[tilespmem:$0x1E800] =	vst v63  }
.Ltmp15:
0x42c: {  	s11 =	sadd.s32 $0x1A6A8, s6;
	s12 =	sadd.s32 $0x50, s10;
	(pc) =	sbr.rel @p0 .LBB2_33-.Ltmp15, $4  }
0x42d: {  	[hbm4b:s12+s3] =	stream.linear.scatter [tilespmem:s11], [sflag:$0x3], $0x80, $0x38;
	[tilespmem:$0x1E800] =	vst v63  }
0x42e: {  	s11 =	sadd.s32 $0x1A730, s6;
	s12 =	sadd.s32 $0x60, s10;
	s6 =	sadd.s32 $0x1A7B8, s6  }
0x42f: {  	[hbm4b:s12+s3] =	stream.linear.scatter [tilespmem:s11], [sflag:$0x3], $0x80, $0x38;
	[tilespmem:$0x1E800] =	vst v63  }
0x430: {  	s12 =	sadd.s32 $0x70, s10;
	s10 =	sadd.s32 $0x4000, s10;
	s11 =	smov.u32 s7  }
0x431: {  	[hbm4b:s12+s3] =	stream.linear.scatter [tilespmem:s6], [sflag:$0x3], $0x80, $0x38;
	[tilespmem:$0x1E800] =	vst v63  }
0x432: {  	s14 =	sadd.s32 $0x1A400, s1  }
0x433: {  	[hbm4b:s10+s3] =	stream.linear.scatter [tilespmem:s14], [sflag:$0x3], $0x80, $0x38;
	[tilespmem:$0x1E800] =	vst v63  }
0x434: {  	s15 =	sadd.s32 $0x1A488, s1;
	s7 =	sadd.s32 $0x10, s10  }
0x435: {  	[hbm4b:s7+s3] =	stream.linear.scatter [tilespmem:s15], [sflag:$0x3], $0x80, $0x38;
	[tilespmem:$0x1E800] =	vst v63  }
0x436: {  	s16 =	sadd.s32 $0x1A510, s1;
	s17 =	sadd.s32 $0x20, s10  }
0x437: {  	[hbm4b:s17+s3] =	stream.linear.scatter [tilespmem:s16], [sflag:$0x3], $0x80, $0x38;
	[tilespmem:$0x1E800] =	vst v63  }
0x438: {  	s11 =	sadd.s32 $0x30, s10;
	s7 =	sadd.s32 $0x1A598, s1  }
0x439: {  	[hbm4b:s11+s3] =	stream.linear.scatter [tilespmem:s7], [sflag:$0x3], $0x80, $0x38;
	[tilespmem:$0x1E800] =	vst v63  }
0x43a: {  	s12 =	sadd.s32 $0x1A620, s1;
	s13 =	sadd.s32 $0x40, s10  }
0x43b: {  	[hbm4b:s13+s3] =	stream.linear.scatter [tilespmem:s12], [sflag:$0x3], $0x80, $0x38;
	[tilespmem:$0x1E800] =	vst v63  }
0x43c: {  	s14 =	sadd.s32 $0x1A6A8, s1;
	s15 =	sadd.s32 $0x50, s10  }
0x43d: {  	[hbm4b:s15+s3] =	stream.linear.scatter [tilespmem:s14], [sflag:$0x3], $0x80, $0x38;
	[tilespmem:$0x1E800] =	vst v63  }
0x43e: {  	s16 =	sadd.s32 $0x1A730, s1;
	s17 =	sadd.s32 $0x60, s10  }
0x43f: {  	[hbm4b:s17+s3] =	stream.linear.scatter [tilespmem:s16], [sflag:$0x3], $0x80, $0x38;
	[tilespmem:$0x1E800] =	vst v63  }
0x440: {  	s6 =	sadd.s32 $0x1A7B8, s1;
	s7 =	sadd.s32 $0x70, s10  }
0x441: {  	[hbm4b:s7+s3] =	stream.linear.scatter [tilespmem:s6], [sflag:$0x3], $0x80, $0x38;
	[tilespmem:$0x1E800] =	vst v63  }
0x442: {  	s10 =	simm.s32 $0x3;
	_ =	swait.ge [sflag:s28], $0x2000  }
0x443: {  	s11 =	simm.s32 $0x0;
	v4 =	vmov s10;
	[sflag:s28] =	ssyncset.done $0x0  }
0x444: {  	s10 =	simm.s32 $0x16400;
	v5 =	vand.u32 $0x7F, v4;
	v4 =	vmov s11;
	s12 =	simm.s32 $0x1;
	[sflag:s28] =	ssyncadd.s32 $0xFFFFE000  }
0x445: {  	v8 =	vadd.s32 v0, v5;
	v6 =	vand.u32 $0x7C, v4;
	v4 =	vmov s12;
	v7 =	vld [tilespmem:s10+$0xC0]  }
0x446: {  	v10 =	vadd.s32 v0, v6;
	v11 =	vand.u32 $0x7D, v4;
	v9 =	vld [tilespmem:s10+$0x0]  }
0x447: {  	s13 =	simm.s32 $0x2;
	v12 =	vadd.s32 v0, v11;
	v4 =	vld [tilespmem:s10+$0x40]  }
0x448: {  	v13 =	vmov s13  }
0x449: {  	v13 =	vand.u32 $0x7E, v13  }
0x44a: {  	v15 =	vadd.s32 v0, v13;
	v14 =	vld [tilespmem:s10+$0x80];
	[tilespmem:v8+s25+$0x0] =	vst.idx.msk $0xffff, v7  }
0x44b: {  	v8 =	vadd.s32 v1, v5;
	[tilespmem:v10+s25+$0x0] =	vst.idx.msk $0xffff, v9;
	v7 =	vld [tilespmem:s10+$0xD0]  }
0x44c: {  	v10 =	vadd.s32 v1, v6;
	[tilespmem:v12+s25+$0x0] =	vst.idx.msk $0xffff, v4;
	v9 =	vld [tilespmem:s10+$0x10]  }
0x44d: {  	v12 =	vadd.s32 v1, v11;
	v4 =	vld [tilespmem:s10+$0x50];
	_ =	sdelay $0x1  }
0x44e: {  	[tilespmem:v15+s25+$0x0] =	vst.idx.msk $0xffff, v14  }
0x44f: {  	v16 =	vadd.s32 v1, v13;
	v15 =	vld [tilespmem:s10+$0x90];
	[tilespmem:v8+s25+$0x0] =	vst.idx.msk $0xffff, v7  }
0x450: {  	s14 =	simm.s32 $0x7;
	v14 =	vadd.s32 v2, v5;
	[tilespmem:v10+s25+$0x0] =	vst.idx.msk $0xffff, v9;
	v7 =	vld [tilespmem:s10+$0xE0]  }
0x451: {  	v10 =	vadd.s32 v2, v6;
	v8 =	vmov s14;
	[tilespmem:v12+s25+$0x0] =	vst.idx.msk $0xffff, v4;
	v9 =	vld [tilespmem:s10+$0x20]  }
0x452: {  	s1 =	simm.s32 $0x16500;
	v17 =	vadd.s32 v2, v11;
	v8 =	vand.u32 $0x7F, v8;
	v12 =	vld [tilespmem:s10+$0x60]  }
0x453: {  	s15 =	simm.s32 $0x4;
	v18 =	vld [tilespmem:s1+$0xC0];
	v19 =	vadd.s32 v0, v8  }
0x454: {  	s16 =	simm.s32 $0x5;
	v4 =	vmov s15;
	[tilespmem:v16+s25+$0x0] =	vst.idx.msk $0xffff, v15  }
0x455: {  	v22 =	vmov s16;
	v4 =	vand.u32 $0x7C, v4;
	[tilespmem:v14+s25+$0x0] =	vst.idx.msk $0xffff, v7  }
0x456: {  	s17 =	simm.s32 $0x6;
	v20 =	vld [tilespmem:s1+$0x0];
	v21 =	vadd.s32 v0, v4;
	v7 =	vand.u32 $0x7D, v22;
	[tilespmem:v10+s25+$0x0] =	vst.idx.msk $0xffff, v9  }
0x457: {  	v14 =	vmov s17;
	v9 =	vld [tilespmem:s1+$0x40];
	[tilespmem:v17+s25+$0x0] =	vst.idx.msk $0xffff, v12;
	v10 =	vadd.s32 v0, v7  }
0x458: {  	v16 =	vadd.s32 v3, v5;
	v12 =	vld [tilespmem:s10+$0xA0];
	v5 =	vand.u32 $0x7E, v14;
	[tilespmem:v19+s25+$0x0] =	vst.idx.msk $0xffff, v18;
	v18 =	vadd.s32 v2, v13  }
0x459: {  	v14 =	vld [tilespmem:s1+$0x80];
	v63 =	vadd.s32 v0, v5  }
0x45a: {  	v15 =	vld [tilespmem:s10+$0xF0]  }
0x45b: {  	[tilespmem:v21+s25+$0x0] =	vst.idx.msk $0xffff, v20;
	v20 =	vadd.s32 v1, v8;
	v19 =	vld [tilespmem:s1+$0xD0]  }
0x45c: {  	v23 =	vadd.s32 v1, v4;
	v21 =	vld [tilespmem:s1+$0x10];
	[tilespmem:v10+s25+$0x0] =	vst.idx.msk $0xffff, v9  }
0x45d: {  	v25 =	vadd.s32 v3, v11;
	v24 =	vld [tilespmem:s10+$0x70];
	[tilespmem:v18+s25+$0x0] =	vst.idx.msk $0xffff, v12  }
0x45e: {  	v18 =	vadd.s32 v1, v7;
	v17 =	vld [tilespmem:s1+$0x50];
	[tilespmem:v63+s25+$0x0] =	vst.idx.msk $0xffff, v14  }
0x45f: {  	[tilespmem:v16+s25+$0x0] =	vst.idx.msk $0xffff, v15;
	v16 =	vadd.s32 v1, v5;
	v15 =	vld [tilespmem:s1+$0x90]  }
0x460: {  	[tilespmem:v20+s25+$0x0] =	vst.idx.msk $0xffff, v19;
	v11 =	vld [tilespmem:s10+$0xB0];
	v14 =	vadd.s32 v3, v13  }
0x461: {  	v12 =	vadd.s32 v2, v8;
	[tilespmem:v23+s25+$0x0] =	vst.idx.msk $0xffff, v21;
	v9 =	vld [tilespmem:s1+$0xE0]  }
0x462: {  	s11 =	simm.s32 $0x8;
	s12 =	simm.s32 $0xC;
	s6 =	simm.s32 $0xB;
	[tilespmem:v25+s25+$0x0] =	vst.idx.msk $0xffff, v24;
	v13 =	vadd.s32 v2, v4;
	v10 =	vld [tilespmem:s1+$0x20]  }
.LBB2_35:
0x463: {  	p0 =	slt.u32 s12, $0x7C;
	v19 =	vmov s6;
	[tilespmem:v18+s25+$0x0] =	vst.idx.msk $0xffff, v17;
	v17 =	vld [tilespmem:s10+$0x30];
	v18 =	vadd.s32 v3, v6;
	v6 =	vmov v4;
	s10 =	smov.u32 s1  }
0x464: {  	v4 =	vmov s11;
	v21 =	vadd.s32 v2, v7;
	s1 =	sadd.s32 $0x100, s1;
	v19 =	vand.u32 $0x7F, v19;
	v20 =	vld [tilespmem:s10+$0x60];
	[tilespmem:v16+s25+$0x0] =	vst.idx.msk $0xffff, v15  }
0x465: {  	s6 =	sadd.s32 $0x1, s11;
	v4 =	vand.u32 $0x7C, v4;
	v15 =	vld [tilespmem:s1+$0xC0];
	v16 =	vadd.s32 v0, v19;
	[tilespmem:v14+s25+$0x0] =	vst.idx.msk $0xffff, v11  }
0x466: {  	v22 =	vmov s6;
	s6 =	sadd.s32 $0x2, s11;
	s11 =	smov.u32 s12;
	v14 =	vadd.s32 v0, v4;
	v11 =	vld [tilespmem:s1+$0x0];
	[tilespmem:v12+s25+$0x0] =	vst.idx.msk $0xffff, v9  }
0x467: {  	v9 =	vand.u32 $0x7D, v22;
	v12 =	vmov s6;
	[tilespmem:v13+s25+$0x0] =	vst.idx.msk $0xffff, v10;
	v10 =	vld [tilespmem:s10+$0xF0];
	v13 =	vadd.s32 v3, v8;
	v8 =	vmovc v19  }
0x468: {  	v22 =	vadd.s32 v0, v9;
	v12 =	vand.u32 $0x7E, v12;
	v19 =	vld [tilespmem:s1+$0x40];
	[tilespmem:v18+s25+$0x0] =	vst.idx.msk $0xffff, v17  }
0x469: {  	v24 =	vadd.s32 v0, v12;
	v23 =	vld [tilespmem:s1+$0x80];
	[tilespmem:v21+s25+$0x0] =	vst.idx.msk $0xffff, v20  }
0x46a: {  	v21 =	vadd.s32 v2, v5;
	[tilespmem:v16+s25+$0x0] =	vst.idx.msk $0xffff, v15;
	v20 =	vld [tilespmem:s10+$0xA0]  }
0x46b: {  	[tilespmem:v14+s25+$0x0] =	vst.idx.msk $0xffff, v11;
	v11 =	vld [tilespmem:s1+$0xD0];
	v14 =	vadd.s32 v1, v8  }
0x46c: {  	v26 =	vadd.s32 v1, v4;
	v25 =	vld [tilespmem:s1+$0x10];
	[tilespmem:v13+s25+$0x0] =	vst.idx.msk $0xffff, v10  }
0x46d: {  	[tilespmem:v22+s25+$0x0] =	vst.idx.msk $0xffff, v19;
	v19 =	vld [tilespmem:s10+$0x70];
	v22 =	vadd.s32 v3, v7;
	v7 =	vmov v9  }
.Ltmp16:
0x46e: {  	v17 =	vld [tilespmem:s1+$0x50];
	v18 =	vadd.s32 v1, v7;
	[tilespmem:v24+s25+$0x0] =	vst.idx.msk $0xffff, v23;
	(pc) =	sbr.rel @p0 .LBB2_35-.Ltmp16, $4  }
0x46f: {  	v16 =	vadd.s32 v1, v12;
	v15 =	vld [tilespmem:s1+$0x90];
	[tilespmem:v21+s25+$0x0] =	vst.idx.msk $0xffff, v20  }
0x470: {  	[tilespmem:v14+s25+$0x0] =	vst.idx.msk $0xffff, v11;
	v11 =	vld [tilespmem:s10+$0xB0];
	v14 =	vadd.s32 v3, v5;
	v5 =	vmov v12  }
0x471: {  	v12 =	vadd.s32 v2, v8;
	[tilespmem:v26+s25+$0x0] =	vst.idx.msk $0xffff, v25;
	v9 =	vld [tilespmem:s1+$0xE0]  }
0x472: {  	s12 =	sadd.s32 $0x4, s12;
	s6 =	sadd.s32 $0x3, s11;
	v13 =	vadd.s32 v2, v4;
	v10 =	vld [tilespmem:s1+$0x20];
	[tilespmem:v22+s25+$0x0] =	vst.idx.msk $0xffff, v19  }
0x473: {  	_ =	sdelay $0x2  }
0x474: {  	v19 =	vmov s6  }
0x475: {  	s16 =	sadd.s32 $0x1, s11;
	[tilespmem:v18+s25+$0x0] =	vst.idx.msk $0xffff, v17;
	v30 =	vld [tilespmem:s10+$0x30];
	v6 =	vadd.s32 v3, v6;
	s17 =	sadd.s32 $0x100, s1;
	v21 =	vmov s11;
	v31 =	vand.u32 $0x7F, v19  }
0x476: {  	s7 =	sadd.s32 $0x2, s11;
	v32 =	vmov s16;
	[tilespmem:v16+s25+$0x0] =	vst.idx.msk $0xffff, v15;
	v33 =	vld [tilespmem:s17+$0xC0];
	v21 =	vand.u32 $0x7C, v21;
	v34 =	vadd.s32 v0, v31  }
0x477: {  	v20 =	vmov s7;
	v22 =	vld [tilespmem:s17+$0x0];
	v19 =	vand.u32 $0x7D, v32;
	[tilespmem:v14+s25+$0x0] =	vst.idx.msk $0xffff, v11;
	v39 =	vadd.s32 v0, v21  }
0x478: {  	v35 =	vld [tilespmem:s17+$0x40];
	v20 =	vand.u32 $0x7E, v20;
	v36 =	vadd.s32 v0, v19;
	[tilespmem:v12+s25+$0x0] =	vst.idx.msk $0xffff, v9  }
0x479: {  	v37 =	vld [tilespmem:s17+$0x80];
	v38 =	vadd.s32 v0, v20;
	[tilespmem:v13+s25+$0x0] =	vst.idx.msk $0xffff, v10  }
0x47a: {  	v41 =	vadd.s32 v2, v7;
	v40 =	vld [tilespmem:s1+$0x60];
	[tilespmem:v6+s25+$0x0] =	vst.idx.msk $0xffff, v30  }
0x47b: {  	v49 =	vadd.s32 v2, v5;
	v48 =	vld [tilespmem:s1+$0xA0];
	[tilespmem:v34+s25+$0x0] =	vst.idx.msk $0xffff, v33  }
0x47c: {  	v43 =	vadd.s32 v1, v31;
	[tilespmem:v39+s25+$0x0] =	vst.idx.msk $0xffff, v22;
	v15 =	vld [tilespmem:s17+$0xD0]  }
0x47d: {  	v47 =	vadd.s32 v1, v21;
	[tilespmem:v36+s25+$0x0] =	vst.idx.msk $0xffff, v35;
	v46 =	vld [tilespmem:s17+$0x10]  }
0x47e: {  	v44 =	vadd.s32 v1, v19;
	[tilespmem:v38+s25+$0x0] =	vst.idx.msk $0xffff, v37;
	v11 =	vld [tilespmem:s17+$0x50]  }
0x47f: {  	v45 =	vadd.s32 v1, v20;
	[tilespmem:v41+s25+$0x0] =	vst.idx.msk $0xffff, v40;
	v9 =	vld [tilespmem:s17+$0x90]  }
0x480: {  	v8 =	vadd.s32 v3, v8;
	v42 =	vld [tilespmem:s1+$0xF0];
	[tilespmem:v49+s25+$0x0] =	vst.idx.msk $0xffff, v48  }
0x481: {  	v5 =	vadd.s32 v3, v5;
	v13 =	vld [tilespmem:s1+$0xB0];
	[tilespmem:v43+s25+$0x0] =	vst.idx.msk $0xffff, v15  }
0x482: {  	v52 =	vadd.s32 v2, v31;
	[tilespmem:v47+s25+$0x0] =	vst.idx.msk $0xffff, v46;
	v15 =	vld [tilespmem:s17+$0xE0]  }
0x483: {  	v57 =	vadd.s32 v2, v21;
	[tilespmem:v44+s25+$0x0] =	vst.idx.msk $0xffff, v11;
	v56 =	vld [tilespmem:s17+$0x20]  }
0x484: {  	v53 =	vadd.s32 v2, v19;
	[tilespmem:v45+s25+$0x0] =	vst.idx.msk $0xffff, v9;
	v11 =	vld [tilespmem:s17+$0x60]  }
0x485: {  	v55 =	vadd.s32 v2, v20;
	[tilespmem:v8+s25+$0x0] =	vst.idx.msk $0xffff, v42;
	v54 =	vld [tilespmem:s17+$0xA0]  }
0x486: {  	v4 =	vadd.s32 v3, v4;
	v58 =	vld [tilespmem:s1+$0x30];
	[tilespmem:v5+s25+$0x0] =	vst.idx.msk $0xffff, v13  }
0x487: {  	v51 =	vadd.s32 v3, v7;
	v50 =	vld [tilespmem:s1+$0x70];
	[tilespmem:v52+s25+$0x0] =	vst.idx.msk $0xffff, v15  }
0x488: {  	v60 =	vadd.s32 v3, v31;
	[tilespmem:v57+s25+$0x0] =	vst.idx.msk $0xffff, v56;
	v59 =	vld [tilespmem:s17+$0xF0]  }
0x489: {  	v63 =	vadd.s32 v3, v21;
	[tilespmem:v53+s25+$0x0] =	vst.idx.msk $0xffff, v11;
	v5 =	vld [tilespmem:s17+$0x30]  }
0x48a: {  	s11 =	sadd.s32 $0x3, s0;
	v61 =	vadd.s32 v3, v19;
	[tilespmem:v55+s25+$0x0] =	vst.idx.msk $0xffff, v54;
	v11 =	vld [tilespmem:s17+$0x70]  }
0x48b: {  	s12 =	sshrl.u32 s11, $0x7;
	v62 =	vadd.s32 v3, v20;
	[tilespmem:v4+s25+$0x0] =	vst.idx.msk $0xffff, v58;
	v6 =	vld [tilespmem:s17+$0xB0]  }
0x48c: {  	s7 =	sshll.u32 s12, $0x11;
	s1 =	sshll.u32 s11, $0xA;
	[tilespmem:v51+s25+$0x0] =	vst.idx.msk $0xffff, v50  }
0x48d: {  	s6 =	sshll.u32 s12, $0x14;
	s1 =	ssub.s32 s1, s7;
	[tilespmem:v60+s25+$0x0] =	vst.idx.msk $0xffff, v59  }
0x48e: {  	s1 =	sadd.s32 s6, s1;
	[tilespmem:v63+s25+$0x0] =	vst.idx.msk $0xffff, v5  }
0x48f: {  	s1 =	sshrl.u32 s1, $0x3;
	[tilespmem:v61+s25+$0x0] =	vst.idx.msk $0xffff, v11  }
0x490: {  	s13 =	simm.s32 $0x1C600;
	s7 =	sadd.s32 s2, s1;
	[tilespmem:v62+s25+$0x0] =	vst.idx.msk $0xffff, v6  }
0x491: {  	[hbm4b:s7+s3] =	stream.linear.scatter [tilespmem:s13], [sflag:$0x4], $0x80, $0x38;
	[tilespmem:$0x1E800] =	vst v63  }
0x492: {  	s14 =	simm.s32 $0x1C688;
	s15 =	sadd.s32 $0x10, s7  }
0x493: {  	[hbm4b:s15+s3] =	stream.linear.scatter [tilespmem:s14], [sflag:$0x4], $0x80, $0x38;
	[tilespmem:$0x1E800] =	vst v63  }
0x494: {  	s10 =	simm.s32 $0x1C798;
	s16 =	simm.s32 $0x1C710;
	s17 =	sadd.s32 $0x20, s7  }
0x495: {  	[hbm4b:s17+s3] =	stream.linear.scatter [tilespmem:s16], [sflag:$0x4], $0x80, $0x38;
	[tilespmem:$0x1E800] =	vst v63  }
0x496: {  	s12 =	simm.s32 $0x1C820;
	s6 =	simm.s32 $0x1C9B8;
	s11 =	sadd.s32 $0x30, s7  }
0x497: {  	[hbm4b:s11+s3] =	stream.linear.scatter [tilespmem:s10], [sflag:$0x4], $0x80, $0x38;
	[tilespmem:$0x1E800] =	vst v63  }
0x498: {  	s1 =	simm.s32 $0x440;
	s13 =	sadd.s32 $0x40, s7;
	s14 =	simm.s32 $0x1C8A8  }
0x499: {  	[hbm4b:s13+s3] =	stream.linear.scatter [tilespmem:s12], [sflag:$0x4], $0x80, $0x38;
	[tilespmem:$0x1E800] =	vst v63  }
0x49a: {  	s15 =	sadd.s32 $0x50, s7;
	s16 =	simm.s32 $0x1C930;
	s17 =	sadd.s32 $0x60, s7  }
0x49b: {  	[hbm4b:s15+s3] =	stream.linear.scatter [tilespmem:s14], [sflag:$0x4], $0x80, $0x38;
	[tilespmem:$0x1E800] =	vst v63  }
0x49c: {  	s11 =	simm.s32 $0x2200;
	s10 =	sadd.s32 $0x4000, s7;
	s12 =	sadd.s32 $0x70, s7  }
0x49d: {  	[hbm4b:s17+s3] =	stream.linear.scatter [tilespmem:s16], [sflag:$0x4], $0x80, $0x38;
	[tilespmem:$0x1E800] =	vst v63  }
.LBB2_37:
0x49e: {  	[hbm4b:s12+s3] =	stream.linear.scatter [tilespmem:s6], [sflag:$0x4], $0x80, $0x38;
	[tilespmem:$0x1E800] =	vst v63  }
0x49f: {  	s6 =	smov.u32 s1;
	s1 =	smov.u32 s11  }
0x4a0: {  	s7 =	sadd.s32 $0x1100, s11;
	s1 =	sshra.s32 s1, $0x2;
	s12 =	sadd.s32 $0x1C600, s6  }
0x4a1: {  	[hbm4b:s10+s3] =	stream.linear.scatter [tilespmem:s12], [sflag:$0x4], $0x80, $0x38;
	[tilespmem:$0x1E800] =	vst v63  }
0x4a2: {  	p0 =	sne.s32 s11, $0x7700;
	s11 =	sadd.s32 $0x1C688, s6;
	s12 =	sadd.s32 $0x10, s10  }
0x4a3: {  	[hbm4b:s12+s3] =	stream.linear.scatter [tilespmem:s11], [sflag:$0x4], $0x80, $0x38;
	[tilespmem:$0x1E800] =	vst v63  }
0x4a4: {  	s11 =	sadd.s32 $0x1C710, s6;
	s12 =	sadd.s32 $0x20, s10  }
0x4a5: {  	[hbm4b:s12+s3] =	stream.linear.scatter [tilespmem:s11], [sflag:$0x4], $0x80, $0x38;
	[tilespmem:$0x1E800] =	vst v63  }
0x4a6: {  	s11 =	sadd.s32 $0x1C798, s6;
	s12 =	sadd.s32 $0x30, s10  }
0x4a7: {  	[hbm4b:s12+s3] =	stream.linear.scatter [tilespmem:s11], [sflag:$0x4], $0x80, $0x38;
	[tilespmem:$0x1E800] =	vst v63  }
0x4a8: {  	s11 =	sadd.s32 $0x1C820, s6;
	s12 =	sadd.s32 $0x40, s10  }
0x4a9: {  	[hbm4b:s12+s3] =	stream.linear.scatter [tilespmem:s11], [sflag:$0x4], $0x80, $0x38;
	[tilespmem:$0x1E800] =	vst v63  }
.Ltmp17:
0x4aa: {  	s11 =	sadd.s32 $0x1C8A8, s6;
	s12 =	sadd.s32 $0x50, s10;
	(pc) =	sbr.rel @p0 .LBB2_37-.Ltmp17, $4  }
0x4ab: {  	[hbm4b:s12+s3] =	stream.linear.scatter [tilespmem:s11], [sflag:$0x4], $0x80, $0x38;
	[tilespmem:$0x1E800] =	vst v63  }
0x4ac: {  	s11 =	sadd.s32 $0x1C930, s6;
	s12 =	sadd.s32 $0x60, s10;
	s6 =	sadd.s32 $0x1C9B8, s6  }
0x4ad: {  	[hbm4b:s12+s3] =	stream.linear.scatter [tilespmem:s11], [sflag:$0x4], $0x80, $0x38;
	[tilespmem:$0x1E800] =	vst v63  }
0x4ae: {  	s12 =	sadd.s32 $0x70, s10;
	s10 =	sadd.s32 $0x4000, s10;
	s11 =	smov.u32 s7  }
0x4af: {  	[hbm4b:s12+s3] =	stream.linear.scatter [tilespmem:s6], [sflag:$0x4], $0x80, $0x38;
	[tilespmem:$0x1E800] =	vst v63  }
0x4b0: {  	s14 =	sadd.s32 $0x1C600, s1  }
0x4b1: {  	[hbm4b:s10+s3] =	stream.linear.scatter [tilespmem:s14], [sflag:$0x4], $0x80, $0x38;
	[tilespmem:$0x1E800] =	vst v63  }
0x4b2: {  	s15 =	sadd.s32 $0x1C688, s1;
	s7 =	sadd.s32 $0x10, s10  }
0x4b3: {  	[hbm4b:s7+s3] =	stream.linear.scatter [tilespmem:s15], [sflag:$0x4], $0x80, $0x38;
	[tilespmem:$0x1E800] =	vst v63  }
0x4b4: {  	s16 =	sadd.s32 $0x1C710, s1;
	s17 =	sadd.s32 $0x20, s10  }
0x4b5: {  	[hbm4b:s17+s3] =	stream.linear.scatter [tilespmem:s16], [sflag:$0x4], $0x80, $0x38;
	[tilespmem:$0x1E800] =	vst v63  }
0x4b6: {  	s11 =	sadd.s32 $0x30, s10;
	s7 =	sadd.s32 $0x1C798, s1  }
0x4b7: {  	[hbm4b:s11+s3] =	stream.linear.scatter [tilespmem:s7], [sflag:$0x4], $0x80, $0x38;
	[tilespmem:$0x1E800] =	vst v63  }
0x4b8: {  	s12 =	sadd.s32 $0x1C820, s1;
	s13 =	sadd.s32 $0x40, s10  }
0x4b9: {  	[hbm4b:s13+s3] =	stream.linear.scatter [tilespmem:s12], [sflag:$0x4], $0x80, $0x38;
	[tilespmem:$0x1E800] =	vst v63  }
0x4ba: {  	s14 =	sadd.s32 $0x1C8A8, s1;
	s15 =	sadd.s32 $0x50, s10  }
0x4bb: {  	[hbm4b:s15+s3] =	stream.linear.scatter [tilespmem:s14], [sflag:$0x4], $0x80, $0x38;
	[tilespmem:$0x1E800] =	vst v63  }
0x4bc: {  	s16 =	sadd.s32 $0x1C930, s1;
	s17 =	sadd.s32 $0x60, s10  }
0x4bd: {  	[hbm4b:s17+s3] =	stream.linear.scatter [tilespmem:s16], [sflag:$0x4], $0x80, $0x38;
	[tilespmem:$0x1E800] =	vst v63  }
0x4be: {  	s6 =	sadd.s32 $0x1C9B8, s1;
	s7 =	sadd.s32 $0x70, s10  }
0x4bf: {  	[hbm4b:s7+s3] =	stream.linear.scatter [tilespmem:s6], [sflag:$0x4], $0x80, $0x38;
	[tilespmem:$0x1E800] =	vst v63  }
0x4c0: {  	s10 =	simm.s32 $0x3;
	_ =	swait.ge [sflag:s26], $0x2000  }
0x4c1: {  	s11 =	simm.s32 $0x0;
	v4 =	vmov s10;
	[sflag:s26] =	ssyncset.done $0x0  }
0x4c2: {  	s10 =	simm.s32 $0x18400;
	v5 =	vand.u32 $0x7F, v4;
	v4 =	vmov s11;
	s12 =	simm.s32 $0x1;
	[sflag:s26] =	ssyncadd.s32 $0xFFFFE000  }
0x4c3: {  	v8 =	vadd.s32 v0, v5;
	v6 =	vand.u32 $0x7C, v4;
	v4 =	vmov s12;
	v7 =	vld [tilespmem:s10+$0xC0]  }
0x4c4: {  	v10 =	vadd.s32 v0, v6;
	v11 =	vand.u32 $0x7D, v4;
	v9 =	vld [tilespmem:s10+$0x0]  }
0x4c5: {  	s13 =	simm.s32 $0x2;
	v12 =	vadd.s32 v0, v11;
	v4 =	vld [tilespmem:s10+$0x40]  }
0x4c6: {  	v13 =	vmov s13  }
0x4c7: {  	v13 =	vand.u32 $0x7E, v13  }
0x4c8: {  	v15 =	vadd.s32 v0, v13;
	v14 =	vld [tilespmem:s10+$0x80];
	[tilespmem:v8+s24+$0x0] =	vst.idx.msk $0xffff, v7  }
0x4c9: {  	v8 =	vadd.s32 v1, v5;
	[tilespmem:v10+s24+$0x0] =	vst.idx.msk $0xffff, v9;
	v7 =	vld [tilespmem:s10+$0xD0]  }
0x4ca: {  	v10 =	vadd.s32 v1, v6;
	[tilespmem:v12+s24+$0x0] =	vst.idx.msk $0xffff, v4;
	v9 =	vld [tilespmem:s10+$0x10]  }
0x4cb: {  	v12 =	vadd.s32 v1, v11;
	v4 =	vld [tilespmem:s10+$0x50];
	_ =	sdelay $0x1  }
0x4cc: {  	[tilespmem:v15+s24+$0x0] =	vst.idx.msk $0xffff, v14  }
0x4cd: {  	v16 =	vadd.s32 v1, v13;
	v15 =	vld [tilespmem:s10+$0x90];
	[tilespmem:v8+s24+$0x0] =	vst.idx.msk $0xffff, v7  }
0x4ce: {  	s14 =	simm.s32 $0x7;
	v14 =	vadd.s32 v2, v5;
	[tilespmem:v10+s24+$0x0] =	vst.idx.msk $0xffff, v9;
	v7 =	vld [tilespmem:s10+$0xE0]  }
0x4cf: {  	v10 =	vadd.s32 v2, v6;
	v8 =	vmov s14;
	[tilespmem:v12+s24+$0x0] =	vst.idx.msk $0xffff, v4;
	v9 =	vld [tilespmem:s10+$0x20]  }
0x4d0: {  	s1 =	simm.s32 $0x18500;
	v17 =	vadd.s32 v2, v11;
	v8 =	vand.u32 $0x7F, v8;
	v12 =	vld [tilespmem:s10+$0x60]  }
0x4d1: {  	s15 =	simm.s32 $0x4;
	v18 =	vld [tilespmem:s1+$0xC0];
	v19 =	vadd.s32 v0, v8  }
0x4d2: {  	s16 =	simm.s32 $0x5;
	v4 =	vmov s15;
	[tilespmem:v16+s24+$0x0] =	vst.idx.msk $0xffff, v15  }
0x4d3: {  	v22 =	vmov s16;
	v4 =	vand.u32 $0x7C, v4;
	[tilespmem:v14+s24+$0x0] =	vst.idx.msk $0xffff, v7  }
0x4d4: {  	s17 =	simm.s32 $0x6;
	v20 =	vld [tilespmem:s1+$0x0];
	v21 =	vadd.s32 v0, v4;
	v7 =	vand.u32 $0x7D, v22;
	[tilespmem:v10+s24+$0x0] =	vst.idx.msk $0xffff, v9  }
0x4d5: {  	v14 =	vmov s17;
	v9 =	vld [tilespmem:s1+$0x40];
	[tilespmem:v17+s24+$0x0] =	vst.idx.msk $0xffff, v12;
	v10 =	vadd.s32 v0, v7  }
0x4d6: {  	v16 =	vadd.s32 v3, v5;
	v12 =	vld [tilespmem:s10+$0xA0];
	v5 =	vand.u32 $0x7E, v14;
	[tilespmem:v19+s24+$0x0] =	vst.idx.msk $0xffff, v18;
	v18 =	vadd.s32 v2, v13  }
0x4d7: {  	v14 =	vld [tilespmem:s1+$0x80];
	v63 =	vadd.s32 v0, v5  }
0x4d8: {  	v15 =	vld [tilespmem:s10+$0xF0]  }
0x4d9: {  	[tilespmem:v21+s24+$0x0] =	vst.idx.msk $0xffff, v20;
	v20 =	vadd.s32 v1, v8;
	v19 =	vld [tilespmem:s1+$0xD0]  }
0x4da: {  	v23 =	vadd.s32 v1, v4;
	v21 =	vld [tilespmem:s1+$0x10];
	[tilespmem:v10+s24+$0x0] =	vst.idx.msk $0xffff, v9  }
0x4db: {  	v25 =	vadd.s32 v3, v11;
	v24 =	vld [tilespmem:s10+$0x70];
	[tilespmem:v18+s24+$0x0] =	vst.idx.msk $0xffff, v12  }
0x4dc: {  	v18 =	vadd.s32 v1, v7;
	v17 =	vld [tilespmem:s1+$0x50];
	[tilespmem:v63+s24+$0x0] =	vst.idx.msk $0xffff, v14  }
0x4dd: {  	[tilespmem:v16+s24+$0x0] =	vst.idx.msk $0xffff, v15;
	v16 =	vadd.s32 v1, v5;
	v15 =	vld [tilespmem:s1+$0x90]  }
0x4de: {  	[tilespmem:v20+s24+$0x0] =	vst.idx.msk $0xffff, v19;
	v11 =	vld [tilespmem:s10+$0xB0];
	v14 =	vadd.s32 v3, v13  }
0x4df: {  	v12 =	vadd.s32 v2, v8;
	[tilespmem:v23+s24+$0x0] =	vst.idx.msk $0xffff, v21;
	v9 =	vld [tilespmem:s1+$0xE0]  }
0x4e0: {  	s11 =	simm.s32 $0x8;
	s12 =	simm.s32 $0xC;
	s6 =	simm.s32 $0xB;
	[tilespmem:v25+s24+$0x0] =	vst.idx.msk $0xffff, v24;
	v13 =	vadd.s32 v2, v4;
	v10 =	vld [tilespmem:s1+$0x20]  }
.LBB2_39:
0x4e1: {  	p0 =	slt.u32 s12, $0x7C;
	v19 =	vmov s6;
	[tilespmem:v18+s24+$0x0] =	vst.idx.msk $0xffff, v17;
	v17 =	vld [tilespmem:s10+$0x30];
	v18 =	vadd.s32 v3, v6;
	v6 =	vmov v4;
	s10 =	smov.u32 s1  }
0x4e2: {  	v4 =	vmov s11;
	v21 =	vadd.s32 v2, v7;
	s1 =	sadd.s32 $0x100, s1;
	v19 =	vand.u32 $0x7F, v19;
	v20 =	vld [tilespmem:s10+$0x60];
	[tilespmem:v16+s24+$0x0] =	vst.idx.msk $0xffff, v15  }
0x4e3: {  	s6 =	sadd.s32 $0x1, s11;
	v4 =	vand.u32 $0x7C, v4;
	v15 =	vld [tilespmem:s1+$0xC0];
	v16 =	vadd.s32 v0, v19;
	[tilespmem:v14+s24+$0x0] =	vst.idx.msk $0xffff, v11  }
0x4e4: {  	v22 =	vmov s6;
	s6 =	sadd.s32 $0x2, s11;
	s11 =	smov.u32 s12;
	v14 =	vadd.s32 v0, v4;
	v11 =	vld [tilespmem:s1+$0x0];
	[tilespmem:v12+s24+$0x0] =	vst.idx.msk $0xffff, v9  }
0x4e5: {  	v9 =	vand.u32 $0x7D, v22;
	v12 =	vmov s6;
	[tilespmem:v13+s24+$0x0] =	vst.idx.msk $0xffff, v10;
	v10 =	vld [tilespmem:s10+$0xF0];
	v13 =	vadd.s32 v3, v8;
	v8 =	vmovc v19  }
0x4e6: {  	v22 =	vadd.s32 v0, v9;
	v12 =	vand.u32 $0x7E, v12;
	v19 =	vld [tilespmem:s1+$0x40];
	[tilespmem:v18+s24+$0x0] =	vst.idx.msk $0xffff, v17  }
0x4e7: {  	v24 =	vadd.s32 v0, v12;
	v23 =	vld [tilespmem:s1+$0x80];
	[tilespmem:v21+s24+$0x0] =	vst.idx.msk $0xffff, v20  }
0x4e8: {  	v21 =	vadd.s32 v2, v5;
	[tilespmem:v16+s24+$0x0] =	vst.idx.msk $0xffff, v15;
	v20 =	vld [tilespmem:s10+$0xA0]  }
0x4e9: {  	[tilespmem:v14+s24+$0x0] =	vst.idx.msk $0xffff, v11;
	v11 =	vld [tilespmem:s1+$0xD0];
	v14 =	vadd.s32 v1, v8  }
0x4ea: {  	v26 =	vadd.s32 v1, v4;
	v25 =	vld [tilespmem:s1+$0x10];
	[tilespmem:v13+s24+$0x0] =	vst.idx.msk $0xffff, v10  }
0x4eb: {  	[tilespmem:v22+s24+$0x0] =	vst.idx.msk $0xffff, v19;
	v19 =	vld [tilespmem:s10+$0x70];
	v22 =	vadd.s32 v3, v7;
	v7 =	vmov v9  }
.Ltmp18:
0x4ec: {  	v17 =	vld [tilespmem:s1+$0x50];
	v18 =	vadd.s32 v1, v7;
	[tilespmem:v24+s24+$0x0] =	vst.idx.msk $0xffff, v23;
	(pc) =	sbr.rel @p0 .LBB2_39-.Ltmp18, $4  }
0x4ed: {  	v16 =	vadd.s32 v1, v12;
	v15 =	vld [tilespmem:s1+$0x90];
	[tilespmem:v21+s24+$0x0] =	vst.idx.msk $0xffff, v20  }
0x4ee: {  	[tilespmem:v14+s24+$0x0] =	vst.idx.msk $0xffff, v11;
	v11 =	vld [tilespmem:s10+$0xB0];
	v14 =	vadd.s32 v3, v5;
	v5 =	vmov v12  }
0x4ef: {  	v12 =	vadd.s32 v2, v8;
	[tilespmem:v26+s24+$0x0] =	vst.idx.msk $0xffff, v25;
	v9 =	vld [tilespmem:s1+$0xE0]  }
0x4f0: {  	s12 =	sadd.s32 $0x4, s12;
	s6 =	sadd.s32 $0x3, s11;
	v13 =	vadd.s32 v2, v4;
	v10 =	vld [tilespmem:s1+$0x20];
	[tilespmem:v22+s24+$0x0] =	vst.idx.msk $0xffff, v19  }
0x4f1: {  	_ =	sdelay $0x2  }
0x4f2: {  	v19 =	vmov s6  }
0x4f3: {  	s17 =	sadd.s32 $0x1, s11;
	[tilespmem:v18+s24+$0x0] =	vst.idx.msk $0xffff, v17;
	v30 =	vld [tilespmem:s10+$0x30];
	v6 =	vadd.s32 v3, v6;
	s7 =	sadd.s32 $0x100, s1;
	v21 =	vmov s11;
	v31 =	vand.u32 $0x7F, v19  }
0x4f4: {  	s12 =	sadd.s32 $0x2, s11;
	v32 =	vmov s17;
	[tilespmem:v16+s24+$0x0] =	vst.idx.msk $0xffff, v15;
	v33 =	vld [tilespmem:s7+$0xC0];
	v21 =	vand.u32 $0x7C, v21;
	v34 =	vadd.s32 v0, v31  }
0x4f5: {  	v20 =	vmov s12;
	v22 =	vld [tilespmem:s7+$0x0];
	v19 =	vand.u32 $0x7D, v32;
	[tilespmem:v14+s24+$0x0] =	vst.idx.msk $0xffff, v11;
	v39 =	vadd.s32 v0, v21  }
0x4f6: {  	v35 =	vld [tilespmem:s7+$0x40];
	v20 =	vand.u32 $0x7E, v20;
	v36 =	vadd.s32 v0, v19;
	[tilespmem:v12+s24+$0x0] =	vst.idx.msk $0xffff, v9  }
0x4f7: {  	v37 =	vld [tilespmem:s7+$0x80];
	v38 =	vadd.s32 v0, v20;
	[tilespmem:v13+s24+$0x0] =	vst.idx.msk $0xffff, v10  }
0x4f8: {  	v41 =	vadd.s32 v2, v7;
	v40 =	vld [tilespmem:s1+$0x60];
	[tilespmem:v6+s24+$0x0] =	vst.idx.msk $0xffff, v30  }
0x4f9: {  	v49 =	vadd.s32 v2, v5;
	v48 =	vld [tilespmem:s1+$0xA0];
	[tilespmem:v34+s24+$0x0] =	vst.idx.msk $0xffff, v33  }
0x4fa: {  	v43 =	vadd.s32 v1, v31;
	[tilespmem:v39+s24+$0x0] =	vst.idx.msk $0xffff, v22;
	v15 =	vld [tilespmem:s7+$0xD0]  }
0x4fb: {  	v47 =	vadd.s32 v1, v21;
	[tilespmem:v36+s24+$0x0] =	vst.idx.msk $0xffff, v35;
	v46 =	vld [tilespmem:s7+$0x10]  }
0x4fc: {  	v44 =	vadd.s32 v1, v19;
	[tilespmem:v38+s24+$0x0] =	vst.idx.msk $0xffff, v37;
	v11 =	vld [tilespmem:s7+$0x50]  }
0x4fd: {  	v45 =	vadd.s32 v1, v20;
	[tilespmem:v41+s24+$0x0] =	vst.idx.msk $0xffff, v40;
	v9 =	vld [tilespmem:s7+$0x90]  }
0x4fe: {  	v8 =	vadd.s32 v3, v8;
	v42 =	vld [tilespmem:s1+$0xF0];
	[tilespmem:v49+s24+$0x0] =	vst.idx.msk $0xffff, v48  }
0x4ff: {  	v5 =	vadd.s32 v3, v5;
	v13 =	vld [tilespmem:s1+$0xB0];
	[tilespmem:v43+s24+$0x0] =	vst.idx.msk $0xffff, v15  }
0x500: {  	v52 =	vadd.s32 v2, v31;
	[tilespmem:v47+s24+$0x0] =	vst.idx.msk $0xffff, v46;
	v15 =	vld [tilespmem:s7+$0xE0]  }
0x501: {  	v57 =	vadd.s32 v2, v21;
	[tilespmem:v44+s24+$0x0] =	vst.idx.msk $0xffff, v11;
	v56 =	vld [tilespmem:s7+$0x20]  }
0x502: {  	v53 =	vadd.s32 v2, v19;
	[tilespmem:v45+s24+$0x0] =	vst.idx.msk $0xffff, v9;
	v11 =	vld [tilespmem:s7+$0x60]  }
0x503: {  	v55 =	vadd.s32 v2, v20;
	[tilespmem:v8+s24+$0x0] =	vst.idx.msk $0xffff, v42;
	v54 =	vld [tilespmem:s7+$0xA0]  }
0x504: {  	v4 =	vadd.s32 v3, v4;
	v58 =	vld [tilespmem:s1+$0x30];
	[tilespmem:v5+s24+$0x0] =	vst.idx.msk $0xffff, v13  }
0x505: {  	v51 =	vadd.s32 v3, v7;
	v50 =	vld [tilespmem:s1+$0x70];
	[tilespmem:v52+s24+$0x0] =	vst.idx.msk $0xffff, v15  }
0x506: {  	v60 =	vadd.s32 v3, v31;
	[tilespmem:v57+s24+$0x0] =	vst.idx.msk $0xffff, v56;
	v59 =	vld [tilespmem:s7+$0xF0]  }
0x507: {  	v63 =	vadd.s32 v3, v21;
	[tilespmem:v53+s24+$0x0] =	vst.idx.msk $0xffff, v11;
	v5 =	vld [tilespmem:s7+$0x30]  }
0x508: {  	s0 =	sadd.s32 $0x4, s0;
	v61 =	vadd.s32 v3, v19;
	[tilespmem:v55+s24+$0x0] =	vst.idx.msk $0xffff, v54;
	v11 =	vld [tilespmem:s7+$0x70]  }
0x509: {  	s13 =	sshrl.u32 s0, $0x7;
	v62 =	vadd.s32 v3, v20;
	[tilespmem:v4+s24+$0x0] =	vst.idx.msk $0xffff, v58;
	v6 =	vld [tilespmem:s7+$0xB0]  }
0x50a: {  	s0 =	sshll.u32 s0, $0xA;
	s14 =	sshll.u32 s13, $0x11;
	[tilespmem:v51+s24+$0x0] =	vst.idx.msk $0xffff, v50  }
0x50b: {  	s0 =	ssub.s32 s0, s14;
	s1 =	sshll.u32 s13, $0x14;
	[tilespmem:v60+s24+$0x0] =	vst.idx.msk $0xffff, v59  }
0x50c: {  	s0 =	sadd.s32 s1, s0;
	[tilespmem:v63+s24+$0x0] =	vst.idx.msk $0xffff, v5  }
0x50d: {  	s0 =	sshrl.u32 s0, $0x3;
	[tilespmem:v61+s24+$0x0] =	vst.idx.msk $0xffff, v11  }
0x50e: {  	s15 =	simm.s32 $0x1A400;
	s1 =	sadd.s32 s2, s0;
	[tilespmem:v62+s24+$0x0] =	vst.idx.msk $0xffff, v6  }
0x50f: {  	[hbm4b:s1+s3] =	stream.linear.scatter [tilespmem:s15], [sflag:$0x3], $0x80, $0x38;
	[tilespmem:$0x1E800] =	vst v63  }
0x510: {  	s16 =	simm.s32 $0x1A488;
	s17 =	sadd.s32 $0x10, s1  }
0x511: {  	[hbm4b:s17+s3] =	stream.linear.scatter [tilespmem:s16], [sflag:$0x3], $0x80, $0x38;
	[tilespmem:$0x1E800] =	vst v63  }
0x512: {  	s6 =	simm.s32 $0x1A510;
	s10 =	simm.s32 $0x1A598;
	s7 =	sadd.s32 $0x20, s1  }
0x513: {  	[hbm4b:s7+s3] =	stream.linear.scatter [tilespmem:s6], [sflag:$0x3], $0x80, $0x38;
	[tilespmem:$0x1E800] =	vst v63  }
0x514: {  	s12 =	simm.s32 $0x1A620;
	s14 =	simm.s32 $0x1A6A8;
	s11 =	sadd.s32 $0x30, s1  }
0x515: {  	[hbm4b:s11+s3] =	stream.linear.scatter [tilespmem:s10], [sflag:$0x3], $0x80, $0x38;
	[tilespmem:$0x1E800] =	vst v63  }
0x516: {  	s0 =	simm.s32 $0x440;
	s13 =	sadd.s32 $0x40, s1;
	s15 =	sadd.s32 $0x50, s1  }
0x517: {  	[hbm4b:s13+s3] =	stream.linear.scatter [tilespmem:s12], [sflag:$0x3], $0x80, $0x38;
	[tilespmem:$0x1E800] =	vst v63  }
0x518: {  	s16 =	simm.s32 $0x1A730;
	s17 =	sadd.s32 $0x60, s1;
	s6 =	simm.s32 $0x1A7B8  }
0x519: {  	[hbm4b:s15+s3] =	stream.linear.scatter [tilespmem:s14], [sflag:$0x3], $0x80, $0x38;
	[tilespmem:$0x1E800] =	vst v63  }
0x51a: {  	s10 =	simm.s32 $0x2200;
	s11 =	sadd.s32 $0x70, s1;
	s1 =	sadd.s32 $0x4000, s1  }
0x51b: {  	[hbm4b:s17+s3] =	stream.linear.scatter [tilespmem:s16], [sflag:$0x3], $0x80, $0x38;
	[tilespmem:$0x1E800] =	vst v63  }
.LBB2_41:
0x51c: {  	[hbm4b:s11+s3] =	stream.linear.scatter [tilespmem:s6], [sflag:$0x3], $0x80, $0x38;
	[tilespmem:$0x1E800] =	vst v63  }
0x51d: {  	s6 =	smov.u32 s0;
	s0 =	smov.u32 s10  }
0x51e: {  	s7 =	sadd.s32 $0x1100, s10;
	s0 =	sshra.s32 s0, $0x2;
	s11 =	sadd.s32 $0x1A400, s6  }
0x51f: {  	[hbm4b:s1+s3] =	stream.linear.scatter [tilespmem:s11], [sflag:$0x3], $0x80, $0x38;
	[tilespmem:$0x1E800] =	vst v63  }
0x520: {  	p0 =	sne.s32 s10, $0x7700;
	s10 =	sadd.s32 $0x1A488, s6;
	s11 =	sadd.s32 $0x10, s1  }
0x521: {  	[hbm4b:s11+s3] =	stream.linear.scatter [tilespmem:s10], [sflag:$0x3], $0x80, $0x38;
	[tilespmem:$0x1E800] =	vst v63  }
0x522: {  	s10 =	sadd.s32 $0x1A510, s6;
	s11 =	sadd.s32 $0x20, s1  }
0x523: {  	[hbm4b:s11+s3] =	stream.linear.scatter [tilespmem:s10], [sflag:$0x3], $0x80, $0x38;
	[tilespmem:$0x1E800] =	vst v63  }
0x524: {  	s10 =	sadd.s32 $0x1A598, s6;
	s11 =	sadd.s32 $0x30, s1  }
0x525: {  	[hbm4b:s11+s3] =	stream.linear.scatter [tilespmem:s10], [sflag:$0x3], $0x80, $0x38;
	[tilespmem:$0x1E800] =	vst v63  }
0x526: {  	s10 =	sadd.s32 $0x1A620, s6;
	s11 =	sadd.s32 $0x40, s1  }
0x527: {  	[hbm4b:s11+s3] =	stream.linear.scatter [tilespmem:s10], [sflag:$0x3], $0x80, $0x38;
	[tilespmem:$0x1E800] =	vst v63  }
.Ltmp19:
0x528: {  	s10 =	sadd.s32 $0x1A6A8, s6;
	s11 =	sadd.s32 $0x50, s1;
	(pc) =	sbr.rel @p0 .LBB2_41-.Ltmp19, $4  }
0x529: {  	[hbm4b:s11+s3] =	stream.linear.scatter [tilespmem:s10], [sflag:$0x3], $0x80, $0x38;
	[tilespmem:$0x1E800] =	vst v63  }
0x52a: {  	s10 =	sadd.s32 $0x1A730, s6;
	s11 =	sadd.s32 $0x60, s1;
	s6 =	sadd.s32 $0x1A7B8, s6  }
0x52b: {  	[hbm4b:s11+s3] =	stream.linear.scatter [tilespmem:s10], [sflag:$0x3], $0x80, $0x38;
	[tilespmem:$0x1E800] =	vst v63  }
0x52c: {  	s11 =	sadd.s32 $0x70, s1;
	s1 =	sadd.s32 $0x4000, s1;
	s10 =	smov.u32 s7  }
0x52d: {  	[hbm4b:s11+s3] =	stream.linear.scatter [tilespmem:s6], [sflag:$0x3], $0x80, $0x38;
	[tilespmem:$0x1E800] =	vst v63  }
0x52e: {  	s12 =	sadd.s32 $0x1A400, s0  }
0x52f: {  	[hbm4b:s1+s3] =	stream.linear.scatter [tilespmem:s12], [sflag:$0x3], $0x80, $0x38;
	[tilespmem:$0x1E800] =	vst v63  }
0x530: {  	s13 =	sadd.s32 $0x1A488, s0;
	s7 =	sadd.s32 $0x10, s1  }
0x531: {  	[hbm4b:s7+s3] =	stream.linear.scatter [tilespmem:s13], [sflag:$0x3], $0x80, $0x38;
	[tilespmem:$0x1E800] =	vst v63  }
0x532: {  	s14 =	sadd.s32 $0x1A510, s0;
	s15 =	sadd.s32 $0x20, s1  }
0x533: {  	[hbm4b:s15+s3] =	stream.linear.scatter [tilespmem:s14], [sflag:$0x3], $0x80, $0x38;
	[tilespmem:$0x1E800] =	vst v63  }
0x534: {  	s16 =	sadd.s32 $0x1A598, s0;
	s17 =	sadd.s32 $0x30, s1  }
0x535: {  	[hbm4b:s17+s3] =	stream.linear.scatter [tilespmem:s16], [sflag:$0x3], $0x80, $0x38;
	[tilespmem:$0x1E800] =	vst v63  }
0x536: {  	s10 =	sadd.s32 $0x1A620, s0;
	s11 =	sadd.s32 $0x40, s1;
	s31 =	sadd.s32 $0x1, s31  }
0x537: {  	[hbm4b:s11+s3] =	stream.linear.scatter [tilespmem:s10], [sflag:$0x3], $0x80, $0x38;
	[tilespmem:$0x1E800] =	vst v63  }
0x538: {  	p0 =	sne.s32 s31, $0x14;
	s12 =	sadd.s32 $0x1A6A8, s0;
	s13 =	sadd.s32 $0x50, s1  }
0x539: {  	[hbm4b:s13+s3] =	stream.linear.scatter [tilespmem:s12], [sflag:$0x3], $0x80, $0x38;
	[tilespmem:$0x1E800] =	vst v63  }
.Ltmp20:
0x53a: {  	_ = 	snop;
	(pc) =	sbr.rel @p0 .LBB2_2-.Ltmp20, $4  }
0x53b: {  	s14 =	sadd.s32 $0x1A730, s0;
	s15 =	sadd.s32 $0x60, s1  }
0x53c: {  	[hbm4b:s15+s3] =	stream.linear.scatter [tilespmem:s14], [sflag:$0x3], $0x80, $0x38;
	[tilespmem:$0x1E800] =	vst v63  }
0x53d: {  	s16 =	sadd.s32 $0x1A7B8, s0;
	s17 =	sadd.s32 $0x70, s1  }
0x53e: {  	[hbm4b:s17+s3] =	stream.linear.scatter [tilespmem:s16], [sflag:$0x3], $0x80, $0x38;
	[tilespmem:$0x1E800] =	vst v63  }
0x53f: {  	_ =	swait.ge [sflag:s26], $0x2000  }
0x540: {  	[sflag:s26] =	ssyncset.done $0x0  }
0x541: {  	[sflag:s26] =	ssyncadd.s32 $0xFFFFE000  }
0x542: {  	_ =	swait.ge [sflag:s28], $0x2000  }
0x543: {  	s30 =	sadd.s32 $0x1, s30;
	s0 =	rddreg [dreg:$0x4]  }
0x544: {  	p0 =	sne.s32 s30, s0  }
.Ltmp21:
0x545: {  	_ = 	snop;
	(pc) =	sbr.rel @p0 .LBB2_1-.Ltmp21, $3  }
0x546: {  	_ =	sdelay $0x1  }
0x547: {  	[sflag:s28] =	ssyncset.done $0x0  }
0x548: {  	[sflag:s28] =	ssyncadd.s32 $0xFFFFE000  }
0x549: {  	_ =	sfence.sel $0x180000  }
0x54a: {  	[bflag:$0x0] =	sbarrier.arrive $0xFFFF  }
0x54b: {  	_ =	strace $0x9000004A  }
0x54c: {  	s0 =	stileid.u32;
	[bflag:$0x2] =	sbarrier.arrive $0xFFFF  }
0x54d: {  	p0 =	sne.s32 s0, $0x0;
	s0 =	rddreg [dreg:$0x2]  }
0x54e: {  	s0 =	sadd.s32 @!p0 $0x100000, s0  }
0x54f: {  	[sflag:s0] =	ssyncadd.tile.s32 @!p0 $0x1;
	_ =	shalt  }
.Lfunc_end2:
_tile_overlayer_lowered:
.L_overlay_start_2:
0x550: {  	(tag) =	ssettag $0x2  }
0x551: {  	s0 =	rddreg [dreg:$0x0];
	s2 =	stileid.u32  }
0x552: {  	s1 =	rddreg [dreg:$0x1];
	p0 =	sne.s32 s2, $0x0  }
0x553: {  	s3 =	rddreg [dreg:$0x2];
	[bflag:$0x3] =	sbarrier.arrive $0xFFFF;
	s2 =	simm.s32 @!p0 $0x1C05  }
0x554: {  	[timem:s3], [sflag:s2] =	dma.local @!p0 [hbm:s0], s1  }
0x555: {  	s0 =	simm.s32 @!p0 $0x5  }
0x556: {  	_ =	swait.ge @!p0 [sflag:s0], s1  }
0x557: {  	s1 =	ssub.s32 @!p0 $0x0, s1;
	[sflag:s0] =	ssyncset.done @!p0 $0x0  }
0x558: {  	[sflag:s0] =	ssyncadd.s32 @!p0 s1  }
0x559: {  	[bflag:$0x3] =	sbarrier.arrive $0xFFFF  }
0x55a: {  	_ =	shalt  }

</sc_bundles>
